<compile_context>
chip_gen: v7x
topology: tpu7x:2x2x1
jax: 0.10.2.dev20260603
libtpu: 0.0.44.dev20260713+nightly
codegen_flags: <defaults>
</compile_context>

<pallas_src>
import functools

import jax
import jax.numpy as jnp
from jax import lax
from jax.experimental import pallas as pl
from jax.experimental.pallas import tpu as pltpu
from jax.experimental.pallas import tpu_sc as plsc

SEQ = 200
DIM = 32
NC = 2
NS = 16
NW = NC * NS

ST = SEQ // 8
BT = 4096 // 128
BL = 128
GRP = 4
NG = SEQ // GRP


def _make_kernel(batch, seq):
    mesh = plsc.VectorSubcoreMesh(core_axis_name="c", subcore_axis_name="s")

    @functools.partial(
        pl.kernel,
        out_type=jax.ShapeDtypeStruct((SEQ, DIM // 8, BT, 8, BL),
                                      jnp.float32),
        mesh=mesh,
        compiler_params=pltpu.CompilerParams(
            use_tc_tiling_on_sc=False, needs_layout_passes=False),
        scratch_types=[
            pltpu.VMEM((SEQ, DIM), jnp.float32),
            pltpu.VMEM((ST, 8 * BL), jnp.int32),
            [pltpu.VMEM((GRP * BL, DIM), jnp.float32)] * 2,
            pltpu.VMEM((BL, DIM + 1), jnp.float32),
            [pltpu.VMEM((GRP, DIM // 8, 8, BL), jnp.float32)] * 2,
            [pltpu.SemaphoreType.DMA] * 2,
            [pltpu.SemaphoreType.DMA] * 2,
        ],
    )
    def kern(idx_hbm, table_hbm, pos_hbm, out_hbm,
             pos_v, idx_v, gs, gp, os_, gsems, ssems):
        wid = lax.axis_index("s") * NC + lax.axis_index("c")
        pltpu.sync_copy(pos_hbm, pos_v)
        for st in range(ST):
            pltpu.sync_copy(
                idx_hbm.at[pl.ds(
                    pl.multiple_of((st * BT + wid) * 8 * BL, 8), 8 * BL)],
                idx_v.at[st])

        iota = jnp.arange(16, dtype=jnp.int32)
        rvs = [iota + (b0 * 16) for b0 in range(BL // 16)]

        def fire_gather(g, gb, gsem):
            pltpu.async_copy(
                table_hbm.at[idx_v.at[g >> 1,
                                      pl.ds((g & 1) * GRP * BL, GRP * BL)]],
                gb, gsem)

        def wait_gather(g, gb, gsem):
            pltpu.make_async_copy(
                table_hbm.at[idx_v.at[g >> 1,
                                      pl.ds((g & 1) * GRP * BL, GRP * BL)]],
                gb, gsem).wait()

        def compute(g, gb, ob):
            for q in range(GRP):
                k = g * GRP + q
                pv0 = pos_v[k, pl.ds(0, 16)]
                pv1 = pos_v[k, pl.ds(16, 16)]

                @plsc.parallel_loop(0, BL, 1, unroll=8)
                def row_body(j):
                    r = q * BL + j
                    gp[j, pl.ds(0, 16)] = gb[r, pl.ds(0, 16)] + pv0
                    gp[j, pl.ds(16, 16)] = gb[r, pl.ds(16, 16)] + pv1

                @plsc.parallel_loop(0, DIM, 1, unroll=4)
                def dc_body(dc):
                    cv = jnp.full((16,), dc, dtype=jnp.int32)
                    dhi = dc >> 3
                    dlo = dc & 7
                    for b0 in range(BL // 16):
                        val = plsc.load_gather(gp, [rvs[b0], cv])
                        ob[q, dhi, dlo, pl.ds(b0 * 16, 16)] = val

        def fire_store(g, ob, ssem):
            pltpu.async_copy(
                ob, out_hbm.at[pl.ds(g * GRP, GRP), :, wid], ssem)

        def wait_store(g, ob, ssem):
            pltpu.make_async_copy(
                ob, out_hbm.at[pl.ds(g * GRP, GRP), :, wid], ssem).wait()

        fire_gather(0, gs[0], gsems[0])

        def body(i2, carry):
            g0 = i2 * 2

            fire_gather(g0 + 1, gs[1], gsems[1])
            wait_gather(g0, gs[0], gsems[0])

            @pl.when(i2 > 0)
            def _():
                wait_store(g0 - 2, os_[0], ssems[0])
            compute(g0, gs[0], os_[0])
            fire_store(g0, os_[0], ssems[0])

            @pl.when(i2 < NG // 2 - 1)
            def _():
                fire_gather(g0 + 2, gs[0], gsems[0])
            wait_gather(g0 + 1, gs[1], gsems[1])

            @pl.when(i2 > 0)
            def _():
                wait_store(g0 - 1, os_[1], ssems[1])
            compute(g0 + 1, gs[1], os_[1])
            fire_store(g0 + 1, os_[1], ssems[1])
            return carry

        lax.fori_loop(0, NG // 2, body, 0)
        wait_store(NG - 2, os_[0], ssems[0])
        wait_store(NG - 1, os_[1], ssems[1])

    return kern


def kernel(inputs, word_table, pos_table):
    batch, seq = inputs.shape
    idx_flat = (inputs.astype(jnp.int32).T
                .reshape(ST, 8, BT, BL).transpose(0, 2, 1, 3)
                .reshape(batch * seq))
    out5 = _make_kernel(batch, seq)(idx_flat, word_table, pos_table)
    return out5.transpose(2, 4, 0, 1, 3).reshape(batch, seq, DIM)

# --- scband reference (transcript-rebuilt; emitter-appended) ---
"""Pipeline reference for scband-positional-embedding-7627861917771 (READ-ONLY COPY).

The authoritative reference and input builder live on the scoring server;
editing this copy changes nothing except your own understanding.
"""

import jax, jax.numpy as jnp
import numpy as np

SEQ_LEN = 200
VOCAB = 1000000
DIM = 32
BATCH = 4096

def setup_inputs(seed: int = 0) -> dict:
    key = jax.random.key(seed)
    k1, k2, k3 = jax.random.split(key, 3)
    inputs = jax.random.randint(k1, (BATCH, SEQ_LEN), 0, VOCAB, dtype=jnp.int64 if jax.config.jax_enable_x64 else jnp.int32)
    word_table = jax.random.normal(k2, (VOCAB, DIM), dtype=jnp.float32) * 0.02
    pos_table = jax.random.normal(k3, (SEQ_LEN, DIM), dtype=jnp.float32) * 0.02
    return {"inputs": inputs, "word_table": word_table, "pos_table": pos_table}

def reference(inputs, word_table, pos_table):
    position_indices = jnp.arange(inputs.shape[-1])
    embedded_words = jnp.take(word_table, inputs, axis=0)
    embedded_indices = jnp.take(pos_table, position_indices, axis=0)
    return embedded_words + embedded_indices

if __name__ == "__main__":
    import jax
    _d = setup_inputs()
    print(jax.jit(kernel)(*tuple(_d.values())))

</pallas_src>

<mosaic_0001>
#map = affine_map<(d0, d1) -> (0)>
#map1 = affine_map<(d0, d1) -> (0, 0)>
#map2 = affine_map<(d0, d1) -> (0, 0, 0, 0, 0)>
module attributes {stable_mosaic.version = 14 : i64} {
  func.func @kern(%arg0: i32, %arg1: i32, %arg2: memref<819200xi32, #tpu.memory_space<hbm>>, %arg3: memref<1000000x32xf32, #tpu.memory_space<hbm>>, %arg4: memref<200x32xf32, #tpu.memory_space<hbm>>, %arg5: memref<200x4x32x8x128xf32, #tpu.memory_space<hbm>>, %arg6: memref<200x32xf32, #tpu.memory_space<vmem>>, %arg7: memref<25x1024xi32, #tpu.memory_space<vmem>>, %arg8: memref<512x32xf32, #tpu.memory_space<vmem>>, %arg9: memref<512x32xf32, #tpu.memory_space<vmem>>, %arg10: memref<128x33xf32, #tpu.memory_space<vmem>>, %arg11: memref<4x4x8x128xf32, #tpu.memory_space<vmem>>, %arg12: memref<4x4x8x128xf32, #tpu.memory_space<vmem>>, %arg13: memref<!tpu.dma_semaphore, #tpu.memory_space<semaphore_mem>>, %arg14: memref<!tpu.dma_semaphore, #tpu.memory_space<semaphore_mem>>, %arg15: memref<!tpu.dma_semaphore, #tpu.memory_space<semaphore_mem>>, %arg16: memref<!tpu.dma_semaphore, #tpu.memory_space<semaphore_mem>>) attributes {dimension_semantics = [#tpu.dimension_semantics<core_parallel>, #tpu.dimension_semantics<subcore_parallel>], iteration_bounds = array<i64: 2, 16>, scalar_prefetch = 0 : i64, scratch_operands = 11 : i64, tpu.core_type = #tpu.core_type<sc_vector_subcore>, window_params = [{transform_indices = #map}, {transform_indices = #map1}, {transform_indices = #map1}, {transform_indices = #map2}]} {
    %mul3A = arith.constant 2 : i32
    %mul3A_0 = arith.muli %arg1, %mul3A : i32
    %add3A = arith.addi %mul3A_0, %arg0 : i32
    "tpu.region"() ({
      %run_scoped3A_257 = tpu.sem_alloc : memref<!tpu.dma_semaphore, #tpu.memory_space<semaphore_mem>>
      tpu.enqueue_dma source(%arg4 : memref<200x32xf32, #tpu.memory_space<hbm>>) target(%arg6 : memref<200x32xf32, #tpu.memory_space<vmem>>) target_semaphore(%run_scoped3A_257 : memref<!tpu.dma_semaphore, #tpu.memory_space<semaphore_mem>>)
      tpu.wait_dma2 semaphore(%run_scoped3A_257 : memref<!tpu.dma_semaphore, #tpu.memory_space<semaphore_mem>>) src(%arg4 : memref<200x32xf32, #tpu.memory_space<hbm>>) dst(%arg6 : memref<200x32xf32, #tpu.memory_space<vmem>>)
      tpu.yield
    }) : () -> ()
    %add3A_1 = arith.constant 0 : i32
    %add3A_2 = arith.addi %add3A_1, %add3A : i32
    %mul3A_3 = arith.constant 8 : i32
    %mul3A_4 = arith.muli %add3A_2, %mul3A_3 : i32
    %mul3A_5 = arith.constant 128 : i32
    %mul3A_6 = arith.muli %mul3A_4, %mul3A_5 : i32
    %multiple_of3A = tpu.assume_multiple %mul3A_6, 8 : i32
    %run_scoped3A = arith.constant 0 : i32
    "tpu.region"() ({
      %run_scoped3A_257 = tpu.sem_alloc : memref<!tpu.dma_semaphore, #tpu.memory_space<semaphore_mem>>
      %dma_start3A_258 = arith.constant 0 : i32
      %dma_start3A_259 = tpu.memref_slice %arg7[%run_scoped3A, %dma_start3A_258] : memref<25x1024xi32, #tpu.memory_space<vmem>> -> memref<1x1024xi32, #tpu.memory_space<vmem>>
      %dma_start3A_260 = tpu.memref_squeeze %dma_start3A_259 : memref<1x1024xi32, #tpu.memory_space<vmem>> -> memref<1024xi32, #tpu.memory_space<vmem>>
      %dma_start3A_261 = tpu.memref_slice %arg2[%multiple_of3A] : memref<819200xi32, #tpu.memory_space<hbm>> -> memref<1024xi32, #tpu.memory_space<hbm>>
      %dma_start3A_262 = arith.constant 0 : i32
      %dma_start3A_263 = tpu.memref_slice %arg7[%run_scoped3A, %dma_start3A_262] : memref<25x1024xi32, #tpu.memory_space<vmem>> -> memref<1x1024xi32, #tpu.memory_space<vmem>>
      %dma_start3A_264 = tpu.memref_squeeze %dma_start3A_263 : memref<1x1024xi32, #tpu.memory_space<vmem>> -> memref<1024xi32, #tpu.memory_space<vmem>>
      %dma_start3A_265 = tpu.memref_slice %arg2[%multiple_of3A] : memref<819200xi32, #tpu.memory_space<hbm>> -> memref<1024xi32, #tpu.memory_space<hbm>>
      tpu.enqueue_dma source(%dma_start3A_265 : memref<1024xi32, #tpu.memory_space<hbm>>) target(%dma_start3A_264 : memref<1024xi32, #tpu.memory_space<vmem>>) target_semaphore(%run_scoped3A_257 : memref<!tpu.dma_semaphore, #tpu.memory_space<semaphore_mem>>)
      %dma_wait3A_266 = arith.constant 0 : i32
      %dma_wait3A_267 = tpu.memref_slice %arg7[%run_scoped3A, %dma_wait3A_266] : memref<25x1024xi32, #tpu.memory_space<vmem>> -> memref<1x1024xi32, #tpu.memory_space<vmem>>
      %dma_wait3A_268 = tpu.memref_squeeze %dma_wait3A_267 : memref<1x1024xi32, #tpu.memory_space<vmem>> -> memref<1024xi32, #tpu.memory_space<vmem>>
      %dma_wait3A_269 = tpu.memref_slice %arg2[%multiple_of3A] : memref<819200xi32, #tpu.memory_space<hbm>> -> memref<1024xi32, #tpu.memory_space<hbm>>
      %dma_wait3A_270 = arith.constant 0 : i32
      %dma_wait3A_271 = tpu.memref_slice %arg7[%run_scoped3A, %dma_wait3A_270] : memref<25x1024xi32, #tpu.memory_space<vmem>> -> memref<1x1024xi32, #tpu.memory_space<vmem>>
      %dma_wait3A_272 = tpu.memref_squeeze %dma_wait3A_271 : memref<1x1024xi32, #tpu.memory_space<vmem>> -> memref<1024xi32, #tpu.memory_space<vmem>>
      %dma_wait3A_273 = tpu.memref_slice %arg2[%multiple_of3A] : memref<819200xi32, #tpu.memory_space<hbm>> -> memref<1024xi32, #tpu.memory_space<hbm>>
      tpu.wait_dma2 semaphore(%run_scoped3A_257 : memref<!tpu.dma_semaphore, #tpu.memory_space<semaphore_mem>>) src(%dma_wait3A_273 : memref<1024xi32, #tpu.memory_space<hbm>>) dst(%dma_wait3A_272 : memref<1024xi32, #tpu.memory_space<vmem>>)
      tpu.yield
    }) : () -> ()
    %add3A_7 = arith.constant 32 : i32
    %add3A_8 = arith.addi %add3A_7, %add3A : i32
    %mul3A_9 = arith.constant 8 : i32
    %mul3A_10 = arith.muli %add3A_8, %mul3A_9 : i32
    %mul3A_11 = arith.constant 128 : i32
    %mul3A_12 = arith.muli %mul3A_10, %mul3A_11 : i32
    %multiple_of3A_13 = tpu.assume_multiple %mul3A_12, 8 : i32
    %run_scoped3A_14 = arith.constant 1 : i32
    "tpu.region"() ({
      %run_scoped3A_257 = tpu.sem_alloc : memref<!tpu.dma_semaphore, #tpu.memory_space<semaphore_mem>>
      %dma_start3A_258 = arith.constant 0 : i32
      %dma_start3A_259 = tpu.memref_slice %arg7[%run_scoped3A_14, %dma_start3A_258] : memref<25x1024xi32, #tpu.memory_space<vmem>> -> memref<1x1024xi32, #tpu.memory_space<vmem>>
      %dma_start3A_260 = tpu.memref_squeeze %dma_start3A_259 : memref<1x1024xi32, #tpu.memory_space<vmem>> -> memref<1024xi32, #tpu.memory_space<vmem>>
      %dma_start3A_261 = tpu.memref_slice %arg2[%multiple_of3A_13] : memref<819200xi32, #tpu.memory_space<hbm>> -> memref<1024xi32, #tpu.memory_space<hbm>>
      %dma_start3A_262 = arith.constant 0 : i32
      %dma_start3A_263 = tpu.memref_slice %arg7[%run_scoped3A_14, %dma_start3A_262] : memref<25x1024xi32, #tpu.memory_space<vmem>> -> memref<1x1024xi32, #tpu.memory_space<vmem>>
      %dma_start3A_264 = tpu.memref_squeeze %dma_start3A_263 : memref<1x1024xi32, #tpu.memory_space<vmem>> -> memref<1024xi32, #tpu.memory_space<vmem>>
      %dma_start3A_265 = tpu.memref_slice %arg2[%multiple_of3A_13] : memref<819200xi32, #tpu.memory_space<hbm>> -> memref<1024xi32, #tpu.memory_space<hbm>>
      tpu.enqueue_dma source(%dma_start3A_265 : memref<1024xi32, #tpu.memory_space<hbm>>) target(%dma_start3A_264 : memref<1024xi32, #tpu.memory_space<vmem>>) target_semaphore(%run_scoped3A_257 : memref<!tpu.dma_semaphore, #tpu.memory_space<semaphore_mem>>)
      %dma_wait3A_266 = arith.constant 0 : i32
      %dma_wait3A_267 = tpu.memref_slice %arg7[%run_scoped3A_14, %dma_wait3A_266] : memref<25x1024xi32, #tpu.memory_space<vmem>> -> memref<1x1024xi32, #tpu.memory_space<vmem>>
      %dma_wait3A_268 = tpu.memref_squeeze %dma_wait3A_267 : memref<1x1024xi32, #tpu.memory_space<vmem>> -> memref<1024xi32, #tpu.memory_space<vmem>>
      %dma_wait3A_269 = tpu.memref_slice %arg2[%multiple_of3A_13] : memref<819200xi32, #tpu.memory_space<hbm>> -> memref<1024xi32, #tpu.memory_space<hbm>>
      %dma_wait3A_270 = arith.constant 0 : i32
      %dma_wait3A_271 = tpu.memref_slice %arg7[%run_scoped3A_14, %dma_wait3A_270] : memref<25x1024xi32, #tpu.memory_space<vmem>> -> memref<1x1024xi32, #tpu.memory_space<vmem>>
      %dma_wait3A_272 = tpu.memref_squeeze %dma_wait3A_271 : memref<1x1024xi32, #tpu.memory_space<vmem>> -> memref<1024xi32, #tpu.memory_space<vmem>>
      %dma_wait3A_273 = tpu.memref_slice %arg2[%multiple_of3A_13] : memref<819200xi32, #tpu.memory_space<hbm>> -> memref<1024xi32, #tpu.memory_space<hbm>>
      tpu.wait_dma2 semaphore(%run_scoped3A_257 : memref<!tpu.dma_semaphore, #tpu.memory_space<semaphore_mem>>) src(%dma_wait3A_273 : memref<1024xi32, #tpu.memory_space<hbm>>) dst(%dma_wait3A_272 : memref<1024xi32, #tpu.memory_space<vmem>>)
      tpu.yield
    }) : () -> ()
    %add3A_15 = arith.constant 64 : i32
    %add3A_16 = arith.addi %add3A_15, %add3A : i32
    %mul3A_17 = arith.constant 8 : i32
    %mul3A_18 = arith.muli %add3A_16, %mul3A_17 : i32
    %mul3A_19 = arith.constant 128 : i32
    %mul3A_20 = arith.muli %mul3A_18, %mul3A_19 : i32
    %multiple_of3A_21 = tpu.assume_multiple %mul3A_20, 8 : i32
    %run_scoped3A_22 = arith.constant 2 : i32
    "tpu.region"() ({
      %run_scoped3A_257 = tpu.sem_alloc : memref<!tpu.dma_semaphore, #tpu.memory_space<semaphore_mem>>
      %dma_start3A_258 = arith.constant 0 : i32
      %dma_start3A_259 = tpu.memref_slice %arg7[%run_scoped3A_22, %dma_start3A_258] : memref<25x1024xi32, #tpu.memory_space<vmem>> -> memref<1x1024xi32, #tpu.memory_space<vmem>>
      %dma_start3A_260 = tpu.memref_squeeze %dma_start3A_259 : memref<1x1024xi32, #tpu.memory_space<vmem>> -> memref<1024xi32, #tpu.memory_space<vmem>>
      %dma_start3A_261 = tpu.memref_slice %arg2[%multiple_of3A_21] : memref<819200xi32, #tpu.memory_space<hbm>> -> memref<1024xi32, #tpu.memory_space<hbm>>
      %dma_start3A_262 = arith.constant 0 : i32
      %dma_start3A_263 = tpu.memref_slice %arg7[%run_scoped3A_22, %dma_start3A_262] : memref<25x1024xi32, #tpu.memory_space<vmem>> -> memref<1x1024xi32, #tpu.memory_space<vmem>>
      %dma_start3A_264 = tpu.memref_squeeze %dma_start3A_263 : memref<1x1024xi32, #tpu.memory_space<vmem>> -> memref<1024xi32, #tpu.memory_space<vmem>>
      %dma_start3A_265 = tpu.memref_slice %arg2[%multiple_of3A_21] : memref<819200xi32, #tpu.memory_space<hbm>> -> memref<1024xi32, #tpu.memory_space<hbm>>
      tpu.enqueue_dma source(%dma_start3A_265 : memref<1024xi32, #tpu.memory_space<hbm>>) target(%dma_start3A_264 : memref<1024xi32, #tpu.memory_space<vmem>>) target_semaphore(%run_scoped3A_257 : memref<!tpu.dma_semaphore, #tpu.memory_space<semaphore_mem>>)
      %dma_wait3A_266 = arith.constant 0 : i32
      %dma_wait3A_267 = tpu.memref_slice %arg7[%run_scoped3A_22, %dma_wait3A_266] : memref<25x1024xi32, #tpu.memory_space<vmem>> -> memref<1x1024xi32, #tpu.memory_space<vmem>>
      %dma_wait3A_268 = tpu.memref_squeeze %dma_wait3A_267 : memref<1x1024xi32, #tpu.memory_space<vmem>> -> memref<1024xi32, #tpu.memory_space<vmem>>
      %dma_wait3A_269 = tpu.memref_slice %arg2[%multiple_of3A_21] : memref<819200xi32, #tpu.memory_space<hbm>> -> memref<1024xi32, #tpu.memory_space<hbm>>
      %dma_wait3A_270 = arith.constant 0 : i32
      %dma_wait3A_271 = tpu.memref_slice %arg7[%run_scoped3A_22, %dma_wait3A_270] : memref<25x1024xi32, #tpu.memory_space<vmem>> -> memref<1x1024xi32, #tpu.memory_space<vmem>>
      %dma_wait3A_272 = tpu.memref_squeeze %dma_wait3A_271 : memref<1x1024xi32, #tpu.memory_space<vmem>> -> memref<1024xi32, #tpu.memory_space<vmem>>
      %dma_wait3A_273 = tpu.memref_slice %arg2[%multiple_of3A_21] : memref<819200xi32, #tpu.memory_space<hbm>> -> memref<1024xi32, #tpu.memory_space<hbm>>
      tpu.wait_dma2 semaphore(%run_scoped3A_257 : memref<!tpu.dma_semaphore, #tpu.memory_space<semaphore_mem>>) src(%dma_wait3A_273 : memref<1024xi32, #tpu.memory_space<hbm>>) dst(%dma_wait3A_272 : memref<1024xi32, #tpu.memory_space<vmem>>)
      tpu.yield
    }) : () -> ()
    %add3A_23 = arith.constant 96 : i32
    %add3A_24 = arith.addi %add3A_23, %add3A : i32
    %mul3A_25 = arith.constant 8 : i32
    %mul3A_26 = arith.muli %add3A_24, %mul3A_25 : i32
    %mul3A_27 = arith.constant 128 : i32
    %mul3A_28 = arith.muli %mul3A_26, %mul3A_27 : i32
    %multiple_of3A_29 = tpu.assume_multiple %mul3A_28, 8 : i32
    %run_scoped3A_30 = arith.constant 3 : i32
    "tpu.region"() ({
      %run_scoped3A_257 = tpu.sem_alloc : memref<!tpu.dma_semaphore, #tpu.memory_space<semaphore_mem>>
      %dma_start3A_258 = arith.constant 0 : i32
      %dma_start3A_259 = tpu.memref_slice %arg7[%run_scoped3A_30, %dma_start3A_258] : memref<25x1024xi32, #tpu.memory_space<vmem>> -> memref<1x1024xi32, #tpu.memory_space<vmem>>
      %dma_start3A_260 = tpu.memref_squeeze %dma_start3A_259 : memref<1x1024xi32, #tpu.memory_space<vmem>> -> memref<1024xi32, #tpu.memory_space<vmem>>
      %dma_start3A_261 = tpu.memref_slice %arg2[%multiple_of3A_29] : memref<819200xi32, #tpu.memory_space<hbm>> -> memref<1024xi32, #tpu.memory_space<hbm>>
      %dma_start3A_262 = arith.constant 0 : i32
      %dma_start3A_263 = tpu.memref_slice %arg7[%run_scoped3A_30, %dma_start3A_262] : memref<25x1024xi32, #tpu.memory_space<vmem>> -> memref<1x1024xi32, #tpu.memory_space<vmem>>
      %dma_start3A_264 = tpu.memref_squeeze %dma_start3A_263 : memref<1x1024xi32, #tpu.memory_space<vmem>> -> memref<1024xi32, #tpu.memory_space<vmem>>
      %dma_start3A_265 = tpu.memref_slice %arg2[%multiple_of3A_29] : memref<819200xi32, #tpu.memory_space<hbm>> -> memref<1024xi32, #tpu.memory_space<hbm>>
      tpu.enqueue_dma source(%dma_start3A_265 : memref<1024xi32, #tpu.memory_space<hbm>>) target(%dma_start3A_264 : memref<1024xi32, #tpu.memory_space<vmem>>) target_semaphore(%run_scoped3A_257 : memref<!tpu.dma_semaphore, #tpu.memory_space<semaphore_mem>>)
      %dma_wait3A_266 = arith.constant 0 : i32
      %dma_wait3A_267 = tpu.memref_slice %arg7[%run_scoped3A_30, %dma_wait3A_266] : memref<25x1024xi32, #tpu.memory_space<vmem>> -> memref<1x1024xi32, #tpu.memory_space<vmem>>
      %dma_wait3A_268 = tpu.memref_squeeze %dma_wait3A_267 : memref<1x1024xi32, #tpu.memory_space<vmem>> -> memref<1024xi32, #tpu.memory_space<vmem>>
      %dma_wait3A_269 = tpu.memref_slice %arg2[%multiple_of3A_29] : memref<819200xi32, #tpu.memory_space<hbm>> -> memref<1024xi32, #tpu.memory_space<hbm>>
      %dma_wait3A_270 = arith.constant 0 : i32
      %dma_wait3A_271 = tpu.memref_slice %arg7[%run_scoped3A_30, %dma_wait3A_270] : memref<25x1024xi32, #tpu.memory_space<vmem>> -> memref<1x1024xi32, #tpu.memory_space<vmem>>
      %dma_wait3A_272 = tpu.memref_squeeze %dma_wait3A_271 : memref<1x1024xi32, #tpu.memory_space<vmem>> -> memref<1024xi32, #tpu.memory_space<vmem>>
      %dma_wait3A_273 = tpu.memref_slice %arg2[%multiple_of3A_29] : memref<819200xi32, #tpu.memory_space<hbm>> -> memref<1024xi32, #tpu.memory_space<hbm>>
      tpu.wait_dma2 semaphore(%run_scoped3A_257 : memref<!tpu.dma_semaphore, #tpu.memory_space<semaphore_mem>>) src(%dma_wait3A_273 : memref<1024xi32, #tpu.memory_space<hbm>>) dst(%dma_wait3A_272 : memref<1024xi32, #tpu.memory_space<vmem>>)
      tpu.yield
    }) : () -> ()
    %add3A_31 = arith.constant 128 : i32
    %add3A_32 = arith.addi %add3A_31, %add3A : i32
    %mul3A_33 = arith.constant 8 : i32
    %mul3A_34 = arith.muli %add3A_32, %mul3A_33 : i32
    %mul3A_35 = arith.constant 128 : i32
    %mul3A_36 = arith.muli %mul3A_34, %mul3A_35 : i32
    %multiple_of3A_37 = tpu.assume_multiple %mul3A_36, 8 : i32
    %run_scoped3A_38 = arith.constant 4 : i32
    "tpu.region"() ({
      %run_scoped3A_257 = tpu.sem_alloc : memref<!tpu.dma_semaphore, #tpu.memory_space<semaphore_mem>>
      %dma_start3A_258 = arith.constant 0 : i32
      %dma_start3A_259 = tpu.memref_slice %arg7[%run_scoped3A_38, %dma_start3A_258] : memref<25x1024xi32, #tpu.memory_space<vmem>> -> memref<1x1024xi32, #tpu.memory_space<vmem>>
      %dma_start3A_260 = tpu.memref_squeeze %dma_start3A_259 : memref<1x1024xi32, #tpu.memory_space<vmem>> -> memref<1024xi32, #tpu.memory_space<vmem>>
      %dma_start3A_261 = tpu.memref_slice %arg2[%multiple_of3A_37] : memref<819200xi32, #tpu.memory_space<hbm>> -> memref<1024xi32, #tpu.memory_space<hbm>>
      %dma_start3A_262 = arith.constant 0 : i32
      %dma_start3A_263 = tpu.memref_slice %arg7[%run_scoped3A_38, %dma_start3A_262] : memref<25x1024xi32, #tpu.memory_space<vmem>> -> memref<1x1024xi32, #tpu.memory_space<vmem>>
      %dma_start3A_264 = tpu.memref_squeeze %dma_start3A_263 : memref<1x1024xi32, #tpu.memory_space<vmem>> -> memref<1024xi32, #tpu.memory_space<vmem>>
      %dma_start3A_265 = tpu.memref_slice %arg2[%multiple_of3A_37] : memref<819200xi32, #tpu.memory_space<hbm>> -> memref<1024xi32, #tpu.memory_space<hbm>>
      tpu.enqueue_dma source(%dma_start3A_265 : memref<1024xi32, #tpu.memory_space<hbm>>) target(%dma_start3A_264 : memref<1024xi32, #tpu.memory_space<vmem>>) target_semaphore(%run_scoped3A_257 : memref<!tpu.dma_semaphore, #tpu.memory_space<semaphore_mem>>)
      %dma_wait3A_266 = arith.constant 0 : i32
      %dma_wait3A_267 = tpu.memref_slice %arg7[%run_scoped3A_38, %dma_wait3A_266] : memref<25x1024xi32, #tpu.memory_space<vmem>> -> memref<1x1024xi32, #tpu.memory_space<vmem>>
      %dma_wait3A_268 = tpu.memref_squeeze %dma_wait3A_267 : memref<1x1024xi32, #tpu.memory_space<vmem>> -> memref<1024xi32, #tpu.memory_space<vmem>>
      %dma_wait3A_269 = tpu.memref_slice %arg2[%multiple_of3A_37] : memref<819200xi32, #tpu.memory_space<hbm>> -> memref<1024xi32, #tpu.memory_space<hbm>>
      %dma_wait3A_270 = arith.constant 0 : i32
      %dma_wait3A_271 = tpu.memref_slice %arg7[%run_scoped3A_38, %dma_wait3A_270] : memref<25x1024xi32, #tpu.memory_space<vmem>> -> memref<1x1024xi32, #tpu.memory_space<vmem>>
      %dma_wait3A_272 = tpu.memref_squeeze %dma_wait3A_271 : memref<1x1024xi32, #tpu.memory_space<vmem>> -> memref<1024xi32, #tpu.memory_space<vmem>>
      %dma_wait3A_273 = tpu.memref_slice %arg2[%multiple_of3A_37] : memref<819200xi32, #tpu.memory_space<hbm>> -> memref<1024xi32, #tpu.memory_space<hbm>>
      tpu.wait_dma2 semaphore(%run_scoped3A_257 : memref<!tpu.dma_semaphore, #tpu.memory_space<semaphore_mem>>) src(%dma_wait3A_273 : memref<1024xi32, #tpu.memory_space<hbm>>) dst(%dma_wait3A_272 : memref<1024xi32, #tpu.memory_space<vmem>>)
      tpu.yield
    }) : () -> ()
    %add3A_39 = arith.constant 160 : i32
    %add3A_40 = arith.addi %add3A_39, %add3A : i32
    %mul3A_41 = arith.constant 8 : i32
    %mul3A_42 = arith.muli %add3A_40, %mul3A_41 : i32
    %mul3A_43 = arith.constant 128 : i32
    %mul3A_44 = arith.muli %mul3A_42, %mul3A_43 : i32
    %multiple_of3A_45 = tpu.assume_multiple %mul3A_44, 8 : i32
    %run_scoped3A_46 = arith.constant 5 : i32
    "tpu.region"() ({
      %run_scoped3A_257 = tpu.sem_alloc : memref<!tpu.dma_semaphore, #tpu.memory_space<semaphore_mem>>
      %dma_start3A_258 = arith.constant 0 : i32
      %dma_start3A_259 = tpu.memref_slice %arg7[%run_scoped3A_46, %dma_start3A_258] : memref<25x1024xi32, #tpu.memory_space<vmem>> -> memref<1x1024xi32, #tpu.memory_space<vmem>>
      %dma_start3A_260 = tpu.memref_squeeze %dma_start3A_259 : memref<1x1024xi32, #tpu.memory_space<vmem>> -> memref<1024xi32, #tpu.memory_space<vmem>>
      %dma_start3A_261 = tpu.memref_slice %arg2[%multiple_of3A_45] : memref<819200xi32, #tpu.memory_space<hbm>> -> memref<1024xi32, #tpu.memory_space<hbm>>
      %dma_start3A_262 = arith.constant 0 : i32
      %dma_start3A_263 = tpu.memref_slice %arg7[%run_scoped3A_46, %dma_start3A_262] : memref<25x1024xi32, #tpu.memory_space<vmem>> -> memref<1x1024xi32, #tpu.memory_space<vmem>>
      %dma_start3A_264 = tpu.memref_squeeze %dma_start3A_263 : memref<1x1024xi32, #tpu.memory_space<vmem>> -> memref<1024xi32, #tpu.memory_space<vmem>>
      %dma_start3A_265 = tpu.memref_slice %arg2[%multiple_of3A_45] : memref<819200xi32, #tpu.memory_space<hbm>> -> memref<1024xi32, #tpu.memory_space<hbm>>
      tpu.enqueue_dma source(%dma_start3A_265 : memref<1024xi32, #tpu.memory_space<hbm>>) target(%dma_start3A_264 : memref<1024xi32, #tpu.memory_space<vmem>>) target_semaphore(%run_scoped3A_257 : memref<!tpu.dma_semaphore, #tpu.memory_space<semaphore_mem>>)
      %dma_wait3A_266 = arith.constant 0 : i32
      %dma_wait3A_267 = tpu.memref_slice %arg7[%run_scoped3A_46, %dma_wait3A_266] : memref<25x1024xi32, #tpu.memory_space<vmem>> -> memref<1x1024xi32, #tpu.memory_space<vmem>>
      %dma_wait3A_268 = tpu.memref_squeeze %dma_wait3A_267 : memref<1x1024xi32, #tpu.memory_space<vmem>> -> memref<1024xi32, #tpu.memory_space<vmem>>
      %dma_wait3A_269 = tpu.memref_slice %arg2[%multiple_of3A_45] : memref<819200xi32, #tpu.memory_space<hbm>> -> memref<1024xi32, #tpu.memory_space<hbm>>
      %dma_wait3A_270 = arith.constant 0 : i32
      %dma_wait3A_271 = tpu.memref_slice %arg7[%run_scoped3A_46, %dma_wait3A_270] : memref<25x1024xi32, #tpu.memory_space<vmem>> -> memref<1x1024xi32, #tpu.memory_space<vmem>>
      %dma_wait3A_272 = tpu.memref_squeeze %dma_wait3A_271 : memref<1x1024xi32, #tpu.memory_space<vmem>> -> memref<1024xi32, #tpu.memory_space<vmem>>
      %dma_wait3A_273 = tpu.memref_slice %arg2[%multiple_of3A_45] : memref<819200xi32, #tpu.memory_space<hbm>> -> memref<1024xi32, #tpu.memory_space<hbm>>
      tpu.wait_dma2 semaphore(%run_scoped3A_257 : memref<!tpu.dma_semaphore, #tpu.memory_space<semaphore_mem>>) src(%dma_wait3A_273 : memref<1024xi32, #tpu.memory_space<hbm>>) dst(%dma_wait3A_272 : memref<1024xi32, #tpu.memory_space<vmem>>)
      tpu.yield
    }) : () -> ()
    %add3A_47 = arith.constant 192 : i32
    %add3A_48 = arith.addi %add3A_47, %add3A : i32
    %mul3A_49 = arith.constant 8 : i32
    %mul3A_50 = arith.muli %add3A_48, %mul3A_49 : i32
    %mul3A_51 = arith.constant 128 : i32
    %mul3A_52 = arith.muli %mul3A_50, %mul3A_51 : i32
    %multiple_of3A_53 = tpu.assume_multiple %mul3A_52, 8 : i32
    %run_scoped3A_54 = arith.constant 6 : i32
    "tpu.region"() ({
      %run_scoped3A_257 = tpu.sem_alloc : memref<!tpu.dma_semaphore, #tpu.memory_space<semaphore_mem>>
      %dma_start3A_258 = arith.constant 0 : i32
      %dma_start3A_259 = tpu.memref_slice %arg7[%run_scoped3A_54, %dma_start3A_258] : memref<25x1024xi32, #tpu.memory_space<vmem>> -> memref<1x1024xi32, #tpu.memory_space<vmem>>
      %dma_start3A_260 = tpu.memref_squeeze %dma_start3A_259 : memref<1x1024xi32, #tpu.memory_space<vmem>> -> memref<1024xi32, #tpu.memory_space<vmem>>
      %dma_start3A_261 = tpu.memref_slice %arg2[%multiple_of3A_53] : memref<819200xi32, #tpu.memory_space<hbm>> -> memref<1024xi32, #tpu.memory_space<hbm>>
      %dma_start3A_262 = arith.constant 0 : i32
      %dma_start3A_263 = tpu.memref_slice %arg7[%run_scoped3A_54, %dma_start3A_262] : memref<25x1024xi32, #tpu.memory_space<vmem>> -> memref<1x1024xi32, #tpu.memory_space<vmem>>
      %dma_start3A_264 = tpu.memref_squeeze %dma_start3A_263 : memref<1x1024xi32, #tpu.memory_space<vmem>> -> memref<1024xi32, #tpu.memory_space<vmem>>
      %dma_start3A_265 = tpu.memref_slice %arg2[%multiple_of3A_53] : memref<819200xi32, #tpu.memory_space<hbm>> -> memref<1024xi32, #tpu.memory_space<hbm>>
      tpu.enqueue_dma source(%dma_start3A_265 : memref<1024xi32, #tpu.memory_space<hbm>>) target(%dma_start3A_264 : memref<1024xi32, #tpu.memory_space<vmem>>) target_semaphore(%run_scoped3A_257 : memref<!tpu.dma_semaphore, #tpu.memory_space<semaphore_mem>>)
      %dma_wait3A_266 = arith.constant 0 : i32
      %dma_wait3A_267 = tpu.memref_slice %arg7[%run_scoped3A_54, %dma_wait3A_266] : memref<25x1024xi32, #tpu.memory_space<vmem>> -> memref<1x1024xi32, #tpu.memory_space<vmem>>
      %dma_wait3A_268 = tpu.memref_squeeze %dma_wait3A_267 : memref<1x1024xi32, #tpu.memory_space<vmem>> -> memref<1024xi32, #tpu.memory_space<vmem>>
      %dma_wait3A_269 = tpu.memref_slice %arg2[%multiple_of3A_53] : memref<819200xi32, #tpu.memory_space<hbm>> -> memref<1024xi32, #tpu.memory_space<hbm>>
      %dma_wait3A_270 = arith.constant 0 : i32
      %dma_wait3A_271 = tpu.memref_slice %arg7[%run_scoped3A_54, %dma_wait3A_270] : memref<25x1024xi32, #tpu.memory_space<vmem>> -> memref<1x1024xi32, #tpu.memory_space<vmem>>
      %dma_wait3A_272 = tpu.memref_squeeze %dma_wait3A_271 : memref<1x1024xi32, #tpu.memory_space<vmem>> -> memref<1024xi32, #tpu.memory_space<vmem>>
      %dma_wait3A_273 = tpu.memref_slice %arg2[%multiple_of3A_53] : memref<819200xi32, #tpu.memory_space<hbm>> -> memref<1024xi32, #tpu.memory_space<hbm>>
      tpu.wait_dma2 semaphore(%run_scoped3A_257 : memref<!tpu.dma_semaphore, #tpu.memory_space<semaphore_mem>>) src(%dma_wait3A_273 : memref<1024xi32, #tpu.memory_space<hbm>>) dst(%dma_wait3A_272 : memref<1024xi32, #tpu.memory_space<vmem>>)
      tpu.yield
    }) : () -> ()
    %add3A_55 = arith.constant 224 : i32
    %add3A_56 = arith.addi %add3A_55, %add3A : i32
    %mul3A_57 = arith.constant 8 : i32
    %mul3A_58 = arith.muli %add3A_56, %mul3A_57 : i32
    %mul3A_59 = arith.constant 128 : i32
    %mul3A_60 = arith.muli %mul3A_58, %mul3A_59 : i32
    %multiple_of3A_61 = tpu.assume_multiple %mul3A_60, 8 : i32
    %run_scoped3A_62 = arith.constant 7 : i32
    "tpu.region"() ({
      %run_scoped3A_257 = tpu.sem_alloc : memref<!tpu.dma_semaphore, #tpu.memory_space<semaphore_mem>>
      %dma_start3A_258 = arith.constant 0 : i32
      %dma_start3A_259 = tpu.memref_slice %arg7[%run_scoped3A_62, %dma_start3A_258] : memref<25x1024xi32, #tpu.memory_space<vmem>> -> memref<1x1024xi32, #tpu.memory_space<vmem>>
      %dma_start3A_260 = tpu.memref_squeeze %dma_start3A_259 : memref<1x1024xi32, #tpu.memory_space<vmem>> -> memref<1024xi32, #tpu.memory_space<vmem>>
      %dma_start3A_261 = tpu.memref_slice %arg2[%multiple_of3A_61] : memref<819200xi32, #tpu.memory_space<hbm>> -> memref<1024xi32, #tpu.memory_space<hbm>>
      %dma_start3A_262 = arith.constant 0 : i32
      %dma_start3A_263 = tpu.memref_slice %arg7[%run_scoped3A_62, %dma_start3A_262] : memref<25x1024xi32, #tpu.memory_space<vmem>> -> memref<1x1024xi32, #tpu.memory_space<vmem>>
      %dma_start3A_264 = tpu.memref_squeeze %dma_start3A_263 : memref<1x1024xi32, #tpu.memory_space<vmem>> -> memref<1024xi32, #tpu.memory_space<vmem>>
      %dma_start3A_265 = tpu.memref_slice %arg2[%multiple_of3A_61] : memref<819200xi32, #tpu.memory_space<hbm>> -> memref<1024xi32, #tpu.memory_space<hbm>>
      tpu.enqueue_dma source(%dma_start3A_265 : memref<1024xi32, #tpu.memory_space<hbm>>) target(%dma_start3A_264 : memref<1024xi32, #tpu.memory_space<vmem>>) target_semaphore(%run_scoped3A_257 : memref<!tpu.dma_semaphore, #tpu.memory_space<semaphore_mem>>)
      %dma_wait3A_266 = arith.constant 0 : i32
      %dma_wait3A_267 = tpu.memref_slice %arg7[%run_scoped3A_62, %dma_wait3A_266] : memref<25x1024xi32, #tpu.memory_space<vmem>> -> memref<1x1024xi32, #tpu.memory_space<vmem>>
      %dma_wait3A_268 = tpu.memref_squeeze %dma_wait3A_267 : memref<1x1024xi32, #tpu.memory_space<vmem>> -> memref<1024xi32, #tpu.memory_space<vmem>>
      %dma_wait3A_269 = tpu.memref_slice %arg2[%multiple_of3A_61] : memref<819200xi32, #tpu.memory_space<hbm>> -> memref<1024xi32, #tpu.memory_space<hbm>>
      %dma_wait3A_270 = arith.constant 0 : i32
      %dma_wait3A_271 = tpu.memref_slice %arg7[%run_scoped3A_62, %dma_wait3A_270] : memref<25x1024xi32, #tpu.memory_space<vmem>> -> memref<1x1024xi32, #tpu.memory_space<vmem>>
      %dma_wait3A_272 = tpu.memref_squeeze %dma_wait3A_271 : memref<1x1024xi32, #tpu.memory_space<vmem>> -> memref<1024xi32, #tpu.memory_space<vmem>>
      %dma_wait3A_273 = tpu.memref_slice %arg2[%multiple_of3A_61] : memref<819200xi32, #tpu.memory_space<hbm>> -> memref<1024xi32, #tpu.memory_space<hbm>>
      tpu.wait_dma2 semaphore(%run_scoped3A_257 : memref<!tpu.dma_semaphore, #tpu.memory_space<semaphore_mem>>) src(%dma_wait3A_273 : memref<1024xi32, #tpu.memory_space<hbm>>) dst(%dma_wait3A_272 : memref<1024xi32, #tpu.memory_space<vmem>>)
      tpu.yield
    }) : () -> ()
    %add3A_63 = arith.constant 256 : i32
    %add3A_64 = arith.addi %add3A_63, %add3A : i32
    %mul3A_65 = arith.constant 8 : i32
    %mul3A_66 = arith.muli %add3A_64, %mul3A_65 : i32
    %mul3A_67 = arith.constant 128 : i32
    %mul3A_68 = arith.muli %mul3A_66, %mul3A_67 : i32
    %multiple_of3A_69 = tpu.assume_multiple %mul3A_68, 8 : i32
    %run_scoped3A_70 = arith.constant 8 : i32
    "tpu.region"() ({
      %run_scoped3A_257 = tpu.sem_alloc : memref<!tpu.dma_semaphore, #tpu.memory_space<semaphore_mem>>
      %dma_start3A_258 = arith.constant 0 : i32
      %dma_start3A_259 = tpu.memref_slice %arg7[%run_scoped3A_70, %dma_start3A_258] : memref<25x1024xi32, #tpu.memory_space<vmem>> -> memref<1x1024xi32, #tpu.memory_space<vmem>>
      %dma_start3A_260 = tpu.memref_squeeze %dma_start3A_259 : memref<1x1024xi32, #tpu.memory_space<vmem>> -> memref<1024xi32, #tpu.memory_space<vmem>>
      %dma_start3A_261 = tpu.memref_slice %arg2[%multiple_of3A_69] : memref<819200xi32, #tpu.memory_space<hbm>> -> memref<1024xi32, #tpu.memory_space<hbm>>
      %dma_start3A_262 = arith.constant 0 : i32
      %dma_start3A_263 = tpu.memref_slice %arg7[%run_scoped3A_70, %dma_start3A_262] : memref<25x1024xi32, #tpu.memory_space<vmem>> -> memref<1x1024xi32, #tpu.memory_space<vmem>>
      %dma_start3A_264 = tpu.memref_squeeze %dma_start3A_263 : memref<1x1024xi32, #tpu.memory_space<vmem>> -> memref<1024xi32, #tpu.memory_space<vmem>>
      %dma_start3A_265 = tpu.memref_slice %arg2[%multiple_of3A_69] : memref<819200xi32, #tpu.memory_space<hbm>> -> memref<1024xi32, #tpu.memory_space<hbm>>
      tpu.enqueue_dma source(%dma_start3A_265 : memref<1024xi32, #tpu.memory_space<hbm>>) target(%dma_start3A_264 : memref<1024xi32, #tpu.memory_space<vmem>>) target_semaphore(%run_scoped3A_257 : memref<!tpu.dma_semaphore, #tpu.memory_space<semaphore_mem>>)
      %dma_wait3A_266 = arith.constant 0 : i32
      %dma_wait3A_267 = tpu.memref_slice %arg7[%run_scoped3A_70, %dma_wait3A_266] : memref<25x1024xi32, #tpu.memory_space<vmem>> -> memref<1x1024xi32, #tpu.memory_space<vmem>>
      %dma_wait3A_268 = tpu.memref_squeeze %dma_wait3A_267 : memref<1x1024xi32, #tpu.memory_space<vmem>> -> memref<1024xi32, #tpu.memory_space<vmem>>
      %dma_wait3A_269 = tpu.memref_slice %arg2[%multiple_of3A_69] : memref<819200xi32, #tpu.memory_space<hbm>> -> memref<1024xi32, #tpu.memory_space<hbm>>
      %dma_wait3A_270 = arith.constant 0 : i32
      %dma_wait3A_271 = tpu.memref_slice %arg7[%run_scoped3A_70, %dma_wait3A_270] : memref<25x1024xi32, #tpu.memory_space<vmem>> -> memref<1x1024xi32, #tpu.memory_space<vmem>>
      %dma_wait3A_272 = tpu.memref_squeeze %dma_wait3A_271 : memref<1x1024xi32, #tpu.memory_space<vmem>> -> memref<1024xi32, #tpu.memory_space<vmem>>
      %dma_wait3A_273 = tpu.memref_slice %arg2[%multiple_of3A_69] : memref<819200xi32, #tpu.memory_space<hbm>> -> memref<1024xi32, #tpu.memory_space<hbm>>
      tpu.wait_dma2 semaphore(%run_scoped3A_257 : memref<!tpu.dma_semaphore, #tpu.memory_space<semaphore_mem>>) src(%dma_wait3A_273 : memref<1024xi32, #tpu.memory_space<hbm>>) dst(%dma_wait3A_272 : memref<1024xi32, #tpu.memory_space<vmem>>)
      tpu.yield
    }) : () -> ()
    %add3A_71 = arith.constant 288 : i32
    %add3A_72 = arith.addi %add3A_71, %add3A : i32
    %mul3A_73 = arith.constant 8 : i32
    %mul3A_74 = arith.muli %add3A_72, %mul3A_73 : i32
    %mul3A_75 = arith.constant 128 : i32
    %mul3A_76 = arith.muli %mul3A_74, %mul3A_75 : i32
    %multiple_of3A_77 = tpu.assume_multiple %mul3A_76, 8 : i32
    %run_scoped3A_78 = arith.constant 9 : i32
    "tpu.region"() ({
      %run_scoped3A_257 = tpu.sem_alloc : memref<!tpu.dma_semaphore, #tpu.memory_space<semaphore_mem>>
      %dma_start3A_258 = arith.constant 0 : i32
      %dma_start3A_259 = tpu.memref_slice %arg7[%run_scoped3A_78, %dma_start3A_258] : memref<25x1024xi32, #tpu.memory_space<vmem>> -> memref<1x1024xi32, #tpu.memory_space<vmem>>
      %dma_start3A_260 = tpu.memref_squeeze %dma_start3A_259 : memref<1x1024xi32, #tpu.memory_space<vmem>> -> memref<1024xi32, #tpu.memory_space<vmem>>
      %dma_start3A_261 = tpu.memref_slice %arg2[%multiple_of3A_77] : memref<819200xi32, #tpu.memory_space<hbm>> -> memref<1024xi32, #tpu.memory_space<hbm>>
      %dma_start3A_262 = arith.constant 0 : i32
      %dma_start3A_263 = tpu.memref_slice %arg7[%run_scoped3A_78, %dma_start3A_262] : memref<25x1024xi32, #tpu.memory_space<vmem>> -> memref<1x1024xi32, #tpu.memory_space<vmem>>
      %dma_start3A_264 = tpu.memref_squeeze %dma_start3A_263 : memref<1x1024xi32, #tpu.memory_space<vmem>> -> memref<1024xi32, #tpu.memory_space<vmem>>
      %dma_start3A_265 = tpu.memref_slice %arg2[%multiple_of3A_77] : memref<819200xi32, #tpu.memory_space<hbm>> -> memref<1024xi32, #tpu.memory_space<hbm>>
      tpu.enqueue_dma source(%dma_start3A_265 : memref<1024xi32, #tpu.memory_space<hbm>>) target(%dma_start3A_264 : memref<1024xi32, #tpu.memory_space<vmem>>) target_semaphore(%run_scoped3A_257 : memref<!tpu.dma_semaphore, #tpu.memory_space<semaphore_mem>>)
      %dma_wait3A_266 = arith.constant 0 : i32
      %dma_wait3A_267 = tpu.memref_slice %arg7[%run_scoped3A_78, %dma_wait3A_266] : memref<25x1024xi32, #tpu.memory_space<vmem>> -> memref<1x1024xi32, #tpu.memory_space<vmem>>
      %dma_wait3A_268 = tpu.memref_squeeze %dma_wait3A_267 : memref<1x1024xi32, #tpu.memory_space<vmem>> -> memref<1024xi32, #tpu.memory_space<vmem>>
      %dma_wait3A_269 = tpu.memref_slice %arg2[%multiple_of3A_77] : memref<819200xi32, #tpu.memory_space<hbm>> -> memref<1024xi32, #tpu.memory_space<hbm>>
      %dma_wait3A_270 = arith.constant 0 : i32
      %dma_wait3A_271 = tpu.memref_slice %arg7[%run_scoped3A_78, %dma_wait3A_270] : memref<25x1024xi32, #tpu.memory_space<vmem>> -> memref<1x1024xi32, #tpu.memory_space<vmem>>
      %dma_wait3A_272 = tpu.memref_squeeze %dma_wait3A_271 : memref<1x1024xi32, #tpu.memory_space<vmem>> -> memref<1024xi32, #tpu.memory_space<vmem>>
      %dma_wait3A_273 = tpu.memref_slice %arg2[%multiple_of3A_77] : memref<819200xi32, #tpu.memory_space<hbm>> -> memref<1024xi32, #tpu.memory_space<hbm>>
      tpu.wait_dma2 semaphore(%run_scoped3A_257 : memref<!tpu.dma_semaphore, #tpu.memory_space<semaphore_mem>>) src(%dma_wait3A_273 : memref<1024xi32, #tpu.memory_space<hbm>>) dst(%dma_wait3A_272 : memref<1024xi32, #tpu.memory_space<vmem>>)
      tpu.yield
    }) : () -> ()
    %add3A_79 = arith.constant 320 : i32
    %add3A_80 = arith.addi %add3A_79, %add3A : i32
    %mul3A_81 = arith.constant 8 : i32
    %mul3A_82 = arith.muli %add3A_80, %mul3A_81 : i32
    %mul3A_83 = arith.constant 128 : i32
    %mul3A_84 = arith.muli %mul3A_82, %mul3A_83 : i32
    %multiple_of3A_85 = tpu.assume_multiple %mul3A_84, 8 : i32
    %run_scoped3A_86 = arith.constant 10 : i32
    "tpu.region"() ({
      %run_scoped3A_257 = tpu.sem_alloc : memref<!tpu.dma_semaphore, #tpu.memory_space<semaphore_mem>>
      %dma_start3A_258 = arith.constant 0 : i32
      %dma_start3A_259 = tpu.memref_slice %arg7[%run_scoped3A_86, %dma_start3A_258] : memref<25x1024xi32, #tpu.memory_space<vmem>> -> memref<1x1024xi32, #tpu.memory_space<vmem>>
      %dma_start3A_260 = tpu.memref_squeeze %dma_start3A_259 : memref<1x1024xi32, #tpu.memory_space<vmem>> -> memref<1024xi32, #tpu.memory_space<vmem>>
      %dma_start3A_261 = tpu.memref_slice %arg2[%multiple_of3A_85] : memref<819200xi32, #tpu.memory_space<hbm>> -> memref<1024xi32, #tpu.memory_space<hbm>>
      %dma_start3A_262 = arith.constant 0 : i32
      %dma_start3A_263 = tpu.memref_slice %arg7[%run_scoped3A_86, %dma_start3A_262] : memref<25x1024xi32, #tpu.memory_space<vmem>> -> memref<1x1024xi32, #tpu.memory_space<vmem>>
      %dma_start3A_264 = tpu.memref_squeeze %dma_start3A_263 : memref<1x1024xi32, #tpu.memory_space<vmem>> -> memref<1024xi32, #tpu.memory_space<vmem>>
      %dma_start3A_265 = tpu.memref_slice %arg2[%multiple_of3A_85] : memref<819200xi32, #tpu.memory_space<hbm>> -> memref<1024xi32, #tpu.memory_space<hbm>>
      tpu.enqueue_dma source(%dma_start3A_265 : memref<1024xi32, #tpu.memory_space<hbm>>) target(%dma_start3A_264 : memref<1024xi32, #tpu.memory_space<vmem>>) target_semaphore(%run_scoped3A_257 : memref<!tpu.dma_semaphore, #tpu.memory_space<semaphore_mem>>)
      %dma_wait3A_266 = arith.constant 0 : i32
      %dma_wait3A_267 = tpu.memref_slice %arg7[%run_scoped3A_86, %dma_wait3A_266] : memref<25x1024xi32, #tpu.memory_space<vmem>> -> memref<1x1024xi32, #tpu.memory_space<vmem>>
      %dma_wait3A_268 = tpu.memref_squeeze %dma_wait3A_267 : memref<1x1024xi32, #tpu.memory_space<vmem>> -> memref<1024xi32, #tpu.memory_space<vmem>>
      %dma_wait3A_269 = tpu.memref_slice %arg2[%multiple_of3A_85] : memref<819200xi32, #tpu.memory_space<hbm>> -> memref<1024xi32, #tpu.memory_space<hbm>>
      %dma_wait3A_270 = arith.constant 0 : i32
      %dma_wait3A_271 = tpu.memref_slice %arg7[%run_scoped3A_86, %dma_wait3A_270] : memref<25x1024xi32, #tpu.memory_space<vmem>> -> memref<1x1024xi32, #tpu.memory_space<vmem>>
      %dma_wait3A_272 = tpu.memref_squeeze %dma_wait3A_271 : memref<1x1024xi32, #tpu.memory_space<vmem>> -> memref<1024xi32, #tpu.memory_space<vmem>>
      %dma_wait3A_273 = tpu.memref_slice %arg2[%multiple_of3A_85] : memref<819200xi32, #tpu.memory_space<hbm>> -> memref<1024xi32, #tpu.memory_space<hbm>>
      tpu.wait_dma2 semaphore(%run_scoped3A_257 : memref<!tpu.dma_semaphore, #tpu.memory_space<semaphore_mem>>) src(%dma_wait3A_273 : memref<1024xi32, #tpu.memory_space<hbm>>) dst(%dma_wait3A_272 : memref<1024xi32, #tpu.memory_space<vmem>>)
      tpu.yield
    }) : () -> ()
    %add3A_87 = arith.constant 352 : i32
    %add3A_88 = arith.addi %add3A_87, %add3A : i32
    %mul3A_89 = arith.constant 8 : i32
    %mul3A_90 = arith.muli %add3A_88, %mul3A_89 : i32
    %mul3A_91 = arith.constant 128 : i32
    %mul3A_92 = arith.muli %mul3A_90, %mul3A_91 : i32
    %multiple_of3A_93 = tpu.assume_multiple %mul3A_92, 8 : i32
    %run_scoped3A_94 = arith.constant 11 : i32
    "tpu.region"() ({
      %run_scoped3A_257 = tpu.sem_alloc : memref<!tpu.dma_semaphore, #tpu.memory_space<semaphore_mem>>
      %dma_start3A_258 = arith.constant 0 : i32
      %dma_start3A_259 = tpu.memref_slice %arg7[%run_scoped3A_94, %dma_start3A_258] : memref<25x1024xi32, #tpu.memory_space<vmem>> -> memref<1x1024xi32, #tpu.memory_space<vmem>>
      %dma_start3A_260 = tpu.memref_squeeze %dma_start3A_259 : memref<1x1024xi32, #tpu.memory_space<vmem>> -> memref<1024xi32, #tpu.memory_space<vmem>>
      %dma_start3A_261 = tpu.memref_slice %arg2[%multiple_of3A_93] : memref<819200xi32, #tpu.memory_space<hbm>> -> memref<1024xi32, #tpu.memory_space<hbm>>
      %dma_start3A_262 = arith.constant 0 : i32
      %dma_start3A_263 = tpu.memref_slice %arg7[%run_scoped3A_94, %dma_start3A_262] : memref<25x1024xi32, #tpu.memory_space<vmem>> -> memref<1x1024xi32, #tpu.memory_space<vmem>>
      %dma_start3A_264 = tpu.memref_squeeze %dma_start3A_263 : memref<1x1024xi32, #tpu.memory_space<vmem>> -> memref<1024xi32, #tpu.memory_space<vmem>>
      %dma_start3A_265 = tpu.memref_slice %arg2[%multiple_of3A_93] : memref<819200xi32, #tpu.memory_space<hbm>> -> memref<1024xi32, #tpu.memory_space<hbm>>
      tpu.enqueue_dma source(%dma_start3A_265 : memref<1024xi32, #tpu.memory_space<hbm>>) target(%dma_start3A_264 : memref<1024xi32, #tpu.memory_space<vmem>>) target_semaphore(%run_scoped3A_257 : memref<!tpu.dma_semaphore, #tpu.memory_space<semaphore_mem>>)
      %dma_wait3A_266 = arith.constant 0 : i32
      %dma_wait3A_267 = tpu.memref_slice %arg7[%run_scoped3A_94, %dma_wait3A_266] : memref<25x1024xi32, #tpu.memory_space<vmem>> -> memref<1x1024xi32, #tpu.memory_space<vmem>>
      %dma_wait3A_268 = tpu.memref_squeeze %dma_wait3A_267 : memref<1x1024xi32, #tpu.memory_space<vmem>> -> memref<1024xi32, #tpu.memory_space<vmem>>
      %dma_wait3A_269 = tpu.memref_slice %arg2[%multiple_of3A_93] : memref<819200xi32, #tpu.memory_space<hbm>> -> memref<1024xi32, #tpu.memory_space<hbm>>
      %dma_wait3A_270 = arith.constant 0 : i32
      %dma_wait3A_271 = tpu.memref_slice %arg7[%run_scoped3A_94, %dma_wait3A_270] : memref<25x1024xi32, #tpu.memory_space<vmem>> -> memref<1x1024xi32, #tpu.memory_space<vmem>>
      %dma_wait3A_272 = tpu.memref_squeeze %dma_wait3A_271 : memref<1x1024xi32, #tpu.memory_space<vmem>> -> memref<1024xi32, #tpu.memory_space<vmem>>
      %dma_wait3A_273 = tpu.memref_slice %arg2[%multiple_of3A_93] : memref<819200xi32, #tpu.memory_space<hbm>> -> memref<1024xi32, #tpu.memory_space<hbm>>
      tpu.wait_dma2 semaphore(%run_scoped3A_257 : memref<!tpu.dma_semaphore, #tpu.memory_space<semaphore_mem>>) src(%dma_wait3A_273 : memref<1024xi32, #tpu.memory_space<hbm>>) dst(%dma_wait3A_272 : memref<1024xi32, #tpu.memory_space<vmem>>)
      tpu.yield
    }) : () -> ()
    %add3A_95 = arith.constant 384 : i32
    %add3A_96 = arith.addi %add3A_95, %add3A : i32
    %mul3A_97 = arith.constant 8 : i32
    %mul3A_98 = arith.muli %add3A_96, %mul3A_97 : i32
    %mul3A_99 = arith.constant 128 : i32
    %mul3A_100 = arith.muli %mul3A_98, %mul3A_99 : i32
    %multiple_of3A_101 = tpu.assume_multiple %mul3A_100, 8 : i32
    %run_scoped3A_102 = arith.constant 12 : i32
    "tpu.region"() ({
      %run_scoped3A_257 = tpu.sem_alloc : memref<!tpu.dma_semaphore, #tpu.memory_space<semaphore_mem>>
      %dma_start3A_258 = arith.constant 0 : i32
      %dma_start3A_259 = tpu.memref_slice %arg7[%run_scoped3A_102, %dma_start3A_258] : memref<25x1024xi32, #tpu.memory_space<vmem>> -> memref<1x1024xi32, #tpu.memory_space<vmem>>
      %dma_start3A_260 = tpu.memref_squeeze %dma_start3A_259 : memref<1x1024xi32, #tpu.memory_space<vmem>> -> memref<1024xi32, #tpu.memory_space<vmem>>
      %dma_start3A_261 = tpu.memref_slice %arg2[%multiple_of3A_101] : memref<819200xi32, #tpu.memory_space<hbm>> -> memref<1024xi32, #tpu.memory_space<hbm>>
      %dma_start3A_262 = arith.constant 0 : i32
      %dma_start3A_263 = tpu.memref_slice %arg7[%run_scoped3A_102, %dma_start3A_262] : memref<25x1024xi32, #tpu.memory_space<vmem>> -> memref<1x1024xi32, #tpu.memory_space<vmem>>
      %dma_start3A_264 = tpu.memref_squeeze %dma_start3A_263 : memref<1x1024xi32, #tpu.memory_space<vmem>> -> memref<1024xi32, #tpu.memory_space<vmem>>
      %dma_start3A_265 = tpu.memref_slice %arg2[%multiple_of3A_101] : memref<819200xi32, #tpu.memory_space<hbm>> -> memref<1024xi32, #tpu.memory_space<hbm>>
      tpu.enqueue_dma source(%dma_start3A_265 : memref<1024xi32, #tpu.memory_space<hbm>>) target(%dma_start3A_264 : memref<1024xi32, #tpu.memory_space<vmem>>) target_semaphore(%run_scoped3A_257 : memref<!tpu.dma_semaphore, #tpu.memory_space<semaphore_mem>>)
      %dma_wait3A_266 = arith.constant 0 : i32
      %dma_wait3A_267 = tpu.memref_slice %arg7[%run_scoped3A_102, %dma_wait3A_266] : memref<25x1024xi32, #tpu.memory_space<vmem>> -> memref<1x1024xi32, #tpu.memory_space<vmem>>
      %dma_wait3A_268 = tpu.memref_squeeze %dma_wait3A_267 : memref<1x1024xi32, #tpu.memory_space<vmem>> -> memref<1024xi32, #tpu.memory_space<vmem>>
      %dma_wait3A_269 = tpu.memref_slice %arg2[%multiple_of3A_101] : memref<819200xi32, #tpu.memory_space<hbm>> -> memref<1024xi32, #tpu.memory_space<hbm>>
      %dma_wait3A_270 = arith.constant 0 : i32
      %dma_wait3A_271 = tpu.memref_slice %arg7[%run_scoped3A_102, %dma_wait3A_270] : memref<25x1024xi32, #tpu.memory_space<vmem>> -> memref<1x1024xi32, #tpu.memory_space<vmem>>
      %dma_wait3A_272 = tpu.memref_squeeze %dma_wait3A_271 : memref<1x1024xi32, #tpu.memory_space<vmem>> -> memref<1024xi32, #tpu.memory_space<vmem>>
      %dma_wait3A_273 = tpu.memref_slice %arg2[%multiple_of3A_101] : memref<819200xi32, #tpu.memory_space<hbm>> -> memref<1024xi32, #tpu.memory_space<hbm>>
      tpu.wait_dma2 semaphore(%run_scoped3A_257 : memref<!tpu.dma_semaphore, #tpu.memory_space<semaphore_mem>>) src(%dma_wait3A_273 : memref<1024xi32, #tpu.memory_space<hbm>>) dst(%dma_wait3A_272 : memref<1024xi32, #tpu.memory_space<vmem>>)
      tpu.yield
    }) : () -> ()
    %add3A_103 = arith.constant 416 : i32
    %add3A_104 = arith.addi %add3A_103, %add3A : i32
    %mul3A_105 = arith.constant 8 : i32
    %mul3A_106 = arith.muli %add3A_104, %mul3A_105 : i32
    %mul3A_107 = arith.constant 128 : i32
    %mul3A_108 = arith.muli %mul3A_106, %mul3A_107 : i32
    %multiple_of3A_109 = tpu.assume_multiple %mul3A_108, 8 : i32
    %run_scoped3A_110 = arith.constant 13 : i32
    "tpu.region"() ({
      %run_scoped3A_257 = tpu.sem_alloc : memref<!tpu.dma_semaphore, #tpu.memory_space<semaphore_mem>>
      %dma_start3A_258 = arith.constant 0 : i32
      %dma_start3A_259 = tpu.memref_slice %arg7[%run_scoped3A_110, %dma_start3A_258] : memref<25x1024xi32, #tpu.memory_space<vmem>> -> memref<1x1024xi32, #tpu.memory_space<vmem>>
      %dma_start3A_260 = tpu.memref_squeeze %dma_start3A_259 : memref<1x1024xi32, #tpu.memory_space<vmem>> -> memref<1024xi32, #tpu.memory_space<vmem>>
      %dma_start3A_261 = tpu.memref_slice %arg2[%multiple_of3A_109] : memref<819200xi32, #tpu.memory_space<hbm>> -> memref<1024xi32, #tpu.memory_space<hbm>>
      %dma_start3A_262 = arith.constant 0 : i32
      %dma_start3A_263 = tpu.memref_slice %arg7[%run_scoped3A_110, %dma_start3A_262] : memref<25x1024xi32, #tpu.memory_space<vmem>> -> memref<1x1024xi32, #tpu.memory_space<vmem>>
      %dma_start3A_264 = tpu.memref_squeeze %dma_start3A_263 : memref<1x1024xi32, #tpu.memory_space<vmem>> -> memref<1024xi32, #tpu.memory_space<vmem>>
      %dma_start3A_265 = tpu.memref_slice %arg2[%multiple_of3A_109] : memref<819200xi32, #tpu.memory_space<hbm>> -> memref<1024xi32, #tpu.memory_space<hbm>>
      tpu.enqueue_dma source(%dma_start3A_265 : memref<1024xi32, #tpu.memory_space<hbm>>) target(%dma_start3A_264 : memref<1024xi32, #tpu.memory_space<vmem>>) target_semaphore(%run_scoped3A_257 : memref<!tpu.dma_semaphore, #tpu.memory_space<semaphore_mem>>)
      %dma_wait3A_266 = arith.constant 0 : i32
      %dma_wait3A_267 = tpu.memref_slice %arg7[%run_scoped3A_110, %dma_wait3A_266] : memref<25x1024xi32, #tpu.memory_space<vmem>> -> memref<1x1024xi32, #tpu.memory_space<vmem>>
      %dma_wait3A_268 = tpu.memref_squeeze %dma_wait3A_267 : memref<1x1024xi32, #tpu.memory_space<vmem>> -> memref<1024xi32, #tpu.memory_space<vmem>>
      %dma_wait3A_269 = tpu.memref_slice %arg2[%multiple_of3A_109] : memref<819200xi32, #tpu.memory_space<hbm>> -> memref<1024xi32, #tpu.memory_space<hbm>>
      %dma_wait3A_270 = arith.constant 0 : i32
      %dma_wait3A_271 = tpu.memref_slice %arg7[%run_scoped3A_110, %dma_wait3A_270] : memref<25x1024xi32, #tpu.memory_space<vmem>> -> memref<1x1024xi32, #tpu.memory_space<vmem>>
      %dma_wait3A_272 = tpu.memref_squeeze %dma_wait3A_271 : memref<1x1024xi32, #tpu.memory_space<vmem>> -> memref<1024xi32, #tpu.memory_space<vmem>>
      %dma_wait3A_273 = tpu.memref_slice %arg2[%multiple_of3A_109] : memref<819200xi32, #tpu.memory_space<hbm>> -> memref<1024xi32, #tpu.memory_space<hbm>>
      tpu.wait_dma2 semaphore(%run_scoped3A_257 : memref<!tpu.dma_semaphore, #tpu.memory_space<semaphore_mem>>) src(%dma_wait3A_273 : memref<1024xi32, #tpu.memory_space<hbm>>) dst(%dma_wait3A_272 : memref<1024xi32, #tpu.memory_space<vmem>>)
      tpu.yield
    }) : () -> ()
    %add3A_111 = arith.constant 448 : i32
    %add3A_112 = arith.addi %add3A_111, %add3A : i32
    %mul3A_113 = arith.constant 8 : i32
    %mul3A_114 = arith.muli %add3A_112, %mul3A_113 : i32
    %mul3A_115 = arith.constant 128 : i32
    %mul3A_116 = arith.muli %mul3A_114, %mul3A_115 : i32
    %multiple_of3A_117 = tpu.assume_multiple %mul3A_116, 8 : i32
    %run_scoped3A_118 = arith.constant 14 : i32
    "tpu.region"() ({
      %run_scoped3A_257 = tpu.sem_alloc : memref<!tpu.dma_semaphore, #tpu.memory_space<semaphore_mem>>
      %dma_start3A_258 = arith.constant 0 : i32
      %dma_start3A_259 = tpu.memref_slice %arg7[%run_scoped3A_118, %dma_start3A_258] : memref<25x1024xi32, #tpu.memory_space<vmem>> -> memref<1x1024xi32, #tpu.memory_space<vmem>>
      %dma_start3A_260 = tpu.memref_squeeze %dma_start3A_259 : memref<1x1024xi32, #tpu.memory_space<vmem>> -> memref<1024xi32, #tpu.memory_space<vmem>>
      %dma_start3A_261 = tpu.memref_slice %arg2[%multiple_of3A_117] : memref<819200xi32, #tpu.memory_space<hbm>> -> memref<1024xi32, #tpu.memory_space<hbm>>
      %dma_start3A_262 = arith.constant 0 : i32
      %dma_start3A_263 = tpu.memref_slice %arg7[%run_scoped3A_118, %dma_start3A_262] : memref<25x1024xi32, #tpu.memory_space<vmem>> -> memref<1x1024xi32, #tpu.memory_space<vmem>>
      %dma_start3A_264 = tpu.memref_squeeze %dma_start3A_263 : memref<1x1024xi32, #tpu.memory_space<vmem>> -> memref<1024xi32, #tpu.memory_space<vmem>>
      %dma_start3A_265 = tpu.memref_slice %arg2[%multiple_of3A_117] : memref<819200xi32, #tpu.memory_space<hbm>> -> memref<1024xi32, #tpu.memory_space<hbm>>
      tpu.enqueue_dma source(%dma_start3A_265 : memref<1024xi32, #tpu.memory_space<hbm>>) target(%dma_start3A_264 : memref<1024xi32, #tpu.memory_space<vmem>>) target_semaphore(%run_scoped3A_257 : memref<!tpu.dma_semaphore, #tpu.memory_space<semaphore_mem>>)
      %dma_wait3A_266 = arith.constant 0 : i32
      %dma_wait3A_267 = tpu.memref_slice %arg7[%run_scoped3A_118, %dma_wait3A_266] : memref<25x1024xi32, #tpu.memory_space<vmem>> -> memref<1x1024xi32, #tpu.memory_space<vmem>>
      %dma_wait3A_268 = tpu.memref_squeeze %dma_wait3A_267 : memref<1x1024xi32, #tpu.memory_space<vmem>> -> memref<1024xi32, #tpu.memory_space<vmem>>
      %dma_wait3A_269 = tpu.memref_slice %arg2[%multiple_of3A_117] : memref<819200xi32, #tpu.memory_space<hbm>> -> memref<1024xi32, #tpu.memory_space<hbm>>
      %dma_wait3A_270 = arith.constant 0 : i32
      %dma_wait3A_271 = tpu.memref_slice %arg7[%run_scoped3A_118, %dma_wait3A_270] : memref<25x1024xi32, #tpu.memory_space<vmem>> -> memref<1x1024xi32, #tpu.memory_space<vmem>>
      %dma_wait3A_272 = tpu.memref_squeeze %dma_wait3A_271 : memref<1x1024xi32, #tpu.memory_space<vmem>> -> memref<1024xi32, #tpu.memory_space<vmem>>
      %dma_wait3A_273 = tpu.memref_slice %arg2[%multiple_of3A_117] : memref<819200xi32, #tpu.memory_space<hbm>> -> memref<1024xi32, #tpu.memory_space<hbm>>
      tpu.wait_dma2 semaphore(%run_scoped3A_257 : memref<!tpu.dma_semaphore, #tpu.memory_space<semaphore_mem>>) src(%dma_wait3A_273 : memref<1024xi32, #tpu.memory_space<hbm>>) dst(%dma_wait3A_272 : memref<1024xi32, #tpu.memory_space<vmem>>)
      tpu.yield
    }) : () -> ()
    %add3A_119 = arith.constant 480 : i32
    %add3A_120 = arith.addi %add3A_119, %add3A : i32
    %mul3A_121 = arith.constant 8 : i32
    %mul3A_122 = arith.muli %add3A_120, %mul3A_121 : i32
    %mul3A_123 = arith.constant 128 : i32
    %mul3A_124 = arith.muli %mul3A_122, %mul3A_123 : i32
    %multiple_of3A_125 = tpu.assume_multiple %mul3A_124, 8 : i32
    %run_scoped3A_126 = arith.constant 15 : i32
    "tpu.region"() ({
      %run_scoped3A_257 = tpu.sem_alloc : memref<!tpu.dma_semaphore, #tpu.memory_space<semaphore_mem>>
      %dma_start3A_258 = arith.constant 0 : i32
      %dma_start3A_259 = tpu.memref_slice %arg7[%run_scoped3A_126, %dma_start3A_258] : memref<25x1024xi32, #tpu.memory_space<vmem>> -> memref<1x1024xi32, #tpu.memory_space<vmem>>
      %dma_start3A_260 = tpu.memref_squeeze %dma_start3A_259 : memref<1x1024xi32, #tpu.memory_space<vmem>> -> memref<1024xi32, #tpu.memory_space<vmem>>
      %dma_start3A_261 = tpu.memref_slice %arg2[%multiple_of3A_125] : memref<819200xi32, #tpu.memory_space<hbm>> -> memref<1024xi32, #tpu.memory_space<hbm>>
      %dma_start3A_262 = arith.constant 0 : i32
      %dma_start3A_263 = tpu.memref_slice %arg7[%run_scoped3A_126, %dma_start3A_262] : memref<25x1024xi32, #tpu.memory_space<vmem>> -> memref<1x1024xi32, #tpu.memory_space<vmem>>
      %dma_start3A_264 = tpu.memref_squeeze %dma_start3A_263 : memref<1x1024xi32, #tpu.memory_space<vmem>> -> memref<1024xi32, #tpu.memory_space<vmem>>
      %dma_start3A_265 = tpu.memref_slice %arg2[%multiple_of3A_125] : memref<819200xi32, #tpu.memory_space<hbm>> -> memref<1024xi32, #tpu.memory_space<hbm>>
      tpu.enqueue_dma source(%dma_start3A_265 : memref<1024xi32, #tpu.memory_space<hbm>>) target(%dma_start3A_264 : memref<1024xi32, #tpu.memory_space<vmem>>) target_semaphore(%run_scoped3A_257 : memref<!tpu.dma_semaphore, #tpu.memory_space<semaphore_mem>>)
      %dma_wait3A_266 = arith.constant 0 : i32
      %dma_wait3A_267 = tpu.memref_slice %arg7[%run_scoped3A_126, %dma_wait3A_266] : memref<25x1024xi32, #tpu.memory_space<vmem>> -> memref<1x1024xi32, #tpu.memory_space<vmem>>
      %dma_wait3A_268 = tpu.memref_squeeze %dma_wait3A_267 : memref<1x1024xi32, #tpu.memory_space<vmem>> -> memref<1024xi32, #tpu.memory_space<vmem>>
      %dma_wait3A_269 = tpu.memref_slice %arg2[%multiple_of3A_125] : memref<819200xi32, #tpu.memory_space<hbm>> -> memref<1024xi32, #tpu.memory_space<hbm>>
      %dma_wait3A_270 = arith.constant 0 : i32
      %dma_wait3A_271 = tpu.memref_slice %arg7[%run_scoped3A_126, %dma_wait3A_270] : memref<25x1024xi32, #tpu.memory_space<vmem>> -> memref<1x1024xi32, #tpu.memory_space<vmem>>
      %dma_wait3A_272 = tpu.memref_squeeze %dma_wait3A_271 : memref<1x1024xi32, #tpu.memory_space<vmem>> -> memref<1024xi32, #tpu.memory_space<vmem>>
      %dma_wait3A_273 = tpu.memref_slice %arg2[%multiple_of3A_125] : memref<819200xi32, #tpu.memory_space<hbm>> -> memref<1024xi32, #tpu.memory_space<hbm>>
      tpu.wait_dma2 semaphore(%run_scoped3A_257 : memref<!tpu.dma_semaphore, #tpu.memory_space<semaphore_mem>>) src(%dma_wait3A_273 : memref<1024xi32, #tpu.memory_space<hbm>>) dst(%dma_wait3A_272 : memref<1024xi32, #tpu.memory_space<vmem>>)
      tpu.yield
    }) : () -> ()
    %add3A_127 = arith.constant 512 : i32
    %add3A_128 = arith.addi %add3A_127, %add3A : i32
    %mul3A_129 = arith.constant 8 : i32
    %mul3A_130 = arith.muli %add3A_128, %mul3A_129 : i32
    %mul3A_131 = arith.constant 128 : i32
    %mul3A_132 = arith.muli %mul3A_130, %mul3A_131 : i32
    %multiple_of3A_133 = tpu.assume_multiple %mul3A_132, 8 : i32
    %run_scoped3A_134 = arith.constant 16 : i32
    "tpu.region"() ({
      %run_scoped3A_257 = tpu.sem_alloc : memref<!tpu.dma_semaphore, #tpu.memory_space<semaphore_mem>>
      %dma_start3A_258 = arith.constant 0 : i32
      %dma_start3A_259 = tpu.memref_slice %arg7[%run_scoped3A_134, %dma_start3A_258] : memref<25x1024xi32, #tpu.memory_space<vmem>> -> memref<1x1024xi32, #tpu.memory_space<vmem>>
      %dma_start3A_260 = tpu.memref_squeeze %dma_start3A_259 : memref<1x1024xi32, #tpu.memory_space<vmem>> -> memref<1024xi32, #tpu.memory_space<vmem>>
      %dma_start3A_261 = tpu.memref_slice %arg2[%multiple_of3A_133] : memref<819200xi32, #tpu.memory_space<hbm>> -> memref<1024xi32, #tpu.memory_space<hbm>>
      %dma_start3A_262 = arith.constant 0 : i32
      %dma_start3A_263 = tpu.memref_slice %arg7[%run_scoped3A_134, %dma_start3A_262] : memref<25x1024xi32, #tpu.memory_space<vmem>> -> memref<1x1024xi32, #tpu.memory_space<vmem>>
      %dma_start3A_264 = tpu.memref_squeeze %dma_start3A_263 : memref<1x1024xi32, #tpu.memory_space<vmem>> -> memref<1024xi32, #tpu.memory_space<vmem>>
      %dma_start3A_265 = tpu.memref_slice %arg2[%multiple_of3A_133] : memref<819200xi32, #tpu.memory_space<hbm>> -> memref<1024xi32, #tpu.memory_space<hbm>>
      tpu.enqueue_dma source(%dma_start3A_265 : memref<1024xi32, #tpu.memory_space<hbm>>) target(%dma_start3A_264 : memref<1024xi32, #tpu.memory_space<vmem>>) target_semaphore(%run_scoped3A_257 : memref<!tpu.dma_semaphore, #tpu.memory_space<semaphore_mem>>)
      %dma_wait3A_266 = arith.constant 0 : i32
      %dma_wait3A_267 = tpu.memref_slice %arg7[%run_scoped3A_134, %dma_wait3A_266] : memref<25x1024xi32, #tpu.memory_space<vmem>> -> memref<1x1024xi32, #tpu.memory_space<vmem>>
      %dma_wait3A_268 = tpu.memref_squeeze %dma_wait3A_267 : memref<1x1024xi32, #tpu.memory_space<vmem>> -> memref<1024xi32, #tpu.memory_space<vmem>>
      %dma_wait3A_269 = tpu.memref_slice %arg2[%multiple_of3A_133] : memref<819200xi32, #tpu.memory_space<hbm>> -> memref<1024xi32, #tpu.memory_space<hbm>>
      %dma_wait3A_270 = arith.constant 0 : i32
      %dma_wait3A_271 = tpu.memref_slice %arg7[%run_scoped3A_134, %dma_wait3A_270] : memref<25x1024xi32, #tpu.memory_space<vmem>> -> memref<1x1024xi32, #tpu.memory_space<vmem>>
      %dma_wait3A_272 = tpu.memref_squeeze %dma_wait3A_271 : memref<1x1024xi32, #tpu.memory_space<vmem>> -> memref<1024xi32, #tpu.memory_space<vmem>>
      %dma_wait3A_273 = tpu.memref_slice %arg2[%multiple_of3A_133] : memref<819200xi32, #tpu.memory_space<hbm>> -> memref<1024xi32, #tpu.memory_space<hbm>>
      tpu.wait_dma2 semaphore(%run_scoped3A_257 : memref<!tpu.dma_semaphore, #tpu.memory_space<semaphore_mem>>) src(%dma_wait3A_273 : memref<1024xi32, #tpu.memory_space<hbm>>) dst(%dma_wait3A_272 : memref<1024xi32, #tpu.memory_space<vmem>>)
      tpu.yield
    }) : () -> ()
    %add3A_135 = arith.constant 544 : i32
    %add3A_136 = arith.addi %add3A_135, %add3A : i32
    %mul3A_137 = arith.constant 8 : i32
    %mul3A_138 = arith.muli %add3A_136, %mul3A_137 : i32
    %mul3A_139 = arith.constant 128 : i32
    %mul3A_140 = arith.muli %mul3A_138, %mul3A_139 : i32
    %multiple_of3A_141 = tpu.assume_multiple %mul3A_140, 8 : i32
    %run_scoped3A_142 = arith.constant 17 : i32
    "tpu.region"() ({
      %run_scoped3A_257 = tpu.sem_alloc : memref<!tpu.dma_semaphore, #tpu.memory_space<semaphore_mem>>
      %dma_start3A_258 = arith.constant 0 : i32
      %dma_start3A_259 = tpu.memref_slice %arg7[%run_scoped3A_142, %dma_start3A_258] : memref<25x1024xi32, #tpu.memory_space<vmem>> -> memref<1x1024xi32, #tpu.memory_space<vmem>>
      %dma_start3A_260 = tpu.memref_squeeze %dma_start3A_259 : memref<1x1024xi32, #tpu.memory_space<vmem>> -> memref<1024xi32, #tpu.memory_space<vmem>>
      %dma_start3A_261 = tpu.memref_slice %arg2[%multiple_of3A_141] : memref<819200xi32, #tpu.memory_space<hbm>> -> memref<1024xi32, #tpu.memory_space<hbm>>
      %dma_start3A_262 = arith.constant 0 : i32
      %dma_start3A_263 = tpu.memref_slice %arg7[%run_scoped3A_142, %dma_start3A_262] : memref<25x1024xi32, #tpu.memory_space<vmem>> -> memref<1x1024xi32, #tpu.memory_space<vmem>>
      %dma_start3A_264 = tpu.memref_squeeze %dma_start3A_263 : memref<1x1024xi32, #tpu.memory_space<vmem>> -> memref<1024xi32, #tpu.memory_space<vmem>>
      %dma_start3A_265 = tpu.memref_slice %arg2[%multiple_of3A_141] : memref<819200xi32, #tpu.memory_space<hbm>> -> memref<1024xi32, #tpu.memory_space<hbm>>
      tpu.enqueue_dma source(%dma_start3A_265 : memref<1024xi32, #tpu.memory_space<hbm>>) target(%dma_start3A_264 : memref<1024xi32, #tpu.memory_space<vmem>>) target_semaphore(%run_scoped3A_257 : memref<!tpu.dma_semaphore, #tpu.memory_space<semaphore_mem>>)
      %dma_wait3A_266 = arith.constant 0 : i32
      %dma_wait3A_267 = tpu.memref_slice %arg7[%run_scoped3A_142, %dma_wait3A_266] : memref<25x1024xi32, #tpu.memory_space<vmem>> -> memref<1x1024xi32, #tpu.memory_space<vmem>>
      %dma_wait3A_268 = tpu.memref_squeeze %dma_wait3A_267 : memref<1x1024xi32, #tpu.memory_space<vmem>> -> memref<1024xi32, #tpu.memory_space<vmem>>
      %dma_wait3A_269 = tpu.memref_slice %arg2[%multiple_of3A_141] : memref<819200xi32, #tpu.memory_space<hbm>> -> memref<1024xi32, #tpu.memory_space<hbm>>
      %dma_wait3A_270 = arith.constant 0 : i32
      %dma_wait3A_271 = tpu.memref_slice %arg7[%run_scoped3A_142, %dma_wait3A_270] : memref<25x1024xi32, #tpu.memory_space<vmem>> -> memref<1x1024xi32, #tpu.memory_space<vmem>>
      %dma_wait3A_272 = tpu.memref_squeeze %dma_wait3A_271 : memref<1x1024xi32, #tpu.memory_space<vmem>> -> memref<1024xi32, #tpu.memory_space<vmem>>
      %dma_wait3A_273 = tpu.memref_slice %arg2[%multiple_of3A_141] : memref<819200xi32, #tpu.memory_space<hbm>> -> memref<1024xi32, #tpu.memory_space<hbm>>
      tpu.wait_dma2 semaphore(%run_scoped3A_257 : memref<!tpu.dma_semaphore, #tpu.memory_space<semaphore_mem>>) src(%dma_wait3A_273 : memref<1024xi32, #tpu.memory_space<hbm>>) dst(%dma_wait3A_272 : memref<1024xi32, #tpu.memory_space<vmem>>)
      tpu.yield
    }) : () -> ()
    %add3A_143 = arith.constant 576 : i32
    %add3A_144 = arith.addi %add3A_143, %add3A : i32
    %mul3A_145 = arith.constant 8 : i32
    %mul3A_146 = arith.muli %add3A_144, %mul3A_145 : i32
    %mul3A_147 = arith.constant 128 : i32
    %mul3A_148 = arith.muli %mul3A_146, %mul3A_147 : i32
    %multiple_of3A_149 = tpu.assume_multiple %mul3A_148, 8 : i32
    %run_scoped3A_150 = arith.constant 18 : i32
    "tpu.region"() ({
      %run_scoped3A_257 = tpu.sem_alloc : memref<!tpu.dma_semaphore, #tpu.memory_space<semaphore_mem>>
      %dma_start3A_258 = arith.constant 0 : i32
      %dma_start3A_259 = tpu.memref_slice %arg7[%run_scoped3A_150, %dma_start3A_258] : memref<25x1024xi32, #tpu.memory_space<vmem>> -> memref<1x1024xi32, #tpu.memory_space<vmem>>
      %dma_start3A_260 = tpu.memref_squeeze %dma_start3A_259 : memref<1x1024xi32, #tpu.memory_space<vmem>> -> memref<1024xi32, #tpu.memory_space<vmem>>
      %dma_start3A_261 = tpu.memref_slice %arg2[%multiple_of3A_149] : memref<819200xi32, #tpu.memory_space<hbm>> -> memref<1024xi32, #tpu.memory_space<hbm>>
      %dma_start3A_262 = arith.constant 0 : i32
      %dma_start3A_263 = tpu.memref_slice %arg7[%run_scoped3A_150, %dma_start3A_262] : memref<25x1024xi32, #tpu.memory_space<vmem>> -> memref<1x1024xi32, #tpu.memory_space<vmem>>
      %dma_start3A_264 = tpu.memref_squeeze %dma_start3A_263 : memref<1x1024xi32, #tpu.memory_space<vmem>> -> memref<1024xi32, #tpu.memory_space<vmem>>
      %dma_start3A_265 = tpu.memref_slice %arg2[%multiple_of3A_149] : memref<819200xi32, #tpu.memory_space<hbm>> -> memref<1024xi32, #tpu.memory_space<hbm>>
      tpu.enqueue_dma source(%dma_start3A_265 : memref<1024xi32, #tpu.memory_space<hbm>>) target(%dma_start3A_264 : memref<1024xi32, #tpu.memory_space<vmem>>) target_semaphore(%run_scoped3A_257 : memref<!tpu.dma_semaphore, #tpu.memory_space<semaphore_mem>>)
      %dma_wait3A_266 = arith.constant 0 : i32
      %dma_wait3A_267 = tpu.memref_slice %arg7[%run_scoped3A_150, %dma_wait3A_266] : memref<25x1024xi32, #tpu.memory_space<vmem>> -> memref<1x1024xi32, #tpu.memory_space<vmem>>
      %dma_wait3A_268 = tpu.memref_squeeze %dma_wait3A_267 : memref<1x1024xi32, #tpu.memory_space<vmem>> -> memref<1024xi32, #tpu.memory_space<vmem>>
      %dma_wait3A_269 = tpu.memref_slice %arg2[%multiple_of3A_149] : memref<819200xi32, #tpu.memory_space<hbm>> -> memref<1024xi32, #tpu.memory_space<hbm>>
      %dma_wait3A_270 = arith.constant 0 : i32
      %dma_wait3A_271 = tpu.memref_slice %arg7[%run_scoped3A_150, %dma_wait3A_270] : memref<25x1024xi32, #tpu.memory_space<vmem>> -> memref<1x1024xi32, #tpu.memory_space<vmem>>
      %dma_wait3A_272 = tpu.memref_squeeze %dma_wait3A_271 : memref<1x1024xi32, #tpu.memory_space<vmem>> -> memref<1024xi32, #tpu.memory_space<vmem>>
      %dma_wait3A_273 = tpu.memref_slice %arg2[%multiple_of3A_149] : memref<819200xi32, #tpu.memory_space<hbm>> -> memref<1024xi32, #tpu.memory_space<hbm>>
      tpu.wait_dma2 semaphore(%run_scoped3A_257 : memref<!tpu.dma_semaphore, #tpu.memory_space<semaphore_mem>>) src(%dma_wait3A_273 : memref<1024xi32, #tpu.memory_space<hbm>>) dst(%dma_wait3A_272 : memref<1024xi32, #tpu.memory_space<vmem>>)
      tpu.yield
    }) : () -> ()
    %add3A_151 = arith.constant 608 : i32
    %add3A_152 = arith.addi %add3A_151, %add3A : i32
    %mul3A_153 = arith.constant 8 : i32
    %mul3A_154 = arith.muli %add3A_152, %mul3A_153 : i32
    %mul3A_155 = arith.constant 128 : i32
    %mul3A_156 = arith.muli %mul3A_154, %mul3A_155 : i32
    %multiple_of3A_157 = tpu.assume_multiple %mul3A_156, 8 : i32
    %run_scoped3A_158 = arith.constant 19 : i32
    "tpu.region"() ({
      %run_scoped3A_257 = tpu.sem_alloc : memref<!tpu.dma_semaphore, #tpu.memory_space<semaphore_mem>>
      %dma_start3A_258 = arith.constant 0 : i32
      %dma_start3A_259 = tpu.memref_slice %arg7[%run_scoped3A_158, %dma_start3A_258] : memref<25x1024xi32, #tpu.memory_space<vmem>> -> memref<1x1024xi32, #tpu.memory_space<vmem>>
      %dma_start3A_260 = tpu.memref_squeeze %dma_start3A_259 : memref<1x1024xi32, #tpu.memory_space<vmem>> -> memref<1024xi32, #tpu.memory_space<vmem>>
      %dma_start3A_261 = tpu.memref_slice %arg2[%multiple_of3A_157] : memref<819200xi32, #tpu.memory_space<hbm>> -> memref<1024xi32, #tpu.memory_space<hbm>>
      %dma_start3A_262 = arith.constant 0 : i32
      %dma_start3A_263 = tpu.memref_slice %arg7[%run_scoped3A_158, %dma_start3A_262] : memref<25x1024xi32, #tpu.memory_space<vmem>> -> memref<1x1024xi32, #tpu.memory_space<vmem>>
      %dma_start3A_264 = tpu.memref_squeeze %dma_start3A_263 : memref<1x1024xi32, #tpu.memory_space<vmem>> -> memref<1024xi32, #tpu.memory_space<vmem>>
      %dma_start3A_265 = tpu.memref_slice %arg2[%multiple_of3A_157] : memref<819200xi32, #tpu.memory_space<hbm>> -> memref<1024xi32, #tpu.memory_space<hbm>>
      tpu.enqueue_dma source(%dma_start3A_265 : memref<1024xi32, #tpu.memory_space<hbm>>) target(%dma_start3A_264 : memref<1024xi32, #tpu.memory_space<vmem>>) target_semaphore(%run_scoped3A_257 : memref<!tpu.dma_semaphore, #tpu.memory_space<semaphore_mem>>)
      %dma_wait3A_266 = arith.constant 0 : i32
      %dma_wait3A_267 = tpu.memref_slice %arg7[%run_scoped3A_158, %dma_wait3A_266] : memref<25x1024xi32, #tpu.memory_space<vmem>> -> memref<1x1024xi32, #tpu.memory_space<vmem>>
      %dma_wait3A_268 = tpu.memref_squeeze %dma_wait3A_267 : memref<1x1024xi32, #tpu.memory_space<vmem>> -> memref<1024xi32, #tpu.memory_space<vmem>>
      %dma_wait3A_269 = tpu.memref_slice %arg2[%multiple_of3A_157] : memref<819200xi32, #tpu.memory_space<hbm>> -> memref<1024xi32, #tpu.memory_space<hbm>>
      %dma_wait3A_270 = arith.constant 0 : i32
      %dma_wait3A_271 = tpu.memref_slice %arg7[%run_scoped3A_158, %dma_wait3A_270] : memref<25x1024xi32, #tpu.memory_space<vmem>> -> memref<1x1024xi32, #tpu.memory_space<vmem>>
      %dma_wait3A_272 = tpu.memref_squeeze %dma_wait3A_271 : memref<1x1024xi32, #tpu.memory_space<vmem>> -> memref<1024xi32, #tpu.memory_space<vmem>>
      %dma_wait3A_273 = tpu.memref_slice %arg2[%multiple_of3A_157] : memref<819200xi32, #tpu.memory_space<hbm>> -> memref<1024xi32, #tpu.memory_space<hbm>>
      tpu.wait_dma2 semaphore(%run_scoped3A_257 : memref<!tpu.dma_semaphore, #tpu.memory_space<semaphore_mem>>) src(%dma_wait3A_273 : memref<1024xi32, #tpu.memory_space<hbm>>) dst(%dma_wait3A_272 : memref<1024xi32, #tpu.memory_space<vmem>>)
      tpu.yield
    }) : () -> ()
    %add3A_159 = arith.constant 640 : i32
    %add3A_160 = arith.addi %add3A_159, %add3A : i32
    %mul3A_161 = arith.constant 8 : i32
    %mul3A_162 = arith.muli %add3A_160, %mul3A_161 : i32
    %mul3A_163 = arith.constant 128 : i32
    %mul3A_164 = arith.muli %mul3A_162, %mul3A_163 : i32
    %multiple_of3A_165 = tpu.assume_multiple %mul3A_164, 8 : i32
    %run_scoped3A_166 = arith.constant 20 : i32
    "tpu.region"() ({
      %run_scoped3A_257 = tpu.sem_alloc : memref<!tpu.dma_semaphore, #tpu.memory_space<semaphore_mem>>
      %dma_start3A_258 = arith.constant 0 : i32
      %dma_start3A_259 = tpu.memref_slice %arg7[%run_scoped3A_166, %dma_start3A_258] : memref<25x1024xi32, #tpu.memory_space<vmem>> -> memref<1x1024xi32, #tpu.memory_space<vmem>>
      %dma_start3A_260 = tpu.memref_squeeze %dma_start3A_259 : memref<1x1024xi32, #tpu.memory_space<vmem>> -> memref<1024xi32, #tpu.memory_space<vmem>>
      %dma_start3A_261 = tpu.memref_slice %arg2[%multiple_of3A_165] : memref<819200xi32, #tpu.memory_space<hbm>> -> memref<1024xi32, #tpu.memory_space<hbm>>
      %dma_start3A_262 = arith.constant 0 : i32
      %dma_start3A_263 = tpu.memref_slice %arg7[%run_scoped3A_166, %dma_start3A_262] : memref<25x1024xi32, #tpu.memory_space<vmem>> -> memref<1x1024xi32, #tpu.memory_space<vmem>>
      %dma_start3A_264 = tpu.memref_squeeze %dma_start3A_263 : memref<1x1024xi32, #tpu.memory_space<vmem>> -> memref<1024xi32, #tpu.memory_space<vmem>>
      %dma_start3A_265 = tpu.memref_slice %arg2[%multiple_of3A_165] : memref<819200xi32, #tpu.memory_space<hbm>> -> memref<1024xi32, #tpu.memory_space<hbm>>
      tpu.enqueue_dma source(%dma_start3A_265 : memref<1024xi32, #tpu.memory_space<hbm>>) target(%dma_start3A_264 : memref<1024xi32, #tpu.memory_space<vmem>>) target_semaphore(%run_scoped3A_257 : memref<!tpu.dma_semaphore, #tpu.memory_space<semaphore_mem>>)
      %dma_wait3A_266 = arith.constant 0 : i32
      %dma_wait3A_267 = tpu.memref_slice %arg7[%run_scoped3A_166, %dma_wait3A_266] : memref<25x1024xi32, #tpu.memory_space<vmem>> -> memref<1x1024xi32, #tpu.memory_space<vmem>>
      %dma_wait3A_268 = tpu.memref_squeeze %dma_wait3A_267 : memref<1x1024xi32, #tpu.memory_space<vmem>> -> memref<1024xi32, #tpu.memory_space<vmem>>
      %dma_wait3A_269 = tpu.memref_slice %arg2[%multiple_of3A_165] : memref<819200xi32, #tpu.memory_space<hbm>> -> memref<1024xi32, #tpu.memory_space<hbm>>
      %dma_wait3A_270 = arith.constant 0 : i32
      %dma_wait3A_271 = tpu.memref_slice %arg7[%run_scoped3A_166, %dma_wait3A_270] : memref<25x1024xi32, #tpu.memory_space<vmem>> -> memref<1x1024xi32, #tpu.memory_space<vmem>>
      %dma_wait3A_272 = tpu.memref_squeeze %dma_wait3A_271 : memref<1x1024xi32, #tpu.memory_space<vmem>> -> memref<1024xi32, #tpu.memory_space<vmem>>
      %dma_wait3A_273 = tpu.memref_slice %arg2[%multiple_of3A_165] : memref<819200xi32, #tpu.memory_space<hbm>> -> memref<1024xi32, #tpu.memory_space<hbm>>
      tpu.wait_dma2 semaphore(%run_scoped3A_257 : memref<!tpu.dma_semaphore, #tpu.memory_space<semaphore_mem>>) src(%dma_wait3A_273 : memref<1024xi32, #tpu.memory_space<hbm>>) dst(%dma_wait3A_272 : memref<1024xi32, #tpu.memory_space<vmem>>)
      tpu.yield
    }) : () -> ()
    %add3A_167 = arith.constant 672 : i32
    %add3A_168 = arith.addi %add3A_167, %add3A : i32
    %mul3A_169 = arith.constant 8 : i32
    %mul3A_170 = arith.muli %add3A_168, %mul3A_169 : i32
    %mul3A_171 = arith.constant 128 : i32
    %mul3A_172 = arith.muli %mul3A_170, %mul3A_171 : i32
    %multiple_of3A_173 = tpu.assume_multiple %mul3A_172, 8 : i32
    %run_scoped3A_174 = arith.constant 21 : i32
    "tpu.region"() ({
      %run_scoped3A_257 = tpu.sem_alloc : memref<!tpu.dma_semaphore, #tpu.memory_space<semaphore_mem>>
      %dma_start3A_258 = arith.constant 0 : i32
      %dma_start3A_259 = tpu.memref_slice %arg7[%run_scoped3A_174, %dma_start3A_258] : memref<25x1024xi32, #tpu.memory_space<vmem>> -> memref<1x1024xi32, #tpu.memory_space<vmem>>
      %dma_start3A_260 = tpu.memref_squeeze %dma_start3A_259 : memref<1x1024xi32, #tpu.memory_space<vmem>> -> memref<1024xi32, #tpu.memory_space<vmem>>
      %dma_start3A_261 = tpu.memref_slice %arg2[%multiple_of3A_173] : memref<819200xi32, #tpu.memory_space<hbm>> -> memref<1024xi32, #tpu.memory_space<hbm>>
      %dma_start3A_262 = arith.constant 0 : i32
      %dma_start3A_263 = tpu.memref_slice %arg7[%run_scoped3A_174, %dma_start3A_262] : memref<25x1024xi32, #tpu.memory_space<vmem>> -> memref<1x1024xi32, #tpu.memory_space<vmem>>
      %dma_start3A_264 = tpu.memref_squeeze %dma_start3A_263 : memref<1x1024xi32, #tpu.memory_space<vmem>> -> memref<1024xi32, #tpu.memory_space<vmem>>
      %dma_start3A_265 = tpu.memref_slice %arg2[%multiple_of3A_173] : memref<819200xi32, #tpu.memory_space<hbm>> -> memref<1024xi32, #tpu.memory_space<hbm>>
      tpu.enqueue_dma source(%dma_start3A_265 : memref<1024xi32, #tpu.memory_space<hbm>>) target(%dma_start3A_264 : memref<1024xi32, #tpu.memory_space<vmem>>) target_semaphore(%run_scoped3A_257 : memref<!tpu.dma_semaphore, #tpu.memory_space<semaphore_mem>>)
      %dma_wait3A_266 = arith.constant 0 : i32
      %dma_wait3A_267 = tpu.memref_slice %arg7[%run_scoped3A_174, %dma_wait3A_266] : memref<25x1024xi32, #tpu.memory_space<vmem>> -> memref<1x1024xi32, #tpu.memory_space<vmem>>
      %dma_wait3A_268 = tpu.memref_squeeze %dma_wait3A_267 : memref<1x1024xi32, #tpu.memory_space<vmem>> -> memref<1024xi32, #tpu.memory_space<vmem>>
      %dma_wait3A_269 = tpu.memref_slice %arg2[%multiple_of3A_173] : memref<819200xi32, #tpu.memory_space<hbm>> -> memref<1024xi32, #tpu.memory_space<hbm>>
      %dma_wait3A_270 = arith.constant 0 : i32
      %dma_wait3A_271 = tpu.memref_slice %arg7[%run_scoped3A_174, %dma_wait3A_270] : memref<25x1024xi32, #tpu.memory_space<vmem>> -> memref<1x1024xi32, #tpu.memory_space<vmem>>
      %dma_wait3A_272 = tpu.memref_squeeze %dma_wait3A_271 : memref<1x1024xi32, #tpu.memory_space<vmem>> -> memref<1024xi32, #tpu.memory_space<vmem>>
      %dma_wait3A_273 = tpu.memref_slice %arg2[%multiple_of3A_173] : memref<819200xi32, #tpu.memory_space<hbm>> -> memref<1024xi32, #tpu.memory_space<hbm>>
      tpu.wait_dma2 semaphore(%run_scoped3A_257 : memref<!tpu.dma_semaphore, #tpu.memory_space<semaphore_mem>>) src(%dma_wait3A_273 : memref<1024xi32, #tpu.memory_space<hbm>>) dst(%dma_wait3A_272 : memref<1024xi32, #tpu.memory_space<vmem>>)
      tpu.yield
    }) : () -> ()
    %add3A_175 = arith.constant 704 : i32
    %add3A_176 = arith.addi %add3A_175, %add3A : i32
    %mul3A_177 = arith.constant 8 : i32
    %mul3A_178 = arith.muli %add3A_176, %mul3A_177 : i32
    %mul3A_179 = arith.constant 128 : i32
    %mul3A_180 = arith.muli %mul3A_178, %mul3A_179 : i32
    %multiple_of3A_181 = tpu.assume_multiple %mul3A_180, 8 : i32
    %run_scoped3A_182 = arith.constant 22 : i32
    "tpu.region"() ({
      %run_scoped3A_257 = tpu.sem_alloc : memref<!tpu.dma_semaphore, #tpu.memory_space<semaphore_mem>>
      %dma_start3A_258 = arith.constant 0 : i32
      %dma_start3A_259 = tpu.memref_slice %arg7[%run_scoped3A_182, %dma_start3A_258] : memref<25x1024xi32, #tpu.memory_space<vmem>> -> memref<1x1024xi32, #tpu.memory_space<vmem>>
      %dma_start3A_260 = tpu.memref_squeeze %dma_start3A_259 : memref<1x1024xi32, #tpu.memory_space<vmem>> -> memref<1024xi32, #tpu.memory_space<vmem>>
      %dma_start3A_261 = tpu.memref_slice %arg2[%multiple_of3A_181] : memref<819200xi32, #tpu.memory_space<hbm>> -> memref<1024xi32, #tpu.memory_space<hbm>>
      %dma_start3A_262 = arith.constant 0 : i32
      %dma_start3A_263 = tpu.memref_slice %arg7[%run_scoped3A_182, %dma_start3A_262] : memref<25x1024xi32, #tpu.memory_space<vmem>> -> memref<1x1024xi32, #tpu.memory_space<vmem>>
      %dma_start3A_264 = tpu.memref_squeeze %dma_start3A_263 : memref<1x1024xi32, #tpu.memory_space<vmem>> -> memref<1024xi32, #tpu.memory_space<vmem>>
      %dma_start3A_265 = tpu.memref_slice %arg2[%multiple_of3A_181] : memref<819200xi32, #tpu.memory_space<hbm>> -> memref<1024xi32, #tpu.memory_space<hbm>>
      tpu.enqueue_dma source(%dma_start3A_265 : memref<1024xi32, #tpu.memory_space<hbm>>) target(%dma_start3A_264 : memref<1024xi32, #tpu.memory_space<vmem>>) target_semaphore(%run_scoped3A_257 : memref<!tpu.dma_semaphore, #tpu.memory_space<semaphore_mem>>)
      %dma_wait3A_266 = arith.constant 0 : i32
      %dma_wait3A_267 = tpu.memref_slice %arg7[%run_scoped3A_182, %dma_wait3A_266] : memref<25x1024xi32, #tpu.memory_space<vmem>> -> memref<1x1024xi32, #tpu.memory_space<vmem>>
      %dma_wait3A_268 = tpu.memref_squeeze %dma_wait3A_267 : memref<1x1024xi32, #tpu.memory_space<vmem>> -> memref<1024xi32, #tpu.memory_space<vmem>>
      %dma_wait3A_269 = tpu.memref_slice %arg2[%multiple_of3A_181] : memref<819200xi32, #tpu.memory_space<hbm>> -> memref<1024xi32, #tpu.memory_space<hbm>>
      %dma_wait3A_270 = arith.constant 0 : i32
      %dma_wait3A_271 = tpu.memref_slice %arg7[%run_scoped3A_182, %dma_wait3A_270] : memref<25x1024xi32, #tpu.memory_space<vmem>> -> memref<1x1024xi32, #tpu.memory_space<vmem>>
      %dma_wait3A_272 = tpu.memref_squeeze %dma_wait3A_271 : memref<1x1024xi32, #tpu.memory_space<vmem>> -> memref<1024xi32, #tpu.memory_space<vmem>>
      %dma_wait3A_273 = tpu.memref_slice %arg2[%multiple_of3A_181] : memref<819200xi32, #tpu.memory_space<hbm>> -> memref<1024xi32, #tpu.memory_space<hbm>>
      tpu.wait_dma2 semaphore(%run_scoped3A_257 : memref<!tpu.dma_semaphore, #tpu.memory_space<semaphore_mem>>) src(%dma_wait3A_273 : memref<1024xi32, #tpu.memory_space<hbm>>) dst(%dma_wait3A_272 : memref<1024xi32, #tpu.memory_space<vmem>>)
      tpu.yield
    }) : () -> ()
    %add3A_183 = arith.constant 736 : i32
    %add3A_184 = arith.addi %add3A_183, %add3A : i32
    %mul3A_185 = arith.constant 8 : i32
    %mul3A_186 = arith.muli %add3A_184, %mul3A_185 : i32
    %mul3A_187 = arith.constant 128 : i32
    %mul3A_188 = arith.muli %mul3A_186, %mul3A_187 : i32
    %multiple_of3A_189 = tpu.assume_multiple %mul3A_188, 8 : i32
    %run_scoped3A_190 = arith.constant 23 : i32
    "tpu.region"() ({
      %run_scoped3A_257 = tpu.sem_alloc : memref<!tpu.dma_semaphore, #tpu.memory_space<semaphore_mem>>
      %dma_start3A_258 = arith.constant 0 : i32
      %dma_start3A_259 = tpu.memref_slice %arg7[%run_scoped3A_190, %dma_start3A_258] : memref<25x1024xi32, #tpu.memory_space<vmem>> -> memref<1x1024xi32, #tpu.memory_space<vmem>>
      %dma_start3A_260 = tpu.memref_squeeze %dma_start3A_259 : memref<1x1024xi32, #tpu.memory_space<vmem>> -> memref<1024xi32, #tpu.memory_space<vmem>>
      %dma_start3A_261 = tpu.memref_slice %arg2[%multiple_of3A_189] : memref<819200xi32, #tpu.memory_space<hbm>> -> memref<1024xi32, #tpu.memory_space<hbm>>
      %dma_start3A_262 = arith.constant 0 : i32
      %dma_start3A_263 = tpu.memref_slice %arg7[%run_scoped3A_190, %dma_start3A_262] : memref<25x1024xi32, #tpu.memory_space<vmem>> -> memref<1x1024xi32, #tpu.memory_space<vmem>>
      %dma_start3A_264 = tpu.memref_squeeze %dma_start3A_263 : memref<1x1024xi32, #tpu.memory_space<vmem>> -> memref<1024xi32, #tpu.memory_space<vmem>>
      %dma_start3A_265 = tpu.memref_slice %arg2[%multiple_of3A_189] : memref<819200xi32, #tpu.memory_space<hbm>> -> memref<1024xi32, #tpu.memory_space<hbm>>
      tpu.enqueue_dma source(%dma_start3A_265 : memref<1024xi32, #tpu.memory_space<hbm>>) target(%dma_start3A_264 : memref<1024xi32, #tpu.memory_space<vmem>>) target_semaphore(%run_scoped3A_257 : memref<!tpu.dma_semaphore, #tpu.memory_space<semaphore_mem>>)
      %dma_wait3A_266 = arith.constant 0 : i32
      %dma_wait3A_267 = tpu.memref_slice %arg7[%run_scoped3A_190, %dma_wait3A_266] : memref<25x1024xi32, #tpu.memory_space<vmem>> -> memref<1x1024xi32, #tpu.memory_space<vmem>>
      %dma_wait3A_268 = tpu.memref_squeeze %dma_wait3A_267 : memref<1x1024xi32, #tpu.memory_space<vmem>> -> memref<1024xi32, #tpu.memory_space<vmem>>
      %dma_wait3A_269 = tpu.memref_slice %arg2[%multiple_of3A_189] : memref<819200xi32, #tpu.memory_space<hbm>> -> memref<1024xi32, #tpu.memory_space<hbm>>
      %dma_wait3A_270 = arith.constant 0 : i32
      %dma_wait3A_271 = tpu.memref_slice %arg7[%run_scoped3A_190, %dma_wait3A_270] : memref<25x1024xi32, #tpu.memory_space<vmem>> -> memref<1x1024xi32, #tpu.memory_space<vmem>>
      %dma_wait3A_272 = tpu.memref_squeeze %dma_wait3A_271 : memref<1x1024xi32, #tpu.memory_space<vmem>> -> memref<1024xi32, #tpu.memory_space<vmem>>
      %dma_wait3A_273 = tpu.memref_slice %arg2[%multiple_of3A_189] : memref<819200xi32, #tpu.memory_space<hbm>> -> memref<1024xi32, #tpu.memory_space<hbm>>
      tpu.wait_dma2 semaphore(%run_scoped3A_257 : memref<!tpu.dma_semaphore, #tpu.memory_space<semaphore_mem>>) src(%dma_wait3A_273 : memref<1024xi32, #tpu.memory_space<hbm>>) dst(%dma_wait3A_272 : memref<1024xi32, #tpu.memory_space<vmem>>)
      tpu.yield
    }) : () -> ()
    %add3A_191 = arith.constant 768 : i32
    %add3A_192 = arith.addi %add3A_191, %add3A : i32
    %mul3A_193 = arith.constant 8 : i32
    %mul3A_194 = arith.muli %add3A_192, %mul3A_193 : i32
    %mul3A_195 = arith.constant 128 : i32
    %mul3A_196 = arith.muli %mul3A_194, %mul3A_195 : i32
    %multiple_of3A_197 = tpu.assume_multiple %mul3A_196, 8 : i32
    %run_scoped3A_198 = arith.constant 24 : i32
    "tpu.region"() ({
      %run_scoped3A_257 = tpu.sem_alloc : memref<!tpu.dma_semaphore, #tpu.memory_space<semaphore_mem>>
      %dma_start3A_258 = arith.constant 0 : i32
      %dma_start3A_259 = tpu.memref_slice %arg7[%run_scoped3A_198, %dma_start3A_258] : memref<25x1024xi32, #tpu.memory_space<vmem>> -> memref<1x1024xi32, #tpu.memory_space<vmem>>
      %dma_start3A_260 = tpu.memref_squeeze %dma_start3A_259 : memref<1x1024xi32, #tpu.memory_space<vmem>> -> memref<1024xi32, #tpu.memory_space<vmem>>
      %dma_start3A_261 = tpu.memref_slice %arg2[%multiple_of3A_197] : memref<819200xi32, #tpu.memory_space<hbm>> -> memref<1024xi32, #tpu.memory_space<hbm>>
      %dma_start3A_262 = arith.constant 0 : i32
      %dma_start3A_263 = tpu.memref_slice %arg7[%run_scoped3A_198, %dma_start3A_262] : memref<25x1024xi32, #tpu.memory_space<vmem>> -> memref<1x1024xi32, #tpu.memory_space<vmem>>
      %dma_start3A_264 = tpu.memref_squeeze %dma_start3A_263 : memref<1x1024xi32, #tpu.memory_space<vmem>> -> memref<1024xi32, #tpu.memory_space<vmem>>
      %dma_start3A_265 = tpu.memref_slice %arg2[%multiple_of3A_197] : memref<819200xi32, #tpu.memory_space<hbm>> -> memref<1024xi32, #tpu.memory_space<hbm>>
      tpu.enqueue_dma source(%dma_start3A_265 : memref<1024xi32, #tpu.memory_space<hbm>>) target(%dma_start3A_264 : memref<1024xi32, #tpu.memory_space<vmem>>) target_semaphore(%run_scoped3A_257 : memref<!tpu.dma_semaphore, #tpu.memory_space<semaphore_mem>>)
      %dma_wait3A_266 = arith.constant 0 : i32
      %dma_wait3A_267 = tpu.memref_slice %arg7[%run_scoped3A_198, %dma_wait3A_266] : memref<25x1024xi32, #tpu.memory_space<vmem>> -> memref<1x1024xi32, #tpu.memory_space<vmem>>
      %dma_wait3A_268 = tpu.memref_squeeze %dma_wait3A_267 : memref<1x1024xi32, #tpu.memory_space<vmem>> -> memref<1024xi32, #tpu.memory_space<vmem>>
      %dma_wait3A_269 = tpu.memref_slice %arg2[%multiple_of3A_197] : memref<819200xi32, #tpu.memory_space<hbm>> -> memref<1024xi32, #tpu.memory_space<hbm>>
      %dma_wait3A_270 = arith.constant 0 : i32
      %dma_wait3A_271 = tpu.memref_slice %arg7[%run_scoped3A_198, %dma_wait3A_270] : memref<25x1024xi32, #tpu.memory_space<vmem>> -> memref<1x1024xi32, #tpu.memory_space<vmem>>
      %dma_wait3A_272 = tpu.memref_squeeze %dma_wait3A_271 : memref<1x1024xi32, #tpu.memory_space<vmem>> -> memref<1024xi32, #tpu.memory_space<vmem>>
      %dma_wait3A_273 = tpu.memref_slice %arg2[%multiple_of3A_197] : memref<819200xi32, #tpu.memory_space<hbm>> -> memref<1024xi32, #tpu.memory_space<hbm>>
      tpu.wait_dma2 semaphore(%run_scoped3A_257 : memref<!tpu.dma_semaphore, #tpu.memory_space<semaphore_mem>>) src(%dma_wait3A_273 : memref<1024xi32, #tpu.memory_space<hbm>>) dst(%dma_wait3A_272 : memref<1024xi32, #tpu.memory_space<vmem>>)
      tpu.yield
    }) : () -> ()
    %iota3A = tpu.iota {dimensions = array<i32: 0>} : vector<16xi32>
    %add3A_199 = arith.constant 0 : i32
    %add3A_200 = vector.broadcast %add3A_199 : i32 to vector<16xi32>
    %add3A_201 = arith.addi %iota3A, %add3A_200 : vector<16xi32>
    %add3A_202 = arith.constant 16 : i32
    %add3A_203 = vector.broadcast %add3A_202 : i32 to vector<16xi32>
    %add3A_204 = arith.addi %iota3A, %add3A_203 : vector<16xi32>
    %add3A_205 = arith.constant 32 : i32
    %add3A_206 = vector.broadcast %add3A_205 : i32 to vector<16xi32>
    %add3A_207 = arith.addi %iota3A, %add3A_206 : vector<16xi32>
    %add3A_208 = arith.constant 48 : i32
    %add3A_209 = vector.broadcast %add3A_208 : i32 to vector<16xi32>
    %add3A_210 = arith.addi %iota3A, %add3A_209 : vector<16xi32>
    %add3A_211 = arith.constant 64 : i32
    %add3A_212 = vector.broadcast %add3A_211 : i32 to vector<16xi32>
    %add3A_213 = arith.addi %iota3A, %add3A_212 : vector<16xi32>
    %add3A_214 = arith.constant 80 : i32
    %add3A_215 = vector.broadcast %add3A_214 : i32 to vector<16xi32>
    %add3A_216 = arith.addi %iota3A, %add3A_215 : vector<16xi32>
    %add3A_217 = arith.constant 96 : i32
    %add3A_218 = vector.broadcast %add3A_217 : i32 to vector<16xi32>
    %add3A_219 = arith.addi %iota3A, %add3A_218 : vector<16xi32>
    %add3A_220 = arith.constant 112 : i32
    %add3A_221 = vector.broadcast %add3A_220 : i32 to vector<16xi32>
    %add3A_222 = arith.addi %iota3A, %add3A_221 : vector<16xi32>
    %dma_start3A = arith.constant 0 : i32
    %dma_start3A_223 = arith.constant 0 : i32
    %dma_start3A_224 = tpu.memref_slice %arg7[%dma_start3A, %dma_start3A_223] : memref<25x1024xi32, #tpu.memory_space<vmem>> -> memref<1x512xi32, #tpu.memory_space<vmem>>
    %dma_start3A_225 = tpu.memref_squeeze %dma_start3A_224 : memref<1x512xi32, #tpu.memory_space<vmem>> -> memref<512xi32, #tpu.memory_space<vmem>>
    %dma_start3A_226 = arith.constant 0 : i32
    %dma_start3A_227 = arith.constant 0 : i32
    %dma_start3A_228 = tpu.memref_slice %arg3[%dma_start3A_226, %dma_start3A_227] : memref<1000000x32xf32, #tpu.memory_space<hbm>> -> memref<1000000x32xf32, #tpu.memory_space<hbm>>
    tpu.enqueue_indirect_dma source(%dma_start3A_228 : memref<1000000x32xf32, #tpu.memory_space<hbm>>) target(%arg8 : memref<512x32xf32, #tpu.memory_space<vmem>>) offsets(%dma_start3A_225 : memref<512xi32, #tpu.memory_space<vmem>>) semaphore(%arg13 : memref<!tpu.dma_semaphore, #tpu.memory_space<semaphore_mem>>)
    %scan3A = arith.constant 0 : i32
    %scan3A_229 = arith.constant 0 : i32
    %scan3A_230 = arith.constant 25 : i32
    %scan3A_231 = arith.addi %scan3A_229, %scan3A_230 : i32
    %scan3A_232 = arith.constant 1 : i32
    scf.for %scan3A_257 = %scan3A_229 to %scan3A_231 step %scan3A_232  : i32 {
      %mul3A_258 = arith.constant 2 : i32
      %mul3A_259 = arith.muli %scan3A_257, %mul3A_258 : i32
      %add3A_260 = arith.constant 1 : i32
      %add3A_261 = arith.addi %mul3A_259, %add3A_260 : i32
      %shift_right_arithmetic3A = arith.constant 1 : i32
      %shift_right_arithmetic3A_262 = arith.shrsi %add3A_261, %shift_right_arithmetic3A : i32
      %and3A = arith.constant 1 : i32
      %and3A_263 = arith.andi %add3A_261, %and3A : i32
      %mul3A_264 = arith.constant 4 : i32
      %mul3A_265 = arith.muli %and3A_263, %mul3A_264 : i32
      %mul3A_266 = arith.constant 128 : i32
      %mul3A_267 = arith.muli %mul3A_265, %mul3A_266 : i32
      %dma_start3A_268 = tpu.memref_slice %arg7[%shift_right_arithmetic3A_262, %mul3A_267] : memref<25x1024xi32, #tpu.memory_space<vmem>> -> memref<1x512xi32, #tpu.memory_space<vmem>>
      %dma_start3A_269 = tpu.memref_squeeze %dma_start3A_268 : memref<1x512xi32, #tpu.memory_space<vmem>> -> memref<512xi32, #tpu.memory_space<vmem>>
      %dma_start3A_270 = arith.constant 0 : i32
      %dma_start3A_271 = arith.constant 0 : i32
      %dma_start3A_272 = tpu.memref_slice %arg3[%dma_start3A_270, %dma_start3A_271] : memref<1000000x32xf32, #tpu.memory_space<hbm>> -> memref<1000000x32xf32, #tpu.memory_space<hbm>>
      tpu.enqueue_indirect_dma source(%dma_start3A_272 : memref<1000000x32xf32, #tpu.memory_space<hbm>>) target(%arg9 : memref<512x32xf32, #tpu.memory_space<vmem>>) offsets(%dma_start3A_269 : memref<512xi32, #tpu.memory_space<vmem>>) semaphore(%arg14 : memref<!tpu.dma_semaphore, #tpu.memory_space<semaphore_mem>>)
      %shift_right_arithmetic3A_273 = arith.constant 1 : i32
      %shift_right_arithmetic3A_274 = arith.shrsi %mul3A_259, %shift_right_arithmetic3A_273 : i32
      %and3A_275 = arith.constant 1 : i32
      %and3A_276 = arith.andi %mul3A_259, %and3A_275 : i32
      %mul3A_277 = arith.constant 4 : i32
      %mul3A_278 = arith.muli %and3A_276, %mul3A_277 : i32
      %mul3A_279 = arith.constant 128 : i32
      %mul3A_280 = arith.muli %mul3A_278, %mul3A_279 : i32
      %dma_wait3A_281 = tpu.memref_slice %arg7[%shift_right_arithmetic3A_274, %mul3A_280] : memref<25x1024xi32, #tpu.memory_space<vmem>> -> memref<1x512xi32, #tpu.memory_space<vmem>>
      %dma_wait3A_282 = tpu.memref_squeeze %dma_wait3A_281 : memref<1x512xi32, #tpu.memory_space<vmem>> -> memref<512xi32, #tpu.memory_space<vmem>>
      %dma_wait3A_283 = arith.constant 0 : i32
      %dma_wait3A_284 = arith.constant 0 : i32
      %dma_wait3A_285 = tpu.memref_slice %arg3[%dma_wait3A_283, %dma_wait3A_284] : memref<1000000x32xf32, #tpu.memory_space<hbm>> -> memref<1000000x32xf32, #tpu.memory_space<hbm>>
      tpu.wait_indirect_dma semaphore(%arg13 : memref<!tpu.dma_semaphore, #tpu.memory_space<semaphore_mem>>) src(%dma_wait3A_285 : memref<1000000x32xf32, #tpu.memory_space<hbm>>) dst(%arg8 : memref<512x32xf32, #tpu.memory_space<vmem>>)
      %gt3A = arith.constant 0 : i32
      %gt3A_286 = arith.cmpi sgt, %scan3A_257, %gt3A : i32
      %convert_element_type3A = arith.extui %gt3A_286 : i1 to i32
      %cond3A = arith.constant 0 : i32
      %cond3A_287 = arith.cmpi ne, %convert_element_type3A, %cond3A : i32
      scf.if %cond3A_287 {
        %sub3A = arith.constant 2 : i32
        %sub3A_466 = arith.subi %mul3A_259, %sub3A : i32
        %mul3A_467 = arith.constant 4 : i32
        %mul3A_468 = arith.muli %sub3A_466, %mul3A_467 : i32
        %dma_wait3A_469 = arith.constant 0 : i32
        %dma_wait3A_470 = arith.constant 0 : i32
        %dma_wait3A_471 = arith.constant 0 : i32
        %dma_wait3A_472 = tpu.memref_slice %arg5[%mul3A_468, %dma_wait3A_469, %add3A, %dma_wait3A_470, %dma_wait3A_471] : memref<200x4x32x8x128xf32, #tpu.memory_space<hbm>> -> memref<4x4x1x8x128xf32, #tpu.memory_space<hbm>>
        %dma_wait3A_473 = tpu.memref_squeeze %dma_wait3A_472 : memref<4x4x1x8x128xf32, #tpu.memory_space<hbm>> -> memref<4x4x8x128xf32, #tpu.memory_space<hbm>>
        %dma_wait3A_474 = arith.constant 0 : i32
        %dma_wait3A_475 = arith.constant 0 : i32
        %dma_wait3A_476 = arith.constant 0 : i32
        %dma_wait3A_477 = tpu.memref_slice %arg5[%mul3A_468, %dma_wait3A_474, %add3A, %dma_wait3A_475, %dma_wait3A_476] : memref<200x4x32x8x128xf32, #tpu.memory_space<hbm>> -> memref<4x4x1x8x128xf32, #tpu.memory_space<hbm>>
        %dma_wait3A_478 = tpu.memref_squeeze %dma_wait3A_477 : memref<4x4x1x8x128xf32, #tpu.memory_space<hbm>> -> memref<4x4x8x128xf32, #tpu.memory_space<hbm>>
        tpu.wait_dma2 semaphore(%arg15 : memref<!tpu.dma_semaphore, #tpu.memory_space<semaphore_mem>>) src(%arg11 : memref<4x4x8x128xf32, #tpu.memory_space<vmem>>) dst(%dma_wait3A_478 : memref<4x4x8x128xf32, #tpu.memory_space<hbm>>)
      } else {
      }
      %mul3A_288 = arith.constant 4 : i32
      %mul3A_289 = arith.muli %mul3A_259, %mul3A_288 : i32
      %add3A_290 = arith.constant 0 : i32
      %add3A_291 = arith.addi %mul3A_289, %add3A_290 : i32
      %get3A = arith.index_cast %add3A_291 : i32 to index
      %get3A_292 = arith.constant 0 : index
      %get3A_293 = tpu.vector_load %arg6[%get3A, %get3A_292] {strides = array<i32>} : memref<200x32xf32, #tpu.memory_space<vmem>>, vector<16xf32>,
      %get3A_294 = arith.index_cast %add3A_291 : i32 to index
      %get3A_295 = arith.constant 16 : index
      %get3A_296 = tpu.vector_load %arg6[%get3A_294, %get3A_295] {strides = array<i32>} : memref<200x32xf32, #tpu.memory_space<vmem>>, vector<16xf32>,
      %parallel_loop3A = arith.constant 0 : i32
      %parallel_loop3A_297 = arith.constant 128 : i32
      %parallel_loop3A_298 = arith.constant 1 : i32
      scf.for %parallel_loop3A_466 = %parallel_loop3A to %parallel_loop3A_297 step %parallel_loop3A_298  : i32 {
        %parallel_loop3A_467 = arith.constant 0 : i32
        %parallel_loop3A_468 = arith.addi %parallel_loop3A_467, %parallel_loop3A_466 : i32
        %parallel_loop3A_469 = arith.index_cast %parallel_loop3A_468 : i32 to index
        %parallel_loop3A_470 = arith.constant 0 : index
        %parallel_loop3A_471 = tpu.vector_load %arg8[%parallel_loop3A_469, %parallel_loop3A_470] {strides = array<i32>} : memref<512x32xf32, #tpu.memory_space<vmem>>, vector<16xf32>,
        %parallel_loop3A_472 = arith.addf %parallel_loop3A_471, %get3A_293 : vector<16xf32>
        %parallel_loop3A_473 = arith.index_cast %parallel_loop3A_466 : i32 to index
        %parallel_loop3A_474 = arith.constant 0 : index
        %parallel_loop3A_475 = tpu.vector_load %arg10[%parallel_loop3A_473, %parallel_loop3A_474] {strides = array<i32>} : memref<128x33xf32, #tpu.memory_space<vmem>>, vector<16xf32>,
        tpu.vector_store %arg10[%parallel_loop3A_473, %parallel_loop3A_474], %parallel_loop3A_472 {strides = array<i32>} : memref<128x33xf32, #tpu.memory_space<vmem>>, vector<16xf32>,
        %parallel_loop3A_476 = arith.index_cast %parallel_loop3A_468 : i32 to index
        %parallel_loop3A_477 = arith.constant 16 : index
        %parallel_loop3A_478 = tpu.vector_load %arg8[%parallel_loop3A_476, %parallel_loop3A_477] {strides = array<i32>} : memref<512x32xf32, #tpu.memory_space<vmem>>, vector<16xf32>,
        %parallel_loop3A_479 = arith.addf %parallel_loop3A_478, %get3A_296 : vector<16xf32>
        %parallel_loop3A_480 = arith.index_cast %parallel_loop3A_466 : i32 to index
        %parallel_loop3A_481 = arith.constant 16 : index
        %parallel_loop3A_482 = tpu.vector_load %arg10[%parallel_loop3A_480, %parallel_loop3A_481] {strides = array<i32>} : memref<128x33xf32, #tpu.memory_space<vmem>>, vector<16xf32>,
        tpu.vector_store %arg10[%parallel_loop3A_480, %parallel_loop3A_481], %parallel_loop3A_479 {strides = array<i32>} : memref<128x33xf32, #tpu.memory_space<vmem>>, vector<16xf32>,
      } {sc.loop_unroll_factor = 8 : i64, sc.parallel_access}
      %parallel_loop3A_299 = arith.constant 0 : i32
      %parallel_loop3A_300 = arith.constant 32 : i32
      %parallel_loop3A_301 = arith.constant 1 : i32
      scf.for %parallel_loop3A_466 = %parallel_loop3A_299 to %parallel_loop3A_300 step %parallel_loop3A_301  : i32 {
        %parallel_loop3A_467 = vector.broadcast %parallel_loop3A_466 : i32 to vector<16xi32>
        %parallel_loop3A_468 = arith.constant 3 : i32
        %parallel_loop3A_469 = arith.shrsi %parallel_loop3A_466, %parallel_loop3A_468 : i32
        %parallel_loop3A_470 = arith.constant 7 : i32
        %parallel_loop3A_471 = arith.andi %parallel_loop3A_466, %parallel_loop3A_470 : i32
        %parallel_loop3A_472 = tpu.vector_load_idx %arg10[%add3A_201, %parallel_loop3A_467] : memref<128x33xf32, #tpu.memory_space<vmem>>[vector<16xi32>, vector<16xi32>], vector<16xf32>,
        %parallel_loop3A_473 = arith.constant 0 : i32
        %parallel_loop3A_474 = arith.index_cast %parallel_loop3A_473 : i32 to index
        %parallel_loop3A_475 = arith.index_cast %parallel_loop3A_469 : i32 to index
        %parallel_loop3A_476 = arith.index_cast %parallel_loop3A_471 : i32 to index
        %parallel_loop3A_477 = arith.constant 0 : index
        %parallel_loop3A_478 = tpu.vector_load %arg11[%parallel_loop3A_474, %parallel_loop3A_475, %parallel_loop3A_476, %parallel_loop3A_477] {strides = array<i32>} : memref<4x4x8x128xf32, #tpu.memory_space<vmem>>, vector<16xf32>,
        tpu.vector_store %arg11[%parallel_loop3A_474, %parallel_loop3A_475, %parallel_loop3A_476, %parallel_loop3A_477], %parallel_loop3A_472 {strides = array<i32>} : memref<4x4x8x128xf32, #tpu.memory_space<vmem>>, vector<16xf32>,
        %parallel_loop3A_479 = tpu.vector_load_idx %arg10[%add3A_204, %parallel_loop3A_467] : memref<128x33xf32, #tpu.memory_space<vmem>>[vector<16xi32>, vector<16xi32>], vector<16xf32>,
        %parallel_loop3A_480 = arith.constant 0 : i32
        %parallel_loop3A_481 = arith.index_cast %parallel_loop3A_480 : i32 to index
        %parallel_loop3A_482 = arith.index_cast %parallel_loop3A_469 : i32 to index
        %parallel_loop3A_483 = arith.index_cast %parallel_loop3A_471 : i32 to index
        %parallel_loop3A_484 = arith.constant 16 : index
        %parallel_loop3A_485 = tpu.vector_load %arg11[%parallel_loop3A_481, %parallel_loop3A_482, %parallel_loop3A_483, %parallel_loop3A_484] {strides = array<i32>} : memref<4x4x8x128xf32, #tpu.memory_space<vmem>>, vector<16xf32>,
        tpu.vector_store %arg11[%parallel_loop3A_481, %parallel_loop3A_482, %parallel_loop3A_483, %parallel_loop3A_484], %parallel_loop3A_479 {strides = array<i32>} : memref<4x4x8x128xf32, #tpu.memory_space<vmem>>, vector<16xf32>,
        %parallel_loop3A_486 = tpu.vector_load_idx %arg10[%add3A_207, %parallel_loop3A_467] : memref<128x33xf32, #tpu.memory_space<vmem>>[vector<16xi32>, vector<16xi32>], vector<16xf32>,
        %parallel_loop3A_487 = arith.constant 0 : i32
        %parallel_loop3A_488 = arith.index_cast %parallel_loop3A_487 : i32 to index
        %parallel_loop3A_489 = arith.index_cast %parallel_loop3A_469 : i32 to index
        %parallel_loop3A_490 = arith.index_cast %parallel_loop3A_471 : i32 to index
        %parallel_loop3A_491 = arith.constant 32 : index
        %parallel_loop3A_492 = tpu.vector_load %arg11[%parallel_loop3A_488, %parallel_loop3A_489, %parallel_loop3A_490, %parallel_loop3A_491] {strides = array<i32>} : memref<4x4x8x128xf32, #tpu.memory_space<vmem>>, vector<16xf32>,
        tpu.vector_store %arg11[%parallel_loop3A_488, %parallel_loop3A_489, %parallel_loop3A_490, %parallel_loop3A_491], %parallel_loop3A_486 {strides = array<i32>} : memref<4x4x8x128xf32, #tpu.memory_space<vmem>>, vector<16xf32>,
        %parallel_loop3A_493 = tpu.vector_load_idx %arg10[%add3A_210, %parallel_loop3A_467] : memref<128x33xf32, #tpu.memory_space<vmem>>[vector<16xi32>, vector<16xi32>], vector<16xf32>,
        %parallel_loop3A_494 = arith.constant 0 : i32
        %parallel_loop3A_495 = arith.index_cast %parallel_loop3A_494 : i32 to index
        %parallel_loop3A_496 = arith.index_cast %parallel_loop3A_469 : i32 to index
        %parallel_loop3A_497 = arith.index_cast %parallel_loop3A_471 : i32 to index
        %parallel_loop3A_498 = arith.constant 48 : index
        %parallel_loop3A_499 = tpu.vector_load %arg11[%parallel_loop3A_495, %parallel_loop3A_496, %parallel_loop3A_497, %parallel_loop3A_498] {strides = array<i32>} : memref<4x4x8x128xf32, #tpu.memory_space<vmem>>, vector<16xf32>,
        tpu.vector_store %arg11[%parallel_loop3A_495, %parallel_loop3A_496, %parallel_loop3A_497, %parallel_loop3A_498], %parallel_loop3A_493 {strides = array<i32>} : memref<4x4x8x128xf32, #tpu.memory_space<vmem>>, vector<16xf32>,
        %parallel_loop3A_500 = tpu.vector_load_idx %arg10[%add3A_213, %parallel_loop3A_467] : memref<128x33xf32, #tpu.memory_space<vmem>>[vector<16xi32>, vector<16xi32>], vector<16xf32>,
        %parallel_loop3A_501 = arith.constant 0 : i32
        %parallel_loop3A_502 = arith.index_cast %parallel_loop3A_501 : i32 to index
        %parallel_loop3A_503 = arith.index_cast %parallel_loop3A_469 : i32 to index
        %parallel_loop3A_504 = arith.index_cast %parallel_loop3A_471 : i32 to index
        %parallel_loop3A_505 = arith.constant 64 : index
        %parallel_loop3A_506 = tpu.vector_load %arg11[%parallel_loop3A_502, %parallel_loop3A_503, %parallel_loop3A_504, %parallel_loop3A_505] {strides = array<i32>} : memref<4x4x8x128xf32, #tpu.memory_space<vmem>>, vector<16xf32>,
        tpu.vector_store %arg11[%parallel_loop3A_502, %parallel_loop3A_503, %parallel_loop3A_504, %parallel_loop3A_505], %parallel_loop3A_500 {strides = array<i32>} : memref<4x4x8x128xf32, #tpu.memory_space<vmem>>, vector<16xf32>,
        %parallel_loop3A_507 = tpu.vector_load_idx %arg10[%add3A_216, %parallel_loop3A_467] : memref<128x33xf32, #tpu.memory_space<vmem>>[vector<16xi32>, vector<16xi32>], vector<16xf32>,
        %parallel_loop3A_508 = arith.constant 0 : i32
        %parallel_loop3A_509 = arith.index_cast %parallel_loop3A_508 : i32 to index
        %parallel_loop3A_510 = arith.index_cast %parallel_loop3A_469 : i32 to index
        %parallel_loop3A_511 = arith.index_cast %parallel_loop3A_471 : i32 to index
        %parallel_loop3A_512 = arith.constant 80 : index
        %parallel_loop3A_513 = tpu.vector_load %arg11[%parallel_loop3A_509, %parallel_loop3A_510, %parallel_loop3A_511, %parallel_loop3A_512] {strides = array<i32>} : memref<4x4x8x128xf32, #tpu.memory_space<vmem>>, vector<16xf32>,
        tpu.vector_store %arg11[%parallel_loop3A_509, %parallel_loop3A_510, %parallel_loop3A_511, %parallel_loop3A_512], %parallel_loop3A_507 {strides = array<i32>} : memref<4x4x8x128xf32, #tpu.memory_space<vmem>>, vector<16xf32>,
        %parallel_loop3A_514 = tpu.vector_load_idx %arg10[%add3A_219, %parallel_loop3A_467] : memref<128x33xf32, #tpu.memory_space<vmem>>[vector<16xi32>, vector<16xi32>], vector<16xf32>,
        %parallel_loop3A_515 = arith.constant 0 : i32
        %parallel_loop3A_516 = arith.index_cast %parallel_loop3A_515 : i32 to index
        %parallel_loop3A_517 = arith.index_cast %parallel_loop3A_469 : i32 to index
        %parallel_loop3A_518 = arith.index_cast %parallel_loop3A_471 : i32 to index
        %parallel_loop3A_519 = arith.constant 96 : index
        %parallel_loop3A_520 = tpu.vector_load %arg11[%parallel_loop3A_516, %parallel_loop3A_517, %parallel_loop3A_518, %parallel_loop3A_519] {strides = array<i32>} : memref<4x4x8x128xf32, #tpu.memory_space<vmem>>, vector<16xf32>,
        tpu.vector_store %arg11[%parallel_loop3A_516, %parallel_loop3A_517, %parallel_loop3A_518, %parallel_loop3A_519], %parallel_loop3A_514 {strides = array<i32>} : memref<4x4x8x128xf32, #tpu.memory_space<vmem>>, vector<16xf32>,
        %parallel_loop3A_521 = tpu.vector_load_idx %arg10[%add3A_222, %parallel_loop3A_467] : memref<128x33xf32, #tpu.memory_space<vmem>>[vector<16xi32>, vector<16xi32>], vector<16xf32>,
        %parallel_loop3A_522 = arith.constant 0 : i32
        %parallel_loop3A_523 = arith.index_cast %parallel_loop3A_522 : i32 to index
        %parallel_loop3A_524 = arith.index_cast %parallel_loop3A_469 : i32 to index
        %parallel_loop3A_525 = arith.index_cast %parallel_loop3A_471 : i32 to index
        %parallel_loop3A_526 = arith.constant 112 : index
        %parallel_loop3A_527 = tpu.vector_load %arg11[%parallel_loop3A_523, %parallel_loop3A_524, %parallel_loop3A_525, %parallel_loop3A_526] {strides = array<i32>} : memref<4x4x8x128xf32, #tpu.memory_space<vmem>>, vector<16xf32>,
        tpu.vector_store %arg11[%parallel_loop3A_523, %parallel_loop3A_524, %parallel_loop3A_525, %parallel_loop3A_526], %parallel_loop3A_521 {strides = array<i32>} : memref<4x4x8x128xf32, #tpu.memory_space<vmem>>, vector<16xf32>,
      } {sc.loop_unroll_factor = 4 : i64, sc.parallel_access}
      %mul3A_302 = arith.constant 4 : i32
      %mul3A_303 = arith.muli %mul3A_259, %mul3A_302 : i32
      %add3A_304 = arith.constant 1 : i32
      %add3A_305 = arith.addi %mul3A_303, %add3A_304 : i32
      %get3A_306 = arith.index_cast %add3A_305 : i32 to index
      %get3A_307 = arith.constant 0 : index
      %get3A_308 = tpu.vector_load %arg6[%get3A_306, %get3A_307] {strides = array<i32>} : memref<200x32xf32, #tpu.memory_space<vmem>>, vector<16xf32>,
      %get3A_309 = arith.index_cast %add3A_305 : i32 to index
      %get3A_310 = arith.constant 16 : index
      %get3A_311 = tpu.vector_load %arg6[%get3A_309, %get3A_310] {strides = array<i32>} : memref<200x32xf32, #tpu.memory_space<vmem>>, vector<16xf32>,
      %parallel_loop3A_312 = arith.constant 0 : i32
      %parallel_loop3A_313 = arith.constant 128 : i32
      %parallel_loop3A_314 = arith.constant 1 : i32
      scf.for %parallel_loop3A_466 = %parallel_loop3A_312 to %parallel_loop3A_313 step %parallel_loop3A_314  : i32 {
        %parallel_loop3A_467 = arith.constant 128 : i32
        %parallel_loop3A_468 = arith.addi %parallel_loop3A_467, %parallel_loop3A_466 : i32
        %parallel_loop3A_469 = arith.index_cast %parallel_loop3A_468 : i32 to index
        %parallel_loop3A_470 = arith.constant 0 : index
        %parallel_loop3A_471 = tpu.vector_load %arg8[%parallel_loop3A_469, %parallel_loop3A_470] {strides = array<i32>} : memref<512x32xf32, #tpu.memory_space<vmem>>, vector<16xf32>,
        %parallel_loop3A_472 = arith.addf %parallel_loop3A_471, %get3A_308 : vector<16xf32>
        %parallel_loop3A_473 = arith.index_cast %parallel_loop3A_466 : i32 to index
        %parallel_loop3A_474 = arith.constant 0 : index
        %parallel_loop3A_475 = tpu.vector_load %arg10[%parallel_loop3A_473, %parallel_loop3A_474] {strides = array<i32>} : memref<128x33xf32, #tpu.memory_space<vmem>>, vector<16xf32>,
        tpu.vector_store %arg10[%parallel_loop3A_473, %parallel_loop3A_474], %parallel_loop3A_472 {strides = array<i32>} : memref<128x33xf32, #tpu.memory_space<vmem>>, vector<16xf32>,
        %parallel_loop3A_476 = arith.index_cast %parallel_loop3A_468 : i32 to index
        %parallel_loop3A_477 = arith.constant 16 : index
        %parallel_loop3A_478 = tpu.vector_load %arg8[%parallel_loop3A_476, %parallel_loop3A_477] {strides = array<i32>} : memref<512x32xf32, #tpu.memory_space<vmem>>, vector<16xf32>,
        %parallel_loop3A_479 = arith.addf %parallel_loop3A_478, %get3A_311 : vector<16xf32>
        %parallel_loop3A_480 = arith.index_cast %parallel_loop3A_466 : i32 to index
        %parallel_loop3A_481 = arith.constant 16 : index
        %parallel_loop3A_482 = tpu.vector_load %arg10[%parallel_loop3A_480, %parallel_loop3A_481] {strides = array<i32>} : memref<128x33xf32, #tpu.memory_space<vmem>>, vector<16xf32>,
        tpu.vector_store %arg10[%parallel_loop3A_480, %parallel_loop3A_481], %parallel_loop3A_479 {strides = array<i32>} : memref<128x33xf32, #tpu.memory_space<vmem>>, vector<16xf32>,
      } {sc.loop_unroll_factor = 8 : i64, sc.parallel_access}
      %parallel_loop3A_315 = arith.constant 0 : i32
      %parallel_loop3A_316 = arith.constant 32 : i32
      %parallel_loop3A_317 = arith.constant 1 : i32
      scf.for %parallel_loop3A_466 = %parallel_loop3A_315 to %parallel_loop3A_316 step %parallel_loop3A_317  : i32 {
        %parallel_loop3A_467 = vector.broadcast %parallel_loop3A_466 : i32 to vector<16xi32>
        %parallel_loop3A_468 = arith.constant 3 : i32
        %parallel_loop3A_469 = arith.shrsi %parallel_loop3A_466, %parallel_loop3A_468 : i32
        %parallel_loop3A_470 = arith.constant 7 : i32
        %parallel_loop3A_471 = arith.andi %parallel_loop3A_466, %parallel_loop3A_470 : i32
        %parallel_loop3A_472 = tpu.vector_load_idx %arg10[%add3A_201, %parallel_loop3A_467] : memref<128x33xf32, #tpu.memory_space<vmem>>[vector<16xi32>, vector<16xi32>], vector<16xf32>,
        %parallel_loop3A_473 = arith.constant 1 : i32
        %parallel_loop3A_474 = arith.index_cast %parallel_loop3A_473 : i32 to index
        %parallel_loop3A_475 = arith.index_cast %parallel_loop3A_469 : i32 to index
        %parallel_loop3A_476 = arith.index_cast %parallel_loop3A_471 : i32 to index
        %parallel_loop3A_477 = arith.constant 0 : index
        %parallel_loop3A_478 = tpu.vector_load %arg11[%parallel_loop3A_474, %parallel_loop3A_475, %parallel_loop3A_476, %parallel_loop3A_477] {strides = array<i32>} : memref<4x4x8x128xf32, #tpu.memory_space<vmem>>, vector<16xf32>,
        tpu.vector_store %arg11[%parallel_loop3A_474, %parallel_loop3A_475, %parallel_loop3A_476, %parallel_loop3A_477], %parallel_loop3A_472 {strides = array<i32>} : memref<4x4x8x128xf32, #tpu.memory_space<vmem>>, vector<16xf32>,
        %parallel_loop3A_479 = tpu.vector_load_idx %arg10[%add3A_204, %parallel_loop3A_467] : memref<128x33xf32, #tpu.memory_space<vmem>>[vector<16xi32>, vector<16xi32>], vector<16xf32>,
        %parallel_loop3A_480 = arith.constant 1 : i32
        %parallel_loop3A_481 = arith.index_cast %parallel_loop3A_480 : i32 to index
        %parallel_loop3A_482 = arith.index_cast %parallel_loop3A_469 : i32 to index
        %parallel_loop3A_483 = arith.index_cast %parallel_loop3A_471 : i32 to index
        %parallel_loop3A_484 = arith.constant 16 : index
        %parallel_loop3A_485 = tpu.vector_load %arg11[%parallel_loop3A_481, %parallel_loop3A_482, %parallel_loop3A_483, %parallel_loop3A_484] {strides = array<i32>} : memref<4x4x8x128xf32, #tpu.memory_space<vmem>>, vector<16xf32>,
        tpu.vector_store %arg11[%parallel_loop3A_481, %parallel_loop3A_482, %parallel_loop3A_483, %parallel_loop3A_484], %parallel_loop3A_479 {strides = array<i32>} : memref<4x4x8x128xf32, #tpu.memory_space<vmem>>, vector<16xf32>,
        %parallel_loop3A_486 = tpu.vector_load_idx %arg10[%add3A_207, %parallel_loop3A_467] : memref<128x33xf32, #tpu.memory_space<vmem>>[vector<16xi32>, vector<16xi32>], vector<16xf32>,
        %parallel_loop3A_487 = arith.constant 1 : i32
        %parallel_loop3A_488 = arith.index_cast %parallel_loop3A_487 : i32 to index
        %parallel_loop3A_489 = arith.index_cast %parallel_loop3A_469 : i32 to index
        %parallel_loop3A_490 = arith.index_cast %parallel_loop3A_471 : i32 to index
        %parallel_loop3A_491 = arith.constant 32 : index
        %parallel_loop3A_492 = tpu.vector_load %arg11[%parallel_loop3A_488, %parallel_loop3A_489, %parallel_loop3A_490, %parallel_loop3A_491] {strides = array<i32>} : memref<4x4x8x128xf32, #tpu.memory_space<vmem>>, vector<16xf32>,
        tpu.vector_store %arg11[%parallel_loop3A_488, %parallel_loop3A_489, %parallel_loop3A_490, %parallel_loop3A_491], %parallel_loop3A_486 {strides = array<i32>} : memref<4x4x8x128xf32, #tpu.memory_space<vmem>>, vector<16xf32>,
        %parallel_loop3A_493 = tpu.vector_load_idx %arg10[%add3A_210, %parallel_loop3A_467] : memref<128x33xf32, #tpu.memory_space<vmem>>[vector<16xi32>, vector<16xi32>], vector<16xf32>,
        %parallel_loop3A_494 = arith.constant 1 : i32
        %parallel_loop3A_495 = arith.index_cast %parallel_loop3A_494 : i32 to index
        %parallel_loop3A_496 = arith.index_cast %parallel_loop3A_469 : i32 to index
        %parallel_loop3A_497 = arith.index_cast %parallel_loop3A_471 : i32 to index
        %parallel_loop3A_498 = arith.constant 48 : index
        %parallel_loop3A_499 = tpu.vector_load %arg11[%parallel_loop3A_495, %parallel_loop3A_496, %parallel_loop3A_497, %parallel_loop3A_498] {strides = array<i32>} : memref<4x4x8x128xf32, #tpu.memory_space<vmem>>, vector<16xf32>,
        tpu.vector_store %arg11[%parallel_loop3A_495, %parallel_loop3A_496, %parallel_loop3A_497, %parallel_loop3A_498], %parallel_loop3A_493 {strides = array<i32>} : memref<4x4x8x128xf32, #tpu.memory_space<vmem>>, vector<16xf32>,
        %parallel_loop3A_500 = tpu.vector_load_idx %arg10[%add3A_213, %parallel_loop3A_467] : memref<128x33xf32, #tpu.memory_space<vmem>>[vector<16xi32>, vector<16xi32>], vector<16xf32>,
        %parallel_loop3A_501 = arith.constant 1 : i32
        %parallel_loop3A_502 = arith.index_cast %parallel_loop3A_501 : i32 to index
        %parallel_loop3A_503 = arith.index_cast %parallel_loop3A_469 : i32 to index
        %parallel_loop3A_504 = arith.index_cast %parallel_loop3A_471 : i32 to index
        %parallel_loop3A_505 = arith.constant 64 : index
        %parallel_loop3A_506 = tpu.vector_load %arg11[%parallel_loop3A_502, %parallel_loop3A_503, %parallel_loop3A_504, %parallel_loop3A_505] {strides = array<i32>} : memref<4x4x8x128xf32, #tpu.memory_space<vmem>>, vector<16xf32>,
        tpu.vector_store %arg11[%parallel_loop3A_502, %parallel_loop3A_503, %parallel_loop3A_504, %parallel_loop3A_505], %parallel_loop3A_500 {strides = array<i32>} : memref<4x4x8x128xf32, #tpu.memory_space<vmem>>, vector<16xf32>,
        %parallel_loop3A_507 = tpu.vector_load_idx %arg10[%add3A_216, %parallel_loop3A_467] : memref<128x33xf32, #tpu.memory_space<vmem>>[vector<16xi32>, vector<16xi32>], vector<16xf32>,
        %parallel_loop3A_508 = arith.constant 1 : i32
        %parallel_loop3A_509 = arith.index_cast %parallel_loop3A_508 : i32 to index
        %parallel_loop3A_510 = arith.index_cast %parallel_loop3A_469 : i32 to index
        %parallel_loop3A_511 = arith.index_cast %parallel_loop3A_471 : i32 to index
        %parallel_loop3A_512 = arith.constant 80 : index
        %parallel_loop3A_513 = tpu.vector_load %arg11[%parallel_loop3A_509, %parallel_loop3A_510, %parallel_loop3A_511, %parallel_loop3A_512] {strides = array<i32>} : memref<4x4x8x128xf32, #tpu.memory_space<vmem>>, vector<16xf32>,
        tpu.vector_store %arg11[%parallel_loop3A_509, %parallel_loop3A_510, %parallel_loop3A_511, %parallel_loop3A_512], %parallel_loop3A_507 {strides = array<i32>} : memref<4x4x8x128xf32, #tpu.memory_space<vmem>>, vector<16xf32>,
        %parallel_loop3A_514 = tpu.vector_load_idx %arg10[%add3A_219, %parallel_loop3A_467] : memref<128x33xf32, #tpu.memory_space<vmem>>[vector<16xi32>, vector<16xi32>], vector<16xf32>,
        %parallel_loop3A_515 = arith.constant 1 : i32
        %parallel_loop3A_516 = arith.index_cast %parallel_loop3A_515 : i32 to index
        %parallel_loop3A_517 = arith.index_cast %parallel_loop3A_469 : i32 to index
        %parallel_loop3A_518 = arith.index_cast %parallel_loop3A_471 : i32 to index
        %parallel_loop3A_519 = arith.constant 96 : index
        %parallel_loop3A_520 = tpu.vector_load %arg11[%parallel_loop3A_516, %parallel_loop3A_517, %parallel_loop3A_518, %parallel_loop3A_519] {strides = array<i32>} : memref<4x4x8x128xf32, #tpu.memory_space<vmem>>, vector<16xf32>,
        tpu.vector_store %arg11[%parallel_loop3A_516, %parallel_loop3A_517, %parallel_loop3A_518, %parallel_loop3A_519], %parallel_loop3A_514 {strides = array<i32>} : memref<4x4x8x128xf32, #tpu.memory_space<vmem>>, vector<16xf32>,
        %parallel_loop3A_521 = tpu.vector_load_idx %arg10[%add3A_222, %parallel_loop3A_467] : memref<128x33xf32, #tpu.memory_space<vmem>>[vector<16xi32>, vector<16xi32>], vector<16xf32>,
        %parallel_loop3A_522 = arith.constant 1 : i32
        %parallel_loop3A_523 = arith.index_cast %parallel_loop3A_522 : i32 to index
        %parallel_loop3A_524 = arith.index_cast %parallel_loop3A_469 : i32 to index
        %parallel_loop3A_525 = arith.index_cast %parallel_loop3A_471 : i32 to index
        %parallel_loop3A_526 = arith.constant 112 : index
        %parallel_loop3A_527 = tpu.vector_load %arg11[%parallel_loop3A_523, %parallel_loop3A_524, %parallel_loop3A_525, %parallel_loop3A_526] {strides = array<i32>} : memref<4x4x8x128xf32, #tpu.memory_space<vmem>>, vector<16xf32>,
        tpu.vector_store %arg11[%parallel_loop3A_523, %parallel_loop3A_524, %parallel_loop3A_525, %parallel_loop3A_526], %parallel_loop3A_521 {strides = array<i32>} : memref<4x4x8x128xf32, #tpu.memory_space<vmem>>, vector<16xf32>,
      } {sc.loop_unroll_factor = 4 : i64, sc.parallel_access}
      %mul3A_318 = arith.constant 4 : i32
      %mul3A_319 = arith.muli %mul3A_259, %mul3A_318 : i32
      %add3A_320 = arith.constant 2 : i32
      %add3A_321 = arith.addi %mul3A_319, %add3A_320 : i32
      %get3A_322 = arith.index_cast %add3A_321 : i32 to index
      %get3A_323 = arith.constant 0 : index
      %get3A_324 = tpu.vector_load %arg6[%get3A_322, %get3A_323] {strides = array<i32>} : memref<200x32xf32, #tpu.memory_space<vmem>>, vector<16xf32>,
      %get3A_325 = arith.index_cast %add3A_321 : i32 to index
      %get3A_326 = arith.constant 16 : index
      %get3A_327 = tpu.vector_load %arg6[%get3A_325, %get3A_326] {strides = array<i32>} : memref<200x32xf32, #tpu.memory_space<vmem>>, vector<16xf32>,
      %parallel_loop3A_328 = arith.constant 0 : i32
      %parallel_loop3A_329 = arith.constant 128 : i32
      %parallel_loop3A_330 = arith.constant 1 : i32
      scf.for %parallel_loop3A_466 = %parallel_loop3A_328 to %parallel_loop3A_329 step %parallel_loop3A_330  : i32 {
        %parallel_loop3A_467 = arith.constant 256 : i32
        %parallel_loop3A_468 = arith.addi %parallel_loop3A_467, %parallel_loop3A_466 : i32
        %parallel_loop3A_469 = arith.index_cast %parallel_loop3A_468 : i32 to index
        %parallel_loop3A_470 = arith.constant 0 : index
        %parallel_loop3A_471 = tpu.vector_load %arg8[%parallel_loop3A_469, %parallel_loop3A_470] {strides = array<i32>} : memref<512x32xf32, #tpu.memory_space<vmem>>, vector<16xf32>,
        %parallel_loop3A_472 = arith.addf %parallel_loop3A_471, %get3A_324 : vector<16xf32>
        %parallel_loop3A_473 = arith.index_cast %parallel_loop3A_466 : i32 to index
        %parallel_loop3A_474 = arith.constant 0 : index
        %parallel_loop3A_475 = tpu.vector_load %arg10[%parallel_loop3A_473, %parallel_loop3A_474] {strides = array<i32>} : memref<128x33xf32, #tpu.memory_space<vmem>>, vector<16xf32>,
        tpu.vector_store %arg10[%parallel_loop3A_473, %parallel_loop3A_474], %parallel_loop3A_472 {strides = array<i32>} : memref<128x33xf32, #tpu.memory_space<vmem>>, vector<16xf32>,
        %parallel_loop3A_476 = arith.index_cast %parallel_loop3A_468 : i32 to index
        %parallel_loop3A_477 = arith.constant 16 : index
        %parallel_loop3A_478 = tpu.vector_load %arg8[%parallel_loop3A_476, %parallel_loop3A_477] {strides = array<i32>} : memref<512x32xf32, #tpu.memory_space<vmem>>, vector<16xf32>,
        %parallel_loop3A_479 = arith.addf %parallel_loop3A_478, %get3A_327 : vector<16xf32>
        %parallel_loop3A_480 = arith.index_cast %parallel_loop3A_466 : i32 to index
        %parallel_loop3A_481 = arith.constant 16 : index
        %parallel_loop3A_482 = tpu.vector_load %arg10[%parallel_loop3A_480, %parallel_loop3A_481] {strides = array<i32>} : memref<128x33xf32, #tpu.memory_space<vmem>>, vector<16xf32>,
        tpu.vector_store %arg10[%parallel_loop3A_480, %parallel_loop3A_481], %parallel_loop3A_479 {strides = array<i32>} : memref<128x33xf32, #tpu.memory_space<vmem>>, vector<16xf32>,
      } {sc.loop_unroll_factor = 8 : i64, sc.parallel_access}
      %parallel_loop3A_331 = arith.constant 0 : i32
      %parallel_loop3A_332 = arith.constant 32 : i32
      %parallel_loop3A_333 = arith.constant 1 : i32
      scf.for %parallel_loop3A_466 = %parallel_loop3A_331 to %parallel_loop3A_332 step %parallel_loop3A_333  : i32 {
        %parallel_loop3A_467 = vector.broadcast %parallel_loop3A_466 : i32 to vector<16xi32>
        %parallel_loop3A_468 = arith.constant 3 : i32
        %parallel_loop3A_469 = arith.shrsi %parallel_loop3A_466, %parallel_loop3A_468 : i32
        %parallel_loop3A_470 = arith.constant 7 : i32
        %parallel_loop3A_471 = arith.andi %parallel_loop3A_466, %parallel_loop3A_470 : i32
        %parallel_loop3A_472 = tpu.vector_load_idx %arg10[%add3A_201, %parallel_loop3A_467] : memref<128x33xf32, #tpu.memory_space<vmem>>[vector<16xi32>, vector<16xi32>], vector<16xf32>,
        %parallel_loop3A_473 = arith.constant 2 : i32
        %parallel_loop3A_474 = arith.index_cast %parallel_loop3A_473 : i32 to index
        %parallel_loop3A_475 = arith.index_cast %parallel_loop3A_469 : i32 to index
        %parallel_loop3A_476 = arith.index_cast %parallel_loop3A_471 : i32 to index
        %parallel_loop3A_477 = arith.constant 0 : index
        %parallel_loop3A_478 = tpu.vector_load %arg11[%parallel_loop3A_474, %parallel_loop3A_475, %parallel_loop3A_476, %parallel_loop3A_477] {strides = array<i32>} : memref<4x4x8x128xf32, #tpu.memory_space<vmem>>, vector<16xf32>,
        tpu.vector_store %arg11[%parallel_loop3A_474, %parallel_loop3A_475, %parallel_loop3A_476, %parallel_loop3A_477], %parallel_loop3A_472 {strides = array<i32>} : memref<4x4x8x128xf32, #tpu.memory_space<vmem>>, vector<16xf32>,
        %parallel_loop3A_479 = tpu.vector_load_idx %arg10[%add3A_204, %parallel_loop3A_467] : memref<128x33xf32, #tpu.memory_space<vmem>>[vector<16xi32>, vector<16xi32>], vector<16xf32>,
        %parallel_loop3A_480 = arith.constant 2 : i32
        %parallel_loop3A_481 = arith.index_cast %parallel_loop3A_480 : i32 to index
        %parallel_loop3A_482 = arith.index_cast %parallel_loop3A_469 : i32 to index
        %parallel_loop3A_483 = arith.index_cast %parallel_loop3A_471 : i32 to index
        %parallel_loop3A_484 = arith.constant 16 : index
        %parallel_loop3A_485 = tpu.vector_load %arg11[%parallel_loop3A_481, %parallel_loop3A_482, %parallel_loop3A_483, %parallel_loop3A_484] {strides = array<i32>} : memref<4x4x8x128xf32, #tpu.memory_space<vmem>>, vector<16xf32>,
        tpu.vector_store %arg11[%parallel_loop3A_481, %parallel_loop3A_482, %parallel_loop3A_483, %parallel_loop3A_484], %parallel_loop3A_479 {strides = array<i32>} : memref<4x4x8x128xf32, #tpu.memory_space<vmem>>, vector<16xf32>,
        %parallel_loop3A_486 = tpu.vector_load_idx %arg10[%add3A_207, %parallel_loop3A_467] : memref<128x33xf32, #tpu.memory_space<vmem>>[vector<16xi32>, vector<16xi32>], vector<16xf32>,
        %parallel_loop3A_487 = arith.constant 2 : i32
        %parallel_loop3A_488 = arith.index_cast %parallel_loop3A_487 : i32 to index
        %parallel_loop3A_489 = arith.index_cast %parallel_loop3A_469 : i32 to index
        %parallel_loop3A_490 = arith.index_cast %parallel_loop3A_471 : i32 to index
        %parallel_loop3A_491 = arith.constant 32 : index
        %parallel_loop3A_492 = tpu.vector_load %arg11[%parallel_loop3A_488, %parallel_loop3A_489, %parallel_loop3A_490, %parallel_loop3A_491] {strides = array<i32>} : memref<4x4x8x128xf32, #tpu.memory_space<vmem>>, vector<16xf32>,
        tpu.vector_store %arg11[%parallel_loop3A_488, %parallel_loop3A_489, %parallel_loop3A_490, %parallel_loop3A_491], %parallel_loop3A_486 {strides = array<i32>} : memref<4x4x8x128xf32, #tpu.memory_space<vmem>>, vector<16xf32>,
        %parallel_loop3A_493 = tpu.vector_load_idx %arg10[%add3A_210, %parallel_loop3A_467] : memref<128x33xf32, #tpu.memory_space<vmem>>[vector<16xi32>, vector<16xi32>], vector<16xf32>,
        %parallel_loop3A_494 = arith.constant 2 : i32
        %parallel_loop3A_495 = arith.index_cast %parallel_loop3A_494 : i32 to index
        %parallel_loop3A_496 = arith.index_cast %parallel_loop3A_469 : i32 to index
        %parallel_loop3A_497 = arith.index_cast %parallel_loop3A_471 : i32 to index
        %parallel_loop3A_498 = arith.constant 48 : index
        %parallel_loop3A_499 = tpu.vector_load %arg11[%parallel_loop3A_495, %parallel_loop3A_496, %parallel_loop3A_497, %parallel_loop3A_498] {strides = array<i32>} : memref<4x4x8x128xf32, #tpu.memory_space<vmem>>, vector<16xf32>,
        tpu.vector_store %arg11[%parallel_loop3A_495, %parallel_loop3A_496, %parallel_loop3A_497, %parallel_loop3A_498], %parallel_loop3A_493 {strides = array<i32>} : memref<4x4x8x128xf32, #tpu.memory_space<vmem>>, vector<16xf32>,
        %parallel_loop3A_500 = tpu.vector_load_idx %arg10[%add3A_213, %parallel_loop3A_467] : memref<128x33xf32, #tpu.memory_space<vmem>>[vector<16xi32>, vector<16xi32>], vector<16xf32>,
        %parallel_loop3A_501 = arith.constant 2 : i32
        %parallel_loop3A_502 = arith.index_cast %parallel_loop3A_501 : i32 to index
        %parallel_loop3A_503 = arith.index_cast %parallel_loop3A_469 : i32 to index
        %parallel_loop3A_504 = arith.index_cast %parallel_loop3A_471 : i32 to index
        %parallel_loop3A_505 = arith.constant 64 : index
        %parallel_loop3A_506 = tpu.vector_load %arg11[%parallel_loop3A_502, %parallel_loop3A_503, %parallel_loop3A_504, %parallel_loop3A_505] {strides = array<i32>} : memref<4x4x8x128xf32, #tpu.memory_space<vmem>>, vector<16xf32>,
        tpu.vector_store %arg11[%parallel_loop3A_502, %parallel_loop3A_503, %parallel_loop3A_504, %parallel_loop3A_505], %parallel_loop3A_500 {strides = array<i32>} : memref<4x4x8x128xf32, #tpu.memory_space<vmem>>, vector<16xf32>,
        %parallel_loop3A_507 = tpu.vector_load_idx %arg10[%add3A_216, %parallel_loop3A_467] : memref<128x33xf32, #tpu.memory_space<vmem>>[vector<16xi32>, vector<16xi32>], vector<16xf32>,
        %parallel_loop3A_508 = arith.constant 2 : i32
        %parallel_loop3A_509 = arith.index_cast %parallel_loop3A_508 : i32 to index
        %parallel_loop3A_510 = arith.index_cast %parallel_loop3A_469 : i32 to index
        %parallel_loop3A_511 = arith.index_cast %parallel_loop3A_471 : i32 to index
        %parallel_loop3A_512 = arith.constant 80 : index
        %parallel_loop3A_513 = tpu.vector_load %arg11[%parallel_loop3A_509, %parallel_loop3A_510, %parallel_loop3A_511, %parallel_loop3A_512] {strides = array<i32>} : memref<4x4x8x128xf32, #tpu.memory_space<vmem>>, vector<16xf32>,
        tpu.vector_store %arg11[%parallel_loop3A_509, %parallel_loop3A_510, %parallel_loop3A_511, %parallel_loop3A_512], %parallel_loop3A_507 {strides = array<i32>} : memref<4x4x8x128xf32, #tpu.memory_space<vmem>>, vector<16xf32>,
        %parallel_loop3A_514 = tpu.vector_load_idx %arg10[%add3A_219, %parallel_loop3A_467] : memref<128x33xf32, #tpu.memory_space<vmem>>[vector<16xi32>, vector<16xi32>], vector<16xf32>,
        %parallel_loop3A_515 = arith.constant 2 : i32
        %parallel_loop3A_516 = arith.index_cast %parallel_loop3A_515 : i32 to index
        %parallel_loop3A_517 = arith.index_cast %parallel_loop3A_469 : i32 to index
        %parallel_loop3A_518 = arith.index_cast %parallel_loop3A_471 : i32 to index
        %parallel_loop3A_519 = arith.constant 96 : index
        %parallel_loop3A_520 = tpu.vector_load %arg11[%parallel_loop3A_516, %parallel_loop3A_517, %parallel_loop3A_518, %parallel_loop3A_519] {strides = array<i32>} : memref<4x4x8x128xf32, #tpu.memory_space<vmem>>, vector<16xf32>,
        tpu.vector_store %arg11[%parallel_loop3A_516, %parallel_loop3A_517, %parallel_loop3A_518, %parallel_loop3A_519], %parallel_loop3A_514 {strides = array<i32>} : memref<4x4x8x128xf32, #tpu.memory_space<vmem>>, vector<16xf32>,
        %parallel_loop3A_521 = tpu.vector_load_idx %arg10[%add3A_222, %parallel_loop3A_467] : memref<128x33xf32, #tpu.memory_space<vmem>>[vector<16xi32>, vector<16xi32>], vector<16xf32>,
        %parallel_loop3A_522 = arith.constant 2 : i32
        %parallel_loop3A_523 = arith.index_cast %parallel_loop3A_522 : i32 to index
        %parallel_loop3A_524 = arith.index_cast %parallel_loop3A_469 : i32 to index
        %parallel_loop3A_525 = arith.index_cast %parallel_loop3A_471 : i32 to index
        %parallel_loop3A_526 = arith.constant 112 : index
        %parallel_loop3A_527 = tpu.vector_load %arg11[%parallel_loop3A_523, %parallel_loop3A_524, %parallel_loop3A_525, %parallel_loop3A_526] {strides = array<i32>} : memref<4x4x8x128xf32, #tpu.memory_space<vmem>>, vector<16xf32>,
        tpu.vector_store %arg11[%parallel_loop3A_523, %parallel_loop3A_524, %parallel_loop3A_525, %parallel_loop3A_526], %parallel_loop3A_521 {strides = array<i32>} : memref<4x4x8x128xf32, #tpu.memory_space<vmem>>, vector<16xf32>,
      } {sc.loop_unroll_factor = 4 : i64, sc.parallel_access}
      %mul3A_334 = arith.constant 4 : i32
      %mul3A_335 = arith.muli %mul3A_259, %mul3A_334 : i32
      %add3A_336 = arith.constant 3 : i32
      %add3A_337 = arith.addi %mul3A_335, %add3A_336 : i32
      %get3A_338 = arith.index_cast %add3A_337 : i32 to index
      %get3A_339 = arith.constant 0 : index
      %get3A_340 = tpu.vector_load %arg6[%get3A_338, %get3A_339] {strides = array<i32>} : memref<200x32xf32, #tpu.memory_space<vmem>>, vector<16xf32>,
      %get3A_341 = arith.index_cast %add3A_337 : i32 to index
      %get3A_342 = arith.constant 16 : index
      %get3A_343 = tpu.vector_load %arg6[%get3A_341, %get3A_342] {strides = array<i32>} : memref<200x32xf32, #tpu.memory_space<vmem>>, vector<16xf32>,
      %parallel_loop3A_344 = arith.constant 0 : i32
      %parallel_loop3A_345 = arith.constant 128 : i32
      %parallel_loop3A_346 = arith.constant 1 : i32
      scf.for %parallel_loop3A_466 = %parallel_loop3A_344 to %parallel_loop3A_345 step %parallel_loop3A_346  : i32 {
        %parallel_loop3A_467 = arith.constant 384 : i32
        %parallel_loop3A_468 = arith.addi %parallel_loop3A_467, %parallel_loop3A_466 : i32
        %parallel_loop3A_469 = arith.index_cast %parallel_loop3A_468 : i32 to index
        %parallel_loop3A_470 = arith.constant 0 : index
        %parallel_loop3A_471 = tpu.vector_load %arg8[%parallel_loop3A_469, %parallel_loop3A_470] {strides = array<i32>} : memref<512x32xf32, #tpu.memory_space<vmem>>, vector<16xf32>,
        %parallel_loop3A_472 = arith.addf %parallel_loop3A_471, %get3A_340 : vector<16xf32>
        %parallel_loop3A_473 = arith.index_cast %parallel_loop3A_466 : i32 to index
        %parallel_loop3A_474 = arith.constant 0 : index
        %parallel_loop3A_475 = tpu.vector_load %arg10[%parallel_loop3A_473, %parallel_loop3A_474] {strides = array<i32>} : memref<128x33xf32, #tpu.memory_space<vmem>>, vector<16xf32>,
        tpu.vector_store %arg10[%parallel_loop3A_473, %parallel_loop3A_474], %parallel_loop3A_472 {strides = array<i32>} : memref<128x33xf32, #tpu.memory_space<vmem>>, vector<16xf32>,
        %parallel_loop3A_476 = arith.index_cast %parallel_loop3A_468 : i32 to index
        %parallel_loop3A_477 = arith.constant 16 : index
        %parallel_loop3A_478 = tpu.vector_load %arg8[%parallel_loop3A_476, %parallel_loop3A_477] {strides = array<i32>} : memref<512x32xf32, #tpu.memory_space<vmem>>, vector<16xf32>,
        %parallel_loop3A_479 = arith.addf %parallel_loop3A_478, %get3A_343 : vector<16xf32>
        %parallel_loop3A_480 = arith.index_cast %parallel_loop3A_466 : i32 to index
        %parallel_loop3A_481 = arith.constant 16 : index
        %parallel_loop3A_482 = tpu.vector_load %arg10[%parallel_loop3A_480, %parallel_loop3A_481] {strides = array<i32>} : memref<128x33xf32, #tpu.memory_space<vmem>>, vector<16xf32>,
        tpu.vector_store %arg10[%parallel_loop3A_480, %parallel_loop3A_481], %parallel_loop3A_479 {strides = array<i32>} : memref<128x33xf32, #tpu.memory_space<vmem>>, vector<16xf32>,
      } {sc.loop_unroll_factor = 8 : i64, sc.parallel_access}
      %parallel_loop3A_347 = arith.constant 0 : i32
      %parallel_loop3A_348 = arith.constant 32 : i32
      %parallel_loop3A_349 = arith.constant 1 : i32
      scf.for %parallel_loop3A_466 = %parallel_loop3A_347 to %parallel_loop3A_348 step %parallel_loop3A_349  : i32 {
        %parallel_loop3A_467 = vector.broadcast %parallel_loop3A_466 : i32 to vector<16xi32>
        %parallel_loop3A_468 = arith.constant 3 : i32
        %parallel_loop3A_469 = arith.shrsi %parallel_loop3A_466, %parallel_loop3A_468 : i32
        %parallel_loop3A_470 = arith.constant 7 : i32
        %parallel_loop3A_471 = arith.andi %parallel_loop3A_466, %parallel_loop3A_470 : i32
        %parallel_loop3A_472 = tpu.vector_load_idx %arg10[%add3A_201, %parallel_loop3A_467] : memref<128x33xf32, #tpu.memory_space<vmem>>[vector<16xi32>, vector<16xi32>], vector<16xf32>,
        %parallel_loop3A_473 = arith.constant 3 : i32
        %parallel_loop3A_474 = arith.index_cast %parallel_loop3A_473 : i32 to index
        %parallel_loop3A_475 = arith.index_cast %parallel_loop3A_469 : i32 to index
        %parallel_loop3A_476 = arith.index_cast %parallel_loop3A_471 : i32 to index
        %parallel_loop3A_477 = arith.constant 0 : index
        %parallel_loop3A_478 = tpu.vector_load %arg11[%parallel_loop3A_474, %parallel_loop3A_475, %parallel_loop3A_476, %parallel_loop3A_477] {strides = array<i32>} : memref<4x4x8x128xf32, #tpu.memory_space<vmem>>, vector<16xf32>,
        tpu.vector_store %arg11[%parallel_loop3A_474, %parallel_loop3A_475, %parallel_loop3A_476, %parallel_loop3A_477], %parallel_loop3A_472 {strides = array<i32>} : memref<4x4x8x128xf32, #tpu.memory_space<vmem>>, vector<16xf32>,
        %parallel_loop3A_479 = tpu.vector_load_idx %arg10[%add3A_204, %parallel_loop3A_467] : memref<128x33xf32, #tpu.memory_space<vmem>>[vector<16xi32>, vector<16xi32>], vector<16xf32>,
        %parallel_loop3A_480 = arith.constant 3 : i32
        %parallel_loop3A_481 = arith.index_cast %parallel_loop3A_480 : i32 to index
        %parallel_loop3A_482 = arith.index_cast %parallel_loop3A_469 : i32 to index
        %parallel_loop3A_483 = arith.index_cast %parallel_loop3A_471 : i32 to index
        %parallel_loop3A_484 = arith.constant 16 : index
        %parallel_loop3A_485 = tpu.vector_load %arg11[%parallel_loop3A_481, %parallel_loop3A_482, %parallel_loop3A_483, %parallel_loop3A_484] {strides = array<i32>} : memref<4x4x8x128xf32, #tpu.memory_space<vmem>>, vector<16xf32>,
        tpu.vector_store %arg11[%parallel_loop3A_481, %parallel_loop3A_482, %parallel_loop3A_483, %parallel_loop3A_484], %parallel_loop3A_479 {strides = array<i32>} : memref<4x4x8x128xf32, #tpu.memory_space<vmem>>, vector<16xf32>,
        %parallel_loop3A_486 = tpu.vector_load_idx %arg10[%add3A_207, %parallel_loop3A_467] : memref<128x33xf32, #tpu.memory_space<vmem>>[vector<16xi32>, vector<16xi32>], vector<16xf32>,
        %parallel_loop3A_487 = arith.constant 3 : i32
        %parallel_loop3A_488 = arith.index_cast %parallel_loop3A_487 : i32 to index
        %parallel_loop3A_489 = arith.index_cast %parallel_loop3A_469 : i32 to index
        %parallel_loop3A_490 = arith.index_cast %parallel_loop3A_471 : i32 to index
        %parallel_loop3A_491 = arith.constant 32 : index
        %parallel_loop3A_492 = tpu.vector_load %arg11[%parallel_loop3A_488, %parallel_loop3A_489, %parallel_loop3A_490, %parallel_loop3A_491] {strides = array<i32>} : memref<4x4x8x128xf32, #tpu.memory_space<vmem>>, vector<16xf32>,
        tpu.vector_store %arg11[%parallel_loop3A_488, %parallel_loop3A_489, %parallel_loop3A_490, %parallel_loop3A_491], %parallel_loop3A_486 {strides = array<i32>} : memref<4x4x8x128xf32, #tpu.memory_space<vmem>>, vector<16xf32>,
        %parallel_loop3A_493 = tpu.vector_load_idx %arg10[%add3A_210, %parallel_loop3A_467] : memref<128x33xf32, #tpu.memory_space<vmem>>[vector<16xi32>, vector<16xi32>], vector<16xf32>,
        %parallel_loop3A_494 = arith.constant 3 : i32
        %parallel_loop3A_495 = arith.index_cast %parallel_loop3A_494 : i32 to index
        %parallel_loop3A_496 = arith.index_cast %parallel_loop3A_469 : i32 to index
        %parallel_loop3A_497 = arith.index_cast %parallel_loop3A_471 : i32 to index
        %parallel_loop3A_498 = arith.constant 48 : index
        %parallel_loop3A_499 = tpu.vector_load %arg11[%parallel_loop3A_495, %parallel_loop3A_496, %parallel_loop3A_497, %parallel_loop3A_498] {strides = array<i32>} : memref<4x4x8x128xf32, #tpu.memory_space<vmem>>, vector<16xf32>,
        tpu.vector_store %arg11[%parallel_loop3A_495, %parallel_loop3A_496, %parallel_loop3A_497, %parallel_loop3A_498], %parallel_loop3A_493 {strides = array<i32>} : memref<4x4x8x128xf32, #tpu.memory_space<vmem>>, vector<16xf32>,
        %parallel_loop3A_500 = tpu.vector_load_idx %arg10[%add3A_213, %parallel_loop3A_467] : memref<128x33xf32, #tpu.memory_space<vmem>>[vector<16xi32>, vector<16xi32>], vector<16xf32>,
        %parallel_loop3A_501 = arith.constant 3 : i32
        %parallel_loop3A_502 = arith.index_cast %parallel_loop3A_501 : i32 to index
        %parallel_loop3A_503 = arith.index_cast %parallel_loop3A_469 : i32 to index
        %parallel_loop3A_504 = arith.index_cast %parallel_loop3A_471 : i32 to index
        %parallel_loop3A_505 = arith.constant 64 : index
        %parallel_loop3A_506 = tpu.vector_load %arg11[%parallel_loop3A_502, %parallel_loop3A_503, %parallel_loop3A_504, %parallel_loop3A_505] {strides = array<i32>} : memref<4x4x8x128xf32, #tpu.memory_space<vmem>>, vector<16xf32>,
        tpu.vector_store %arg11[%parallel_loop3A_502, %parallel_loop3A_503, %parallel_loop3A_504, %parallel_loop3A_505], %parallel_loop3A_500 {strides = array<i32>} : memref<4x4x8x128xf32, #tpu.memory_space<vmem>>, vector<16xf32>,
        %parallel_loop3A_507 = tpu.vector_load_idx %arg10[%add3A_216, %parallel_loop3A_467] : memref<128x33xf32, #tpu.memory_space<vmem>>[vector<16xi32>, vector<16xi32>], vector<16xf32>,
        %parallel_loop3A_508 = arith.constant 3 : i32
        %parallel_loop3A_509 = arith.index_cast %parallel_loop3A_508 : i32 to index
        %parallel_loop3A_510 = arith.index_cast %parallel_loop3A_469 : i32 to index
        %parallel_loop3A_511 = arith.index_cast %parallel_loop3A_471 : i32 to index
        %parallel_loop3A_512 = arith.constant 80 : index
        %parallel_loop3A_513 = tpu.vector_load %arg11[%parallel_loop3A_509, %parallel_loop3A_510, %parallel_loop3A_511, %parallel_loop3A_512] {strides = array<i32>} : memref<4x4x8x128xf32, #tpu.memory_space<vmem>>, vector<16xf32>,
        tpu.vector_store %arg11[%parallel_loop3A_509, %parallel_loop3A_510, %parallel_loop3A_511, %parallel_loop3A_512], %parallel_loop3A_507 {strides = array<i32>} : memref<4x4x8x128xf32, #tpu.memory_space<vmem>>, vector<16xf32>,
        %parallel_loop3A_514 = tpu.vector_load_idx %arg10[%add3A_219, %parallel_loop3A_467] : memref<128x33xf32, #tpu.memory_space<vmem>>[vector<16xi32>, vector<16xi32>], vector<16xf32>,
        %parallel_loop3A_515 = arith.constant 3 : i32
        %parallel_loop3A_516 = arith.index_cast %parallel_loop3A_515 : i32 to index
        %parallel_loop3A_517 = arith.index_cast %parallel_loop3A_469 : i32 to index
        %parallel_loop3A_518 = arith.index_cast %parallel_loop3A_471 : i32 to index
        %parallel_loop3A_519 = arith.constant 96 : index
        %parallel_loop3A_520 = tpu.vector_load %arg11[%parallel_loop3A_516, %parallel_loop3A_517, %parallel_loop3A_518, %parallel_loop3A_519] {strides = array<i32>} : memref<4x4x8x128xf32, #tpu.memory_space<vmem>>, vector<16xf32>,
        tpu.vector_store %arg11[%parallel_loop3A_516, %parallel_loop3A_517, %parallel_loop3A_518, %parallel_loop3A_519], %parallel_loop3A_514 {strides = array<i32>} : memref<4x4x8x128xf32, #tpu.memory_space<vmem>>, vector<16xf32>,
        %parallel_loop3A_521 = tpu.vector_load_idx %arg10[%add3A_222, %parallel_loop3A_467] : memref<128x33xf32, #tpu.memory_space<vmem>>[vector<16xi32>, vector<16xi32>], vector<16xf32>,
        %parallel_loop3A_522 = arith.constant 3 : i32
        %parallel_loop3A_523 = arith.index_cast %parallel_loop3A_522 : i32 to index
        %parallel_loop3A_524 = arith.index_cast %parallel_loop3A_469 : i32 to index
        %parallel_loop3A_525 = arith.index_cast %parallel_loop3A_471 : i32 to index
        %parallel_loop3A_526 = arith.constant 112 : index
        %parallel_loop3A_527 = tpu.vector_load %arg11[%parallel_loop3A_523, %parallel_loop3A_524, %parallel_loop3A_525, %parallel_loop3A_526] {strides = array<i32>} : memref<4x4x8x128xf32, #tpu.memory_space<vmem>>, vector<16xf32>,
        tpu.vector_store %arg11[%parallel_loop3A_523, %parallel_loop3A_524, %parallel_loop3A_525, %parallel_loop3A_526], %parallel_loop3A_521 {strides = array<i32>} : memref<4x4x8x128xf32, #tpu.memory_space<vmem>>, vector<16xf32>,
      } {sc.loop_unroll_factor = 4 : i64, sc.parallel_access}
      %mul3A_350 = arith.constant 4 : i32
      %mul3A_351 = arith.muli %mul3A_259, %mul3A_350 : i32
      %dma_start3A_352 = arith.constant 0 : i32
      %dma_start3A_353 = arith.constant 0 : i32
      %dma_start3A_354 = arith.constant 0 : i32
      %dma_start3A_355 = tpu.memref_slice %arg5[%mul3A_351, %dma_start3A_352, %add3A, %dma_start3A_353, %dma_start3A_354] : memref<200x4x32x8x128xf32, #tpu.memory_space<hbm>> -> memref<4x4x1x8x128xf32, #tpu.memory_space<hbm>>
      %dma_start3A_356 = tpu.memref_squeeze %dma_start3A_355 : memref<4x4x1x8x128xf32, #tpu.memory_space<hbm>> -> memref<4x4x8x128xf32, #tpu.memory_space<hbm>>
      %dma_start3A_357 = arith.constant 0 : i32
      %dma_start3A_358 = arith.constant 0 : i32
      %dma_start3A_359 = arith.constant 0 : i32
      %dma_start3A_360 = tpu.memref_slice %arg5[%mul3A_351, %dma_start3A_357, %add3A, %dma_start3A_358, %dma_start3A_359] : memref<200x4x32x8x128xf32, #tpu.memory_space<hbm>> -> memref<4x4x1x8x128xf32, #tpu.memory_space<hbm>>
      %dma_start3A_361 = tpu.memref_squeeze %dma_start3A_360 : memref<4x4x1x8x128xf32, #tpu.memory_space<hbm>> -> memref<4x4x8x128xf32, #tpu.memory_space<hbm>>
      tpu.enqueue_dma source(%arg11 : memref<4x4x8x128xf32, #tpu.memory_space<vmem>>) target(%dma_start3A_361 : memref<4x4x8x128xf32, #tpu.memory_space<hbm>>) target_semaphore(%arg15 : memref<!tpu.dma_semaphore, #tpu.memory_space<semaphore_mem>>)
      %lt3A = arith.constant 24 : i32
      %lt3A_362 = arith.cmpi slt, %scan3A_257, %lt3A : i32
      %convert_element_type3A_363 = arith.extui %lt3A_362 : i1 to i32
      %cond3A_364 = arith.constant 0 : i32
      %cond3A_365 = arith.cmpi ne, %convert_element_type3A_363, %cond3A_364 : i32
      scf.if %cond3A_365 {
        %add3A_466 = arith.constant 2 : i32
        %add3A_467 = arith.addi %mul3A_259, %add3A_466 : i32
        %shift_right_arithmetic3A_468 = arith.constant 1 : i32
        %shift_right_arithmetic3A_469 = arith.shrsi %add3A_467, %shift_right_arithmetic3A_468 : i32
        %and3A_470 = arith.constant 1 : i32
        %and3A_471 = arith.andi %add3A_467, %and3A_470 : i32
        %mul3A_472 = arith.constant 4 : i32
        %mul3A_473 = arith.muli %and3A_471, %mul3A_472 : i32
        %mul3A_474 = arith.constant 128 : i32
        %mul3A_475 = arith.muli %mul3A_473, %mul3A_474 : i32
        %dma_start3A_476 = tpu.memref_slice %arg7[%shift_right_arithmetic3A_469, %mul3A_475] : memref<25x1024xi32, #tpu.memory_space<vmem>> -> memref<1x512xi32, #tpu.memory_space<vmem>>
        %dma_start3A_477 = tpu.memref_squeeze %dma_start3A_476 : memref<1x512xi32, #tpu.memory_space<vmem>> -> memref<512xi32, #tpu.memory_space<vmem>>
        %dma_start3A_478 = arith.constant 0 : i32
        %dma_start3A_479 = arith.constant 0 : i32
        %dma_start3A_480 = tpu.memref_slice %arg3[%dma_start3A_478, %dma_start3A_479] : memref<1000000x32xf32, #tpu.memory_space<hbm>> -> memref<1000000x32xf32, #tpu.memory_space<hbm>>
        tpu.enqueue_indirect_dma source(%dma_start3A_480 : memref<1000000x32xf32, #tpu.memory_space<hbm>>) target(%arg8 : memref<512x32xf32, #tpu.memory_space<vmem>>) offsets(%dma_start3A_477 : memref<512xi32, #tpu.memory_space<vmem>>) semaphore(%arg13 : memref<!tpu.dma_semaphore, #tpu.memory_space<semaphore_mem>>)
      } else {
      }
      %add3A_366 = arith.constant 1 : i32
      %add3A_367 = arith.addi %mul3A_259, %add3A_366 : i32
      %shift_right_arithmetic3A_368 = arith.constant 1 : i32
      %shift_right_arithmetic3A_369 = arith.shrsi %add3A_367, %shift_right_arithmetic3A_368 : i32
      %and3A_370 = arith.constant 1 : i32
      %and3A_371 = arith.andi %add3A_367, %and3A_370 : i32
      %mul3A_372 = arith.constant 4 : i32
      %mul3A_373 = arith.muli %and3A_371, %mul3A_372 : i32
      %mul3A_374 = arith.constant 128 : i32
      %mul3A_375 = arith.muli %mul3A_373, %mul3A_374 : i32
      %dma_wait3A_376 = tpu.memref_slice %arg7[%shift_right_arithmetic3A_369, %mul3A_375] : memref<25x1024xi32, #tpu.memory_space<vmem>> -> memref<1x512xi32, #tpu.memory_space<vmem>>
      %dma_wait3A_377 = tpu.memref_squeeze %dma_wait3A_376 : memref<1x512xi32, #tpu.memory_space<vmem>> -> memref<512xi32, #tpu.memory_space<vmem>>
      %dma_wait3A_378 = arith.constant 0 : i32
      %dma_wait3A_379 = arith.constant 0 : i32
      %dma_wait3A_380 = tpu.memref_slice %arg3[%dma_wait3A_378, %dma_wait3A_379] : memref<1000000x32xf32, #tpu.memory_space<hbm>> -> memref<1000000x32xf32, #tpu.memory_space<hbm>>
      tpu.wait_indirect_dma semaphore(%arg14 : memref<!tpu.dma_semaphore, #tpu.memory_space<semaphore_mem>>) src(%dma_wait3A_380 : memref<1000000x32xf32, #tpu.memory_space<hbm>>) dst(%arg9 : memref<512x32xf32, #tpu.memory_space<vmem>>)
      %gt3A_381 = arith.constant 0 : i32
      %gt3A_382 = arith.cmpi sgt, %scan3A_257, %gt3A_381 : i32
      %convert_element_type3A_383 = arith.extui %gt3A_382 : i1 to i32
      %cond3A_384 = arith.constant 0 : i32
      %cond3A_385 = arith.cmpi ne, %convert_element_type3A_383, %cond3A_384 : i32
      scf.if %cond3A_385 {
        %sub3A = arith.constant 1 : i32
        %sub3A_466 = arith.subi %mul3A_259, %sub3A : i32
        %mul3A_467 = arith.constant 4 : i32
        %mul3A_468 = arith.muli %sub3A_466, %mul3A_467 : i32
        %dma_wait3A_469 = arith.constant 0 : i32
        %dma_wait3A_470 = arith.constant 0 : i32
        %dma_wait3A_471 = arith.constant 0 : i32
        %dma_wait3A_472 = tpu.memref_slice %arg5[%mul3A_468, %dma_wait3A_469, %add3A, %dma_wait3A_470, %dma_wait3A_471] : memref<200x4x32x8x128xf32, #tpu.memory_space<hbm>> -> memref<4x4x1x8x128xf32, #tpu.memory_space<hbm>>
        %dma_wait3A_473 = tpu.memref_squeeze %dma_wait3A_472 : memref<4x4x1x8x128xf32, #tpu.memory_space<hbm>> -> memref<4x4x8x128xf32, #tpu.memory_space<hbm>>
        %dma_wait3A_474 = arith.constant 0 : i32
        %dma_wait3A_475 = arith.constant 0 : i32
        %dma_wait3A_476 = arith.constant 0 : i32
        %dma_wait3A_477 = tpu.memref_slice %arg5[%mul3A_468, %dma_wait3A_474, %add3A, %dma_wait3A_475, %dma_wait3A_476] : memref<200x4x32x8x128xf32, #tpu.memory_space<hbm>> -> memref<4x4x1x8x128xf32, #tpu.memory_space<hbm>>
        %dma_wait3A_478 = tpu.memref_squeeze %dma_wait3A_477 : memref<4x4x1x8x128xf32, #tpu.memory_space<hbm>> -> memref<4x4x8x128xf32, #tpu.memory_space<hbm>>
        tpu.wait_dma2 semaphore(%arg16 : memref<!tpu.dma_semaphore, #tpu.memory_space<semaphore_mem>>) src(%arg12 : memref<4x4x8x128xf32, #tpu.memory_space<vmem>>) dst(%dma_wait3A_478 : memref<4x4x8x128xf32, #tpu.memory_space<hbm>>)
      } else {
      }
      %add3A_386 = arith.constant 1 : i32
      %add3A_387 = arith.addi %mul3A_259, %add3A_386 : i32
      %mul3A_388 = arith.constant 4 : i32
      %mul3A_389 = arith.muli %add3A_387, %mul3A_388 : i32
      %add3A_390 = arith.constant 0 : i32
      %add3A_391 = arith.addi %mul3A_389, %add3A_390 : i32
      %get3A_392 = arith.index_cast %add3A_391 : i32 to index
      %get3A_393 = arith.constant 0 : index
      %get3A_394 = tpu.vector_load %arg6[%get3A_392, %get3A_393] {strides = array<i32>} : memref<200x32xf32, #tpu.memory_space<vmem>>, vector<16xf32>,
      %get3A_395 = arith.index_cast %add3A_391 : i32 to index
      %get3A_396 = arith.constant 16 : index
      %get3A_397 = tpu.vector_load %arg6[%get3A_395, %get3A_396] {strides = array<i32>} : memref<200x32xf32, #tpu.memory_space<vmem>>, vector<16xf32>,
      %parallel_loop3A_398 = arith.constant 0 : i32
      %parallel_loop3A_399 = arith.constant 128 : i32
      %parallel_loop3A_400 = arith.constant 1 : i32
      scf.for %parallel_loop3A_466 = %parallel_loop3A_398 to %parallel_loop3A_399 step %parallel_loop3A_400  : i32 {
        %parallel_loop3A_467 = arith.constant 0 : i32
        %parallel_loop3A_468 = arith.addi %parallel_loop3A_467, %parallel_loop3A_466 : i32
        %parallel_loop3A_469 = arith.index_cast %parallel_loop3A_468 : i32 to index
        %parallel_loop3A_470 = arith.constant 0 : index
        %parallel_loop3A_471 = tpu.vector_load %arg9[%parallel_loop3A_469, %parallel_loop3A_470] {strides = array<i32>} : memref<512x32xf32, #tpu.memory_space<vmem>>, vector<16xf32>,
        %parallel_loop3A_472 = arith.addf %parallel_loop3A_471, %get3A_394 : vector<16xf32>
        %parallel_loop3A_473 = arith.index_cast %parallel_loop3A_466 : i32 to index
        %parallel_loop3A_474 = arith.constant 0 : index
        %parallel_loop3A_475 = tpu.vector_load %arg10[%parallel_loop3A_473, %parallel_loop3A_474] {strides = array<i32>} : memref<128x33xf32, #tpu.memory_space<vmem>>, vector<16xf32>,
        tpu.vector_store %arg10[%parallel_loop3A_473, %parallel_loop3A_474], %parallel_loop3A_472 {strides = array<i32>} : memref<128x33xf32, #tpu.memory_space<vmem>>, vector<16xf32>,
        %parallel_loop3A_476 = arith.index_cast %parallel_loop3A_468 : i32 to index
        %parallel_loop3A_477 = arith.constant 16 : index
        %parallel_loop3A_478 = tpu.vector_load %arg9[%parallel_loop3A_476, %parallel_loop3A_477] {strides = array<i32>} : memref<512x32xf32, #tpu.memory_space<vmem>>, vector<16xf32>,
        %parallel_loop3A_479 = arith.addf %parallel_loop3A_478, %get3A_397 : vector<16xf32>
        %parallel_loop3A_480 = arith.index_cast %parallel_loop3A_466 : i32 to index
        %parallel_loop3A_481 = arith.constant 16 : index
        %parallel_loop3A_482 = tpu.vector_load %arg10[%parallel_loop3A_480, %parallel_loop3A_481] {strides = array<i32>} : memref<128x33xf32, #tpu.memory_space<vmem>>, vector<16xf32>,
        tpu.vector_store %arg10[%parallel_loop3A_480, %parallel_loop3A_481], %parallel_loop3A_479 {strides = array<i32>} : memref<128x33xf32, #tpu.memory_space<vmem>>, vector<16xf32>,
      } {sc.loop_unroll_factor = 8 : i64, sc.parallel_access}
      %parallel_loop3A_401 = arith.constant 0 : i32
      %parallel_loop3A_402 = arith.constant 32 : i32
      %parallel_loop3A_403 = arith.constant 1 : i32
      scf.for %parallel_loop3A_466 = %parallel_loop3A_401 to %parallel_loop3A_402 step %parallel_loop3A_403  : i32 {
        %parallel_loop3A_467 = vector.broadcast %parallel_loop3A_466 : i32 to vector<16xi32>
        %parallel_loop3A_468 = arith.constant 3 : i32
        %parallel_loop3A_469 = arith.shrsi %parallel_loop3A_466, %parallel_loop3A_468 : i32
        %parallel_loop3A_470 = arith.constant 7 : i32
        %parallel_loop3A_471 = arith.andi %parallel_loop3A_466, %parallel_loop3A_470 : i32
        %parallel_loop3A_472 = tpu.vector_load_idx %arg10[%add3A_201, %parallel_loop3A_467] : memref<128x33xf32, #tpu.memory_space<vmem>>[vector<16xi32>, vector<16xi32>], vector<16xf32>,
        %parallel_loop3A_473 = arith.constant 0 : i32
        %parallel_loop3A_474 = arith.index_cast %parallel_loop3A_473 : i32 to index
        %parallel_loop3A_475 = arith.index_cast %parallel_loop3A_469 : i32 to index
        %parallel_loop3A_476 = arith.index_cast %parallel_loop3A_471 : i32 to index
        %parallel_loop3A_477 = arith.constant 0 : index
        %parallel_loop3A_478 = tpu.vector_load %arg12[%parallel_loop3A_474, %parallel_loop3A_475, %parallel_loop3A_476, %parallel_loop3A_477] {strides = array<i32>} : memref<4x4x8x128xf32, #tpu.memory_space<vmem>>, vector<16xf32>,
        tpu.vector_store %arg12[%parallel_loop3A_474, %parallel_loop3A_475, %parallel_loop3A_476, %parallel_loop3A_477], %parallel_loop3A_472 {strides = array<i32>} : memref<4x4x8x128xf32, #tpu.memory_space<vmem>>, vector<16xf32>,
        %parallel_loop3A_479 = tpu.vector_load_idx %arg10[%add3A_204, %parallel_loop3A_467] : memref<128x33xf32, #tpu.memory_space<vmem>>[vector<16xi32>, vector<16xi32>], vector<16xf32>,
        %parallel_loop3A_480 = arith.constant 0 : i32
        %parallel_loop3A_481 = arith.index_cast %parallel_loop3A_480 : i32 to index
        %parallel_loop3A_482 = arith.index_cast %parallel_loop3A_469 : i32 to index
        %parallel_loop3A_483 = arith.index_cast %parallel_loop3A_471 : i32 to index
        %parallel_loop3A_484 = arith.constant 16 : index
        %parallel_loop3A_485 = tpu.vector_load %arg12[%parallel_loop3A_481, %parallel_loop3A_482, %parallel_loop3A_483, %parallel_loop3A_484] {strides = array<i32>} : memref<4x4x8x128xf32, #tpu.memory_space<vmem>>, vector<16xf32>,
        tpu.vector_store %arg12[%parallel_loop3A_481, %parallel_loop3A_482, %parallel_loop3A_483, %parallel_loop3A_484], %parallel_loop3A_479 {strides = array<i32>} : memref<4x4x8x128xf32, #tpu.memory_space<vmem>>, vector<16xf32>,
        %parallel_loop3A_486 = tpu.vector_load_idx %arg10[%add3A_207, %parallel_loop3A_467] : memref<128x33xf32, #tpu.memory_space<vmem>>[vector<16xi32>, vector<16xi32>], vector<16xf32>,
        %parallel_loop3A_487 = arith.constant 0 : i32
        %parallel_loop3A_488 = arith.index_cast %parallel_loop3A_487 : i32 to index
        %parallel_loop3A_489 = arith.index_cast %parallel_loop3A_469 : i32 to index
        %parallel_loop3A_490 = arith.index_cast %parallel_loop3A_471 : i32 to index
        %parallel_loop3A_491 = arith.constant 32 : index
        %parallel_loop3A_492 = tpu.vector_load %arg12[%parallel_loop3A_488, %parallel_loop3A_489, %parallel_loop3A_490, %parallel_loop3A_491] {strides = array<i32>} : memref<4x4x8x128xf32, #tpu.memory_space<vmem>>, vector<16xf32>,
        tpu.vector_store %arg12[%parallel_loop3A_488, %parallel_loop3A_489, %parallel_loop3A_490, %parallel_loop3A_491], %parallel_loop3A_486 {strides = array<i32>} : memref<4x4x8x128xf32, #tpu.memory_space<vmem>>, vector<16xf32>,
        %parallel_loop3A_493 = tpu.vector_load_idx %arg10[%add3A_210, %parallel_loop3A_467] : memref<128x33xf32, #tpu.memory_space<vmem>>[vector<16xi32>, vector<16xi32>], vector<16xf32>,
        %parallel_loop3A_494 = arith.constant 0 : i32
        %parallel_loop3A_495 = arith.index_cast %parallel_loop3A_494 : i32 to index
        %parallel_loop3A_496 = arith.index_cast %parallel_loop3A_469 : i32 to index
        %parallel_loop3A_497 = arith.index_cast %parallel_loop3A_471 : i32 to index
        %parallel_loop3A_498 = arith.constant 48 : index
        %parallel_loop3A_499 = tpu.vector_load %arg12[%parallel_loop3A_495, %parallel_loop3A_496, %parallel_loop3A_497, %parallel_loop3A_498] {strides = array<i32>} : memref<4x4x8x128xf32, #tpu.memory_space<vmem>>, vector<16xf32>,
        tpu.vector_store %arg12[%parallel_loop3A_495, %parallel_loop3A_496, %parallel_loop3A_497, %parallel_loop3A_498], %parallel_loop3A_493 {strides = array<i32>} : memref<4x4x8x128xf32, #tpu.memory_space<vmem>>, vector<16xf32>,
        %parallel_loop3A_500 = tpu.vector_load_idx %arg10[%add3A_213, %parallel_loop3A_467] : memref<128x33xf32, #tpu.memory_space<vmem>>[vector<16xi32>, vector<16xi32>], vector<16xf32>,
        %parallel_loop3A_501 = arith.constant 0 : i32
        %parallel_loop3A_502 = arith.index_cast %parallel_loop3A_501 : i32 to index
        %parallel_loop3A_503 = arith.index_cast %parallel_loop3A_469 : i32 to index
        %parallel_loop3A_504 = arith.index_cast %parallel_loop3A_471 : i32 to index
        %parallel_loop3A_505 = arith.constant 64 : index
        %parallel_loop3A_506 = tpu.vector_load %arg12[%parallel_loop3A_502, %parallel_loop3A_503, %parallel_loop3A_504, %parallel_loop3A_505] {strides = array<i32>} : memref<4x4x8x128xf32, #tpu.memory_space<vmem>>, vector<16xf32>,
        tpu.vector_store %arg12[%parallel_loop3A_502, %parallel_loop3A_503, %parallel_loop3A_504, %parallel_loop3A_505], %parallel_loop3A_500 {strides = array<i32>} : memref<4x4x8x128xf32, #tpu.memory_space<vmem>>, vector<16xf32>,
        %parallel_loop3A_507 = tpu.vector_load_idx %arg10[%add3A_216, %parallel_loop3A_467] : memref<128x33xf32, #tpu.memory_space<vmem>>[vector<16xi32>, vector<16xi32>], vector<16xf32>,
        %parallel_loop3A_508 = arith.constant 0 : i32
        %parallel_loop3A_509 = arith.index_cast %parallel_loop3A_508 : i32 to index
        %parallel_loop3A_510 = arith.index_cast %parallel_loop3A_469 : i32 to index
        %parallel_loop3A_511 = arith.index_cast %parallel_loop3A_471 : i32 to index
        %parallel_loop3A_512 = arith.constant 80 : index
        %parallel_loop3A_513 = tpu.vector_load %arg12[%parallel_loop3A_509, %parallel_loop3A_510, %parallel_loop3A_511, %parallel_loop3A_512] {strides = array<i32>} : memref<4x4x8x128xf32, #tpu.memory_space<vmem>>, vector<16xf32>,
        tpu.vector_store %arg12[%parallel_loop3A_509, %parallel_loop3A_510, %parallel_loop3A_511, %parallel_loop3A_512], %parallel_loop3A_507 {strides = array<i32>} : memref<4x4x8x128xf32, #tpu.memory_space<vmem>>, vector<16xf32>,
        %parallel_loop3A_514 = tpu.vector_load_idx %arg10[%add3A_219, %parallel_loop3A_467] : memref<128x33xf32, #tpu.memory_space<vmem>>[vector<16xi32>, vector<16xi32>], vector<16xf32>,
        %parallel_loop3A_515 = arith.constant 0 : i32
        %parallel_loop3A_516 = arith.index_cast %parallel_loop3A_515 : i32 to index
        %parallel_loop3A_517 = arith.index_cast %parallel_loop3A_469 : i32 to index
        %parallel_loop3A_518 = arith.index_cast %parallel_loop3A_471 : i32 to index
        %parallel_loop3A_519 = arith.constant 96 : index
        %parallel_loop3A_520 = tpu.vector_load %arg12[%parallel_loop3A_516, %parallel_loop3A_517, %parallel_loop3A_518, %parallel_loop3A_519] {strides = array<i32>} : memref<4x4x8x128xf32, #tpu.memory_space<vmem>>, vector<16xf32>,
        tpu.vector_store %arg12[%parallel_loop3A_516, %parallel_loop3A_517, %parallel_loop3A_518, %parallel_loop3A_519], %parallel_loop3A_514 {strides = array<i32>} : memref<4x4x8x128xf32, #tpu.memory_space<vmem>>, vector<16xf32>,
        %parallel_loop3A_521 = tpu.vector_load_idx %arg10[%add3A_222, %parallel_loop3A_467] : memref<128x33xf32, #tpu.memory_space<vmem>>[vector<16xi32>, vector<16xi32>], vector<16xf32>,
        %parallel_loop3A_522 = arith.constant 0 : i32
        %parallel_loop3A_523 = arith.index_cast %parallel_loop3A_522 : i32 to index
        %parallel_loop3A_524 = arith.index_cast %parallel_loop3A_469 : i32 to index
        %parallel_loop3A_525 = arith.index_cast %parallel_loop3A_471 : i32 to index
        %parallel_loop3A_526 = arith.constant 112 : index
        %parallel_loop3A_527 = tpu.vector_load %arg12[%parallel_loop3A_523, %parallel_loop3A_524, %parallel_loop3A_525, %parallel_loop3A_526] {strides = array<i32>} : memref<4x4x8x128xf32, #tpu.memory_space<vmem>>, vector<16xf32>,
        tpu.vector_store %arg12[%parallel_loop3A_523, %parallel_loop3A_524, %parallel_loop3A_525, %parallel_loop3A_526], %parallel_loop3A_521 {strides = array<i32>} : memref<4x4x8x128xf32, #tpu.memory_space<vmem>>, vector<16xf32>,
      } {sc.loop_unroll_factor = 4 : i64, sc.parallel_access}
      %mul3A_404 = arith.constant 4 : i32
      %mul3A_405 = arith.muli %add3A_387, %mul3A_404 : i32
      %add3A_406 = arith.constant 1 : i32
      %add3A_407 = arith.addi %mul3A_405, %add3A_406 : i32
      %get3A_408 = arith.index_cast %add3A_407 : i32 to index
      %get3A_409 = arith.constant 0 : index
      %get3A_410 = tpu.vector_load %arg6[%get3A_408, %get3A_409] {strides = array<i32>} : memref<200x32xf32, #tpu.memory_space<vmem>>, vector<16xf32>,
      %get3A_411 = arith.index_cast %add3A_407 : i32 to index
      %get3A_412 = arith.constant 16 : index
      %get3A_413 = tpu.vector_load %arg6[%get3A_411, %get3A_412] {strides = array<i32>} : memref<200x32xf32, #tpu.memory_space<vmem>>, vector<16xf32>,
      %parallel_loop3A_414 = arith.constant 0 : i32
      %parallel_loop3A_415 = arith.constant 128 : i32
      %parallel_loop3A_416 = arith.constant 1 : i32
      scf.for %parallel_loop3A_466 = %parallel_loop3A_414 to %parallel_loop3A_415 step %parallel_loop3A_416  : i32 {
        %parallel_loop3A_467 = arith.constant 128 : i32
        %parallel_loop3A_468 = arith.addi %parallel_loop3A_467, %parallel_loop3A_466 : i32
        %parallel_loop3A_469 = arith.index_cast %parallel_loop3A_468 : i32 to index
        %parallel_loop3A_470 = arith.constant 0 : index
        %parallel_loop3A_471 = tpu.vector_load %arg9[%parallel_loop3A_469, %parallel_loop3A_470] {strides = array<i32>} : memref<512x32xf32, #tpu.memory_space<vmem>>, vector<16xf32>,
        %parallel_loop3A_472 = arith.addf %parallel_loop3A_471, %get3A_410 : vector<16xf32>
        %parallel_loop3A_473 = arith.index_cast %parallel_loop3A_466 : i32 to index
        %parallel_loop3A_474 = arith.constant 0 : index
        %parallel_loop3A_475 = tpu.vector_load %arg10[%parallel_loop3A_473, %parallel_loop3A_474] {strides = array<i32>} : memref<128x33xf32, #tpu.memory_space<vmem>>, vector<16xf32>,
        tpu.vector_store %arg10[%parallel_loop3A_473, %parallel_loop3A_474], %parallel_loop3A_472 {strides = array<i32>} : memref<128x33xf32, #tpu.memory_space<vmem>>, vector<16xf32>,
        %parallel_loop3A_476 = arith.index_cast %parallel_loop3A_468 : i32 to index
        %parallel_loop3A_477 = arith.constant 16 : index
        %parallel_loop3A_478 = tpu.vector_load %arg9[%parallel_loop3A_476, %parallel_loop3A_477] {strides = array<i32>} : memref<512x32xf32, #tpu.memory_space<vmem>>, vector<16xf32>,
        %parallel_loop3A_479 = arith.addf %parallel_loop3A_478, %get3A_413 : vector<16xf32>
        %parallel_loop3A_480 = arith.index_cast %parallel_loop3A_466 : i32 to index
        %parallel_loop3A_481 = arith.constant 16 : index
        %parallel_loop3A_482 = tpu.vector_load %arg10[%parallel_loop3A_480, %parallel_loop3A_481] {strides = array<i32>} : memref<128x33xf32, #tpu.memory_space<vmem>>, vector<16xf32>,
        tpu.vector_store %arg10[%parallel_loop3A_480, %parallel_loop3A_481], %parallel_loop3A_479 {strides = array<i32>} : memref<128x33xf32, #tpu.memory_space<vmem>>, vector<16xf32>,
      } {sc.loop_unroll_factor = 8 : i64, sc.parallel_access}
      %parallel_loop3A_417 = arith.constant 0 : i32
      %parallel_loop3A_418 = arith.constant 32 : i32
      %parallel_loop3A_419 = arith.constant 1 : i32
      scf.for %parallel_loop3A_466 = %parallel_loop3A_417 to %parallel_loop3A_418 step %parallel_loop3A_419  : i32 {
        %parallel_loop3A_467 = vector.broadcast %parallel_loop3A_466 : i32 to vector<16xi32>
        %parallel_loop3A_468 = arith.constant 3 : i32
        %parallel_loop3A_469 = arith.shrsi %parallel_loop3A_466, %parallel_loop3A_468 : i32
        %parallel_loop3A_470 = arith.constant 7 : i32
        %parallel_loop3A_471 = arith.andi %parallel_loop3A_466, %parallel_loop3A_470 : i32
        %parallel_loop3A_472 = tpu.vector_load_idx %arg10[%add3A_201, %parallel_loop3A_467] : memref<128x33xf32, #tpu.memory_space<vmem>>[vector<16xi32>, vector<16xi32>], vector<16xf32>,
        %parallel_loop3A_473 = arith.constant 1 : i32
        %parallel_loop3A_474 = arith.index_cast %parallel_loop3A_473 : i32 to index
        %parallel_loop3A_475 = arith.index_cast %parallel_loop3A_469 : i32 to index
        %parallel_loop3A_476 = arith.index_cast %parallel_loop3A_471 : i32 to index
        %parallel_loop3A_477 = arith.constant 0 : index
        %parallel_loop3A_478 = tpu.vector_load %arg12[%parallel_loop3A_474, %parallel_loop3A_475, %parallel_loop3A_476, %parallel_loop3A_477] {strides = array<i32>} : memref<4x4x8x128xf32, #tpu.memory_space<vmem>>, vector<16xf32>,
        tpu.vector_store %arg12[%parallel_loop3A_474, %parallel_loop3A_475, %parallel_loop3A_476, %parallel_loop3A_477], %parallel_loop3A_472 {strides = array<i32>} : memref<4x4x8x128xf32, #tpu.memory_space<vmem>>, vector<16xf32>,
        %parallel_loop3A_479 = tpu.vector_load_idx %arg10[%add3A_204, %parallel_loop3A_467] : memref<128x33xf32, #tpu.memory_space<vmem>>[vector<16xi32>, vector<16xi32>], vector<16xf32>,
        %parallel_loop3A_480 = arith.constant 1 : i32
        %parallel_loop3A_481 = arith.index_cast %parallel_loop3A_480 : i32 to index
        %parallel_loop3A_482 = arith.index_cast %parallel_loop3A_469 : i32 to index
        %parallel_loop3A_483 = arith.index_cast %parallel_loop3A_471 : i32 to index
        %parallel_loop3A_484 = arith.constant 16 : index
        %parallel_loop3A_485 = tpu.vector_load %arg12[%parallel_loop3A_481, %parallel_loop3A_482, %parallel_loop3A_483, %parallel_loop3A_484] {strides = array<i32>} : memref<4x4x8x128xf32, #tpu.memory_space<vmem>>, vector<16xf32>,
        tpu.vector_store %arg12[%parallel_loop3A_481, %parallel_loop3A_482, %parallel_loop3A_483, %parallel_loop3A_484], %parallel_loop3A_479 {strides = array<i32>} : memref<4x4x8x128xf32, #tpu.memory_space<vmem>>, vector<16xf32>,
        %parallel_loop3A_486 = tpu.vector_load_idx %arg10[%add3A_207, %parallel_loop3A_467] : memref<128x33xf32, #tpu.memory_space<vmem>>[vector<16xi32>, vector<16xi32>], vector<16xf32>,
        %parallel_loop3A_487 = arith.constant 1 : i32
        %parallel_loop3A_488 = arith.index_cast %parallel_loop3A_487 : i32 to index
        %parallel_loop3A_489 = arith.index_cast %parallel_loop3A_469 : i32 to index
        %parallel_loop3A_490 = arith.index_cast %parallel_loop3A_471 : i32 to index
        %parallel_loop3A_491 = arith.constant 32 : index
        %parallel_loop3A_492 = tpu.vector_load %arg12[%parallel_loop3A_488, %parallel_loop3A_489, %parallel_loop3A_490, %parallel_loop3A_491] {strides = array<i32>} : memref<4x4x8x128xf32, #tpu.memory_space<vmem>>, vector<16xf32>,
        tpu.vector_store %arg12[%parallel_loop3A_488, %parallel_loop3A_489, %parallel_loop3A_490, %parallel_loop3A_491], %parallel_loop3A_486 {strides = array<i32>} : memref<4x4x8x128xf32, #tpu.memory_space<vmem>>, vector<16xf32>,
        %parallel_loop3A_493 = tpu.vector_load_idx %arg10[%add3A_210, %parallel_loop3A_467] : memref<128x33xf32, #tpu.memory_space<vmem>>[vector<16xi32>, vector<16xi32>], vector<16xf32>,
        %parallel_loop3A_494 = arith.constant 1 : i32
        %parallel_loop3A_495 = arith.index_cast %parallel_loop3A_494 : i32 to index
        %parallel_loop3A_496 = arith.index_cast %parallel_loop3A_469 : i32 to index
        %parallel_loop3A_497 = arith.index_cast %parallel_loop3A_471 : i32 to index
        %parallel_loop3A_498 = arith.constant 48 : index
        %parallel_loop3A_499 = tpu.vector_load %arg12[%parallel_loop3A_495, %parallel_loop3A_496, %parallel_loop3A_497, %parallel_loop3A_498] {strides = array<i32>} : memref<4x4x8x128xf32, #tpu.memory_space<vmem>>, vector<16xf32>,
        tpu.vector_store %arg12[%parallel_loop3A_495, %parallel_loop3A_496, %parallel_loop3A_497, %parallel_loop3A_498], %parallel_loop3A_493 {strides = array<i32>} : memref<4x4x8x128xf32, #tpu.memory_space<vmem>>, vector<16xf32>,
        %parallel_loop3A_500 = tpu.vector_load_idx %arg10[%add3A_213, %parallel_loop3A_467] : memref<128x33xf32, #tpu.memory_space<vmem>>[vector<16xi32>, vector<16xi32>], vector<16xf32>,
        %parallel_loop3A_501 = arith.constant 1 : i32
        %parallel_loop3A_502 = arith.index_cast %parallel_loop3A_501 : i32 to index
        %parallel_loop3A_503 = arith.index_cast %parallel_loop3A_469 : i32 to index
        %parallel_loop3A_504 = arith.index_cast %parallel_loop3A_471 : i32 to index
        %parallel_loop3A_505 = arith.constant 64 : index
        %parallel_loop3A_506 = tpu.vector_load %arg12[%parallel_loop3A_502, %parallel_loop3A_503, %parallel_loop3A_504, %parallel_loop3A_505] {strides = array<i32>} : memref<4x4x8x128xf32, #tpu.memory_space<vmem>>, vector<16xf32>,
        tpu.vector_store %arg12[%parallel_loop3A_502, %parallel_loop3A_503, %parallel_loop3A_504, %parallel_loop3A_505], %parallel_loop3A_500 {strides = array<i32>} : memref<4x4x8x128xf32, #tpu.memory_space<vmem>>, vector<16xf32>,
        %parallel_loop3A_507 = tpu.vector_load_idx %arg10[%add3A_216, %parallel_loop3A_467] : memref<128x33xf32, #tpu.memory_space<vmem>>[vector<16xi32>, vector<16xi32>], vector<16xf32>,
        %parallel_loop3A_508 = arith.constant 1 : i32
        %parallel_loop3A_509 = arith.index_cast %parallel_loop3A_508 : i32 to index
        %parallel_loop3A_510 = arith.index_cast %parallel_loop3A_469 : i32 to index
        %parallel_loop3A_511 = arith.index_cast %parallel_loop3A_471 : i32 to index
        %parallel_loop3A_512 = arith.constant 80 : index
        %parallel_loop3A_513 = tpu.vector_load %arg12[%parallel_loop3A_509, %parallel_loop3A_510, %parallel_loop3A_511, %parallel_loop3A_512] {strides = array<i32>} : memref<4x4x8x128xf32, #tpu.memory_space<vmem>>, vector<16xf32>,
        tpu.vector_store %arg12[%parallel_loop3A_509, %parallel_loop3A_510, %parallel_loop3A_511, %parallel_loop3A_512], %parallel_loop3A_507 {strides = array<i32>} : memref<4x4x8x128xf32, #tpu.memory_space<vmem>>, vector<16xf32>,
        %parallel_loop3A_514 = tpu.vector_load_idx %arg10[%add3A_219, %parallel_loop3A_467] : memref<128x33xf32, #tpu.memory_space<vmem>>[vector<16xi32>, vector<16xi32>], vector<16xf32>,
        %parallel_loop3A_515 = arith.constant 1 : i32
        %parallel_loop3A_516 = arith.index_cast %parallel_loop3A_515 : i32 to index
        %parallel_loop3A_517 = arith.index_cast %parallel_loop3A_469 : i32 to index
        %parallel_loop3A_518 = arith.index_cast %parallel_loop3A_471 : i32 to index
        %parallel_loop3A_519 = arith.constant 96 : index
        %parallel_loop3A_520 = tpu.vector_load %arg12[%parallel_loop3A_516, %parallel_loop3A_517, %parallel_loop3A_518, %parallel_loop3A_519] {strides = array<i32>} : memref<4x4x8x128xf32, #tpu.memory_space<vmem>>, vector<16xf32>,
        tpu.vector_store %arg12[%parallel_loop3A_516, %parallel_loop3A_517, %parallel_loop3A_518, %parallel_loop3A_519], %parallel_loop3A_514 {strides = array<i32>} : memref<4x4x8x128xf32, #tpu.memory_space<vmem>>, vector<16xf32>,
        %parallel_loop3A_521 = tpu.vector_load_idx %arg10[%add3A_222, %parallel_loop3A_467] : memref<128x33xf32, #tpu.memory_space<vmem>>[vector<16xi32>, vector<16xi32>], vector<16xf32>,
        %parallel_loop3A_522 = arith.constant 1 : i32
        %parallel_loop3A_523 = arith.index_cast %parallel_loop3A_522 : i32 to index
        %parallel_loop3A_524 = arith.index_cast %parallel_loop3A_469 : i32 to index
        %parallel_loop3A_525 = arith.index_cast %parallel_loop3A_471 : i32 to index
        %parallel_loop3A_526 = arith.constant 112 : index
        %parallel_loop3A_527 = tpu.vector_load %arg12[%parallel_loop3A_523, %parallel_loop3A_524, %parallel_loop3A_525, %parallel_loop3A_526] {strides = array<i32>} : memref<4x4x8x128xf32, #tpu.memory_space<vmem>>, vector<16xf32>,
        tpu.vector_store %arg12[%parallel_loop3A_523, %parallel_loop3A_524, %parallel_loop3A_525, %parallel_loop3A_526], %parallel_loop3A_521 {strides = array<i32>} : memref<4x4x8x128xf32, #tpu.memory_space<vmem>>, vector<16xf32>,
      } {sc.loop_unroll_factor = 4 : i64, sc.parallel_access}
      %mul3A_420 = arith.constant 4 : i32
      %mul3A_421 = arith.muli %add3A_387, %mul3A_420 : i32
      %add3A_422 = arith.constant 2 : i32
      %add3A_423 = arith.addi %mul3A_421, %add3A_422 : i32
      %get3A_424 = arith.index_cast %add3A_423 : i32 to index
      %get3A_425 = arith.constant 0 : index
      %get3A_426 = tpu.vector_load %arg6[%get3A_424, %get3A_425] {strides = array<i32>} : memref<200x32xf32, #tpu.memory_space<vmem>>, vector<16xf32>,
      %get3A_427 = arith.index_cast %add3A_423 : i32 to index
      %get3A_428 = arith.constant 16 : index
      %get3A_429 = tpu.vector_load %arg6[%get3A_427, %get3A_428] {strides = array<i32>} : memref<200x32xf32, #tpu.memory_space<vmem>>, vector<16xf32>,
      %parallel_loop3A_430 = arith.constant 0 : i32
      %parallel_loop3A_431 = arith.constant 128 : i32
      %parallel_loop3A_432 = arith.constant 1 : i32
      scf.for %parallel_loop3A_466 = %parallel_loop3A_430 to %parallel_loop3A_431 step %parallel_loop3A_432  : i32 {
        %parallel_loop3A_467 = arith.constant 256 : i32
        %parallel_loop3A_468 = arith.addi %parallel_loop3A_467, %parallel_loop3A_466 : i32
        %parallel_loop3A_469 = arith.index_cast %parallel_loop3A_468 : i32 to index
        %parallel_loop3A_470 = arith.constant 0 : index
        %parallel_loop3A_471 = tpu.vector_load %arg9[%parallel_loop3A_469, %parallel_loop3A_470] {strides = array<i32>} : memref<512x32xf32, #tpu.memory_space<vmem>>, vector<16xf32>,
        %parallel_loop3A_472 = arith.addf %parallel_loop3A_471, %get3A_426 : vector<16xf32>
        %parallel_loop3A_473 = arith.index_cast %parallel_loop3A_466 : i32 to index
        %parallel_loop3A_474 = arith.constant 0 : index
        %parallel_loop3A_475 = tpu.vector_load %arg10[%parallel_loop3A_473, %parallel_loop3A_474] {strides = array<i32>} : memref<128x33xf32, #tpu.memory_space<vmem>>, vector<16xf32>,
        tpu.vector_store %arg10[%parallel_loop3A_473, %parallel_loop3A_474], %parallel_loop3A_472 {strides = array<i32>} : memref<128x33xf32, #tpu.memory_space<vmem>>, vector<16xf32>,
        %parallel_loop3A_476 = arith.index_cast %parallel_loop3A_468 : i32 to index
        %parallel_loop3A_477 = arith.constant 16 : index
        %parallel_loop3A_478 = tpu.vector_load %arg9[%parallel_loop3A_476, %parallel_loop3A_477] {strides = array<i32>} : memref<512x32xf32, #tpu.memory_space<vmem>>, vector<16xf32>,
        %parallel_loop3A_479 = arith.addf %parallel_loop3A_478, %get3A_429 : vector<16xf32>
        %parallel_loop3A_480 = arith.index_cast %parallel_loop3A_466 : i32 to index
        %parallel_loop3A_481 = arith.constant 16 : index
        %parallel_loop3A_482 = tpu.vector_load %arg10[%parallel_loop3A_480, %parallel_loop3A_481] {strides = array<i32>} : memref<128x33xf32, #tpu.memory_space<vmem>>, vector<16xf32>,
        tpu.vector_store %arg10[%parallel_loop3A_480, %parallel_loop3A_481], %parallel_loop3A_479 {strides = array<i32>} : memref<128x33xf32, #tpu.memory_space<vmem>>, vector<16xf32>,
      } {sc.loop_unroll_factor = 8 : i64, sc.parallel_access}
      %parallel_loop3A_433 = arith.constant 0 : i32
      %parallel_loop3A_434 = arith.constant 32 : i32
      %parallel_loop3A_435 = arith.constant 1 : i32
      scf.for %parallel_loop3A_466 = %parallel_loop3A_433 to %parallel_loop3A_434 step %parallel_loop3A_435  : i32 {
        %parallel_loop3A_467 = vector.broadcast %parallel_loop3A_466 : i32 to vector<16xi32>
        %parallel_loop3A_468 = arith.constant 3 : i32
        %parallel_loop3A_469 = arith.shrsi %parallel_loop3A_466, %parallel_loop3A_468 : i32
        %parallel_loop3A_470 = arith.constant 7 : i32
        %parallel_loop3A_471 = arith.andi %parallel_loop3A_466, %parallel_loop3A_470 : i32
        %parallel_loop3A_472 = tpu.vector_load_idx %arg10[%add3A_201, %parallel_loop3A_467] : memref<128x33xf32, #tpu.memory_space<vmem>>[vector<16xi32>, vector<16xi32>], vector<16xf32>,
        %parallel_loop3A_473 = arith.constant 2 : i32
        %parallel_loop3A_474 = arith.index_cast %parallel_loop3A_473 : i32 to index
        %parallel_loop3A_475 = arith.index_cast %parallel_loop3A_469 : i32 to index
        %parallel_loop3A_476 = arith.index_cast %parallel_loop3A_471 : i32 to index
        %parallel_loop3A_477 = arith.constant 0 : index
        %parallel_loop3A_478 = tpu.vector_load %arg12[%parallel_loop3A_474, %parallel_loop3A_475, %parallel_loop3A_476, %parallel_loop3A_477] {strides = array<i32>} : memref<4x4x8x128xf32, #tpu.memory_space<vmem>>, vector<16xf32>,
        tpu.vector_store %arg12[%parallel_loop3A_474, %parallel_loop3A_475, %parallel_loop3A_476, %parallel_loop3A_477], %parallel_loop3A_472 {strides = array<i32>} : memref<4x4x8x128xf32, #tpu.memory_space<vmem>>, vector<16xf32>,
        %parallel_loop3A_479 = tpu.vector_load_idx %arg10[%add3A_204, %parallel_loop3A_467] : memref<128x33xf32, #tpu.memory_space<vmem>>[vector<16xi32>, vector<16xi32>], vector<16xf32>,
        %parallel_loop3A_480 = arith.constant 2 : i32
        %parallel_loop3A_481 = arith.index_cast %parallel_loop3A_480 : i32 to index
        %parallel_loop3A_482 = arith.index_cast %parallel_loop3A_469 : i32 to index
        %parallel_loop3A_483 = arith.index_cast %parallel_loop3A_471 : i32 to index
        %parallel_loop3A_484 = arith.constant 16 : index
        %parallel_loop3A_485 = tpu.vector_load %arg12[%parallel_loop3A_481, %parallel_loop3A_482, %parallel_loop3A_483, %parallel_loop3A_484] {strides = array<i32>} : memref<4x4x8x128xf32, #tpu.memory_space<vmem>>, vector<16xf32>,
        tpu.vector_store %arg12[%parallel_loop3A_481, %parallel_loop3A_482, %parallel_loop3A_483, %parallel_loop3A_484], %parallel_loop3A_479 {strides = array<i32>} : memref<4x4x8x128xf32, #tpu.memory_space<vmem>>, vector<16xf32>,
        %parallel_loop3A_486 = tpu.vector_load_idx %arg10[%add3A_207, %parallel_loop3A_467] : memref<128x33xf32, #tpu.memory_space<vmem>>[vector<16xi32>, vector<16xi32>], vector<16xf32>,
        %parallel_loop3A_487 = arith.constant 2 : i32
        %parallel_loop3A_488 = arith.index_cast %parallel_loop3A_487 : i32 to index
        %parallel_loop3A_489 = arith.index_cast %parallel_loop3A_469 : i32 to index
        %parallel_loop3A_490 = arith.index_cast %parallel_loop3A_471 : i32 to index
        %parallel_loop3A_491 = arith.constant 32 : index
        %parallel_loop3A_492 = tpu.vector_load %arg12[%parallel_loop3A_488, %parallel_loop3A_489, %parallel_loop3A_490, %parallel_loop3A_491] {strides = array<i32>} : memref<4x4x8x128xf32, #tpu.memory_space<vmem>>, vector<16xf32>,
        tpu.vector_store %arg12[%parallel_loop3A_488, %parallel_loop3A_489, %parallel_loop3A_490, %parallel_loop3A_491], %parallel_loop3A_486 {strides = array<i32>} : memref<4x4x8x128xf32, #tpu.memory_space<vmem>>, vector<16xf32>,
        %parallel_loop3A_493 = tpu.vector_load_idx %arg10[%add3A_210, %parallel_loop3A_467] : memref<128x33xf32, #tpu.memory_space<vmem>>[vector<16xi32>, vector<16xi32>], vector<16xf32>,
        %parallel_loop3A_494 = arith.constant 2 : i32
        %parallel_loop3A_495 = arith.index_cast %parallel_loop3A_494 : i32 to index
        %parallel_loop3A_496 = arith.index_cast %parallel_loop3A_469 : i32 to index
        %parallel_loop3A_497 = arith.index_cast %parallel_loop3A_471 : i32 to index
        %parallel_loop3A_498 = arith.constant 48 : index
        %parallel_loop3A_499 = tpu.vector_load %arg12[%parallel_loop3A_495, %parallel_loop3A_496, %parallel_loop3A_497, %parallel_loop3A_498] {strides = array<i32>} : memref<4x4x8x128xf32, #tpu.memory_space<vmem>>, vector<16xf32>,
        tpu.vector_store %arg12[%parallel_loop3A_495, %parallel_loop3A_496, %parallel_loop3A_497, %parallel_loop3A_498], %parallel_loop3A_493 {strides = array<i32>} : memref<4x4x8x128xf32, #tpu.memory_space<vmem>>, vector<16xf32>,
        %parallel_loop3A_500 = tpu.vector_load_idx %arg10[%add3A_213, %parallel_loop3A_467] : memref<128x33xf32, #tpu.memory_space<vmem>>[vector<16xi32>, vector<16xi32>], vector<16xf32>,
        %parallel_loop3A_501 = arith.constant 2 : i32
        %parallel_loop3A_502 = arith.index_cast %parallel_loop3A_501 : i32 to index
        %parallel_loop3A_503 = arith.index_cast %parallel_loop3A_469 : i32 to index
        %parallel_loop3A_504 = arith.index_cast %parallel_loop3A_471 : i32 to index
        %parallel_loop3A_505 = arith.constant 64 : index
        %parallel_loop3A_506 = tpu.vector_load %arg12[%parallel_loop3A_502, %parallel_loop3A_503, %parallel_loop3A_504, %parallel_loop3A_505] {strides = array<i32>} : memref<4x4x8x128xf32, #tpu.memory_space<vmem>>, vector<16xf32>,
        tpu.vector_store %arg12[%parallel_loop3A_502, %parallel_loop3A_503, %parallel_loop3A_504, %parallel_loop3A_505], %parallel_loop3A_500 {strides = array<i32>} : memref<4x4x8x128xf32, #tpu.memory_space<vmem>>, vector<16xf32>,
        %parallel_loop3A_507 = tpu.vector_load_idx %arg10[%add3A_216, %parallel_loop3A_467] : memref<128x33xf32, #tpu.memory_space<vmem>>[vector<16xi32>, vector<16xi32>], vector<16xf32>,
        %parallel_loop3A_508 = arith.constant 2 : i32
        %parallel_loop3A_509 = arith.index_cast %parallel_loop3A_508 : i32 to index
        %parallel_loop3A_510 = arith.index_cast %parallel_loop3A_469 : i32 to index
        %parallel_loop3A_511 = arith.index_cast %parallel_loop3A_471 : i32 to index
        %parallel_loop3A_512 = arith.constant 80 : index
        %parallel_loop3A_513 = tpu.vector_load %arg12[%parallel_loop3A_509, %parallel_loop3A_510, %parallel_loop3A_511, %parallel_loop3A_512] {strides = array<i32>} : memref<4x4x8x128xf32, #tpu.memory_space<vmem>>, vector<16xf32>,
        tpu.vector_store %arg12[%parallel_loop3A_509, %parallel_loop3A_510, %parallel_loop3A_511, %parallel_loop3A_512], %parallel_loop3A_507 {strides = array<i32>} : memref<4x4x8x128xf32, #tpu.memory_space<vmem>>, vector<16xf32>,
        %parallel_loop3A_514 = tpu.vector_load_idx %arg10[%add3A_219, %parallel_loop3A_467] : memref<128x33xf32, #tpu.memory_space<vmem>>[vector<16xi32>, vector<16xi32>], vector<16xf32>,
        %parallel_loop3A_515 = arith.constant 2 : i32
        %parallel_loop3A_516 = arith.index_cast %parallel_loop3A_515 : i32 to index
        %parallel_loop3A_517 = arith.index_cast %parallel_loop3A_469 : i32 to index
        %parallel_loop3A_518 = arith.index_cast %parallel_loop3A_471 : i32 to index
        %parallel_loop3A_519 = arith.constant 96 : index
        %parallel_loop3A_520 = tpu.vector_load %arg12[%parallel_loop3A_516, %parallel_loop3A_517, %parallel_loop3A_518, %parallel_loop3A_519] {strides = array<i32>} : memref<4x4x8x128xf32, #tpu.memory_space<vmem>>, vector<16xf32>,
        tpu.vector_store %arg12[%parallel_loop3A_516, %parallel_loop3A_517, %parallel_loop3A_518, %parallel_loop3A_519], %parallel_loop3A_514 {strides = array<i32>} : memref<4x4x8x128xf32, #tpu.memory_space<vmem>>, vector<16xf32>,
        %parallel_loop3A_521 = tpu.vector_load_idx %arg10[%add3A_222, %parallel_loop3A_467] : memref<128x33xf32, #tpu.memory_space<vmem>>[vector<16xi32>, vector<16xi32>], vector<16xf32>,
        %parallel_loop3A_522 = arith.constant 2 : i32
        %parallel_loop3A_523 = arith.index_cast %parallel_loop3A_522 : i32 to index
        %parallel_loop3A_524 = arith.index_cast %parallel_loop3A_469 : i32 to index
        %parallel_loop3A_525 = arith.index_cast %parallel_loop3A_471 : i32 to index
        %parallel_loop3A_526 = arith.constant 112 : index
        %parallel_loop3A_527 = tpu.vector_load %arg12[%parallel_loop3A_523, %parallel_loop3A_524, %parallel_loop3A_525, %parallel_loop3A_526] {strides = array<i32>} : memref<4x4x8x128xf32, #tpu.memory_space<vmem>>, vector<16xf32>,
        tpu.vector_store %arg12[%parallel_loop3A_523, %parallel_loop3A_524, %parallel_loop3A_525, %parallel_loop3A_526], %parallel_loop3A_521 {strides = array<i32>} : memref<4x4x8x128xf32, #tpu.memory_space<vmem>>, vector<16xf32>,
      } {sc.loop_unroll_factor = 4 : i64, sc.parallel_access}
      %mul3A_436 = arith.constant 4 : i32
      %mul3A_437 = arith.muli %add3A_387, %mul3A_436 : i32
      %add3A_438 = arith.constant 3 : i32
      %add3A_439 = arith.addi %mul3A_437, %add3A_438 : i32
      %get3A_440 = arith.index_cast %add3A_439 : i32 to index
      %get3A_441 = arith.constant 0 : index
      %get3A_442 = tpu.vector_load %arg6[%get3A_440, %get3A_441] {strides = array<i32>} : memref<200x32xf32, #tpu.memory_space<vmem>>, vector<16xf32>,
      %get3A_443 = arith.index_cast %add3A_439 : i32 to index
      %get3A_444 = arith.constant 16 : index
      %get3A_445 = tpu.vector_load %arg6[%get3A_443, %get3A_444] {strides = array<i32>} : memref<200x32xf32, #tpu.memory_space<vmem>>, vector<16xf32>,
      %parallel_loop3A_446 = arith.constant 0 : i32
      %parallel_loop3A_447 = arith.constant 128 : i32
      %parallel_loop3A_448 = arith.constant 1 : i32
      scf.for %parallel_loop3A_466 = %parallel_loop3A_446 to %parallel_loop3A_447 step %parallel_loop3A_448  : i32 {
        %parallel_loop3A_467 = arith.constant 384 : i32
        %parallel_loop3A_468 = arith.addi %parallel_loop3A_467, %parallel_loop3A_466 : i32
        %parallel_loop3A_469 = arith.index_cast %parallel_loop3A_468 : i32 to index
        %parallel_loop3A_470 = arith.constant 0 : index
        %parallel_loop3A_471 = tpu.vector_load %arg9[%parallel_loop3A_469, %parallel_loop3A_470] {strides = array<i32>} : memref<512x32xf32, #tpu.memory_space<vmem>>, vector<16xf32>,
        %parallel_loop3A_472 = arith.addf %parallel_loop3A_471, %get3A_442 : vector<16xf32>
        %parallel_loop3A_473 = arith.index_cast %parallel_loop3A_466 : i32 to index
        %parallel_loop3A_474 = arith.constant 0 : index
        %parallel_loop3A_475 = tpu.vector_load %arg10[%parallel_loop3A_473, %parallel_loop3A_474] {strides = array<i32>} : memref<128x33xf32, #tpu.memory_space<vmem>>, vector<16xf32>,
        tpu.vector_store %arg10[%parallel_loop3A_473, %parallel_loop3A_474], %parallel_loop3A_472 {strides = array<i32>} : memref<128x33xf32, #tpu.memory_space<vmem>>, vector<16xf32>,
        %parallel_loop3A_476 = arith.index_cast %parallel_loop3A_468 : i32 to index
        %parallel_loop3A_477 = arith.constant 16 : index
        %parallel_loop3A_478 = tpu.vector_load %arg9[%parallel_loop3A_476, %parallel_loop3A_477] {strides = array<i32>} : memref<512x32xf32, #tpu.memory_space<vmem>>, vector<16xf32>,
        %parallel_loop3A_479 = arith.addf %parallel_loop3A_478, %get3A_445 : vector<16xf32>
        %parallel_loop3A_480 = arith.index_cast %parallel_loop3A_466 : i32 to index
        %parallel_loop3A_481 = arith.constant 16 : index
        %parallel_loop3A_482 = tpu.vector_load %arg10[%parallel_loop3A_480, %parallel_loop3A_481] {strides = array<i32>} : memref<128x33xf32, #tpu.memory_space<vmem>>, vector<16xf32>,
        tpu.vector_store %arg10[%parallel_loop3A_480, %parallel_loop3A_481], %parallel_loop3A_479 {strides = array<i32>} : memref<128x33xf32, #tpu.memory_space<vmem>>, vector<16xf32>,
      } {sc.loop_unroll_factor = 8 : i64, sc.parallel_access}
      %parallel_loop3A_449 = arith.constant 0 : i32
      %parallel_loop3A_450 = arith.constant 32 : i32
      %parallel_loop3A_451 = arith.constant 1 : i32
      scf.for %parallel_loop3A_466 = %parallel_loop3A_449 to %parallel_loop3A_450 step %parallel_loop3A_451  : i32 {
        %parallel_loop3A_467 = vector.broadcast %parallel_loop3A_466 : i32 to vector<16xi32>
        %parallel_loop3A_468 = arith.constant 3 : i32
        %parallel_loop3A_469 = arith.shrsi %parallel_loop3A_466, %parallel_loop3A_468 : i32
        %parallel_loop3A_470 = arith.constant 7 : i32
        %parallel_loop3A_471 = arith.andi %parallel_loop3A_466, %parallel_loop3A_470 : i32
        %parallel_loop3A_472 = tpu.vector_load_idx %arg10[%add3A_201, %parallel_loop3A_467] : memref<128x33xf32, #tpu.memory_space<vmem>>[vector<16xi32>, vector<16xi32>], vector<16xf32>,
        %parallel_loop3A_473 = arith.constant 3 : i32
        %parallel_loop3A_474 = arith.index_cast %parallel_loop3A_473 : i32 to index
        %parallel_loop3A_475 = arith.index_cast %parallel_loop3A_469 : i32 to index
        %parallel_loop3A_476 = arith.index_cast %parallel_loop3A_471 : i32 to index
        %parallel_loop3A_477 = arith.constant 0 : index
        %parallel_loop3A_478 = tpu.vector_load %arg12[%parallel_loop3A_474, %parallel_loop3A_475, %parallel_loop3A_476, %parallel_loop3A_477] {strides = array<i32>} : memref<4x4x8x128xf32, #tpu.memory_space<vmem>>, vector<16xf32>,
        tpu.vector_store %arg12[%parallel_loop3A_474, %parallel_loop3A_475, %parallel_loop3A_476, %parallel_loop3A_477], %parallel_loop3A_472 {strides = array<i32>} : memref<4x4x8x128xf32, #tpu.memory_space<vmem>>, vector<16xf32>,
        %parallel_loop3A_479 = tpu.vector_load_idx %arg10[%add3A_204, %parallel_loop3A_467] : memref<128x33xf32, #tpu.memory_space<vmem>>[vector<16xi32>, vector<16xi32>], vector<16xf32>,
        %parallel_loop3A_480 = arith.constant 3 : i32
        %parallel_loop3A_481 = arith.index_cast %parallel_loop3A_480 : i32 to index
        %parallel_loop3A_482 = arith.index_cast %parallel_loop3A_469 : i32 to index
        %parallel_loop3A_483 = arith.index_cast %parallel_loop3A_471 : i32 to index
        %parallel_loop3A_484 = arith.constant 16 : index
        %parallel_loop3A_485 = tpu.vector_load %arg12[%parallel_loop3A_481, %parallel_loop3A_482, %parallel_loop3A_483, %parallel_loop3A_484] {strides = array<i32>} : memref<4x4x8x128xf32, #tpu.memory_space<vmem>>, vector<16xf32>,
        tpu.vector_store %arg12[%parallel_loop3A_481, %parallel_loop3A_482, %parallel_loop3A_483, %parallel_loop3A_484], %parallel_loop3A_479 {strides = array<i32>} : memref<4x4x8x128xf32, #tpu.memory_space<vmem>>, vector<16xf32>,
        %parallel_loop3A_486 = tpu.vector_load_idx %arg10[%add3A_207, %parallel_loop3A_467] : memref<128x33xf32, #tpu.memory_space<vmem>>[vector<16xi32>, vector<16xi32>], vector<16xf32>,
        %parallel_loop3A_487 = arith.constant 3 : i32
        %parallel_loop3A_488 = arith.index_cast %parallel_loop3A_487 : i32 to index
        %parallel_loop3A_489 = arith.index_cast %parallel_loop3A_469 : i32 to index
        %parallel_loop3A_490 = arith.index_cast %parallel_loop3A_471 : i32 to index
        %parallel_loop3A_491 = arith.constant 32 : index
        %parallel_loop3A_492 = tpu.vector_load %arg12[%parallel_loop3A_488, %parallel_loop3A_489, %parallel_loop3A_490, %parallel_loop3A_491] {strides = array<i32>} : memref<4x4x8x128xf32, #tpu.memory_space<vmem>>, vector<16xf32>,
        tpu.vector_store %arg12[%parallel_loop3A_488, %parallel_loop3A_489, %parallel_loop3A_490, %parallel_loop3A_491], %parallel_loop3A_486 {strides = array<i32>} : memref<4x4x8x128xf32, #tpu.memory_space<vmem>>, vector<16xf32>,
        %parallel_loop3A_493 = tpu.vector_load_idx %arg10[%add3A_210, %parallel_loop3A_467] : memref<128x33xf32, #tpu.memory_space<vmem>>[vector<16xi32>, vector<16xi32>], vector<16xf32>,
        %parallel_loop3A_494 = arith.constant 3 : i32
        %parallel_loop3A_495 = arith.index_cast %parallel_loop3A_494 : i32 to index
        %parallel_loop3A_496 = arith.index_cast %parallel_loop3A_469 : i32 to index
        %parallel_loop3A_497 = arith.index_cast %parallel_loop3A_471 : i32 to index
        %parallel_loop3A_498 = arith.constant 48 : index
        %parallel_loop3A_499 = tpu.vector_load %arg12[%parallel_loop3A_495, %parallel_loop3A_496, %parallel_loop3A_497, %parallel_loop3A_498] {strides = array<i32>} : memref<4x4x8x128xf32, #tpu.memory_space<vmem>>, vector<16xf32>,
        tpu.vector_store %arg12[%parallel_loop3A_495, %parallel_loop3A_496, %parallel_loop3A_497, %parallel_loop3A_498], %parallel_loop3A_493 {strides = array<i32>} : memref<4x4x8x128xf32, #tpu.memory_space<vmem>>, vector<16xf32>,
        %parallel_loop3A_500 = tpu.vector_load_idx %arg10[%add3A_213, %parallel_loop3A_467] : memref<128x33xf32, #tpu.memory_space<vmem>>[vector<16xi32>, vector<16xi32>], vector<16xf32>,
        %parallel_loop3A_501 = arith.constant 3 : i32
        %parallel_loop3A_502 = arith.index_cast %parallel_loop3A_501 : i32 to index
        %parallel_loop3A_503 = arith.index_cast %parallel_loop3A_469 : i32 to index
        %parallel_loop3A_504 = arith.index_cast %parallel_loop3A_471 : i32 to index
        %parallel_loop3A_505 = arith.constant 64 : index
        %parallel_loop3A_506 = tpu.vector_load %arg12[%parallel_loop3A_502, %parallel_loop3A_503, %parallel_loop3A_504, %parallel_loop3A_505] {strides = array<i32>} : memref<4x4x8x128xf32, #tpu.memory_space<vmem>>, vector<16xf32>,
        tpu.vector_store %arg12[%parallel_loop3A_502, %parallel_loop3A_503, %parallel_loop3A_504, %parallel_loop3A_505], %parallel_loop3A_500 {strides = array<i32>} : memref<4x4x8x128xf32, #tpu.memory_space<vmem>>, vector<16xf32>,
        %parallel_loop3A_507 = tpu.vector_load_idx %arg10[%add3A_216, %parallel_loop3A_467] : memref<128x33xf32, #tpu.memory_space<vmem>>[vector<16xi32>, vector<16xi32>], vector<16xf32>,
        %parallel_loop3A_508 = arith.constant 3 : i32
        %parallel_loop3A_509 = arith.index_cast %parallel_loop3A_508 : i32 to index
        %parallel_loop3A_510 = arith.index_cast %parallel_loop3A_469 : i32 to index
        %parallel_loop3A_511 = arith.index_cast %parallel_loop3A_471 : i32 to index
        %parallel_loop3A_512 = arith.constant 80 : index
        %parallel_loop3A_513 = tpu.vector_load %arg12[%parallel_loop3A_509, %parallel_loop3A_510, %parallel_loop3A_511, %parallel_loop3A_512] {strides = array<i32>} : memref<4x4x8x128xf32, #tpu.memory_space<vmem>>, vector<16xf32>,
        tpu.vector_store %arg12[%parallel_loop3A_509, %parallel_loop3A_510, %parallel_loop3A_511, %parallel_loop3A_512], %parallel_loop3A_507 {strides = array<i32>} : memref<4x4x8x128xf32, #tpu.memory_space<vmem>>, vector<16xf32>,
        %parallel_loop3A_514 = tpu.vector_load_idx %arg10[%add3A_219, %parallel_loop3A_467] : memref<128x33xf32, #tpu.memory_space<vmem>>[vector<16xi32>, vector<16xi32>], vector<16xf32>,
        %parallel_loop3A_515 = arith.constant 3 : i32
        %parallel_loop3A_516 = arith.index_cast %parallel_loop3A_515 : i32 to index
        %parallel_loop3A_517 = arith.index_cast %parallel_loop3A_469 : i32 to index
        %parallel_loop3A_518 = arith.index_cast %parallel_loop3A_471 : i32 to index
        %parallel_loop3A_519 = arith.constant 96 : index
        %parallel_loop3A_520 = tpu.vector_load %arg12[%parallel_loop3A_516, %parallel_loop3A_517, %parallel_loop3A_518, %parallel_loop3A_519] {strides = array<i32>} : memref<4x4x8x128xf32, #tpu.memory_space<vmem>>, vector<16xf32>,
        tpu.vector_store %arg12[%parallel_loop3A_516, %parallel_loop3A_517, %parallel_loop3A_518, %parallel_loop3A_519], %parallel_loop3A_514 {strides = array<i32>} : memref<4x4x8x128xf32, #tpu.memory_space<vmem>>, vector<16xf32>,
        %parallel_loop3A_521 = tpu.vector_load_idx %arg10[%add3A_222, %parallel_loop3A_467] : memref<128x33xf32, #tpu.memory_space<vmem>>[vector<16xi32>, vector<16xi32>], vector<16xf32>,
        %parallel_loop3A_522 = arith.constant 3 : i32
        %parallel_loop3A_523 = arith.index_cast %parallel_loop3A_522 : i32 to index
        %parallel_loop3A_524 = arith.index_cast %parallel_loop3A_469 : i32 to index
        %parallel_loop3A_525 = arith.index_cast %parallel_loop3A_471 : i32 to index
        %parallel_loop3A_526 = arith.constant 112 : index
        %parallel_loop3A_527 = tpu.vector_load %arg12[%parallel_loop3A_523, %parallel_loop3A_524, %parallel_loop3A_525, %parallel_loop3A_526] {strides = array<i32>} : memref<4x4x8x128xf32, #tpu.memory_space<vmem>>, vector<16xf32>,
        tpu.vector_store %arg12[%parallel_loop3A_523, %parallel_loop3A_524, %parallel_loop3A_525, %parallel_loop3A_526], %parallel_loop3A_521 {strides = array<i32>} : memref<4x4x8x128xf32, #tpu.memory_space<vmem>>, vector<16xf32>,
      } {sc.loop_unroll_factor = 4 : i64, sc.parallel_access}
      %add3A_452 = arith.constant 1 : i32
      %add3A_453 = arith.addi %mul3A_259, %add3A_452 : i32
      %mul3A_454 = arith.constant 4 : i32
      %mul3A_455 = arith.muli %add3A_453, %mul3A_454 : i32
      %dma_start3A_456 = arith.constant 0 : i32
      %dma_start3A_457 = arith.constant 0 : i32
      %dma_start3A_458 = arith.constant 0 : i32
      %dma_start3A_459 = tpu.memref_slice %arg5[%mul3A_455, %dma_start3A_456, %add3A, %dma_start3A_457, %dma_start3A_458] : memref<200x4x32x8x128xf32, #tpu.memory_space<hbm>> -> memref<4x4x1x8x128xf32, #tpu.memory_space<hbm>>
      %dma_start3A_460 = tpu.memref_squeeze %dma_start3A_459 : memref<4x4x1x8x128xf32, #tpu.memory_space<hbm>> -> memref<4x4x8x128xf32, #tpu.memory_space<hbm>>
      %dma_start3A_461 = arith.constant 0 : i32
      %dma_start3A_462 = arith.constant 0 : i32
      %dma_start3A_463 = arith.constant 0 : i32
      %dma_start3A_464 = tpu.memref_slice %arg5[%mul3A_455, %dma_start3A_461, %add3A, %dma_start3A_462, %dma_start3A_463] : memref<200x4x32x8x128xf32, #tpu.memory_space<hbm>> -> memref<4x4x1x8x128xf32, #tpu.memory_space<hbm>>
      %dma_start3A_465 = tpu.memref_squeeze %dma_start3A_464 : memref<4x4x1x8x128xf32, #tpu.memory_space<hbm>> -> memref<4x4x8x128xf32, #tpu.memory_space<hbm>>
      tpu.enqueue_dma source(%arg12 : memref<4x4x8x128xf32, #tpu.memory_space<vmem>>) target(%dma_start3A_465 : memref<4x4x8x128xf32, #tpu.memory_space<hbm>>) target_semaphore(%arg16 : memref<!tpu.dma_semaphore, #tpu.memory_space<semaphore_mem>>)
    }
    %scan3A_233 = arith.constant 25 : i32
    %dma_wait3A = arith.constant 192 : i32
    %dma_wait3A_234 = arith.constant 0 : i32
    %dma_wait3A_235 = arith.constant 0 : i32
    %dma_wait3A_236 = arith.constant 0 : i32
    %dma_wait3A_237 = tpu.memref_slice %arg5[%dma_wait3A, %dma_wait3A_234, %add3A, %dma_wait3A_235, %dma_wait3A_236] : memref<200x4x32x8x128xf32, #tpu.memory_space<hbm>> -> memref<4x4x1x8x128xf32, #tpu.memory_space<hbm>>
    %dma_wait3A_238 = tpu.memref_squeeze %dma_wait3A_237 : memref<4x4x1x8x128xf32, #tpu.memory_space<hbm>> -> memref<4x4x8x128xf32, #tpu.memory_space<hbm>>
    %dma_wait3A_239 = arith.constant 192 : i32
    %dma_wait3A_240 = arith.constant 0 : i32
    %dma_wait3A_241 = arith.constant 0 : i32
    %dma_wait3A_242 = arith.constant 0 : i32
    %dma_wait3A_243 = tpu.memref_slice %arg5[%dma_wait3A_239, %dma_wait3A_240, %add3A, %dma_wait3A_241, %dma_wait3A_242] : memref<200x4x32x8x128xf32, #tpu.memory_space<hbm>> -> memref<4x4x1x8x128xf32, #tpu.memory_space<hbm>>
    %dma_wait3A_244 = tpu.memref_squeeze %dma_wait3A_243 : memref<4x4x1x8x128xf32, #tpu.memory_space<hbm>> -> memref<4x4x8x128xf32, #tpu.memory_space<hbm>>
    tpu.wait_dma2 semaphore(%arg15 : memref<!tpu.dma_semaphore, #tpu.memory_space<semaphore_mem>>) src(%arg11 : memref<4x4x8x128xf32, #tpu.memory_space<vmem>>) dst(%dma_wait3A_244 : memref<4x4x8x128xf32, #tpu.memory_space<hbm>>)
    %dma_wait3A_245 = arith.constant 196 : i32
    %dma_wait3A_246 = arith.constant 0 : i32
    %dma_wait3A_247 = arith.constant 0 : i32
    %dma_wait3A_248 = arith.constant 0 : i32
    %dma_wait3A_249 = tpu.memref_slice %arg5[%dma_wait3A_245, %dma_wait3A_246, %add3A, %dma_wait3A_247, %dma_wait3A_248] : memref<200x4x32x8x128xf32, #tpu.memory_space<hbm>> -> memref<4x4x1x8x128xf32, #tpu.memory_space<hbm>>
    %dma_wait3A_250 = tpu.memref_squeeze %dma_wait3A_249 : memref<4x4x1x8x128xf32, #tpu.memory_space<hbm>> -> memref<4x4x8x128xf32, #tpu.memory_space<hbm>>
    %dma_wait3A_251 = arith.constant 196 : i32
    %dma_wait3A_252 = arith.constant 0 : i32
    %dma_wait3A_253 = arith.constant 0 : i32
    %dma_wait3A_254 = arith.constant 0 : i32
    %dma_wait3A_255 = tpu.memref_slice %arg5[%dma_wait3A_251, %dma_wait3A_252, %add3A, %dma_wait3A_253, %dma_wait3A_254] : memref<200x4x32x8x128xf32, #tpu.memory_space<hbm>> -> memref<4x4x1x8x128xf32, #tpu.memory_space<hbm>>
    %dma_wait3A_256 = tpu.memref_squeeze %dma_wait3A_255 : memref<4x4x1x8x128xf32, #tpu.memory_space<hbm>> -> memref<4x4x8x128xf32, #tpu.memory_space<hbm>>
    tpu.wait_dma2 semaphore(%arg16 : memref<!tpu.dma_semaphore, #tpu.memory_space<semaphore_mem>>) src(%arg12 : memref<4x4x8x128xf32, #tpu.memory_space<vmem>>) dst(%dma_wait3A_256 : memref<4x4x8x128xf32, #tpu.memory_space<hbm>>)
    return
  }
}

</mosaic_0001>

<sc_bundles>
// kernel: kernel.3.cloned.1.call-start
scs
__scs_entry_jumppad:
0x0: {  	(pc) =	sbr.rel $0x88, $3  }
0x1: {  	(tag) =	ssettag $0x0;
	lr =	simm.s32 $0x1  }
0x2: {  	[smem:$0x3F9E] =	sst lr;
	_ =	strace $0xD0000000  }
0x3: {  	_ = 	snop  }
0x4: {  	_ = 	snop  }
0x5: {  	_ = 	snop  }
0x6: {  	_ = 	snop  }
0x7: {  	_ = 	snop  }
__scs_overlays_trampoline_lowered:
0x8: {  	[smem:$0x3FAD] =	sst s0  }
0x9: {  	[smem:$0x3FAE] =	sst s1  }
0xa: {  	[smem:$0x3FAF] =	sst s2  }
0xb: {  	[smem:$0x3FB0] =	sst s3  }
0xc: {  	[smem:$0x3FB1] =	sst s4  }
0xd: {  	[smem:$0x3FB2] =	sst s5  }
0xe: {  	[smem:$0x3FB3] =	sst s6  }
0xf: {  	[smem:$0x3FB4] =	sst s7  }
0x10: {  	[smem:$0x3FB5] =	sst s8  }
0x11: {  	[smem:$0x3FB6] =	sst s9;
	s0 =	simm.s32 @!p0 $0x0  }
0x12: {  	s1 =	sld [smem:$0x3F9C];
	s0 =	simm.s32 @p0 $0x1  }
0x13: {  	[smem:$0x3FB7] =	sst s0;
	s0 =	simm.s32 @!p1 $0x0  }
0x14: {  	s2 =	sld [smem:$0x3F9B];
	s0 =	simm.s32 @p1 $0x1  }
0x15: {  	[smem:$0x3FB8] =	sst s0;
	s0 =	simm.s32 @!p2 $0x0  }
0x16: {  	s3 =	sld [smem:$0x3FDB];
	s0 =	simm.s32 @p2 $0x1  }
0x17: {  	s4 =	simm.s32 $0x1BF5;
	[smem:$0x3FBA] =	sst s0  }
0x18: {  	s0 =	sld [smem:$0x3F9D];
	_ =	swait.ge [sflag:s4], $0x0  }
0x19: {  	s7 =	sld [smem:$0x3F9E]  }
0x1a: {  	s8 =	sadd.s32 $0xFFFFE003, lr  }
0x1b: {  	s9 =	sadd.s32 $0xFFFFFEF7, lr;
	s5 =	simm.s32 $0xFFFFFFFF;
	p2 =	slt.u32 s8, $0xFFFFF086  }
0x1c: {  	p1 =	slt.u32 s9, $0xF7A;
	s5 =	simm.s32 @!p2 $0x0  }
0x1d: {  	s5 =	simm.s32 @p1 $0x1;
	p0 =	seq.s32 s7, s2  }
0x1e: {  	s7 =	smul.u32 @!p0 $0xF7A, s2;
	p2 =	seq.s32 @!p0 s5, $0x0  }
0x1f: {  	s9 =	smul.u32 $0xF7A, s1;
	s8 =	simm.s32 @!p0 $0x1BF5;
	p2 =	por !p2, p0  }
0x20: {  	[sflag:s8] =	ssyncset.s32 @!p0 $0xFFFFF086;
	s6 =	sadd.s32 @!p0 s3, s7;
	s7 =	simm.s32 @!p0 $0x108  }
0x21: {  	s3 =	sadd.s32 s3, s9;
	s6 =	sadd.s32 @!p0 $0x88, s6;
	s7 =	simm.s32 @p2 $0x1082  }
0x22: {  	[simem:s7], [sflag:s8] =	dma.local @!p0 [hbm:s6], $0xF7A  }
0x23: {  	s9 =	sor.u32 $0xD0000000, s2;
	s6 =	simm.s32 $0x108;
	_ =	swait.ge @!p0 [sflag:s8], $0x0  }
0x24: {  	s3 =	sadd.s32 $0x88, s3;
	s6 =	simm.s32 @!p1 $0x1082;
	[sflag:s4] =	ssyncset.s32 $0xFFFFF086  }
0x25: {  	[simem:s6], [sflag:s4] =	dma.local [hbm:s3], $0xF7A  }
0x26: {  	[smem:$0x3F9E] =	sst s1;
	(tag) =	ssettag s2;
	_ =	strace s9  }
0x27: {  	s1 =	sld [smem:$0x3FAE]  }
0x28: {  	s2 =	sld [smem:$0x3FAF]  }
0x29: {  	s4 =	sld [smem:$0x3FB1]  }
0x2a: {  	p0 =	seq.s32 s5, $0x0;
	s5 =	sld [smem:$0x3FB2]  }
0x2b: {  	s6 =	sld [smem:$0x3FB3]  }
0x2c: {  	s7 =	sld [smem:$0x3FB4]  }
0x2d: {  	s3 =	simm.s32 $0x108;
	s8 =	sld [smem:$0x3FB5]  }
0x2e: {  	s3 =	simm.s32 @!p0 $0x1082;
	s9 =	sld [smem:$0x3FB6]  }
0x2f: {  	lr =	sadd.s32 s0, s3;
	s0 =	sld [smem:$0x3FAD]  }
0x30: {  	s3 =	sld [smem:$0x3FB0]  }
0x31: {  	[smem:$0x3FB9] =	sst s10  }
0x32: {  	s10 =	sld [smem:$0x3FB7];
	_ =	sdelay $0x3  }
0x33: {  	p0 =	seq.s32 s10, $0x1;
	s10 =	sld [smem:$0x3FB9];
	_ =	sdelay $0x3  }
0x34: {  	[smem:$0x3FB9] =	sst s10  }
0x35: {  	s10 =	sld [smem:$0x3FB8];
	_ =	sdelay $0x3  }
0x36: {  	p1 =	seq.s32 s10, $0x1;
	s10 =	sld [smem:$0x3FB9];
	_ =	sdelay $0x3  }
0x37: {  	[smem:$0x3FB9] =	sst s10  }
0x38: {  	s10 =	sld [smem:$0x3FBA]  }
0x39: {  	_ = 	snop;
	(pc) =	sbr.ind lr, $3  }
0x3a: {  	_ = 	snop  }
0x3b: {  	_ = 	snop  }
0x3c: {  	p2 =	seq.s32 s10, $0x1;
	s10 =	sld [smem:$0x3FB9]  }
0x3d: {  	_ =	shalt  }
0x3e: {  	_ =	shalt  }
0x3f: {  	_ =	shalt  }
0x40: {  	_ =	shalt  }
0x41: {  	_ =	shalt  }
0x42: {  	_ =	shalt  }
0x43: {  	_ =	shalt  }
0x44: {  	_ =	shalt  }
0x45: {  	_ =	shalt  }
0x46: {  	_ =	shalt  }
0x47: {  	_ =	shalt  }
0x48: {  	_ =	shalt  }
0x49: {  	_ =	shalt  }
0x4a: {  	_ =	shalt  }
0x4b: {  	_ =	shalt  }
0x4c: {  	_ =	shalt  }
0x4d: {  	_ =	shalt  }
0x4e: {  	_ =	shalt  }
0x4f: {  	_ =	shalt  }
0x50: {  	_ =	shalt  }
0x51: {  	_ =	shalt  }
0x52: {  	_ =	shalt  }
0x53: {  	_ =	shalt  }
0x54: {  	_ =	shalt  }
0x55: {  	_ =	shalt  }
0x56: {  	_ =	shalt  }
0x57: {  	_ =	shalt  }
0x58: {  	_ =	shalt  }
0x59: {  	_ =	shalt  }
0x5a: {  	_ =	shalt  }
0x5b: {  	_ =	shalt  }
0x5c: {  	_ =	shalt  }
0x5d: {  	_ =	shalt  }
0x5e: {  	_ =	shalt  }
0x5f: {  	_ =	shalt  }
0x60: {  	_ =	shalt  }
0x61: {  	_ =	shalt  }
0x62: {  	_ =	shalt  }
0x63: {  	_ =	shalt  }
0x64: {  	_ =	shalt  }
0x65: {  	_ =	shalt  }
0x66: {  	_ =	shalt  }
0x67: {  	_ =	shalt  }
0x68: {  	_ =	shalt  }
0x69: {  	_ =	shalt  }
0x6a: {  	_ =	shalt  }
0x6b: {  	_ =	shalt  }
0x6c: {  	_ =	shalt  }
0x6d: {  	_ =	shalt  }
0x6e: {  	_ =	shalt  }
0x6f: {  	_ =	shalt  }
0x70: {  	_ =	shalt  }
0x71: {  	_ =	shalt  }
0x72: {  	_ =	shalt  }
0x73: {  	_ =	shalt  }
0x74: {  	_ =	shalt  }
0x75: {  	_ =	shalt  }
0x76: {  	_ =	shalt  }
0x77: {  	_ =	shalt  }
0x78: {  	_ =	shalt  }
0x79: {  	_ =	shalt  }
0x7a: {  	_ =	shalt  }
0x7b: {  	_ =	shalt  }
0x7c: {  	_ =	shalt  }
0x7d: {  	_ =	shalt  }
0x7e: {  	_ =	shalt  }
0x7f: {  	_ =	shalt  }
0x80: {  	_ =	shalt  }
0x81: {  	_ =	shalt  }
0x82: {  	_ =	shalt  }
0x83: {  	_ =	shalt  }
0x84: {  	_ =	shalt  }
0x85: {  	_ =	shalt  }
0x86: {  	_ =	shalt  }
0x87: {  	_ =	shalt  }
.Lfunc_end0:
.L_simem_size_0:
called_computation_lowered:
.L_overlay_start_0:
0x88: {  	s2 =	sld [smem:$0x3FD9]  }
0x89: {  	s3 =	sld [smem:$0x3FFE];
	_ =	sdelay $0x1  }
0x8a: {  	s1 =	srdreg.scid  }
0x8b: {  	s0 =	sand.u32 $0x1, s1  }
0x8c: {  	s17 =	sshll.u32 s0, $0xA;
	s2 =	sadd.s32 s3, s2  }
0x8d: {  	s2 =	sadd.s32 s2, s17  }
0x8e: {  	[smem:$0x3FC5] =	sst s2  }
0x8f: {  	_ = 	snop  }
0x90: {  	s2 =	sld [smem:$0x3FC9]  }
0x91: {  	s18 =	sld [smem:$0x3FD0];
	(tm) =	ssettm $0x1  }
0x92: {  	s4 =	sld [smem:$0x3FFB];
	_ =	sdelay $0x3  }
0x93: {  	_ =	strace s4  }
0x94: {  	s4 =	sld [smem:$0x3FFC];
	_ =	sdelay $0x3  }
0x95: {  	_ =	strace s4  }
0x96: {  	s4 =	sld [smem:$0x3FFD];
	_ =	sdelay $0x3  }
0x97: {  	_ =	strace s4  }
0x98: {  	_ =	strace $0x8FFFFFFF  }
0x99: {  	s19 =	sld [smem:$0x3FDB];
	_ =	sdelay $0x1  }
0x9a: {  	s5 =	simm.s32 $_scs_section_size  }
0x9b: {  	s6 =	simm.s32 $_size__tile_overlayer_lowered;
	s7 =	simm.s32 $_tile_overlayer_lowered  }
0x9c: {  	s22 =	simm.s32 $0x1BFF;
	s21 =	sshll.u32 s7, $0x1;
	s4 =	sadd.s32 s5, s19  }
0x9d: {  	s8 =	simm.s32 $0x0;
	s20 =	sshll.u32 s6, $0x1;
	s6 =	sadd.s32 s21, s4  }
0x9e: {  	[timem:s8], [sflag:s22] =	dma.local [hbm:s6], s20  }
0x9f: {  	_ =	swait.ge [sflag:s22], s20  }
0xa0: {  	s5 =	ssub.s32 $0x0, s20;
	[sflag:s22] =	ssyncset.done $0x0  }
0xa1: {  	[sflag:s22] =	ssyncadd.s32 s5;
	_ =	sdelay $0x1  }
0xa2: {  	s23 =	simm.s32 $0x1B8B  }
0xa3: {  	_ =	swait.ge [sflag:s23], $0x1  }
0xa4: {  	[sflag:s23] =	ssyncset.done $0x0  }
0xa5: {  	s25 =	simm.s32 $0x1B8E;
	s24 =	sld [smem:$0x3FFE];
	[sflag:s23] =	ssyncadd.s32 $0xFFFFFFFF  }
0xa6: {  	s26 =	simm.s32 $execute0_lowered;
	[smem:$0x3FD2] =	sst s25  }
0xa7: {  	s6 =	sshll.u32 s26, $0x1;
	_ =	strace $0x80000046;
	[dreg:$0x1] =	wrdreg $0xFFFFFFFF  }
0xa8: {  	s28 =	simm.s32 $_size_execute0_lowered;
	s4 =	sadd.s32 s4, s6;
	[dreg:$0x0] =	wrdreg $0x0  }
0xa9: {  	s6 =	sshll.u32 s28, $0x1;
	[dreg:$0x2] =	wrdreg s4  }
0xaa: {  	[dreg:$0x3] =	wrdreg s6  }
0xab: {  	[dreg:$0x4] =	wrdreg $0xC0  }
0xac: {  	_ =	task [dreg:s8], $0x5FFFF  }
0xad: {  	[dreg:$0x1] =	wrdreg $0xFFFFFFFF  }
0xae: {  	[dreg:$0x0] =	wrdreg $0x60  }
0xaf: {  	[dreg:$0x2] =	wrdreg s2  }
0xb0: {  	[dreg:$0x3] =	wrdreg s24  }
0xb1: {  	[dreg:$0x4] =	wrdreg s18  }
0xb2: {  	[dreg:$0x5] =	wrdreg $0x9  }
0xb3: {  	_ =	task.clear_ibuf [dreg:s8], $0x6FFFF;
	_ =	strace $0x90000046  }
0xb4: {  	s29 =	simm.s32 $0x9;
	_ =	strace $0x80000048  }
0xb5: {  	_ =	swait.ge [sflag:s29], $0x1  }
0xb6: {  	[sflag:s29] =	ssyncadd.s32 $0xFFFFFFFF  }
0xb7: {  	_ =	strace $0x90000048  }
0xb8: {  	_ =	sfence  }
0xb9: {  	s30 =	sld [smem:$0x0];
	_ =	sdelay $0x2  }
0xba: {  	s31 =	sshll.u32 s1, $0xD;
	s1 =	sshrl.u32 s1, $0x2  }
0xbb: {  	s3 =	sand.u32 $0x4000, s31;
	s1 =	sadd.s32 s1, s30  }
0xbc: {  	s0 =	sor.u32 s3, s0;
	s1 =	sshll.u32 s1, $0x11  }
0xbd: {  	s0 =	sor.u32 s1, s0  }
0xbe: {  	s0 =	sadd.s32 $0x8F2B, s0  }
0xbf: {  	[sflag:s0] =	ssyncadd.remote.s32 $0x1  }
0xc0: {  	_ =	sfence.sel $0xFFFF  }
0xc1: {  	[dreg:$0x0] =	wrdreg $0xFFFFFFFF;
	(pc) =	sbr.abs _section_cstart, $3  }
0xc2: {  	[dreg:$0x1] =	wrdreg $0xFFFFFFFF  }
0xc3: {  	_ =	task.clear_ibuf [dreg:s8], $0x2FFFF;
	_ =	strace $0x9FFFFFFF  }
0xc4: {  	(tm) =	ssettm $0x7FFFFFFF  }
0xc5: {  	_ =	shalt  }
tec
execute0_lowered:
.L_overlay_start_1:
0x0: {  	(tag) =	ssettag $0x1  }
0x1: {  	s0 =	rddreg [dreg:$0x0]  }
0x2: {  	s1 =	rddreg [dreg:$0x1]  }
0x3: {  	s2 =	rddreg [dreg:$0x2]  }
0x4: {  	s3 =	simm.s32 $0x0;
	s4 =	srdreg.scid;
	s6 =	stileid.u32  }
0x5: {  	[smem:$0x7FF] =	sst s3;
	s5 =	sand.u32 $0x1, s4;
	s29 =	sshll.u32 s6, $0x1  }
0x6: {  	s4 =	sadd.s32 $0xF42A00, s1;
	s1 =	sadd.s32 $0x600, s1;
	s6 =	sor.u32 s5, s29  }
0x7: {  	_ =	strace $0x80000047;
	s5 =	ssub.s32 $0x2, s5;
	s7 =	sshll.u32 s6, $0x7  }
0x8: {  	[dreg:$0x4] =	wrdreg s1;
	s30 =	sshrl.u32 s5, $0x1;
	s8 =	sadd.s32 s0, s7  }
0x9: {  	s31 =	ssub.s32 s5, s30;
	s5 =	sadd.s32 $0x1000, s8;
	[dreg:$0x5] =	wrdreg s8  }
0xa: {  	s7 =	sshll.u32 s6, $0xA;
	s6 =	sadd.s32 $0x2000, s8;
	[dreg:$0x6] =	wrdreg s5  }
0xb: {  	s9 =	sadd.s32 $0x3000, s8;
	[dreg:$0x7] =	wrdreg s6  }
0xc: {  	s10 =	sadd.s32 $0x4000, s8;
	[dreg:$0x8] =	wrdreg s9  }
0xd: {  	s11 =	sadd.s32 $0x5000, s8;
	[dreg:$0x9] =	wrdreg s10  }
0xe: {  	s12 =	sadd.s32 $0x6000, s8;
	[dreg:$0xa] =	wrdreg s11  }
0xf: {  	s13 =	sadd.s32 $0x7000, s8;
	[dreg:$0xb] =	wrdreg s12  }
0x10: {  	s14 =	sadd.s32 $0x8000, s8;
	[dreg:$0xc] =	wrdreg s13  }
0x11: {  	s15 =	sadd.s32 $0x9000, s8;
	[dreg:$0xd] =	wrdreg s14  }
0x12: {  	s16 =	sadd.s32 $0xA000, s8;
	[dreg:$0xe] =	wrdreg s15  }
0x13: {  	s17 =	sadd.s32 $0xB000, s8;
	[dreg:$0xf] =	wrdreg s16  }
0x14: {  	s18 =	sadd.s32 $0xC000, s8;
	[dreg:$0x10] =	wrdreg s17  }
0x15: {  	s19 =	sadd.s32 $0xD000, s8;
	[dreg:$0x11] =	wrdreg s18  }
0x16: {  	s20 =	sadd.s32 $0xE000, s8;
	[dreg:$0x12] =	wrdreg s19  }
0x17: {  	s21 =	sadd.s32 $0xF000, s8;
	[dreg:$0x13] =	wrdreg s20  }
0x18: {  	s22 =	sadd.s32 $0x10000, s8;
	[dreg:$0x14] =	wrdreg s21  }
0x19: {  	s23 =	sadd.s32 $0x11000, s8;
	[dreg:$0x15] =	wrdreg s22  }
0x1a: {  	s0 =	smax.u32 s31, $0x1;
	[dreg:$0x16] =	wrdreg s23  }
0x1b: {  	s24 =	sadd.s32 $0x12000, s8;
	[dreg:$0x17] =	wrdreg s0  }
0x1c: {  	s25 =	sadd.s32 $0x13000, s8;
	[dreg:$0x18] =	wrdreg s24  }
0x1d: {  	s26 =	sadd.s32 $0x14000, s8;
	[dreg:$0x19] =	wrdreg s25  }
0x1e: {  	s28 =	sadd.s32 $0x15000, s8;
	[dreg:$0x1a] =	wrdreg s26  }
0x1f: {  	s29 =	sadd.s32 $0x16000, s8;
	[dreg:$0x1b] =	wrdreg s28  }
0x20: {  	v0 =	vlaneseq.u32;
	s30 =	sadd.s32 $0x17000, s8;
	[dreg:$0x1c] =	wrdreg s29  }
0x21: {  	v0 =	vmul.u32 $0x28, v0;
	s1 =	simm.s32 $0x0;
	s31 =	sadd.s32 $0x18000, s8;
	[dreg:$0x1d] =	wrdreg s30  }
0x22: {  	s8 =	simm.s32 $0x200;
	[dreg:$0x1e] =	wrdreg s31;
	s5 =	simm.s32 $0x5  }
0x23: {  	v1 =	vadd.s32 $0x280, v0;
	s10 =	simm.s32 $0xBD00;
	s11 =	simm.s32 $0x1;
	s12 =	simm.s32 $0xFD00  }
0x24: {  	v2 =	vadd.s32 $0x500, v0;
	v3 =	vadd.s32 $0x780, v0;
	v4 =	vadd.s32 $0xA00, v0;
	s13 =	simm.s32 $0x400;
	s14 =	simm.s32 $0x8000;
	s15 =	simm.s32 $0x11100  }
0x25: {  	v5 =	vadd.s32 $0xC80, v0;
	v6 =	vadd.s32 $0xF00, v0;
	v7 =	vadd.s32 $0x1180, v0;
	s16 =	simm.s32 $0x2;
	s17 =	simm.s32 $0x4;
	s18 =	simm.s32 $0x15100  }
.LBB2_1:
0x26: {  	[dreg:$0x1f] =	wrdreg s1  }
0x27: {  	s0 =	rddreg [dreg:$0x4]  }
0x28: {  	[tilespmem:s3], [sflag:$0x5] =	stream.linear.gather [hbm4b:s0+s3], $0x1900, $0x38;
	[tilespmem:$0x19100] =	vst v63  }
0x29: {  	_ =	swait.ge [sflag:s5], $0x1900  }
0x2a: {  	[sflag:s5] =	ssyncset.done $0x0  }
0x2b: {  	s1 =	simm.s32 $0x1900;
	s23 =	rddreg [dreg:$0x5];
	[sflag:s5] =	ssyncadd.s32 $0xFFFFE700  }
0x2c: {  	[tilespmem:s1], [sflag:$0x5] =	stream.linear.gather [hbm4b:s23+s3], $0x400, $0x38;
	[tilespmem:$0x19100] =	vst v63  }
0x2d: {  	_ =	swait.ge [sflag:s5], $0x400  }
0x2e: {  	[sflag:s5] =	ssyncset.done $0x0  }
0x2f: {  	s6 =	simm.s32 $0x1D00;
	s24 =	rddreg [dreg:$0x6];
	[sflag:s5] =	ssyncadd.s32 $0xFFFFFC00  }
0x30: {  	[tilespmem:s6], [sflag:$0x5] =	stream.linear.gather [hbm4b:s24+s3], $0x400, $0x38;
	[tilespmem:$0x19100] =	vst v63  }
0x31: {  	_ =	swait.ge [sflag:s5], $0x400  }
0x32: {  	[sflag:s5] =	ssyncset.done $0x0  }
0x33: {  	s26 =	simm.s32 $0x2100;
	s25 =	rddreg [dreg:$0x7];
	[sflag:s5] =	ssyncadd.s32 $0xFFFFFC00  }
0x34: {  	[tilespmem:s26], [sflag:$0x5] =	stream.linear.gather [hbm4b:s25+s3], $0x400, $0x38;
	[tilespmem:$0x19100] =	vst v63  }
0x35: {  	_ =	swait.ge [sflag:s5], $0x400  }
0x36: {  	[sflag:s5] =	ssyncset.done $0x0  }
0x37: {  	s29 =	simm.s32 $0x2500;
	s28 =	rddreg [dreg:$0x8];
	[sflag:s5] =	ssyncadd.s32 $0xFFFFFC00  }
0x38: {  	[tilespmem:s29], [sflag:$0x5] =	stream.linear.gather [hbm4b:s28+s3], $0x400, $0x38;
	[tilespmem:$0x19100] =	vst v63  }
0x39: {  	_ =	swait.ge [sflag:s5], $0x400  }
0x3a: {  	[sflag:s5] =	ssyncset.done $0x0  }
0x3b: {  	s31 =	simm.s32 $0x2900;
	s30 =	rddreg [dreg:$0x9];
	[sflag:s5] =	ssyncadd.s32 $0xFFFFFC00  }
0x3c: {  	[tilespmem:s31], [sflag:$0x5] =	stream.linear.gather [hbm4b:s30+s3], $0x400, $0x38;
	[tilespmem:$0x19100] =	vst v63  }
0x3d: {  	_ =	swait.ge [sflag:s5], $0x400  }
0x3e: {  	[sflag:s5] =	ssyncset.done $0x0  }
0x3f: {  	s9 =	simm.s32 $0x2D00;
	s6 =	rddreg [dreg:$0xa];
	[sflag:s5] =	ssyncadd.s32 $0xFFFFFC00  }
0x40: {  	[tilespmem:s9], [sflag:$0x5] =	stream.linear.gather [hbm4b:s6+s3], $0x400, $0x38;
	[tilespmem:$0x19100] =	vst v63  }
0x41: {  	_ =	swait.ge [sflag:s5], $0x400  }
0x42: {  	[sflag:s5] =	ssyncset.done $0x0  }
0x43: {  	s20 =	simm.s32 $0x3100;
	s19 =	rddreg [dreg:$0xb];
	[sflag:s5] =	ssyncadd.s32 $0xFFFFFC00  }
0x44: {  	[tilespmem:s20], [sflag:$0x5] =	stream.linear.gather [hbm4b:s19+s3], $0x400, $0x38;
	[tilespmem:$0x19100] =	vst v63  }
0x45: {  	_ =	swait.ge [sflag:s5], $0x400  }
0x46: {  	[sflag:s5] =	ssyncset.done $0x0  }
0x47: {  	s22 =	simm.s32 $0x3500;
	s21 =	rddreg [dreg:$0xc];
	[sflag:s5] =	ssyncadd.s32 $0xFFFFFC00  }
0x48: {  	[tilespmem:s22], [sflag:$0x5] =	stream.linear.gather [hbm4b:s21+s3], $0x400, $0x38;
	[tilespmem:$0x19100] =	vst v63  }
0x49: {  	_ =	swait.ge [sflag:s5], $0x400  }
0x4a: {  	[sflag:s5] =	ssyncset.done $0x0  }
0x4b: {  	s24 =	simm.s32 $0x3900;
	s23 =	rddreg [dreg:$0xd];
	[sflag:s5] =	ssyncadd.s32 $0xFFFFFC00  }
0x4c: {  	[tilespmem:s24], [sflag:$0x5] =	stream.linear.gather [hbm4b:s23+s3], $0x400, $0x38;
	[tilespmem:$0x19100] =	vst v63  }
0x4d: {  	_ =	swait.ge [sflag:s5], $0x400  }
0x4e: {  	[sflag:s5] =	ssyncset.done $0x0  }
0x4f: {  	s26 =	simm.s32 $0x3D00;
	s25 =	rddreg [dreg:$0xe];
	[sflag:s5] =	ssyncadd.s32 $0xFFFFFC00  }
0x50: {  	[tilespmem:s26], [sflag:$0x5] =	stream.linear.gather [hbm4b:s25+s3], $0x400, $0x38;
	[tilespmem:$0x19100] =	vst v63  }
0x51: {  	_ =	swait.ge [sflag:s5], $0x400  }
0x52: {  	[sflag:s5] =	ssyncset.done $0x0  }
0x53: {  	s29 =	simm.s32 $0x4100;
	s28 =	rddreg [dreg:$0xf];
	[sflag:s5] =	ssyncadd.s32 $0xFFFFFC00  }
0x54: {  	[tilespmem:s29], [sflag:$0x5] =	stream.linear.gather [hbm4b:s28+s3], $0x400, $0x38;
	[tilespmem:$0x19100] =	vst v63  }
0x55: {  	_ =	swait.ge [sflag:s5], $0x400  }
0x56: {  	[sflag:s5] =	ssyncset.done $0x0  }
0x57: {  	s31 =	simm.s32 $0x4500;
	s30 =	rddreg [dreg:$0x10];
	[sflag:s5] =	ssyncadd.s32 $0xFFFFFC00  }
0x58: {  	[tilespmem:s31], [sflag:$0x5] =	stream.linear.gather [hbm4b:s30+s3], $0x400, $0x38;
	[tilespmem:$0x19100] =	vst v63  }
0x59: {  	_ =	swait.ge [sflag:s5], $0x400  }
0x5a: {  	[sflag:s5] =	ssyncset.done $0x0  }
0x5b: {  	s9 =	simm.s32 $0x4900;
	s6 =	rddreg [dreg:$0x11];
	[sflag:s5] =	ssyncadd.s32 $0xFFFFFC00  }
0x5c: {  	[tilespmem:s9], [sflag:$0x5] =	stream.linear.gather [hbm4b:s6+s3], $0x400, $0x38;
	[tilespmem:$0x19100] =	vst v63  }
0x5d: {  	_ =	swait.ge [sflag:s5], $0x400  }
0x5e: {  	[sflag:s5] =	ssyncset.done $0x0  }
0x5f: {  	s20 =	simm.s32 $0x4D00;
	s19 =	rddreg [dreg:$0x12];
	[sflag:s5] =	ssyncadd.s32 $0xFFFFFC00  }
0x60: {  	[tilespmem:s20], [sflag:$0x5] =	stream.linear.gather [hbm4b:s19+s3], $0x400, $0x38;
	[tilespmem:$0x19100] =	vst v63  }
0x61: {  	_ =	swait.ge [sflag:s5], $0x400  }
0x62: {  	[sflag:s5] =	ssyncset.done $0x0  }
0x63: {  	s22 =	simm.s32 $0x5100;
	s21 =	rddreg [dreg:$0x13];
	[sflag:s5] =	ssyncadd.s32 $0xFFFFFC00  }
0x64: {  	[tilespmem:s22], [sflag:$0x5] =	stream.linear.gather [hbm4b:s21+s3], $0x400, $0x38;
	[tilespmem:$0x19100] =	vst v63  }
0x65: {  	_ =	swait.ge [sflag:s5], $0x400  }
0x66: {  	[sflag:s5] =	ssyncset.done $0x0  }
0x67: {  	s24 =	simm.s32 $0x5500;
	s23 =	rddreg [dreg:$0x14];
	[sflag:s5] =	ssyncadd.s32 $0xFFFFFC00  }
0x68: {  	[tilespmem:s24], [sflag:$0x5] =	stream.linear.gather [hbm4b:s23+s3], $0x400, $0x38;
	[tilespmem:$0x19100] =	vst v63  }
0x69: {  	_ =	swait.ge [sflag:s5], $0x400  }
0x6a: {  	[sflag:s5] =	ssyncset.done $0x0  }
0x6b: {  	s26 =	simm.s32 $0x5900;
	s25 =	rddreg [dreg:$0x15];
	[sflag:s5] =	ssyncadd.s32 $0xFFFFFC00  }
0x6c: {  	[tilespmem:s26], [sflag:$0x5] =	stream.linear.gather [hbm4b:s25+s3], $0x400, $0x38;
	[tilespmem:$0x19100] =	vst v63  }
0x6d: {  	_ =	swait.ge [sflag:s5], $0x400  }
0x6e: {  	[sflag:s5] =	ssyncset.done $0x0  }
0x6f: {  	s29 =	simm.s32 $0x5D00;
	s28 =	rddreg [dreg:$0x16];
	[sflag:s5] =	ssyncadd.s32 $0xFFFFFC00  }
0x70: {  	[tilespmem:s29], [sflag:$0x5] =	stream.linear.gather [hbm4b:s28+s3], $0x400, $0x38;
	[tilespmem:$0x19100] =	vst v63  }
0x71: {  	_ =	swait.ge [sflag:s5], $0x400  }
0x72: {  	[sflag:s5] =	ssyncset.done $0x0  }
0x73: {  	s31 =	simm.s32 $0x6100;
	s30 =	rddreg [dreg:$0x18];
	[sflag:s5] =	ssyncadd.s32 $0xFFFFFC00  }
0x74: {  	[tilespmem:s31], [sflag:$0x5] =	stream.linear.gather [hbm4b:s30+s3], $0x400, $0x38;
	[tilespmem:$0x19100] =	vst v63  }
0x75: {  	_ =	swait.ge [sflag:s5], $0x400  }
0x76: {  	[sflag:s5] =	ssyncset.done $0x0  }
0x77: {  	s19 =	simm.s32 $0x6500;
	s9 =	rddreg [dreg:$0x19];
	[sflag:s5] =	ssyncadd.s32 $0xFFFFFC00  }
0x78: {  	[tilespmem:s19], [sflag:$0x5] =	stream.linear.gather [hbm4b:s9+s3], $0x400, $0x38;
	[tilespmem:$0x19100] =	vst v63  }
0x79: {  	_ =	swait.ge [sflag:s5], $0x400  }
0x7a: {  	[sflag:s5] =	ssyncset.done $0x0  }
0x7b: {  	s21 =	simm.s32 $0x6900;
	s20 =	rddreg [dreg:$0x1a];
	[sflag:s5] =	ssyncadd.s32 $0xFFFFFC00  }
0x7c: {  	[tilespmem:s21], [sflag:$0x5] =	stream.linear.gather [hbm4b:s20+s3], $0x400, $0x38;
	[tilespmem:$0x19100] =	vst v63  }
0x7d: {  	_ =	swait.ge [sflag:s5], $0x400  }
0x7e: {  	[sflag:s5] =	ssyncset.done $0x0  }
0x7f: {  	s23 =	simm.s32 $0x6D00;
	s22 =	rddreg [dreg:$0x1b];
	[sflag:s5] =	ssyncadd.s32 $0xFFFFFC00  }
0x80: {  	[tilespmem:s23], [sflag:$0x5] =	stream.linear.gather [hbm4b:s22+s3], $0x400, $0x38;
	[tilespmem:$0x19100] =	vst v63  }
0x81: {  	_ =	swait.ge [sflag:s5], $0x400  }
0x82: {  	[sflag:s5] =	ssyncset.done $0x0  }
0x83: {  	s25 =	simm.s32 $0x7100;
	s24 =	rddreg [dreg:$0x1c];
	[sflag:s5] =	ssyncadd.s32 $0xFFFFFC00  }
0x84: {  	[tilespmem:s25], [sflag:$0x5] =	stream.linear.gather [hbm4b:s24+s3], $0x400, $0x38;
	[tilespmem:$0x19100] =	vst v63  }
0x85: {  	_ =	swait.ge [sflag:s5], $0x400  }
0x86: {  	[sflag:s5] =	ssyncset.done $0x0  }
0x87: {  	s28 =	simm.s32 $0x7500;
	s26 =	rddreg [dreg:$0x1d];
	[sflag:s5] =	ssyncadd.s32 $0xFFFFFC00  }
0x88: {  	[tilespmem:s28], [sflag:$0x5] =	stream.linear.gather [hbm4b:s26+s3], $0x400, $0x38;
	[tilespmem:$0x19100] =	vst v63  }
0x89: {  	_ =	swait.ge [sflag:s5], $0x400  }
0x8a: {  	[sflag:s5] =	ssyncset.done $0x0  }
0x8b: {  	s30 =	simm.s32 $0x7900;
	s29 =	rddreg [dreg:$0x1e];
	[sflag:s5] =	ssyncadd.s32 $0xFFFFFC00  }
0x8c: {  	[tilespmem:s30], [sflag:$0x5] =	stream.linear.gather [hbm4b:s29+s3], $0x400, $0x38;
	[tilespmem:$0x19100] =	vst v63  }
0x8d: {  	_ =	swait.ge [sflag:s5], $0x400  }
0x8e: {  	[sflag:s5] =	ssyncset.done $0x0  }
0x8f: {  	s31 =	simm.s32 $0x7D00;
	s21 =	simm.s32 $0x0;
	[sflag:s5] =	ssyncadd.s32 $0xFFFFFC00  }
0x90: {  	[tilespmem:s31], [sflag:$0x1] =	stream.indirect.gather [hbm4b:s4+s8], $0x20, s1, s8, $0xb8;
	[tilespmem:$0x19100] =	vst v63  }
.LBB2_2:
0x91: {  	s0 =	sshll.u32 s21, $0xA  }
0x92: {  	s24 =	sand.u32 $0x3FFFFC00, s0  }
0x93: {  	s0 =	sadd.s32 $0x1B00, s24  }
0x94: {  	[tilespmem:s10], [sflag:$0x2] =	stream.indirect.gather [hbm4b:s4+s8], $0x20, s0, s8, $0xb8;
	[tilespmem:$0x19100] =	vst v63  }
0x95: {  	_ =	swait.ge [sflag:s11], $0x4000  }
0x96: {  	p0 =	seq.s32 s21, $0x0;
	[sflag:s11] =	ssyncset.done $0x0  }
0x97: {  	s0 =	simm.s32 @!p0 $0x3;
	[sflag:s11] =	ssyncadd.s32 $0xFFFFC000  }
0x98: {  	_ =	swait.ge @!p0 [sflag:s0], $0x4000  }
0x99: {  	s1 =	sshll.u32 s21, $0x8;
	[sflag:s0] =	ssyncset.done @!p0 $0x0  }
0x9a: {  	s23 =	sand.u32 $0x3FFFFF00, s1;
	[sflag:s0] =	ssyncadd.s32 @!p0 $0xFFFFC000  }
0x9b: {  	v9 =	vld [tilespmem:s23+$0x0]  }
0x9c: {  	s31 =	simm.s32 $0x7D80;
	v8 =	vld [tilespmem:s23+$0x10]  }
0x9d: {  	v10 =	vld [tilespmem:s31+$0x60]  }
0x9e: {  	v11 =	vld [tilespmem:s31+$0xFFFFFFA0]  }
0x9f: {  	v12 =	vld [tilespmem:s31+$0xFFFFFFC0]  }
0xa0: {  	v13 =	vld [tilespmem:s31+$0xFFFFFFE0]  }
0xa1: {  	v14 =	vld [tilespmem:s31+$0x0]  }
0xa2: {  	v15 =	vld [tilespmem:s31+$0x20];
	v10 =	vadd.f32 v10, v9  }
0xa3: {  	s0 =	simm.s32 $0xFDA0;
	v16 =	vld [tilespmem:s31+$0x40];
	v11 =	vadd.f32 v11, v9  }
0xa4: {  	v17 =	vld [tilespmem:s31+$0xFFFFFF80];
	v12 =	vadd.f32 v12, v9;
	[tilespmem:s0+$0x78] =	vst v10  }
0xa5: {  	[tilespmem:s0+$0xFFFFFF88] =	vst v11;
	v10 =	vadd.f32 v13, v9;
	v13 =	vld [tilespmem:s31+$0x70]  }
0xa6: {  	[tilespmem:s0+$0xFFFFFFB0] =	vst v12;
	v12 =	vadd.f32 v14, v9;
	v18 =	vld [tilespmem:s31+$0xFFFFFFB0]  }
0xa7: {  	v19 =	vld [tilespmem:s31+$0xFFFFFFD0];
	[tilespmem:s0+$0xFFFFFFD8] =	vst v10;
	v10 =	vadd.f32 v15, v9  }
0xa8: {  	v14 =	vadd.f32 v16, v9;
	[tilespmem:s0+$0x0] =	vst v12;
	v11 =	vld [tilespmem:s31+$0xFFFFFFF0]  }
0xa9: {  	v15 =	vadd.f32 v17, v9;
	v12 =	vld [tilespmem:s31+$0x10];
	[tilespmem:s0+$0x28] =	vst v10  }
0xaa: {  	[tilespmem:s0+$0x50] =	vst v14;
	v10 =	vld [tilespmem:s31+$0x30];
	v17 =	vadd.f32 v13, v8  }
0xab: {  	s6 =	sshll.u32 s21, $0x3;
	s25 =	simm.s32 $0x11140;
	s19 =	simm.s32 $0x7E80;
	[tilespmem:s0+$0xFFFFFF60] =	vst v15;
	v13 =	vld [tilespmem:s31+$0x50];
	v16 =	vadd.f32 v18, v8  }
0xac: {  	s22 =	sor.u32 $0x4, s6;
	s6 =	simm.s32 $0x0;
	s1 =	simm.s32 $0x180;
	v14 =	vld [tilespmem:s31+$0xFFFFFF90];
	v15 =	vadd.f32 v19, v8;
	[tilespmem:s0+$0x88] =	vst v17  }
.LBB2_3:
0xad: {  	v17 =	vld [tilespmem:s19+$0x60];
	s6 =	sadd.s32 $0x8, s6;
	[tilespmem:s0+$0xFFFFFF98] =	vst v16;
	v11 =	vadd.f32 v11, v8  }
0xae: {  	v16 =	vld [tilespmem:s19+$0xFFFFFFA0];
	p1 =	slt.u32 s6, $0x78;
	[tilespmem:s0+$0xFFFFFFC0] =	vst v15;
	v12 =	vadd.f32 v12, v8  }
0xaf: {  	v15 =	vld [tilespmem:s19+$0xFFFFFFC0];
	[tilespmem:s0+$0xFFFFFFE8] =	vst v11;
	v10 =	vadd.f32 v10, v8  }
0xb0: {  	v11 =	vld [tilespmem:s19+$0xFFFFFFE0];
	[tilespmem:s0+$0x10] =	vst v12;
	v12 =	vadd.f32 v13, v8  }
0xb1: {  	v13 =	vld [tilespmem:s19+$0x0];
	v14 =	vadd.f32 v14, v8;
	[tilespmem:s0+$0x38] =	vst v10  }
0xb2: {  	v10 =	vld [tilespmem:s19+$0x20];
	v17 =	vadd.f32 v17, v9;
	[tilespmem:s0+$0x60] =	vst v12  }
0xb3: {  	v12 =	vadd.f32 v16, v9;
	v16 =	vld [tilespmem:s19+$0x40];
	[tilespmem:s0+$0xFFFFFF70] =	vst v14;
	s0 =	sadd.s32 $0x140, s0  }
0xb4: {  	v14 =	vld [tilespmem:s19+$0xFFFFFF80];
	v15 =	vadd.f32 v15, v9;
	[tilespmem:s0+$0x78] =	vst v17  }
0xb5: {  	[tilespmem:s0+$0xFFFFFF88] =	vst v12;
	v11 =	vadd.f32 v11, v9;
	v17 =	vld [tilespmem:s19+$0x70]  }
0xb6: {  	v18 =	vld [tilespmem:s19+$0xFFFFFFB0];
	[tilespmem:s0+$0xFFFFFFB0] =	vst v15;
	v12 =	vadd.f32 v13, v9  }
0xb7: {  	v15 =	vld [tilespmem:s19+$0xFFFFFFD0];
	[tilespmem:s0+$0xFFFFFFD8] =	vst v11;
	v10 =	vadd.f32 v10, v9  }
.Ltmp0:
0xb8: {  	v11 =	vld [tilespmem:s19+$0xFFFFFFF0];
	[tilespmem:s0+$0x0] =	vst v12;
	v13 =	vadd.f32 v16, v9;
	(pc) =	sbr.rel @p1 .LBB2_3-.Ltmp0, $4  }
0xb9: {  	v14 =	vadd.f32 v14, v9;
	v12 =	vld [tilespmem:s19+$0x10];
	[tilespmem:s0+$0x28] =	vst v10  }
0xba: {  	v10 =	vld [tilespmem:s19+$0x30];
	[tilespmem:s0+$0x50] =	vst v13;
	v17 =	vadd.f32 v17, v8  }
0xbb: {  	[tilespmem:s0+$0xFFFFFF60] =	vst v14;
	v16 =	vadd.f32 v18, v8;
	v13 =	vld [tilespmem:s19+$0x50]  }
0xbc: {  	s26 =	simm.s32 $0x0;
	v14 =	vld [tilespmem:s19+$0xFFFFFF90];
	v15 =	vadd.f32 v15, v8;
	[tilespmem:s0+$0x88] =	vst v17;
	s19 =	sadd.s32 $0x100, s19  }
0xbd: {  	s6 =	simm.s32 $0x1  }
0xbe: {  	[tilespmem:s0+$0xFFFFFF98] =	vst v16;
	v9 =	vadd.f32 v11, v8;
	s20 =	simm.s32 $0x2;
	v11 =	vmov s6  }
0xbf: {  	[tilespmem:s0+$0xFFFFFFC0] =	vst v15;
	v16 =	vadd.f32 v12, v8;
	v12 =	vand.u32 $0x1D, v11;
	v11 =	vmov s20  }
0xc0: {  	[tilespmem:s0+$0xFFFFFFE8] =	vst v9;
	v9 =	vadd.f32 v10, v8;
	v10 =	vadd.s32 v0, v12;
	v15 =	vand.u32 $0x1E, v11  }
0xc1: {  	[tilespmem:s0+$0x10] =	vst v16;
	v11 =	vadd.f32 v13, v8;
	v16 =	vadd.s32 v0, v15  }
0xc2: {  	v8 =	vadd.f32 v14, v8;
	[tilespmem:s0+$0x38] =	vst v9;
	v9 =	vmov s26;
	s26 =	simm.s32 $0x3  }
0xc3: {  	[tilespmem:s0+$0x60] =	vst v11;
	v13 =	vand.u32 $0x1C, v9;
	v9 =	vmov s26  }
0xc4: {  	[tilespmem:s0+$0xFFFFFF70] =	vst v8;
	v8 =	vadd.s32 v0, v13;
	v14 =	vand.u32 $0x1F, v9  }
0xc5: {  	v9 =	vadd.s32 v0, v14;
	v10 =	vld.idx.msk [tilespmem:v10+s12+$0x0], $0xffff  }
0xc6: {  	s9 =	simm.s32 $0x0;
	v11 =	vld.idx.msk [tilespmem:v16+s12+$0x0], $0xffff;
	v16 =	vadd.s32 v1, v12  }
0xc7: {  	s19 =	simm.s32 $0x80;
	v17 =	vadd.s32 v1, v15;
	s0 =	sand.u32 $0xC00, s9  }
0xc8: {  	s6 =	sand.u32 $0x280, s19;
	s19 =	simm.s32 $0x100;
	s0 =	sor.u32 $0x11100, s0  }
0xc9: {  	s20 =	sand.u32 $0x300, s19;
	s26 =	sor.u32 s6, s0;
	v8 =	vld.idx.msk [tilespmem:v8+s12+$0x0], $0xffff  }
0xca: {  	v18 =	vadd.s32 v1, v13;
	s29 =	sadd.s32 s20, s0;
	v9 =	vld.idx.msk [tilespmem:v9+s12+$0x0], $0xffff;
	[tilespmem:s26+$0x0] =	vst v10  }
0xcb: {  	[tilespmem:s29+$0x0] =	vst v11;
	v10 =	vld.idx.msk [tilespmem:v16+s12+$0x0], $0xffff;
	v11 =	vadd.s32 v1, v14  }
0xcc: {  	v16 =	vld.idx.msk [tilespmem:v17+s12+$0x0], $0xffff;
	v17 =	vadd.s32 v2, v12  }
0xcd: {  	s1 =	sand.u32 $0x380, s1;
	v19 =	vadd.s32 v2, v15  }
0xce: {  	s28 =	sadd.s32 s1, s0;
	[tilespmem:s25+$0xFFFFFFC0] =	vst v8  }
0xcf: {  	v8 =	vld.idx.msk [tilespmem:v18+s12+$0x0], $0xffff;
	[tilespmem:s28+$0x0] =	vst v9  }
0xd0: {  	v9 =	vadd.s32 v2, v13;
	v11 =	vld.idx.msk [tilespmem:v11+s12+$0x0], $0xffff;
	[tilespmem:s26+$0x10] =	vst v10  }
0xd1: {  	v10 =	vld.idx.msk [tilespmem:v17+s12+$0x0], $0xffff;
	[tilespmem:s29+$0x10] =	vst v16;
	v16 =	vadd.s32 v2, v14  }
0xd2: {  	v18 =	vadd.s32 v3, v12;
	v17 =	vld.idx.msk [tilespmem:v19+s12+$0x0], $0xffff  }
0xd3: {  	v19 =	vadd.s32 v3, v15  }
0xd4: {  	[tilespmem:s25+$0xFFFFFFD0] =	vst v8  }
0xd5: {  	v9 =	vld.idx.msk [tilespmem:v9+s12+$0x0], $0xffff;
	[tilespmem:s28+$0x10] =	vst v11  }
0xd6: {  	v11 =	vadd.s32 v3, v13;
	[tilespmem:s26+$0x20] =	vst v10;
	v10 =	vld.idx.msk [tilespmem:v16+s12+$0x0], $0xffff  }
0xd7: {  	s6 =	simm.s32 $0x4;
	v16 =	vld.idx.msk [tilespmem:v18+s12+$0x0], $0xffff;
	[tilespmem:s29+$0x20] =	vst v17;
	v17 =	vadd.s32 v3, v14  }
0xd8: {  	s9 =	simm.s32 $0x5;
	v8 =	vmov s6;
	v18 =	vadd.s32 v4, v12;
	v19 =	vld.idx.msk [tilespmem:v19+s12+$0x0], $0xffff  }
0xd9: {  	v21 =	vadd.s32 v4, v15;
	v20 =	vmov s9;
	v8 =	vand.u32 $0x1C, v8  }
0xda: {  	s19 =	simm.s32 $0x6;
	v22 =	vadd.s32 v0, v8;
	[tilespmem:s25+$0xFFFFFFE0] =	vst v9;
	v9 =	vand.u32 $0x1D, v20  }
0xdb: {  	v20 =	vmov s19;
	v23 =	vld.idx.msk [tilespmem:v11+s12+$0x0], $0xffff;
	v24 =	vadd.s32 v0, v9;
	[tilespmem:s28+$0x20] =	vst v10  }
0xdc: {  	v25 =	vadd.s32 v4, v13;
	v10 =	vand.u32 $0x1E, v20;
	[tilespmem:s26+$0x30] =	vst v16;
	v16 =	vld.idx.msk [tilespmem:v17+s12+$0x0], $0xffff  }
0xdd: {  	s20 =	simm.s32 $0x7;
	v17 =	vadd.s32 v0, v10;
	v18 =	vld.idx.msk [tilespmem:v18+s12+$0x0], $0xffff;
	[tilespmem:s29+$0x30] =	vst v19  }
0xde: {  	v11 =	vmov s20;
	v20 =	vadd.s32 v4, v14;
	v19 =	vld.idx.msk [tilespmem:v21+s12+$0x0], $0xffff  }
0xdf: {  	v11 =	vand.u32 $0x1F, v11;
	v21 =	vld.idx.msk [tilespmem:v22+s12+$0x0], $0xffff;
	v22 =	vadd.s32 v5, v12  }
0xe0: {  	v26 =	vadd.s32 v0, v11;
	v24 =	vld.idx.msk [tilespmem:v24+s12+$0x0], $0xffff;
	[tilespmem:s25+$0xFFFFFFF0] =	vst v23  }
0xe1: {  	v55 =	vadd.s32 v5, v15;
	v23 =	vld.idx.msk [tilespmem:v25+s12+$0x0], $0xffff  }
0xe2: {  	s1 =	simm.s32 $0x200;
	v27 =	vadd.s32 v1, v8;
	v17 =	vld.idx.msk [tilespmem:v17+s12+$0x0], $0xffff;
	[tilespmem:s28+$0x30] =	vst v16  }
0xe3: {  	s0 =	sand.u32 $0xC00, s1;
	s6 =	simm.s32 $0x280;
	v16 =	vadd.s32 v5, v13;
	[tilespmem:s26+$0x40] =	vst v18;
	v18 =	vld.idx.msk [tilespmem:v20+s12+$0x0], $0xffff  }
0xe4: {  	s30 =	simm.s32 $0x11340;
	s9 =	sor.u32 $0x11100, s0;
	s1 =	sand.u32 $0x280, s6;
	v20 =	vadd.s32 v1, v9;
	v22 =	vld.idx.msk [tilespmem:v22+s12+$0x0], $0xffff;
	[tilespmem:s29+$0x40] =	vst v19  }
0xe5: {  	s31 =	sor.u32 s1, s9;
	s19 =	simm.s32 $0x300;
	[tilespmem:s30+$0xFFFFFFC0] =	vst v21;
	v19 =	vadd.s32 v1, v10;
	v21 =	vld.idx.msk [tilespmem:v26+s12+$0x0], $0xffff  }
0xe6: {  	v57 =	vadd.s32 v5, v14;
	s0 =	sand.u32 $0x300, s19;
	[tilespmem:s31+$0x0] =	vst v24;
	v56 =	vld.idx.msk [tilespmem:v55+s12+$0x0], $0xffff  }
0xe7: {  	s19 =	sadd.s32 s0, s9;
	v59 =	vadd.s32 v1, v11;
	v58 =	vld.idx.msk [tilespmem:v27+s12+$0x0], $0xffff;
	[tilespmem:s25+$0x0] =	vst v23  }
0xe8: {  	s0 =	simm.s32 $0x380;
	v23 =	vadd.s32 v6, v12;
	[tilespmem:s19+$0x0] =	vst v17;
	v16 =	vld.idx.msk [tilespmem:v16+s12+$0x0], $0xffff  }
0xe9: {  	s20 =	sand.u32 $0x380, s0;
	v17 =	vadd.s32 v6, v15;
	v20 =	vld.idx.msk [tilespmem:v20+s12+$0x0], $0xffff;
	[tilespmem:s28+$0x40] =	vst v18  }
0xea: {  	s1 =	sadd.s32 s20, s9;
	v18 =	vadd.s32 v2, v8;
	v19 =	vld.idx.msk [tilespmem:v19+s12+$0x0], $0xffff;
	[tilespmem:s26+$0x50] =	vst v22  }
0xeb: {  	v62 =	vadd.s32 v6, v13;
	[tilespmem:s1+$0x0] =	vst v21;
	v21 =	vld.idx.msk [tilespmem:v57+s12+$0x0], $0xffff  }
0xec: {  	v22 =	vadd.s32 v2, v9;
	[tilespmem:s29+$0x50] =	vst v56;
	v27 =	vld.idx.msk [tilespmem:v59+s12+$0x0], $0xffff  }
0xed: {  	v60 =	vadd.s32 v2, v10;
	[tilespmem:s30+$0xFFFFFFD0] =	vst v58;
	v23 =	vld.idx.msk [tilespmem:v23+s12+$0x0], $0xffff  }
0xee: {  	v61 =	vadd.s32 v6, v14;
	v17 =	vld.idx.msk [tilespmem:v17+s12+$0x0], $0xffff;
	[tilespmem:s25+$0x10] =	vst v16  }
0xef: {  	v15 =	vadd.s32 v7, v15;
	v16 =	vld.idx.msk [tilespmem:v18+s12+$0x0], $0xffff;
	[tilespmem:s31+$0x10] =	vst v20  }
0xf0: {  	v12 =	vadd.s32 v7, v12;
	v18 =	vld.idx.msk [tilespmem:v62+s12+$0x0], $0xffff;
	[tilespmem:s19+$0x10] =	vst v19  }
0xf1: {  	v20 =	vld.idx.msk [tilespmem:v22+s12+$0x0], $0xffff;
	v19 =	vadd.s32 v2, v11;
	[tilespmem:s28+$0x50] =	vst v21  }
0xf2: {  	v63 =	vadd.s32 v3, v9;
	v22 =	vld.idx.msk [tilespmem:v60+s12+$0x0], $0xffff;
	[tilespmem:s1+$0x10] =	vst v27  }
0xf3: {  	v28 =	vadd.s32 v3, v10;
	v24 =	vld.idx.msk [tilespmem:v61+s12+$0x0], $0xffff;
	[tilespmem:s29+$0x60] =	vst v17  }
0xf4: {  	[tilespmem:s26+$0x60] =	vst v23;
	v17 =	vld.idx.msk [tilespmem:v15+s12+$0x0], $0xffff  }
0xf5: {  	v14 =	vadd.s32 v7, v14;
	[tilespmem:s30+$0xFFFFFFE0] =	vst v16;
	v15 =	vld.idx.msk [tilespmem:v12+s12+$0x0], $0xffff  }
0xf6: {  	v16 =	vadd.s32 v7, v13;
	[tilespmem:s31+$0x20] =	vst v20;
	v21 =	vld.idx.msk [tilespmem:v19+s12+$0x0], $0xffff  }
0xf7: {  	v23 =	vadd.s32 v3, v8;
	v19 =	vld.idx.msk [tilespmem:v63+s12+$0x0], $0xffff;
	[tilespmem:s19+$0x20] =	vst v22  }
0xf8: {  	s6 =	simm.s32 $0x8;
	v12 =	vadd.s32 v4, v9;
	v22 =	vadd.s32 v3, v11;
	[tilespmem:s28+$0x60] =	vst v24;
	v20 =	vld.idx.msk [tilespmem:v28+s12+$0x0], $0xffff  }
.LBB2_5:
0xf9: {  	s20 =	sadd.s32 $0x1, s6  }
0xfa: {  	v13 =	vmov s6;
	p1 =	slt.u32 s6, $0x1C;
	v24 =	vadd.s32 v4, v8;
	[tilespmem:s25+$0x20] =	vst v18;
	v14 =	vld.idx.msk [tilespmem:v14+s12+$0x0], $0xffff;
	s9 =	smov.u32 s6;
	s6 =	sadd.s32 $0x4, s6  }
0xfb: {  	v25 =	vadd.s32 v4, v10;
	v13 =	vand.u32 $0x1C, v13;
	v18 =	vmov s20;
	s20 =	sadd.s32 $0x2, s9;
	v16 =	vld.idx.msk [tilespmem:v16+s12+$0x0], $0xffff;
	[tilespmem:s29+$0x70] =	vst v17;
	s29 =	smov.u32 s19  }
0xfc: {  	s9 =	sadd.s32 $0x3, s9;
	v17 =	vadd.s32 v0, v13;
	v18 =	vand.u32 $0x1D, v18;
	v26 =	vmov s20;
	v23 =	vld.idx.msk [tilespmem:v23+s12+$0x0], $0xffff;
	[tilespmem:s26+$0x70] =	vst v15;
	s26 =	smov.u32 s31  }
0xfd: {  	v27 =	vmov s9;
	v15 =	vadd.s32 v0, v18;
	v26 =	vand.u32 $0x1E, v26;
	[tilespmem:s1+$0x20] =	vst v21  }
0xfe: {  	v21 =	vadd.s32 v4, v18;
	v27 =	vand.u32 $0x1F, v27;
	v28 =	vadd.s32 v0, v26;
	[tilespmem:s26+$0x30] =	vst v19;
	v19 =	vld.idx.msk [tilespmem:v22+s12+$0x0], $0xffff  }
0xff: {  	v22 =	vadd.s32 v0, v27;
	v29 =	vld.idx.msk [tilespmem:v12+s12+$0x0], $0xffff;
	[tilespmem:s29+$0x30] =	vst v20;
	v12 =	vmov v21  }
0x100: {  	v21 =	vadd.s32 v4, v11;
	v20 =	vld.idx.msk [tilespmem:v25+s12+$0x0], $0xffff;
	[tilespmem:s28+$0x70] =	vst v14;
	s28 =	smov.u32 s1  }
0x101: {  	v14 =	vld.idx.msk [tilespmem:v17+s12+$0x0], $0xffff;
	v17 =	vadd.s32 v5, v9;
	[tilespmem:s25+$0x30] =	vst v16;
	s25 =	smov.u32 s30  }
0x102: {  	v15 =	vld.idx.msk [tilespmem:v15+s12+$0x0], $0xffff;
	[tilespmem:s30+$0xFFFFFFF0] =	vst v23  }
0x103: {  	s0 =	sadd.s32 $0x200, s0;
	v23 =	vadd.s32 v5, v10;
	v16 =	vld.idx.msk [tilespmem:v24+s12+$0x0], $0xffff  }
0x104: {  	s1 =	sadd.s32 $0xFFFFFE80, s0;
	v24 =	vadd.s32 v1, v13;
	v25 =	vld.idx.msk [tilespmem:v28+s12+$0x0], $0xffff;
	[tilespmem:s28+$0x30] =	vst v19  }
0x105: {  	s9 =	sadd.s32 $0xFFFFFF00, s0;
	s1 =	sand.u32 $0xC00, s1;
	v19 =	vadd.s32 v5, v8;
	[tilespmem:s26+$0x40] =	vst v29;
	v21 =	vld.idx.msk [tilespmem:v21+s12+$0x0], $0xffff  }
0x106: {  	s9 =	sand.u32 $0x280, s9;
	s1 =	sor.u32 $0x11100, s1;
	s30 =	sadd.s32 $0x200, s30;
	v28 =	vadd.s32 v1, v18;
	v17 =	vld.idx.msk [tilespmem:v17+s12+$0x0], $0xffff;
	[tilespmem:s29+$0x40] =	vst v20  }
0x107: {  	s31 =	sor.u32 s9, s1;
	s9 =	sadd.s32 $0xFFFFFF80, s0;
	[tilespmem:s30+$0xFFFFFFC0] =	vst v14;
	v14 =	vadd.s32 v1, v26;
	v20 =	vld.idx.msk [tilespmem:v22+s12+$0x0], $0xffff  }
0x108: {  	s9 =	sand.u32 $0x300, s9;
	v22 =	vadd.s32 v5, v11;
	[tilespmem:s31+$0x0] =	vst v15;
	v15 =	vld.idx.msk [tilespmem:v23+s12+$0x0], $0xffff  }
0x109: {  	s19 =	sadd.s32 s9, s1;
	v23 =	vld.idx.msk [tilespmem:v24+s12+$0x0], $0xffff;
	[tilespmem:s25+$0x0] =	vst v16;
	v16 =	vadd.s32 v6, v9  }
0x10a: {  	v24 =	vadd.s32 v6, v10;
	[tilespmem:s19+$0x0] =	vst v25;
	v19 =	vld.idx.msk [tilespmem:v19+s12+$0x0], $0xffff  }
0x10b: {  	s9 =	sand.u32 $0x380, s0;
	v25 =	vld.idx.msk [tilespmem:v28+s12+$0x0], $0xffff;
	v28 =	vadd.s32 v1, v27;
	[tilespmem:s28+$0x40] =	vst v21  }
0x10c: {  	s1 =	sadd.s32 s9, s1;
	v21 =	vadd.s32 v2, v13;
	v14 =	vld.idx.msk [tilespmem:v14+s12+$0x0], $0xffff;
	[tilespmem:s26+$0x50] =	vst v17  }
0x10d: {  	v17 =	vadd.s32 v2, v18;
	[tilespmem:s1+$0x0] =	vst v20;
	v20 =	vld.idx.msk [tilespmem:v22+s12+$0x0], $0xffff  }
0x10e: {  	v22 =	vadd.s32 v2, v26;
	v16 =	vld.idx.msk [tilespmem:v16+s12+$0x0], $0xffff;
	[tilespmem:s29+$0x50] =	vst v15  }
0x10f: {  	v15 =	vadd.s32 v6, v8;
	[tilespmem:s30+$0xFFFFFFD0] =	vst v23;
	v23 =	vld.idx.msk [tilespmem:v24+s12+$0x0], $0xffff;
	v24 =	vadd.s32 v6, v11  }
0x110: {  	v28 =	vld.idx.msk [tilespmem:v28+s12+$0x0], $0xffff;
	[tilespmem:s25+$0x10] =	vst v19  }
0x111: {  	v19 =	vld.idx.msk [tilespmem:v21+s12+$0x0], $0xffff;
	[tilespmem:s31+$0x10] =	vst v25;
	v21 =	vadd.s32 v7, v10;
	v10 =	vmov v26  }
0x112: {  	v26 =	vadd.s32 v7, v9;
	v9 =	vmov v18;
	v25 =	vld.idx.msk [tilespmem:v17+s12+$0x0], $0xffff;
	[tilespmem:s19+$0x10] =	vst v14  }
0x113: {  	v29 =	vadd.s32 v2, v27;
	v22 =	vld.idx.msk [tilespmem:v22+s12+$0x0], $0xffff;
	[tilespmem:s28+$0x50] =	vst v20  }
0x114: {  	v20 =	vadd.s32 v3, v9;
	[tilespmem:s26+$0x60] =	vst v16;
	v24 =	vld.idx.msk [tilespmem:v24+s12+$0x0], $0xffff  }
0x115: {  	v30 =	vadd.s32 v3, v10;
	v18 =	vld.idx.msk [tilespmem:v15+s12+$0x0], $0xffff;
	[tilespmem:s29+$0x60] =	vst v23  }
.Ltmp1:
0x116: {  	v14 =	vadd.s32 v7, v11;
	v16 =	vadd.s32 v7, v8;
	v8 =	vmov v13;
	[tilespmem:s1+$0x10] =	vst v28;
	v17 =	vld.idx.msk [tilespmem:v21+s12+$0x0], $0xffff;
	(pc) =	sbr.rel @p1 .LBB2_5-.Ltmp1, $4  }
0x117: {  	v11 =	vmov v27;
	[tilespmem:s30+$0xFFFFFFE0] =	vst v19;
	v15 =	vld.idx.msk [tilespmem:v26+s12+$0x0], $0xffff  }
0x118: {  	v23 =	vadd.s32 v3, v8;
	[tilespmem:s31+$0x20] =	vst v25;
	v21 =	vld.idx.msk [tilespmem:v29+s12+$0x0], $0xffff  }
0x119: {  	v19 =	vld.idx.msk [tilespmem:v20+s12+$0x0], $0xffff;
	[tilespmem:s19+$0x20] =	vst v22  }
0x11a: {  	v22 =	vadd.s32 v3, v11;
	v20 =	vld.idx.msk [tilespmem:v30+s12+$0x0], $0xffff;
	[tilespmem:s28+$0x60] =	vst v24  }
0x11b: {  	_ =	sdelay $0x3  }
0x11c: {  	v13 =	vadd.s32 v4, v10;
	v57 =	vld.idx.msk [tilespmem:v23+s12+$0x0], $0xffff;
	[tilespmem:s1+$0x20] =	vst v21  }
0x11d: {  	v24 =	vadd.s32 v4, v8;
	v21 =	vld.idx.msk [tilespmem:v22+s12+$0x0], $0xffff  }
0x11e: {  	v58 =	vadd.s32 v4, v11  }
0x11f: {  	[tilespmem:s31+$0x30] =	vst v19  }
0x120: {  	[tilespmem:s19+$0x30] =	vst v20;
	v12 =	vld.idx.msk [tilespmem:v12+s12+$0x0], $0xffff  }
0x121: {  	v59 =	vadd.s32 v5, v9;
	v13 =	vld.idx.msk [tilespmem:v13+s12+$0x0], $0xffff;
	[tilespmem:s30+$0xFFFFFFF0] =	vst v57  }
0x122: {  	v19 =	vadd.s32 v5, v10;
	v22 =	vld.idx.msk [tilespmem:v24+s12+$0x0], $0xffff;
	[tilespmem:s1+$0x30] =	vst v21  }
0x123: {  	v61 =	vadd.s32 v5, v8;
	v21 =	vld.idx.msk [tilespmem:v58+s12+$0x0], $0xffff  }
0x124: {  	v60 =	vadd.s32 v5, v11  }
0x125: {  	[tilespmem:s31+$0x40] =	vst v12  }
0x126: {  	[tilespmem:s19+$0x40] =	vst v13;
	v13 =	vld.idx.msk [tilespmem:v59+s12+$0x0], $0xffff  }
0x127: {  	v62 =	vadd.s32 v6, v9;
	v12 =	vld.idx.msk [tilespmem:v19+s12+$0x0], $0xffff;
	[tilespmem:s30+$0x0] =	vst v22  }
0x128: {  	v19 =	vadd.s32 v6, v10;
	v22 =	vld.idx.msk [tilespmem:v61+s12+$0x0], $0xffff;
	[tilespmem:s1+$0x40] =	vst v21  }
0x129: {  	[tilespmem:s25+$0x20] =	vst v18;
	v18 =	vadd.s32 v6, v8;
	v21 =	vld.idx.msk [tilespmem:v60+s12+$0x0], $0xffff  }
0x12a: {  	v63 =	vadd.s32 v6, v11;
	[tilespmem:s29+$0x70] =	vst v17  }
0x12b: {  	[tilespmem:s31+$0x50] =	vst v13  }
0x12c: {  	[tilespmem:s19+$0x50] =	vst v12;
	v13 =	vld.idx.msk [tilespmem:v62+s12+$0x0], $0xffff  }
0x12d: {  	v9 =	vadd.s32 v7, v9;
	v12 =	vld.idx.msk [tilespmem:v19+s12+$0x0], $0xffff;
	[tilespmem:s30+$0x10] =	vst v22  }
0x12e: {  	v10 =	vadd.s32 v7, v10;
	v17 =	vld.idx.msk [tilespmem:v18+s12+$0x0], $0xffff;
	[tilespmem:s1+$0x50] =	vst v21  }
0x12f: {  	v8 =	vadd.s32 v7, v8;
	v19 =	vld.idx.msk [tilespmem:v63+s12+$0x0], $0xffff  }
0x130: {  	v11 =	vadd.s32 v7, v11;
	v14 =	vld.idx.msk [tilespmem:v14+s12+$0x0], $0xffff;
	[tilespmem:s26+$0x70] =	vst v15  }
0x131: {  	v15 =	vld.idx.msk [tilespmem:v16+s12+$0x0], $0xffff;
	[tilespmem:s31+$0x60] =	vst v13  }
0x132: {  	[tilespmem:s19+$0x60] =	vst v12;
	v9 =	vld.idx.msk [tilespmem:v9+s12+$0x0], $0xffff  }
0x133: {  	v10 =	vld.idx.msk [tilespmem:v10+s12+$0x0], $0xffff;
	[tilespmem:s30+$0x20] =	vst v17  }
0x134: {  	v8 =	vld.idx.msk [tilespmem:v8+s12+$0x0], $0xffff;
	[tilespmem:s1+$0x60] =	vst v19  }
0x135: {  	[tilespmem:s28+$0x70] =	vst v14;
	v11 =	vld.idx.msk [tilespmem:v11+s12+$0x0], $0xffff  }
0x136: {  	[tilespmem:s25+$0x30] =	vst v15  }
0x137: {  	[tilespmem:s31+$0x70] =	vst v9  }
0x138: {  	[tilespmem:s19+$0x70] =	vst v10  }
0x139: {  	[tilespmem:s30+$0x30] =	vst v8  }
0x13a: {  	[tilespmem:s1+$0x70] =	vst v11  }
0x13b: {  	v9 =	vld [tilespmem:s23+$0x20]  }
0x13c: {  	s6 =	simm.s32 $0x8DF0;
	v8 =	vld [tilespmem:s23+$0x30]  }
0x13d: {  	v10 =	vld [tilespmem:s6+$0xFFFFFFF0]  }
0x13e: {  	v11 =	vld [tilespmem:s6+$0xFFFFFF30]  }
0x13f: {  	v12 =	vld [tilespmem:s6+$0xFFFFFF50]  }
0x140: {  	v13 =	vld [tilespmem:s6+$0xFFFFFF70]  }
0x141: {  	v14 =	vld [tilespmem:s6+$0xFFFFFF90]  }
0x142: {  	v15 =	vld [tilespmem:s6+$0xFFFFFFB0];
	v10 =	vadd.f32 v10, v9  }
0x143: {  	s0 =	simm.s32 $0xFDA0;
	v16 =	vld [tilespmem:s6+$0xFFFFFFD0];
	v11 =	vadd.f32 v11, v9  }
0x144: {  	v17 =	vld [tilespmem:s6+$0xFFFFFF10];
	v12 =	vadd.f32 v12, v9;
	[tilespmem:s0+$0x78] =	vst v10  }
0x145: {  	[tilespmem:s0+$0xFFFFFF88] =	vst v11;
	v10 =	vadd.f32 v13, v9;
	v11 =	vld [tilespmem:s6+$0x0]  }
0x146: {  	[tilespmem:s0+$0xFFFFFFB0] =	vst v12;
	v13 =	vadd.f32 v14, v9;
	v18 =	vld [tilespmem:s6+$0xFFFFFF40]  }
0x147: {  	v19 =	vld [tilespmem:s6+$0xFFFFFF60];
	[tilespmem:s0+$0xFFFFFFD8] =	vst v10;
	v10 =	vadd.f32 v15, v9  }
0x148: {  	v14 =	vadd.f32 v16, v9;
	[tilespmem:s0+$0x0] =	vst v13;
	v12 =	vld [tilespmem:s6+$0xFFFFFF80]  }
0x149: {  	v15 =	vadd.f32 v17, v9;
	v13 =	vld [tilespmem:s6+$0xFFFFFFA0];
	[tilespmem:s0+$0x28] =	vst v10  }
0x14a: {  	[tilespmem:s0+$0x50] =	vst v14;
	v10 =	vld [tilespmem:s6+$0xFFFFFFC0];
	v17 =	vadd.f32 v11, v8  }
0x14b: {  	[tilespmem:s0+$0xFFFFFF60] =	vst v15;
	v11 =	vld [tilespmem:s6+$0xFFFFFFE0];
	v16 =	vadd.f32 v18, v8  }
0x14c: {  	s25 =	simm.s32 $0x12170;
	s1 =	simm.s32 $0x0;
	v14 =	vld [tilespmem:s6+$0xFFFFFF20];
	v15 =	vadd.f32 v19, v8;
	s6 =	simm.s32 $0x8EF0;
	[tilespmem:s0+$0x88] =	vst v17  }
.LBB2_7:
0x14d: {  	v17 =	vld [tilespmem:s6+$0xFFFFFFF0];
	s1 =	sadd.s32 $0x8, s1;
	[tilespmem:s0+$0xFFFFFF98] =	vst v16;
	v12 =	vadd.f32 v12, v8  }
0x14e: {  	v16 =	vld [tilespmem:s6+$0xFFFFFF30];
	p1 =	slt.u32 s1, $0x78;
	[tilespmem:s0+$0xFFFFFFC0] =	vst v15;
	v13 =	vadd.f32 v13, v8  }
0x14f: {  	v15 =	vld [tilespmem:s6+$0xFFFFFF50];
	[tilespmem:s0+$0xFFFFFFE8] =	vst v12;
	v10 =	vadd.f32 v10, v8  }
0x150: {  	v12 =	vld [tilespmem:s6+$0xFFFFFF70];
	[tilespmem:s0+$0x10] =	vst v13;
	v11 =	vadd.f32 v11, v8  }
0x151: {  	v13 =	vld [tilespmem:s6+$0xFFFFFF90];
	v14 =	vadd.f32 v14, v8;
	[tilespmem:s0+$0x38] =	vst v10  }
0x152: {  	v10 =	vld [tilespmem:s6+$0xFFFFFFB0];
	v17 =	vadd.f32 v17, v9;
	[tilespmem:s0+$0x60] =	vst v11  }
0x153: {  	v11 =	vadd.f32 v16, v9;
	v16 =	vld [tilespmem:s6+$0xFFFFFFD0];
	[tilespmem:s0+$0xFFFFFF70] =	vst v14;
	s0 =	sadd.s32 $0x140, s0  }
0x154: {  	v14 =	vld [tilespmem:s6+$0xFFFFFF10];
	v15 =	vadd.f32 v15, v9;
	[tilespmem:s0+$0x78] =	vst v17  }
0x155: {  	[tilespmem:s0+$0xFFFFFF88] =	vst v11;
	v11 =	vadd.f32 v12, v9;
	v17 =	vld [tilespmem:s6+$0x0]  }
0x156: {  	v18 =	vld [tilespmem:s6+$0xFFFFFF40];
	[tilespmem:s0+$0xFFFFFFB0] =	vst v15;
	v13 =	vadd.f32 v13, v9  }
0x157: {  	v15 =	vld [tilespmem:s6+$0xFFFFFF60];
	[tilespmem:s0+$0xFFFFFFD8] =	vst v11;
	v10 =	vadd.f32 v10, v9  }
.Ltmp2:
0x158: {  	v12 =	vld [tilespmem:s6+$0xFFFFFF80];
	[tilespmem:s0+$0x0] =	vst v13;
	v11 =	vadd.f32 v16, v9;
	(pc) =	sbr.rel @p1 .LBB2_7-.Ltmp2, $4  }
0x159: {  	v14 =	vadd.f32 v14, v9;
	v13 =	vld [tilespmem:s6+$0xFFFFFFA0];
	[tilespmem:s0+$0x28] =	vst v10  }
0x15a: {  	v10 =	vld [tilespmem:s6+$0xFFFFFFC0];
	[tilespmem:s0+$0x50] =	vst v11;
	v17 =	vadd.f32 v17, v8  }
0x15b: {  	[tilespmem:s0+$0xFFFFFF60] =	vst v14;
	v16 =	vadd.f32 v18, v8;
	v11 =	vld [tilespmem:s6+$0xFFFFFFE0]  }
0x15c: {  	s26 =	simm.s32 $0x0;
	s19 =	simm.s32 $0x180;
	v14 =	vld [tilespmem:s6+$0xFFFFFF20];
	v15 =	vadd.f32 v15, v8;
	[tilespmem:s0+$0x88] =	vst v17;
	s6 =	sadd.s32 $0x100, s6  }
0x15d: {  	s1 =	simm.s32 $0x1  }
0x15e: {  	[tilespmem:s0+$0xFFFFFF98] =	vst v16;
	v9 =	vadd.f32 v12, v8;
	s20 =	simm.s32 $0x2;
	v12 =	vmov s1  }
0x15f: {  	[tilespmem:s0+$0xFFFFFFC0] =	vst v15;
	v13 =	vadd.f32 v13, v8;
	v15 =	vmov s20;
	v12 =	vand.u32 $0x1D, v12  }
0x160: {  	[tilespmem:s0+$0xFFFFFFE8] =	vst v9;
	v9 =	vadd.f32 v10, v8;
	v15 =	vand.u32 $0x1E, v15;
	v10 =	vadd.s32 v0, v12  }
0x161: {  	[tilespmem:s0+$0x10] =	vst v13;
	v11 =	vadd.f32 v11, v8;
	v16 =	vadd.s32 v0, v15  }
0x162: {  	v8 =	vadd.f32 v14, v8;
	[tilespmem:s0+$0x38] =	vst v9;
	v9 =	vmov s26;
	s26 =	simm.s32 $0x3  }
0x163: {  	[tilespmem:s0+$0x60] =	vst v11;
	v13 =	vand.u32 $0x1C, v9;
	v9 =	vmov s26  }
0x164: {  	[tilespmem:s0+$0xFFFFFF70] =	vst v8;
	v8 =	vadd.s32 v0, v13;
	v14 =	vand.u32 $0x1F, v9  }
0x165: {  	v9 =	vadd.s32 v0, v14;
	v10 =	vld.idx.msk [tilespmem:v10+s12+$0x0], $0xffff  }
0x166: {  	s1 =	simm.s32 $0x0;
	v11 =	vld.idx.msk [tilespmem:v16+s12+$0x0], $0xffff;
	v16 =	vadd.s32 v1, v12  }
0x167: {  	s6 =	simm.s32 $0x80;
	v17 =	vadd.s32 v1, v15;
	s0 =	sand.u32 $0xC00, s1  }
0x168: {  	s1 =	sand.u32 $0x280, s6;
	s6 =	simm.s32 $0x100;
	s0 =	sor.u32 $0x11100, s0  }
0x169: {  	s9 =	sand.u32 $0x300, s6;
	s26 =	sor.u32 s1, s0;
	v8 =	vld.idx.msk [tilespmem:v8+s12+$0x0], $0xffff  }
0x16a: {  	v18 =	vadd.s32 v1, v13;
	s29 =	sadd.s32 s9, s0;
	v9 =	vld.idx.msk [tilespmem:v9+s12+$0x0], $0xffff;
	[tilespmem:s26+$0x1000] =	vst v10  }
0x16b: {  	[tilespmem:s29+$0x1000] =	vst v11;
	v11 =	vadd.s32 v1, v14;
	v10 =	vld.idx.msk [tilespmem:v16+s12+$0x0], $0xffff  }
0x16c: {  	v16 =	vld.idx.msk [tilespmem:v17+s12+$0x0], $0xffff;
	v17 =	vadd.s32 v2, v12  }
0x16d: {  	s20 =	sand.u32 $0x380, s19;
	v19 =	vadd.s32 v2, v15  }
0x16e: {  	s28 =	sadd.s32 s20, s0;
	[tilespmem:s25+$0xFFFFFF90] =	vst v8  }
0x16f: {  	v8 =	vld.idx.msk [tilespmem:v18+s12+$0x0], $0xffff;
	[tilespmem:s28+$0x1000] =	vst v9  }
0x170: {  	v9 =	vadd.s32 v2, v13;
	v11 =	vld.idx.msk [tilespmem:v11+s12+$0x0], $0xffff;
	[tilespmem:s26+$0x1010] =	vst v10  }
0x171: {  	[tilespmem:s29+$0x1010] =	vst v16;
	v16 =	vadd.s32 v2, v14;
	v10 =	vld.idx.msk [tilespmem:v17+s12+$0x0], $0xffff  }
0x172: {  	v18 =	vadd.s32 v3, v12;
	v17 =	vld.idx.msk [tilespmem:v19+s12+$0x0], $0xffff  }
0x173: {  	v19 =	vadd.s32 v3, v15  }
0x174: {  	[tilespmem:s25+$0xFFFFFFA0] =	vst v8  }
0x175: {  	v9 =	vld.idx.msk [tilespmem:v9+s12+$0x0], $0xffff;
	[tilespmem:s28+$0x1010] =	vst v11  }
0x176: {  	v11 =	vadd.s32 v3, v13;
	[tilespmem:s26+$0x1020] =	vst v10;
	v10 =	vld.idx.msk [tilespmem:v16+s12+$0x0], $0xffff  }
0x177: {  	s6 =	simm.s32 $0x4;
	[tilespmem:s29+$0x1020] =	vst v17;
	v17 =	vadd.s32 v3, v14;
	v16 =	vld.idx.msk [tilespmem:v18+s12+$0x0], $0xffff  }
0x178: {  	s9 =	simm.s32 $0x5;
	v8 =	vmov s6;
	v18 =	vadd.s32 v4, v12;
	v19 =	vld.idx.msk [tilespmem:v19+s12+$0x0], $0xffff  }
0x179: {  	v21 =	vadd.s32 v4, v15;
	v20 =	vmov s9;
	v8 =	vand.u32 $0x1C, v8  }
0x17a: {  	s19 =	simm.s32 $0x6;
	v22 =	vadd.s32 v0, v8;
	[tilespmem:s25+$0xFFFFFFB0] =	vst v9;
	v9 =	vand.u32 $0x1D, v20  }
0x17b: {  	v20 =	vmov s19;
	v23 =	vld.idx.msk [tilespmem:v11+s12+$0x0], $0xffff;
	v24 =	vadd.s32 v0, v9;
	[tilespmem:s28+$0x1020] =	vst v10  }
0x17c: {  	v25 =	vadd.s32 v4, v13;
	s20 =	simm.s32 $0x7;
	v10 =	vand.u32 $0x1E, v20;
	[tilespmem:s26+$0x1030] =	vst v16;
	v16 =	vld.idx.msk [tilespmem:v17+s12+$0x0], $0xffff  }
0x17d: {  	v11 =	vmov s20;
	v17 =	vadd.s32 v0, v10;
	[tilespmem:s29+$0x1030] =	vst v19;
	v18 =	vld.idx.msk [tilespmem:v18+s12+$0x0], $0xffff  }
0x17e: {  	v20 =	vadd.s32 v4, v14;
	v11 =	vand.u32 $0x1F, v11;
	v19 =	vld.idx.msk [tilespmem:v21+s12+$0x0], $0xffff  }
0x17f: {  	v26 =	vadd.s32 v0, v11;
	v21 =	vld.idx.msk [tilespmem:v22+s12+$0x0], $0xffff  }
0x180: {  	v22 =	vadd.s32 v5, v12;
	v24 =	vld.idx.msk [tilespmem:v24+s12+$0x0], $0xffff;
	[tilespmem:s25+$0xFFFFFFC0] =	vst v23  }
0x181: {  	v55 =	vadd.s32 v5, v15;
	v23 =	vld.idx.msk [tilespmem:v25+s12+$0x0], $0xffff  }
0x182: {  	s1 =	simm.s32 $0x200;
	v27 =	vadd.s32 v1, v8;
	v17 =	vld.idx.msk [tilespmem:v17+s12+$0x0], $0xffff;
	[tilespmem:s28+$0x1030] =	vst v16  }
0x183: {  	s30 =	simm.s32 $0x12370;
	s0 =	sand.u32 $0xC00, s1;
	s6 =	simm.s32 $0x280;
	v16 =	vadd.s32 v5, v13;
	[tilespmem:s26+$0x1040] =	vst v18;
	v18 =	vld.idx.msk [tilespmem:v20+s12+$0x0], $0xffff  }
0x184: {  	s9 =	sor.u32 $0x11100, s0;
	s1 =	sand.u32 $0x280, s6;
	v20 =	vadd.s32 v1, v9;
	[tilespmem:s30+$0xFFFFFF90] =	vst v21;
	v21 =	vld.idx.msk [tilespmem:v26+s12+$0x0], $0xffff  }
0x185: {  	s31 =	sor.u32 s1, s9;
	s19 =	simm.s32 $0x300;
	[tilespmem:s29+$0x1040] =	vst v19;
	v19 =	vadd.s32 v1, v10;
	v22 =	vld.idx.msk [tilespmem:v22+s12+$0x0], $0xffff  }
0x186: {  	v57 =	vadd.s32 v5, v14;
	s0 =	sand.u32 $0x300, s19;
	v56 =	vld.idx.msk [tilespmem:v55+s12+$0x0], $0xffff;
	[tilespmem:s31+$0x1000] =	vst v24  }
0x187: {  	s19 =	sadd.s32 s0, s9;
	s0 =	simm.s32 $0x380;
	v59 =	vadd.s32 v1, v11;
	v58 =	vld.idx.msk [tilespmem:v27+s12+$0x0], $0xffff;
	[tilespmem:s25+$0xFFFFFFD0] =	vst v23  }
0x188: {  	s20 =	sand.u32 $0x380, s0;
	v23 =	vadd.s32 v6, v12;
	[tilespmem:s19+$0x1000] =	vst v17;
	v16 =	vld.idx.msk [tilespmem:v16+s12+$0x0], $0xffff  }
0x189: {  	s1 =	sadd.s32 s20, s9;
	v17 =	vadd.s32 v6, v15;
	v20 =	vld.idx.msk [tilespmem:v20+s12+$0x0], $0xffff;
	[tilespmem:s28+$0x1040] =	vst v18  }
0x18a: {  	v18 =	vadd.s32 v2, v8;
	v19 =	vld.idx.msk [tilespmem:v19+s12+$0x0], $0xffff;
	[tilespmem:s1+$0x1000] =	vst v21  }
0x18b: {  	v62 =	vadd.s32 v6, v13;
	[tilespmem:s26+$0x1050] =	vst v22;
	v21 =	vld.idx.msk [tilespmem:v57+s12+$0x0], $0xffff  }
0x18c: {  	v22 =	vadd.s32 v2, v9;
	[tilespmem:s29+$0x1050] =	vst v56;
	v27 =	vld.idx.msk [tilespmem:v59+s12+$0x0], $0xffff  }
0x18d: {  	v60 =	vadd.s32 v2, v10;
	[tilespmem:s30+$0xFFFFFFA0] =	vst v58;
	v23 =	vld.idx.msk [tilespmem:v23+s12+$0x0], $0xffff  }
0x18e: {  	v61 =	vadd.s32 v6, v14;
	v17 =	vld.idx.msk [tilespmem:v17+s12+$0x0], $0xffff;
	[tilespmem:s25+$0xFFFFFFE0] =	vst v16  }
0x18f: {  	v15 =	vadd.s32 v7, v15;
	v16 =	vld.idx.msk [tilespmem:v18+s12+$0x0], $0xffff;
	[tilespmem:s31+$0x1010] =	vst v20  }
0x190: {  	v12 =	vadd.s32 v7, v12;
	[tilespmem:s19+$0x1010] =	vst v19;
	v18 =	vld.idx.msk [tilespmem:v62+s12+$0x0], $0xffff  }
0x191: {  	v19 =	vadd.s32 v2, v11;
	v20 =	vld.idx.msk [tilespmem:v22+s12+$0x0], $0xffff;
	[tilespmem:s28+$0x1050] =	vst v21  }
0x192: {  	v63 =	vadd.s32 v3, v9;
	v22 =	vld.idx.msk [tilespmem:v60+s12+$0x0], $0xffff;
	[tilespmem:s1+$0x1010] =	vst v27  }
0x193: {  	v28 =	vadd.s32 v3, v10;
	v24 =	vld.idx.msk [tilespmem:v61+s12+$0x0], $0xffff;
	[tilespmem:s29+$0x1060] =	vst v17  }
0x194: {  	[tilespmem:s26+$0x1060] =	vst v23;
	v17 =	vld.idx.msk [tilespmem:v15+s12+$0x0], $0xffff  }
0x195: {  	v14 =	vadd.s32 v7, v14;
	[tilespmem:s30+$0xFFFFFFB0] =	vst v16;
	v15 =	vld.idx.msk [tilespmem:v12+s12+$0x0], $0xffff  }
0x196: {  	v21 =	vld.idx.msk [tilespmem:v19+s12+$0x0], $0xffff;
	v16 =	vadd.s32 v7, v13;
	[tilespmem:s31+$0x1020] =	vst v20  }
0x197: {  	v23 =	vadd.s32 v3, v8;
	[tilespmem:s19+$0x1020] =	vst v22;
	v19 =	vld.idx.msk [tilespmem:v63+s12+$0x0], $0xffff  }
0x198: {  	s6 =	simm.s32 $0x8;
	v12 =	vadd.s32 v4, v9;
	v22 =	vadd.s32 v3, v11;
	v20 =	vld.idx.msk [tilespmem:v28+s12+$0x0], $0xffff;
	[tilespmem:s28+$0x1060] =	vst v24  }
.LBB2_9:
0x199: {  	s9 =	sadd.s32 $0x1, s6  }
0x19a: {  	v13 =	vmov s6;
	p1 =	slt.u32 s6, $0x1C;
	v24 =	vadd.s32 v4, v8;
	[tilespmem:s25+$0xFFFFFFF0] =	vst v18;
	v14 =	vld.idx.msk [tilespmem:v14+s12+$0x0], $0xffff;
	s20 =	smov.u32 s6;
	s6 =	sadd.s32 $0x4, s6  }
0x19b: {  	v25 =	vadd.s32 v4, v10;
	v13 =	vand.u32 $0x1C, v13;
	v18 =	vmov s9;
	s9 =	sadd.s32 $0x2, s20;
	v16 =	vld.idx.msk [tilespmem:v16+s12+$0x0], $0xffff;
	[tilespmem:s29+$0x1070] =	vst v17;
	s29 =	smov.u32 s19  }
0x19c: {  	v17 =	vadd.s32 v0, v13;
	v18 =	vand.u32 $0x1D, v18;
	v26 =	vmov s9;
	s9 =	sadd.s32 $0x3, s20;
	v23 =	vld.idx.msk [tilespmem:v23+s12+$0x0], $0xffff;
	[tilespmem:s26+$0x1070] =	vst v15;
	s26 =	smov.u32 s31  }
0x19d: {  	v15 =	vadd.s32 v0, v18;
	v26 =	vand.u32 $0x1E, v26;
	v27 =	vmov s9;
	[tilespmem:s1+$0x1020] =	vst v21  }
0x19e: {  	v21 =	vadd.s32 v4, v18;
	v28 =	vadd.s32 v0, v26;
	v27 =	vand.u32 $0x1F, v27;
	[tilespmem:s26+$0x1030] =	vst v19;
	v19 =	vld.idx.msk [tilespmem:v22+s12+$0x0], $0xffff  }
0x19f: {  	v22 =	vadd.s32 v0, v27;
	v29 =	vld.idx.msk [tilespmem:v12+s12+$0x0], $0xffff;
	[tilespmem:s29+$0x1030] =	vst v20;
	v12 =	vmov v21  }
0x1a0: {  	v21 =	vadd.s32 v4, v11;
	v20 =	vld.idx.msk [tilespmem:v25+s12+$0x0], $0xffff;
	[tilespmem:s28+$0x1070] =	vst v14;
	s28 =	smov.u32 s1  }
0x1a1: {  	v14 =	vld.idx.msk [tilespmem:v17+s12+$0x0], $0xffff;
	v17 =	vadd.s32 v5, v9;
	[tilespmem:s25+$0x0] =	vst v16;
	s25 =	smov.u32 s30  }
0x1a2: {  	v15 =	vld.idx.msk [tilespmem:v15+s12+$0x0], $0xffff;
	[tilespmem:s30+$0xFFFFFFC0] =	vst v23  }
0x1a3: {  	s0 =	sadd.s32 $0x200, s0;
	v23 =	vadd.s32 v5, v10;
	v16 =	vld.idx.msk [tilespmem:v24+s12+$0x0], $0xffff  }
0x1a4: {  	s1 =	sadd.s32 $0xFFFFFE80, s0;
	v24 =	vadd.s32 v1, v13;
	v25 =	vld.idx.msk [tilespmem:v28+s12+$0x0], $0xffff;
	[tilespmem:s28+$0x1030] =	vst v19  }
0x1a5: {  	s9 =	sadd.s32 $0xFFFFFF00, s0;
	s1 =	sand.u32 $0xC00, s1;
	v19 =	vadd.s32 v5, v8;
	[tilespmem:s26+$0x1040] =	vst v29;
	v21 =	vld.idx.msk [tilespmem:v21+s12+$0x0], $0xffff  }
0x1a6: {  	s9 =	sand.u32 $0x280, s9;
	s1 =	sor.u32 $0x11100, s1;
	s30 =	sadd.s32 $0x200, s30;
	v28 =	vadd.s32 v1, v18;
	v17 =	vld.idx.msk [tilespmem:v17+s12+$0x0], $0xffff;
	[tilespmem:s29+$0x1040] =	vst v20  }
0x1a7: {  	s31 =	sor.u32 s9, s1;
	s9 =	sadd.s32 $0xFFFFFF80, s0;
	[tilespmem:s30+$0xFFFFFF90] =	vst v14;
	v14 =	vadd.s32 v1, v26;
	v20 =	vld.idx.msk [tilespmem:v22+s12+$0x0], $0xffff  }
0x1a8: {  	s9 =	sand.u32 $0x300, s9;
	v22 =	vadd.s32 v5, v11;
	[tilespmem:s31+$0x1000] =	vst v15;
	v15 =	vld.idx.msk [tilespmem:v23+s12+$0x0], $0xffff  }
0x1a9: {  	s19 =	sadd.s32 s9, s1;
	v23 =	vld.idx.msk [tilespmem:v24+s12+$0x0], $0xffff;
	[tilespmem:s25+$0xFFFFFFD0] =	vst v16;
	v16 =	vadd.s32 v6, v9  }
0x1aa: {  	v24 =	vadd.s32 v6, v10;
	[tilespmem:s19+$0x1000] =	vst v25;
	v19 =	vld.idx.msk [tilespmem:v19+s12+$0x0], $0xffff  }
0x1ab: {  	s9 =	sand.u32 $0x380, s0;
	v25 =	vld.idx.msk [tilespmem:v28+s12+$0x0], $0xffff;
	v28 =	vadd.s32 v1, v27;
	[tilespmem:s28+$0x1040] =	vst v21  }
0x1ac: {  	s1 =	sadd.s32 s9, s1;
	v21 =	vadd.s32 v2, v13;
	v14 =	vld.idx.msk [tilespmem:v14+s12+$0x0], $0xffff;
	[tilespmem:s26+$0x1050] =	vst v17  }
0x1ad: {  	v17 =	vadd.s32 v2, v18;
	[tilespmem:s1+$0x1000] =	vst v20;
	v20 =	vld.idx.msk [tilespmem:v22+s12+$0x0], $0xffff  }
0x1ae: {  	v22 =	vadd.s32 v2, v26;
	v16 =	vld.idx.msk [tilespmem:v16+s12+$0x0], $0xffff;
	[tilespmem:s29+$0x1050] =	vst v15  }
0x1af: {  	v15 =	vadd.s32 v6, v8;
	[tilespmem:s30+$0xFFFFFFA0] =	vst v23;
	v23 =	vld.idx.msk [tilespmem:v24+s12+$0x0], $0xffff;
	v24 =	vadd.s32 v6, v11  }
0x1b0: {  	v28 =	vld.idx.msk [tilespmem:v28+s12+$0x0], $0xffff;
	[tilespmem:s25+$0xFFFFFFE0] =	vst v19  }
0x1b1: {  	v19 =	vld.idx.msk [tilespmem:v21+s12+$0x0], $0xffff;
	[tilespmem:s31+$0x1010] =	vst v25;
	v21 =	vadd.s32 v7, v10;
	v10 =	vmov v26  }
0x1b2: {  	v26 =	vadd.s32 v7, v9;
	v9 =	vmov v18;
	v25 =	vld.idx.msk [tilespmem:v17+s12+$0x0], $0xffff;
	[tilespmem:s19+$0x1010] =	vst v14  }
0x1b3: {  	v29 =	vadd.s32 v2, v27;
	v22 =	vld.idx.msk [tilespmem:v22+s12+$0x0], $0xffff;
	[tilespmem:s28+$0x1050] =	vst v20  }
0x1b4: {  	v20 =	vadd.s32 v3, v9;
	[tilespmem:s26+$0x1060] =	vst v16;
	v24 =	vld.idx.msk [tilespmem:v24+s12+$0x0], $0xffff  }
0x1b5: {  	v30 =	vadd.s32 v3, v10;
	v18 =	vld.idx.msk [tilespmem:v15+s12+$0x0], $0xffff;
	[tilespmem:s29+$0x1060] =	vst v23  }
.Ltmp3:
0x1b6: {  	v14 =	vadd.s32 v7, v11;
	v16 =	vadd.s32 v7, v8;
	v8 =	vmov v13;
	[tilespmem:s1+$0x1010] =	vst v28;
	v17 =	vld.idx.msk [tilespmem:v21+s12+$0x0], $0xffff;
	(pc) =	sbr.rel @p1 .LBB2_9-.Ltmp3, $4  }
0x1b7: {  	v11 =	vmov v27;
	[tilespmem:s30+$0xFFFFFFB0] =	vst v19;
	v15 =	vld.idx.msk [tilespmem:v26+s12+$0x0], $0xffff  }
0x1b8: {  	v23 =	vadd.s32 v3, v8;
	[tilespmem:s31+$0x1020] =	vst v25;
	v21 =	vld.idx.msk [tilespmem:v29+s12+$0x0], $0xffff  }
0x1b9: {  	v19 =	vld.idx.msk [tilespmem:v20+s12+$0x0], $0xffff;
	[tilespmem:s19+$0x1020] =	vst v22  }
0x1ba: {  	v22 =	vadd.s32 v3, v11;
	v20 =	vld.idx.msk [tilespmem:v30+s12+$0x0], $0xffff;
	[tilespmem:s28+$0x1060] =	vst v24  }
0x1bb: {  	_ =	sdelay $0x3  }
0x1bc: {  	v13 =	vadd.s32 v4, v10;
	v57 =	vld.idx.msk [tilespmem:v23+s12+$0x0], $0xffff;
	[tilespmem:s1+$0x1020] =	vst v21  }
0x1bd: {  	v24 =	vadd.s32 v4, v8;
	v21 =	vld.idx.msk [tilespmem:v22+s12+$0x0], $0xffff  }
0x1be: {  	v58 =	vadd.s32 v4, v11  }
0x1bf: {  	[tilespmem:s31+$0x1030] =	vst v19  }
0x1c0: {  	[tilespmem:s19+$0x1030] =	vst v20;
	v12 =	vld.idx.msk [tilespmem:v12+s12+$0x0], $0xffff  }
0x1c1: {  	v59 =	vadd.s32 v5, v9;
	v13 =	vld.idx.msk [tilespmem:v13+s12+$0x0], $0xffff;
	[tilespmem:s30+$0xFFFFFFC0] =	vst v57  }
0x1c2: {  	v19 =	vadd.s32 v5, v10;
	v22 =	vld.idx.msk [tilespmem:v24+s12+$0x0], $0xffff;
	[tilespmem:s1+$0x1030] =	vst v21  }
0x1c3: {  	v61 =	vadd.s32 v5, v8;
	v21 =	vld.idx.msk [tilespmem:v58+s12+$0x0], $0xffff  }
0x1c4: {  	v60 =	vadd.s32 v5, v11  }
0x1c5: {  	[tilespmem:s31+$0x1040] =	vst v12  }
0x1c6: {  	[tilespmem:s19+$0x1040] =	vst v13;
	v13 =	vld.idx.msk [tilespmem:v59+s12+$0x0], $0xffff  }
0x1c7: {  	v62 =	vadd.s32 v6, v9;
	v12 =	vld.idx.msk [tilespmem:v19+s12+$0x0], $0xffff;
	[tilespmem:s30+$0xFFFFFFD0] =	vst v22  }
0x1c8: {  	v19 =	vadd.s32 v6, v10;
	v22 =	vld.idx.msk [tilespmem:v61+s12+$0x0], $0xffff;
	[tilespmem:s1+$0x1040] =	vst v21  }
0x1c9: {  	[tilespmem:s25+$0xFFFFFFF0] =	vst v18;
	v18 =	vadd.s32 v6, v8;
	v21 =	vld.idx.msk [tilespmem:v60+s12+$0x0], $0xffff  }
0x1ca: {  	v63 =	vadd.s32 v6, v11;
	[tilespmem:s29+$0x1070] =	vst v17  }
0x1cb: {  	[tilespmem:s31+$0x1050] =	vst v13  }
0x1cc: {  	[tilespmem:s19+$0x1050] =	vst v12;
	v13 =	vld.idx.msk [tilespmem:v62+s12+$0x0], $0xffff  }
0x1cd: {  	v9 =	vadd.s32 v7, v9;
	v12 =	vld.idx.msk [tilespmem:v19+s12+$0x0], $0xffff;
	[tilespmem:s30+$0xFFFFFFE0] =	vst v22  }
0x1ce: {  	v10 =	vadd.s32 v7, v10;
	v17 =	vld.idx.msk [tilespmem:v18+s12+$0x0], $0xffff;
	[tilespmem:s1+$0x1050] =	vst v21  }
0x1cf: {  	v8 =	vadd.s32 v7, v8;
	v19 =	vld.idx.msk [tilespmem:v63+s12+$0x0], $0xffff  }
0x1d0: {  	v11 =	vadd.s32 v7, v11;
	v14 =	vld.idx.msk [tilespmem:v14+s12+$0x0], $0xffff;
	[tilespmem:s26+$0x1070] =	vst v15  }
0x1d1: {  	v15 =	vld.idx.msk [tilespmem:v16+s12+$0x0], $0xffff;
	[tilespmem:s31+$0x1060] =	vst v13  }
0x1d2: {  	[tilespmem:s19+$0x1060] =	vst v12;
	v9 =	vld.idx.msk [tilespmem:v9+s12+$0x0], $0xffff  }
0x1d3: {  	v10 =	vld.idx.msk [tilespmem:v10+s12+$0x0], $0xffff;
	[tilespmem:s30+$0xFFFFFFF0] =	vst v17  }
0x1d4: {  	v8 =	vld.idx.msk [tilespmem:v8+s12+$0x0], $0xffff;
	[tilespmem:s1+$0x1060] =	vst v19  }
0x1d5: {  	[tilespmem:s28+$0x1070] =	vst v14;
	v11 =	vld.idx.msk [tilespmem:v11+s12+$0x0], $0xffff  }
0x1d6: {  	[tilespmem:s25+$0x0] =	vst v15  }
0x1d7: {  	[tilespmem:s31+$0x1070] =	vst v9  }
0x1d8: {  	[tilespmem:s19+$0x1070] =	vst v10  }
0x1d9: {  	[tilespmem:s30+$0x0] =	vst v8  }
0x1da: {  	[tilespmem:s1+$0x1070] =	vst v11  }
0x1db: {  	v9 =	vld [tilespmem:s23+$0x40]  }
0x1dc: {  	s6 =	simm.s32 $0x9DF0;
	v8 =	vld [tilespmem:s23+$0x50]  }
0x1dd: {  	v10 =	vld [tilespmem:s6+$0xFFFFFFF0]  }
0x1de: {  	v11 =	vld [tilespmem:s6+$0xFFFFFF30]  }
0x1df: {  	v12 =	vld [tilespmem:s6+$0xFFFFFF50]  }
0x1e0: {  	v13 =	vld [tilespmem:s6+$0xFFFFFF70]  }
0x1e1: {  	v14 =	vld [tilespmem:s6+$0xFFFFFF90]  }
0x1e2: {  	v15 =	vld [tilespmem:s6+$0xFFFFFFB0];
	v10 =	vadd.f32 v10, v9  }
0x1e3: {  	s0 =	simm.s32 $0xFDA0;
	v16 =	vld [tilespmem:s6+$0xFFFFFFD0];
	v11 =	vadd.f32 v11, v9  }
0x1e4: {  	v17 =	vld [tilespmem:s6+$0xFFFFFF10];
	v12 =	vadd.f32 v12, v9;
	[tilespmem:s0+$0x78] =	vst v10  }
0x1e5: {  	[tilespmem:s0+$0xFFFFFF88] =	vst v11;
	v10 =	vadd.f32 v13, v9;
	v11 =	vld [tilespmem:s6+$0x0]  }
0x1e6: {  	[tilespmem:s0+$0xFFFFFFB0] =	vst v12;
	v13 =	vadd.f32 v14, v9;
	v18 =	vld [tilespmem:s6+$0xFFFFFF40]  }
0x1e7: {  	v19 =	vld [tilespmem:s6+$0xFFFFFF60];
	[tilespmem:s0+$0xFFFFFFD8] =	vst v10;
	v10 =	vadd.f32 v15, v9  }
0x1e8: {  	v14 =	vadd.f32 v16, v9;
	[tilespmem:s0+$0x0] =	vst v13;
	v12 =	vld [tilespmem:s6+$0xFFFFFF80]  }
0x1e9: {  	v15 =	vadd.f32 v17, v9;
	v13 =	vld [tilespmem:s6+$0xFFFFFFA0];
	[tilespmem:s0+$0x28] =	vst v10  }
0x1ea: {  	[tilespmem:s0+$0x50] =	vst v14;
	v10 =	vld [tilespmem:s6+$0xFFFFFFC0];
	v17 =	vadd.f32 v11, v8  }
0x1eb: {  	[tilespmem:s0+$0xFFFFFF60] =	vst v15;
	v11 =	vld [tilespmem:s6+$0xFFFFFFE0];
	v16 =	vadd.f32 v18, v8  }
0x1ec: {  	s25 =	simm.s32 $0x13170;
	s1 =	simm.s32 $0x0;
	v14 =	vld [tilespmem:s6+$0xFFFFFF20];
	v15 =	vadd.f32 v19, v8;
	s6 =	simm.s32 $0x9EF0;
	[tilespmem:s0+$0x88] =	vst v17  }
.LBB2_11:
0x1ed: {  	v17 =	vld [tilespmem:s6+$0xFFFFFFF0];
	s1 =	sadd.s32 $0x8, s1;
	[tilespmem:s0+$0xFFFFFF98] =	vst v16;
	v12 =	vadd.f32 v12, v8  }
0x1ee: {  	v16 =	vld [tilespmem:s6+$0xFFFFFF30];
	p1 =	slt.u32 s1, $0x78;
	[tilespmem:s0+$0xFFFFFFC0] =	vst v15;
	v13 =	vadd.f32 v13, v8  }
0x1ef: {  	v15 =	vld [tilespmem:s6+$0xFFFFFF50];
	[tilespmem:s0+$0xFFFFFFE8] =	vst v12;
	v10 =	vadd.f32 v10, v8  }
0x1f0: {  	v12 =	vld [tilespmem:s6+$0xFFFFFF70];
	[tilespmem:s0+$0x10] =	vst v13;
	v11 =	vadd.f32 v11, v8  }
0x1f1: {  	v13 =	vld [tilespmem:s6+$0xFFFFFF90];
	v14 =	vadd.f32 v14, v8;
	[tilespmem:s0+$0x38] =	vst v10  }
0x1f2: {  	v10 =	vld [tilespmem:s6+$0xFFFFFFB0];
	v17 =	vadd.f32 v17, v9;
	[tilespmem:s0+$0x60] =	vst v11  }
0x1f3: {  	v11 =	vadd.f32 v16, v9;
	v16 =	vld [tilespmem:s6+$0xFFFFFFD0];
	[tilespmem:s0+$0xFFFFFF70] =	vst v14;
	s0 =	sadd.s32 $0x140, s0  }
0x1f4: {  	v14 =	vld [tilespmem:s6+$0xFFFFFF10];
	v15 =	vadd.f32 v15, v9;
	[tilespmem:s0+$0x78] =	vst v17  }
0x1f5: {  	[tilespmem:s0+$0xFFFFFF88] =	vst v11;
	v11 =	vadd.f32 v12, v9;
	v17 =	vld [tilespmem:s6+$0x0]  }
0x1f6: {  	v18 =	vld [tilespmem:s6+$0xFFFFFF40];
	[tilespmem:s0+$0xFFFFFFB0] =	vst v15;
	v13 =	vadd.f32 v13, v9  }
0x1f7: {  	v15 =	vld [tilespmem:s6+$0xFFFFFF60];
	[tilespmem:s0+$0xFFFFFFD8] =	vst v11;
	v10 =	vadd.f32 v10, v9  }
.Ltmp4:
0x1f8: {  	v12 =	vld [tilespmem:s6+$0xFFFFFF80];
	[tilespmem:s0+$0x0] =	vst v13;
	v11 =	vadd.f32 v16, v9;
	(pc) =	sbr.rel @p1 .LBB2_11-.Ltmp4, $4  }
0x1f9: {  	v14 =	vadd.f32 v14, v9;
	v13 =	vld [tilespmem:s6+$0xFFFFFFA0];
	[tilespmem:s0+$0x28] =	vst v10  }
0x1fa: {  	v10 =	vld [tilespmem:s6+$0xFFFFFFC0];
	[tilespmem:s0+$0x50] =	vst v11;
	v17 =	vadd.f32 v17, v8  }
0x1fb: {  	[tilespmem:s0+$0xFFFFFF60] =	vst v14;
	v16 =	vadd.f32 v18, v8;
	v11 =	vld [tilespmem:s6+$0xFFFFFFE0]  }
0x1fc: {  	s26 =	simm.s32 $0x0;
	s19 =	simm.s32 $0x180;
	v14 =	vld [tilespmem:s6+$0xFFFFFF20];
	v15 =	vadd.f32 v15, v8;
	[tilespmem:s0+$0x88] =	vst v17;
	s6 =	sadd.s32 $0x100, s6  }
0x1fd: {  	s1 =	simm.s32 $0x1  }
0x1fe: {  	[tilespmem:s0+$0xFFFFFF98] =	vst v16;
	v9 =	vadd.f32 v12, v8;
	s20 =	simm.s32 $0x2;
	v12 =	vmov s1  }
0x1ff: {  	[tilespmem:s0+$0xFFFFFFC0] =	vst v15;
	v13 =	vadd.f32 v13, v8;
	v15 =	vmov s20;
	v12 =	vand.u32 $0x1D, v12  }
0x200: {  	[tilespmem:s0+$0xFFFFFFE8] =	vst v9;
	v9 =	vadd.f32 v10, v8;
	v15 =	vand.u32 $0x1E, v15;
	v10 =	vadd.s32 v0, v12  }
0x201: {  	[tilespmem:s0+$0x10] =	vst v13;
	v11 =	vadd.f32 v11, v8;
	v16 =	vadd.s32 v0, v15  }
0x202: {  	v8 =	vadd.f32 v14, v8;
	[tilespmem:s0+$0x38] =	vst v9;
	v9 =	vmov s26;
	s26 =	simm.s32 $0x3  }
0x203: {  	[tilespmem:s0+$0x60] =	vst v11;
	v13 =	vand.u32 $0x1C, v9;
	v9 =	vmov s26  }
0x204: {  	[tilespmem:s0+$0xFFFFFF70] =	vst v8;
	v8 =	vadd.s32 v0, v13;
	v14 =	vand.u32 $0x1F, v9  }
0x205: {  	v9 =	vadd.s32 v0, v14;
	v10 =	vld.idx.msk [tilespmem:v10+s12+$0x0], $0xffff  }
0x206: {  	s1 =	simm.s32 $0x0;
	v11 =	vld.idx.msk [tilespmem:v16+s12+$0x0], $0xffff;
	v16 =	vadd.s32 v1, v12  }
0x207: {  	s6 =	simm.s32 $0x80;
	v17 =	vadd.s32 v1, v15;
	s0 =	sand.u32 $0xC00, s1  }
0x208: {  	s1 =	sand.u32 $0x280, s6;
	s6 =	simm.s32 $0x100;
	s0 =	sor.u32 $0x11100, s0  }
0x209: {  	s9 =	sand.u32 $0x300, s6;
	s26 =	sor.u32 s1, s0;
	v8 =	vld.idx.msk [tilespmem:v8+s12+$0x0], $0xffff  }
0x20a: {  	v18 =	vadd.s32 v1, v13;
	s29 =	sadd.s32 s9, s0;
	v9 =	vld.idx.msk [tilespmem:v9+s12+$0x0], $0xffff;
	[tilespmem:s26+$0x2000] =	vst v10  }
0x20b: {  	[tilespmem:s29+$0x2000] =	vst v11;
	v11 =	vadd.s32 v1, v14;
	v10 =	vld.idx.msk [tilespmem:v16+s12+$0x0], $0xffff  }
0x20c: {  	v16 =	vld.idx.msk [tilespmem:v17+s12+$0x0], $0xffff;
	v17 =	vadd.s32 v2, v12  }
0x20d: {  	s20 =	sand.u32 $0x380, s19;
	v19 =	vadd.s32 v2, v15  }
0x20e: {  	s28 =	sadd.s32 s20, s0;
	[tilespmem:s25+$0xFFFFFF90] =	vst v8  }
0x20f: {  	v8 =	vld.idx.msk [tilespmem:v18+s12+$0x0], $0xffff;
	[tilespmem:s28+$0x2000] =	vst v9  }
0x210: {  	v9 =	vadd.s32 v2, v13;
	v11 =	vld.idx.msk [tilespmem:v11+s12+$0x0], $0xffff;
	[tilespmem:s26+$0x2010] =	vst v10  }
0x211: {  	[tilespmem:s29+$0x2010] =	vst v16;
	v16 =	vadd.s32 v2, v14;
	v10 =	vld.idx.msk [tilespmem:v17+s12+$0x0], $0xffff  }
0x212: {  	v18 =	vadd.s32 v3, v12;
	v17 =	vld.idx.msk [tilespmem:v19+s12+$0x0], $0xffff  }
0x213: {  	v19 =	vadd.s32 v3, v15  }
0x214: {  	[tilespmem:s25+$0xFFFFFFA0] =	vst v8  }
0x215: {  	v9 =	vld.idx.msk [tilespmem:v9+s12+$0x0], $0xffff;
	[tilespmem:s28+$0x2010] =	vst v11  }
0x216: {  	v11 =	vadd.s32 v3, v13;
	[tilespmem:s26+$0x2020] =	vst v10;
	v10 =	vld.idx.msk [tilespmem:v16+s12+$0x0], $0xffff  }
0x217: {  	s6 =	simm.s32 $0x4;
	[tilespmem:s29+$0x2020] =	vst v17;
	v17 =	vadd.s32 v3, v14;
	v16 =	vld.idx.msk [tilespmem:v18+s12+$0x0], $0xffff  }
0x218: {  	s9 =	simm.s32 $0x5;
	v8 =	vmov s6;
	v18 =	vadd.s32 v4, v12;
	v19 =	vld.idx.msk [tilespmem:v19+s12+$0x0], $0xffff  }
0x219: {  	v21 =	vadd.s32 v4, v15;
	v20 =	vmov s9;
	v8 =	vand.u32 $0x1C, v8  }
0x21a: {  	s19 =	simm.s32 $0x6;
	v22 =	vadd.s32 v0, v8;
	[tilespmem:s25+$0xFFFFFFB0] =	vst v9;
	v9 =	vand.u32 $0x1D, v20  }
0x21b: {  	v20 =	vmov s19;
	v23 =	vld.idx.msk [tilespmem:v11+s12+$0x0], $0xffff;
	v24 =	vadd.s32 v0, v9;
	[tilespmem:s28+$0x2020] =	vst v10  }
0x21c: {  	v25 =	vadd.s32 v4, v13;
	s20 =	simm.s32 $0x7;
	v10 =	vand.u32 $0x1E, v20;
	[tilespmem:s26+$0x2030] =	vst v16;
	v16 =	vld.idx.msk [tilespmem:v17+s12+$0x0], $0xffff  }
0x21d: {  	v11 =	vmov s20;
	v17 =	vadd.s32 v0, v10;
	[tilespmem:s29+$0x2030] =	vst v19;
	v18 =	vld.idx.msk [tilespmem:v18+s12+$0x0], $0xffff  }
0x21e: {  	v20 =	vadd.s32 v4, v14;
	v11 =	vand.u32 $0x1F, v11;
	v19 =	vld.idx.msk [tilespmem:v21+s12+$0x0], $0xffff  }
0x21f: {  	v26 =	vadd.s32 v0, v11;
	v21 =	vld.idx.msk [tilespmem:v22+s12+$0x0], $0xffff  }
0x220: {  	v22 =	vadd.s32 v5, v12;
	v24 =	vld.idx.msk [tilespmem:v24+s12+$0x0], $0xffff;
	[tilespmem:s25+$0xFFFFFFC0] =	vst v23  }
0x221: {  	v55 =	vadd.s32 v5, v15;
	v23 =	vld.idx.msk [tilespmem:v25+s12+$0x0], $0xffff  }
0x222: {  	s1 =	simm.s32 $0x200;
	v27 =	vadd.s32 v1, v8;
	v17 =	vld.idx.msk [tilespmem:v17+s12+$0x0], $0xffff;
	[tilespmem:s28+$0x2030] =	vst v16  }
0x223: {  	s30 =	simm.s32 $0x13370;
	s0 =	sand.u32 $0xC00, s1;
	s6 =	simm.s32 $0x280;
	v16 =	vadd.s32 v5, v13;
	[tilespmem:s26+$0x2040] =	vst v18;
	v18 =	vld.idx.msk [tilespmem:v20+s12+$0x0], $0xffff  }
0x224: {  	s9 =	sor.u32 $0x11100, s0;
	s1 =	sand.u32 $0x280, s6;
	v20 =	vadd.s32 v1, v9;
	[tilespmem:s30+$0xFFFFFF90] =	vst v21;
	v21 =	vld.idx.msk [tilespmem:v26+s12+$0x0], $0xffff  }
0x225: {  	s31 =	sor.u32 s1, s9;
	s19 =	simm.s32 $0x300;
	[tilespmem:s29+$0x2040] =	vst v19;
	v19 =	vadd.s32 v1, v10;
	v22 =	vld.idx.msk [tilespmem:v22+s12+$0x0], $0xffff  }
0x226: {  	v57 =	vadd.s32 v5, v14;
	s0 =	sand.u32 $0x300, s19;
	v56 =	vld.idx.msk [tilespmem:v55+s12+$0x0], $0xffff;
	[tilespmem:s31+$0x2000] =	vst v24  }
0x227: {  	s19 =	sadd.s32 s0, s9;
	s0 =	simm.s32 $0x380;
	v59 =	vadd.s32 v1, v11;
	v58 =	vld.idx.msk [tilespmem:v27+s12+$0x0], $0xffff;
	[tilespmem:s25+$0xFFFFFFD0] =	vst v23  }
0x228: {  	s20 =	sand.u32 $0x380, s0;
	v23 =	vadd.s32 v6, v12;
	[tilespmem:s19+$0x2000] =	vst v17;
	v16 =	vld.idx.msk [tilespmem:v16+s12+$0x0], $0xffff  }
0x229: {  	s1 =	sadd.s32 s20, s9;
	v17 =	vadd.s32 v6, v15;
	v20 =	vld.idx.msk [tilespmem:v20+s12+$0x0], $0xffff;
	[tilespmem:s28+$0x2040] =	vst v18  }
0x22a: {  	v18 =	vadd.s32 v2, v8;
	v19 =	vld.idx.msk [tilespmem:v19+s12+$0x0], $0xffff;
	[tilespmem:s1+$0x2000] =	vst v21  }
0x22b: {  	v62 =	vadd.s32 v6, v13;
	[tilespmem:s26+$0x2050] =	vst v22;
	v21 =	vld.idx.msk [tilespmem:v57+s12+$0x0], $0xffff  }
0x22c: {  	v22 =	vadd.s32 v2, v9;
	[tilespmem:s29+$0x2050] =	vst v56;
	v27 =	vld.idx.msk [tilespmem:v59+s12+$0x0], $0xffff  }
0x22d: {  	v60 =	vadd.s32 v2, v10;
	[tilespmem:s30+$0xFFFFFFA0] =	vst v58;
	v23 =	vld.idx.msk [tilespmem:v23+s12+$0x0], $0xffff  }
0x22e: {  	v61 =	vadd.s32 v6, v14;
	v17 =	vld.idx.msk [tilespmem:v17+s12+$0x0], $0xffff;
	[tilespmem:s25+$0xFFFFFFE0] =	vst v16  }
0x22f: {  	v15 =	vadd.s32 v7, v15;
	v16 =	vld.idx.msk [tilespmem:v18+s12+$0x0], $0xffff;
	[tilespmem:s31+$0x2010] =	vst v20  }
0x230: {  	v12 =	vadd.s32 v7, v12;
	[tilespmem:s19+$0x2010] =	vst v19;
	v18 =	vld.idx.msk [tilespmem:v62+s12+$0x0], $0xffff  }
0x231: {  	v19 =	vadd.s32 v2, v11;
	v20 =	vld.idx.msk [tilespmem:v22+s12+$0x0], $0xffff;
	[tilespmem:s28+$0x2050] =	vst v21  }
0x232: {  	v63 =	vadd.s32 v3, v9;
	v22 =	vld.idx.msk [tilespmem:v60+s12+$0x0], $0xffff;
	[tilespmem:s1+$0x2010] =	vst v27  }
0x233: {  	v28 =	vadd.s32 v3, v10;
	v24 =	vld.idx.msk [tilespmem:v61+s12+$0x0], $0xffff;
	[tilespmem:s29+$0x2060] =	vst v17  }
0x234: {  	[tilespmem:s26+$0x2060] =	vst v23;
	v17 =	vld.idx.msk [tilespmem:v15+s12+$0x0], $0xffff  }
0x235: {  	v14 =	vadd.s32 v7, v14;
	[tilespmem:s30+$0xFFFFFFB0] =	vst v16;
	v15 =	vld.idx.msk [tilespmem:v12+s12+$0x0], $0xffff  }
0x236: {  	v21 =	vld.idx.msk [tilespmem:v19+s12+$0x0], $0xffff;
	v16 =	vadd.s32 v7, v13;
	[tilespmem:s31+$0x2020] =	vst v20  }
0x237: {  	v23 =	vadd.s32 v3, v8;
	[tilespmem:s19+$0x2020] =	vst v22;
	v19 =	vld.idx.msk [tilespmem:v63+s12+$0x0], $0xffff  }
0x238: {  	s6 =	simm.s32 $0x8;
	v12 =	vadd.s32 v4, v9;
	v22 =	vadd.s32 v3, v11;
	v20 =	vld.idx.msk [tilespmem:v28+s12+$0x0], $0xffff;
	[tilespmem:s28+$0x2060] =	vst v24  }
.LBB2_13:
0x239: {  	s9 =	sadd.s32 $0x1, s6  }
0x23a: {  	v13 =	vmov s6;
	p1 =	slt.u32 s6, $0x1C;
	v24 =	vadd.s32 v4, v8;
	[tilespmem:s25+$0xFFFFFFF0] =	vst v18;
	v14 =	vld.idx.msk [tilespmem:v14+s12+$0x0], $0xffff;
	s20 =	smov.u32 s6;
	s6 =	sadd.s32 $0x4, s6  }
0x23b: {  	v25 =	vadd.s32 v4, v10;
	v13 =	vand.u32 $0x1C, v13;
	v18 =	vmov s9;
	s9 =	sadd.s32 $0x2, s20;
	v16 =	vld.idx.msk [tilespmem:v16+s12+$0x0], $0xffff;
	[tilespmem:s29+$0x2070] =	vst v17;
	s29 =	smov.u32 s19  }
0x23c: {  	v17 =	vadd.s32 v0, v13;
	v18 =	vand.u32 $0x1D, v18;
	v26 =	vmov s9;
	s9 =	sadd.s32 $0x3, s20;
	v23 =	vld.idx.msk [tilespmem:v23+s12+$0x0], $0xffff;
	[tilespmem:s26+$0x2070] =	vst v15;
	s26 =	smov.u32 s31  }
0x23d: {  	v15 =	vadd.s32 v0, v18;
	v26 =	vand.u32 $0x1E, v26;
	v27 =	vmov s9;
	[tilespmem:s1+$0x2020] =	vst v21  }
0x23e: {  	v21 =	vadd.s32 v4, v18;
	v28 =	vadd.s32 v0, v26;
	v27 =	vand.u32 $0x1F, v27;
	[tilespmem:s26+$0x2030] =	vst v19;
	v19 =	vld.idx.msk [tilespmem:v22+s12+$0x0], $0xffff  }
0x23f: {  	v22 =	vadd.s32 v0, v27;
	v29 =	vld.idx.msk [tilespmem:v12+s12+$0x0], $0xffff;
	[tilespmem:s29+$0x2030] =	vst v20;
	v12 =	vmov v21  }
0x240: {  	v21 =	vadd.s32 v4, v11;
	v20 =	vld.idx.msk [tilespmem:v25+s12+$0x0], $0xffff;
	[tilespmem:s28+$0x2070] =	vst v14;
	s28 =	smov.u32 s1  }
0x241: {  	v14 =	vld.idx.msk [tilespmem:v17+s12+$0x0], $0xffff;
	v17 =	vadd.s32 v5, v9;
	[tilespmem:s25+$0x0] =	vst v16;
	s25 =	smov.u32 s30  }
0x242: {  	v15 =	vld.idx.msk [tilespmem:v15+s12+$0x0], $0xffff;
	[tilespmem:s30+$0xFFFFFFC0] =	vst v23  }
0x243: {  	s0 =	sadd.s32 $0x200, s0;
	v23 =	vadd.s32 v5, v10;
	v16 =	vld.idx.msk [tilespmem:v24+s12+$0x0], $0xffff  }
0x244: {  	s1 =	sadd.s32 $0xFFFFFE80, s0;
	v24 =	vadd.s32 v1, v13;
	v25 =	vld.idx.msk [tilespmem:v28+s12+$0x0], $0xffff;
	[tilespmem:s28+$0x2030] =	vst v19  }
0x245: {  	s9 =	sadd.s32 $0xFFFFFF00, s0;
	s1 =	sand.u32 $0xC00, s1;
	v19 =	vadd.s32 v5, v8;
	[tilespmem:s26+$0x2040] =	vst v29;
	v21 =	vld.idx.msk [tilespmem:v21+s12+$0x0], $0xffff  }
0x246: {  	s9 =	sand.u32 $0x280, s9;
	s1 =	sor.u32 $0x11100, s1;
	s30 =	sadd.s32 $0x200, s30;
	v28 =	vadd.s32 v1, v18;
	v17 =	vld.idx.msk [tilespmem:v17+s12+$0x0], $0xffff;
	[tilespmem:s29+$0x2040] =	vst v20  }
0x247: {  	s31 =	sor.u32 s9, s1;
	s9 =	sadd.s32 $0xFFFFFF80, s0;
	[tilespmem:s30+$0xFFFFFF90] =	vst v14;
	v14 =	vadd.s32 v1, v26;
	v20 =	vld.idx.msk [tilespmem:v22+s12+$0x0], $0xffff  }
0x248: {  	s9 =	sand.u32 $0x300, s9;
	v22 =	vadd.s32 v5, v11;
	[tilespmem:s31+$0x2000] =	vst v15;
	v15 =	vld.idx.msk [tilespmem:v23+s12+$0x0], $0xffff  }
0x249: {  	s19 =	sadd.s32 s9, s1;
	v23 =	vld.idx.msk [tilespmem:v24+s12+$0x0], $0xffff;
	[tilespmem:s25+$0xFFFFFFD0] =	vst v16;
	v16 =	vadd.s32 v6, v9  }
0x24a: {  	v24 =	vadd.s32 v6, v10;
	[tilespmem:s19+$0x2000] =	vst v25;
	v19 =	vld.idx.msk [tilespmem:v19+s12+$0x0], $0xffff  }
0x24b: {  	s9 =	sand.u32 $0x380, s0;
	v25 =	vld.idx.msk [tilespmem:v28+s12+$0x0], $0xffff;
	v28 =	vadd.s32 v1, v27;
	[tilespmem:s28+$0x2040] =	vst v21  }
0x24c: {  	s1 =	sadd.s32 s9, s1;
	v21 =	vadd.s32 v2, v13;
	v14 =	vld.idx.msk [tilespmem:v14+s12+$0x0], $0xffff;
	[tilespmem:s26+$0x2050] =	vst v17  }
0x24d: {  	v17 =	vadd.s32 v2, v18;
	[tilespmem:s1+$0x2000] =	vst v20;
	v20 =	vld.idx.msk [tilespmem:v22+s12+$0x0], $0xffff  }
0x24e: {  	v22 =	vadd.s32 v2, v26;
	v16 =	vld.idx.msk [tilespmem:v16+s12+$0x0], $0xffff;
	[tilespmem:s29+$0x2050] =	vst v15  }
0x24f: {  	v15 =	vadd.s32 v6, v8;
	[tilespmem:s30+$0xFFFFFFA0] =	vst v23;
	v23 =	vld.idx.msk [tilespmem:v24+s12+$0x0], $0xffff;
	v24 =	vadd.s32 v6, v11  }
0x250: {  	v28 =	vld.idx.msk [tilespmem:v28+s12+$0x0], $0xffff;
	[tilespmem:s25+$0xFFFFFFE0] =	vst v19  }
0x251: {  	v19 =	vld.idx.msk [tilespmem:v21+s12+$0x0], $0xffff;
	[tilespmem:s31+$0x2010] =	vst v25;
	v21 =	vadd.s32 v7, v10;
	v10 =	vmov v26  }
0x252: {  	v26 =	vadd.s32 v7, v9;
	v9 =	vmov v18;
	v25 =	vld.idx.msk [tilespmem:v17+s12+$0x0], $0xffff;
	[tilespmem:s19+$0x2010] =	vst v14  }
0x253: {  	v29 =	vadd.s32 v2, v27;
	v22 =	vld.idx.msk [tilespmem:v22+s12+$0x0], $0xffff;
	[tilespmem:s28+$0x2050] =	vst v20  }
0x254: {  	v20 =	vadd.s32 v3, v9;
	[tilespmem:s26+$0x2060] =	vst v16;
	v24 =	vld.idx.msk [tilespmem:v24+s12+$0x0], $0xffff  }
0x255: {  	v30 =	vadd.s32 v3, v10;
	v18 =	vld.idx.msk [tilespmem:v15+s12+$0x0], $0xffff;
	[tilespmem:s29+$0x2060] =	vst v23  }
.Ltmp5:
0x256: {  	v14 =	vadd.s32 v7, v11;
	v16 =	vadd.s32 v7, v8;
	v8 =	vmov v13;
	[tilespmem:s1+$0x2010] =	vst v28;
	v17 =	vld.idx.msk [tilespmem:v21+s12+$0x0], $0xffff;
	(pc) =	sbr.rel @p1 .LBB2_13-.Ltmp5, $4  }
0x257: {  	v11 =	vmov v27;
	[tilespmem:s30+$0xFFFFFFB0] =	vst v19;
	v15 =	vld.idx.msk [tilespmem:v26+s12+$0x0], $0xffff  }
0x258: {  	v23 =	vadd.s32 v3, v8;
	[tilespmem:s31+$0x2020] =	vst v25;
	v21 =	vld.idx.msk [tilespmem:v29+s12+$0x0], $0xffff  }
0x259: {  	v19 =	vld.idx.msk [tilespmem:v20+s12+$0x0], $0xffff;
	[tilespmem:s19+$0x2020] =	vst v22  }
0x25a: {  	v22 =	vadd.s32 v3, v11;
	v20 =	vld.idx.msk [tilespmem:v30+s12+$0x0], $0xffff;
	[tilespmem:s28+$0x2060] =	vst v24  }
0x25b: {  	_ =	sdelay $0x3  }
0x25c: {  	v13 =	vadd.s32 v4, v10;
	v57 =	vld.idx.msk [tilespmem:v23+s12+$0x0], $0xffff;
	[tilespmem:s1+$0x2020] =	vst v21  }
0x25d: {  	v24 =	vadd.s32 v4, v8;
	v21 =	vld.idx.msk [tilespmem:v22+s12+$0x0], $0xffff  }
0x25e: {  	v58 =	vadd.s32 v4, v11  }
0x25f: {  	[tilespmem:s31+$0x2030] =	vst v19  }
0x260: {  	[tilespmem:s19+$0x2030] =	vst v20;
	v12 =	vld.idx.msk [tilespmem:v12+s12+$0x0], $0xffff  }
0x261: {  	v59 =	vadd.s32 v5, v9;
	v13 =	vld.idx.msk [tilespmem:v13+s12+$0x0], $0xffff;
	[tilespmem:s30+$0xFFFFFFC0] =	vst v57  }
0x262: {  	v19 =	vadd.s32 v5, v10;
	v22 =	vld.idx.msk [tilespmem:v24+s12+$0x0], $0xffff;
	[tilespmem:s1+$0x2030] =	vst v21  }
0x263: {  	v61 =	vadd.s32 v5, v8;
	v21 =	vld.idx.msk [tilespmem:v58+s12+$0x0], $0xffff  }
0x264: {  	v60 =	vadd.s32 v5, v11  }
0x265: {  	[tilespmem:s31+$0x2040] =	vst v12  }
0x266: {  	[tilespmem:s19+$0x2040] =	vst v13;
	v13 =	vld.idx.msk [tilespmem:v59+s12+$0x0], $0xffff  }
0x267: {  	v62 =	vadd.s32 v6, v9;
	v12 =	vld.idx.msk [tilespmem:v19+s12+$0x0], $0xffff;
	[tilespmem:s30+$0xFFFFFFD0] =	vst v22  }
0x268: {  	v19 =	vadd.s32 v6, v10;
	v22 =	vld.idx.msk [tilespmem:v61+s12+$0x0], $0xffff;
	[tilespmem:s1+$0x2040] =	vst v21  }
0x269: {  	[tilespmem:s25+$0xFFFFFFF0] =	vst v18;
	v18 =	vadd.s32 v6, v8;
	v21 =	vld.idx.msk [tilespmem:v60+s12+$0x0], $0xffff  }
0x26a: {  	v63 =	vadd.s32 v6, v11;
	[tilespmem:s29+$0x2070] =	vst v17  }
0x26b: {  	[tilespmem:s31+$0x2050] =	vst v13  }
0x26c: {  	[tilespmem:s19+$0x2050] =	vst v12;
	v13 =	vld.idx.msk [tilespmem:v62+s12+$0x0], $0xffff  }
0x26d: {  	v9 =	vadd.s32 v7, v9;
	v12 =	vld.idx.msk [tilespmem:v19+s12+$0x0], $0xffff;
	[tilespmem:s30+$0xFFFFFFE0] =	vst v22  }
0x26e: {  	v10 =	vadd.s32 v7, v10;
	v17 =	vld.idx.msk [tilespmem:v18+s12+$0x0], $0xffff;
	[tilespmem:s1+$0x2050] =	vst v21  }
0x26f: {  	v8 =	vadd.s32 v7, v8;
	v19 =	vld.idx.msk [tilespmem:v63+s12+$0x0], $0xffff  }
0x270: {  	v11 =	vadd.s32 v7, v11;
	v14 =	vld.idx.msk [tilespmem:v14+s12+$0x0], $0xffff;
	[tilespmem:s26+$0x2070] =	vst v15  }
0x271: {  	v15 =	vld.idx.msk [tilespmem:v16+s12+$0x0], $0xffff;
	[tilespmem:s31+$0x2060] =	vst v13  }
0x272: {  	[tilespmem:s19+$0x2060] =	vst v12;
	v9 =	vld.idx.msk [tilespmem:v9+s12+$0x0], $0xffff  }
0x273: {  	v10 =	vld.idx.msk [tilespmem:v10+s12+$0x0], $0xffff;
	[tilespmem:s30+$0xFFFFFFF0] =	vst v17  }
0x274: {  	v8 =	vld.idx.msk [tilespmem:v8+s12+$0x0], $0xffff;
	[tilespmem:s1+$0x2060] =	vst v19  }
0x275: {  	[tilespmem:s28+$0x2070] =	vst v14;
	v11 =	vld.idx.msk [tilespmem:v11+s12+$0x0], $0xffff  }
0x276: {  	[tilespmem:s25+$0x0] =	vst v15  }
0x277: {  	[tilespmem:s31+$0x2070] =	vst v9  }
0x278: {  	[tilespmem:s19+$0x2070] =	vst v10  }
0x279: {  	[tilespmem:s30+$0x0] =	vst v8  }
0x27a: {  	[tilespmem:s1+$0x2070] =	vst v11  }
0x27b: {  	v9 =	vld [tilespmem:s23+$0x60]  }
0x27c: {  	s6 =	simm.s32 $0xADF0;
	v8 =	vld [tilespmem:s23+$0x70]  }
0x27d: {  	v10 =	vld [tilespmem:s6+$0xFFFFFFF0]  }
0x27e: {  	v11 =	vld [tilespmem:s6+$0xFFFFFF30]  }
0x27f: {  	v12 =	vld [tilespmem:s6+$0xFFFFFF50]  }
0x280: {  	v13 =	vld [tilespmem:s6+$0xFFFFFF70]  }
0x281: {  	v14 =	vld [tilespmem:s6+$0xFFFFFF90]  }
0x282: {  	v15 =	vld [tilespmem:s6+$0xFFFFFFB0];
	v10 =	vadd.f32 v10, v9  }
0x283: {  	s0 =	simm.s32 $0xFDA0;
	v16 =	vld [tilespmem:s6+$0xFFFFFFD0];
	v11 =	vadd.f32 v11, v9  }
0x284: {  	v17 =	vld [tilespmem:s6+$0xFFFFFF10];
	v12 =	vadd.f32 v12, v9;
	[tilespmem:s0+$0x78] =	vst v10  }
0x285: {  	[tilespmem:s0+$0xFFFFFF88] =	vst v11;
	v10 =	vadd.f32 v13, v9;
	v11 =	vld [tilespmem:s6+$0x0]  }
0x286: {  	[tilespmem:s0+$0xFFFFFFB0] =	vst v12;
	v13 =	vadd.f32 v14, v9;
	v18 =	vld [tilespmem:s6+$0xFFFFFF40]  }
0x287: {  	v19 =	vld [tilespmem:s6+$0xFFFFFF60];
	[tilespmem:s0+$0xFFFFFFD8] =	vst v10;
	v10 =	vadd.f32 v15, v9  }
0x288: {  	v14 =	vadd.f32 v16, v9;
	[tilespmem:s0+$0x0] =	vst v13;
	v12 =	vld [tilespmem:s6+$0xFFFFFF80]  }
0x289: {  	v15 =	vadd.f32 v17, v9;
	v13 =	vld [tilespmem:s6+$0xFFFFFFA0];
	[tilespmem:s0+$0x28] =	vst v10  }
0x28a: {  	[tilespmem:s0+$0x50] =	vst v14;
	v10 =	vld [tilespmem:s6+$0xFFFFFFC0];
	v17 =	vadd.f32 v11, v8  }
0x28b: {  	[tilespmem:s0+$0xFFFFFF60] =	vst v15;
	v11 =	vld [tilespmem:s6+$0xFFFFFFE0];
	v16 =	vadd.f32 v18, v8  }
0x28c: {  	s25 =	simm.s32 $0x14170;
	s1 =	simm.s32 $0x0;
	v14 =	vld [tilespmem:s6+$0xFFFFFF20];
	v15 =	vadd.f32 v19, v8;
	s6 =	simm.s32 $0xAEF0;
	[tilespmem:s0+$0x88] =	vst v17  }
.LBB2_15:
0x28d: {  	v17 =	vld [tilespmem:s6+$0xFFFFFFF0];
	s1 =	sadd.s32 $0x8, s1;
	[tilespmem:s0+$0xFFFFFF98] =	vst v16;
	v12 =	vadd.f32 v12, v8  }
0x28e: {  	v16 =	vld [tilespmem:s6+$0xFFFFFF30];
	p1 =	slt.u32 s1, $0x78;
	[tilespmem:s0+$0xFFFFFFC0] =	vst v15;
	v13 =	vadd.f32 v13, v8  }
0x28f: {  	v15 =	vld [tilespmem:s6+$0xFFFFFF50];
	[tilespmem:s0+$0xFFFFFFE8] =	vst v12;
	v10 =	vadd.f32 v10, v8  }
0x290: {  	v12 =	vld [tilespmem:s6+$0xFFFFFF70];
	[tilespmem:s0+$0x10] =	vst v13;
	v11 =	vadd.f32 v11, v8  }
0x291: {  	v13 =	vld [tilespmem:s6+$0xFFFFFF90];
	v14 =	vadd.f32 v14, v8;
	[tilespmem:s0+$0x38] =	vst v10  }
0x292: {  	v10 =	vld [tilespmem:s6+$0xFFFFFFB0];
	v17 =	vadd.f32 v17, v9;
	[tilespmem:s0+$0x60] =	vst v11  }
0x293: {  	v11 =	vadd.f32 v16, v9;
	v16 =	vld [tilespmem:s6+$0xFFFFFFD0];
	[tilespmem:s0+$0xFFFFFF70] =	vst v14;
	s0 =	sadd.s32 $0x140, s0  }
0x294: {  	v14 =	vld [tilespmem:s6+$0xFFFFFF10];
	v15 =	vadd.f32 v15, v9;
	[tilespmem:s0+$0x78] =	vst v17  }
0x295: {  	[tilespmem:s0+$0xFFFFFF88] =	vst v11;
	v11 =	vadd.f32 v12, v9;
	v17 =	vld [tilespmem:s6+$0x0]  }
0x296: {  	v18 =	vld [tilespmem:s6+$0xFFFFFF40];
	[tilespmem:s0+$0xFFFFFFB0] =	vst v15;
	v13 =	vadd.f32 v13, v9  }
0x297: {  	v15 =	vld [tilespmem:s6+$0xFFFFFF60];
	[tilespmem:s0+$0xFFFFFFD8] =	vst v11;
	v10 =	vadd.f32 v10, v9  }
.Ltmp6:
0x298: {  	v12 =	vld [tilespmem:s6+$0xFFFFFF80];
	[tilespmem:s0+$0x0] =	vst v13;
	v11 =	vadd.f32 v16, v9;
	(pc) =	sbr.rel @p1 .LBB2_15-.Ltmp6, $4  }
0x299: {  	v14 =	vadd.f32 v14, v9;
	v13 =	vld [tilespmem:s6+$0xFFFFFFA0];
	[tilespmem:s0+$0x28] =	vst v10  }
0x29a: {  	v10 =	vld [tilespmem:s6+$0xFFFFFFC0];
	[tilespmem:s0+$0x50] =	vst v11;
	v17 =	vadd.f32 v17, v8  }
0x29b: {  	[tilespmem:s0+$0xFFFFFF60] =	vst v14;
	v16 =	vadd.f32 v18, v8;
	v11 =	vld [tilespmem:s6+$0xFFFFFFE0]  }
0x29c: {  	s26 =	simm.s32 $0x0;
	s19 =	simm.s32 $0x180;
	v14 =	vld [tilespmem:s6+$0xFFFFFF20];
	v15 =	vadd.f32 v15, v8;
	[tilespmem:s0+$0x88] =	vst v17;
	s6 =	sadd.s32 $0x100, s6  }
0x29d: {  	s1 =	simm.s32 $0x1  }
0x29e: {  	[tilespmem:s0+$0xFFFFFF98] =	vst v16;
	v9 =	vadd.f32 v12, v8;
	s20 =	simm.s32 $0x2;
	v12 =	vmov s1  }
0x29f: {  	[tilespmem:s0+$0xFFFFFFC0] =	vst v15;
	v13 =	vadd.f32 v13, v8;
	v15 =	vmov s20;
	v12 =	vand.u32 $0x1D, v12  }
0x2a0: {  	[tilespmem:s0+$0xFFFFFFE8] =	vst v9;
	v9 =	vadd.f32 v10, v8;
	v15 =	vand.u32 $0x1E, v15;
	v10 =	vadd.s32 v0, v12  }
0x2a1: {  	[tilespmem:s0+$0x10] =	vst v13;
	v11 =	vadd.f32 v11, v8;
	v16 =	vadd.s32 v0, v15  }
0x2a2: {  	v8 =	vadd.f32 v14, v8;
	[tilespmem:s0+$0x38] =	vst v9;
	v9 =	vmov s26;
	s26 =	simm.s32 $0x3  }
0x2a3: {  	[tilespmem:s0+$0x60] =	vst v11;
	v13 =	vand.u32 $0x1C, v9;
	v9 =	vmov s26  }
0x2a4: {  	[tilespmem:s0+$0xFFFFFF70] =	vst v8;
	v8 =	vadd.s32 v0, v13;
	v14 =	vand.u32 $0x1F, v9  }
0x2a5: {  	v9 =	vadd.s32 v0, v14;
	v10 =	vld.idx.msk [tilespmem:v10+s12+$0x0], $0xffff  }
0x2a6: {  	s1 =	simm.s32 $0x0;
	v11 =	vld.idx.msk [tilespmem:v16+s12+$0x0], $0xffff;
	v16 =	vadd.s32 v1, v12  }
0x2a7: {  	s6 =	simm.s32 $0x80;
	v17 =	vadd.s32 v1, v15;
	s0 =	sand.u32 $0xC00, s1  }
0x2a8: {  	s1 =	sand.u32 $0x280, s6;
	s6 =	simm.s32 $0x100;
	s0 =	sor.u32 $0x11100, s0  }
0x2a9: {  	s9 =	sand.u32 $0x300, s6;
	s26 =	sor.u32 s1, s0;
	v8 =	vld.idx.msk [tilespmem:v8+s12+$0x0], $0xffff  }
0x2aa: {  	v18 =	vadd.s32 v1, v13;
	s29 =	sadd.s32 s9, s0;
	v9 =	vld.idx.msk [tilespmem:v9+s12+$0x0], $0xffff;
	[tilespmem:s26+$0x3000] =	vst v10  }
0x2ab: {  	[tilespmem:s29+$0x3000] =	vst v11;
	v11 =	vadd.s32 v1, v14;
	v10 =	vld.idx.msk [tilespmem:v16+s12+$0x0], $0xffff  }
0x2ac: {  	v16 =	vld.idx.msk [tilespmem:v17+s12+$0x0], $0xffff;
	v17 =	vadd.s32 v2, v12  }
0x2ad: {  	s20 =	sand.u32 $0x380, s19;
	v19 =	vadd.s32 v2, v15  }
0x2ae: {  	s28 =	sadd.s32 s20, s0;
	[tilespmem:s25+$0xFFFFFF90] =	vst v8  }
0x2af: {  	v8 =	vld.idx.msk [tilespmem:v18+s12+$0x0], $0xffff;
	[tilespmem:s28+$0x3000] =	vst v9  }
0x2b0: {  	v9 =	vadd.s32 v2, v13;
	v11 =	vld.idx.msk [tilespmem:v11+s12+$0x0], $0xffff;
	[tilespmem:s26+$0x3010] =	vst v10  }
0x2b1: {  	[tilespmem:s29+$0x3010] =	vst v16;
	v16 =	vadd.s32 v2, v14;
	v10 =	vld.idx.msk [tilespmem:v17+s12+$0x0], $0xffff  }
0x2b2: {  	v18 =	vadd.s32 v3, v12;
	v17 =	vld.idx.msk [tilespmem:v19+s12+$0x0], $0xffff  }
0x2b3: {  	v19 =	vadd.s32 v3, v15  }
0x2b4: {  	[tilespmem:s25+$0xFFFFFFA0] =	vst v8  }
0x2b5: {  	v9 =	vld.idx.msk [tilespmem:v9+s12+$0x0], $0xffff;
	[tilespmem:s28+$0x3010] =	vst v11  }
0x2b6: {  	v11 =	vadd.s32 v3, v13;
	[tilespmem:s26+$0x3020] =	vst v10;
	v10 =	vld.idx.msk [tilespmem:v16+s12+$0x0], $0xffff  }
0x2b7: {  	s6 =	simm.s32 $0x4;
	[tilespmem:s29+$0x3020] =	vst v17;
	v17 =	vadd.s32 v3, v14;
	v16 =	vld.idx.msk [tilespmem:v18+s12+$0x0], $0xffff  }
0x2b8: {  	s9 =	simm.s32 $0x5;
	v8 =	vmov s6;
	v18 =	vadd.s32 v4, v12;
	v19 =	vld.idx.msk [tilespmem:v19+s12+$0x0], $0xffff  }
0x2b9: {  	v21 =	vadd.s32 v4, v15;
	v20 =	vmov s9;
	v8 =	vand.u32 $0x1C, v8  }
0x2ba: {  	s19 =	simm.s32 $0x6;
	v22 =	vadd.s32 v0, v8;
	[tilespmem:s25+$0xFFFFFFB0] =	vst v9;
	v9 =	vand.u32 $0x1D, v20  }
0x2bb: {  	v20 =	vmov s19;
	v23 =	vld.idx.msk [tilespmem:v11+s12+$0x0], $0xffff;
	v24 =	vadd.s32 v0, v9;
	[tilespmem:s28+$0x3020] =	vst v10  }
0x2bc: {  	v25 =	vadd.s32 v4, v13;
	s20 =	simm.s32 $0x7;
	v10 =	vand.u32 $0x1E, v20;
	[tilespmem:s26+$0x3030] =	vst v16;
	v16 =	vld.idx.msk [tilespmem:v17+s12+$0x0], $0xffff  }
0x2bd: {  	v11 =	vmov s20;
	v17 =	vadd.s32 v0, v10;
	[tilespmem:s29+$0x3030] =	vst v19;
	v18 =	vld.idx.msk [tilespmem:v18+s12+$0x0], $0xffff  }
0x2be: {  	v20 =	vadd.s32 v4, v14;
	v11 =	vand.u32 $0x1F, v11;
	v19 =	vld.idx.msk [tilespmem:v21+s12+$0x0], $0xffff  }
0x2bf: {  	v26 =	vadd.s32 v0, v11;
	v21 =	vld.idx.msk [tilespmem:v22+s12+$0x0], $0xffff  }
0x2c0: {  	v22 =	vadd.s32 v5, v12;
	v24 =	vld.idx.msk [tilespmem:v24+s12+$0x0], $0xffff;
	[tilespmem:s25+$0xFFFFFFC0] =	vst v23  }
0x2c1: {  	v55 =	vadd.s32 v5, v15;
	v23 =	vld.idx.msk [tilespmem:v25+s12+$0x0], $0xffff  }
0x2c2: {  	s1 =	simm.s32 $0x200;
	v27 =	vadd.s32 v1, v8;
	v17 =	vld.idx.msk [tilespmem:v17+s12+$0x0], $0xffff;
	[tilespmem:s28+$0x3030] =	vst v16  }
0x2c3: {  	s30 =	simm.s32 $0x14370;
	s0 =	sand.u32 $0xC00, s1;
	s6 =	simm.s32 $0x280;
	v16 =	vadd.s32 v5, v13;
	[tilespmem:s26+$0x3040] =	vst v18;
	v18 =	vld.idx.msk [tilespmem:v20+s12+$0x0], $0xffff  }
0x2c4: {  	s9 =	sor.u32 $0x11100, s0;
	s1 =	sand.u32 $0x280, s6;
	v20 =	vadd.s32 v1, v9;
	[tilespmem:s30+$0xFFFFFF90] =	vst v21;
	v21 =	vld.idx.msk [tilespmem:v26+s12+$0x0], $0xffff  }
0x2c5: {  	s31 =	sor.u32 s1, s9;
	s19 =	simm.s32 $0x300;
	[tilespmem:s29+$0x3040] =	vst v19;
	v19 =	vadd.s32 v1, v10;
	v22 =	vld.idx.msk [tilespmem:v22+s12+$0x0], $0xffff  }
0x2c6: {  	v57 =	vadd.s32 v5, v14;
	s0 =	sand.u32 $0x300, s19;
	v56 =	vld.idx.msk [tilespmem:v55+s12+$0x0], $0xffff;
	[tilespmem:s31+$0x3000] =	vst v24  }
0x2c7: {  	s19 =	sadd.s32 s0, s9;
	s0 =	simm.s32 $0x380;
	v59 =	vadd.s32 v1, v11;
	v58 =	vld.idx.msk [tilespmem:v27+s12+$0x0], $0xffff;
	[tilespmem:s25+$0xFFFFFFD0] =	vst v23  }
0x2c8: {  	s20 =	sand.u32 $0x380, s0;
	v23 =	vadd.s32 v6, v12;
	[tilespmem:s19+$0x3000] =	vst v17;
	v16 =	vld.idx.msk [tilespmem:v16+s12+$0x0], $0xffff  }
0x2c9: {  	s1 =	sadd.s32 s20, s9;
	v17 =	vadd.s32 v6, v15;
	v20 =	vld.idx.msk [tilespmem:v20+s12+$0x0], $0xffff;
	[tilespmem:s28+$0x3040] =	vst v18  }
0x2ca: {  	v18 =	vadd.s32 v2, v8;
	v19 =	vld.idx.msk [tilespmem:v19+s12+$0x0], $0xffff;
	[tilespmem:s1+$0x3000] =	vst v21  }
0x2cb: {  	v62 =	vadd.s32 v6, v13;
	[tilespmem:s26+$0x3050] =	vst v22;
	v21 =	vld.idx.msk [tilespmem:v57+s12+$0x0], $0xffff  }
0x2cc: {  	v22 =	vadd.s32 v2, v9;
	[tilespmem:s29+$0x3050] =	vst v56;
	v27 =	vld.idx.msk [tilespmem:v59+s12+$0x0], $0xffff  }
0x2cd: {  	v60 =	vadd.s32 v2, v10;
	[tilespmem:s30+$0xFFFFFFA0] =	vst v58;
	v23 =	vld.idx.msk [tilespmem:v23+s12+$0x0], $0xffff  }
0x2ce: {  	v61 =	vadd.s32 v6, v14;
	v17 =	vld.idx.msk [tilespmem:v17+s12+$0x0], $0xffff;
	[tilespmem:s25+$0xFFFFFFE0] =	vst v16  }
0x2cf: {  	v15 =	vadd.s32 v7, v15;
	v16 =	vld.idx.msk [tilespmem:v18+s12+$0x0], $0xffff;
	[tilespmem:s31+$0x3010] =	vst v20  }
0x2d0: {  	v12 =	vadd.s32 v7, v12;
	[tilespmem:s19+$0x3010] =	vst v19;
	v18 =	vld.idx.msk [tilespmem:v62+s12+$0x0], $0xffff  }
0x2d1: {  	v19 =	vadd.s32 v2, v11;
	v20 =	vld.idx.msk [tilespmem:v22+s12+$0x0], $0xffff;
	[tilespmem:s28+$0x3050] =	vst v21  }
0x2d2: {  	v63 =	vadd.s32 v3, v9;
	v22 =	vld.idx.msk [tilespmem:v60+s12+$0x0], $0xffff;
	[tilespmem:s1+$0x3010] =	vst v27  }
0x2d3: {  	v28 =	vadd.s32 v3, v10;
	v24 =	vld.idx.msk [tilespmem:v61+s12+$0x0], $0xffff;
	[tilespmem:s29+$0x3060] =	vst v17  }
0x2d4: {  	[tilespmem:s26+$0x3060] =	vst v23;
	v17 =	vld.idx.msk [tilespmem:v15+s12+$0x0], $0xffff  }
0x2d5: {  	v14 =	vadd.s32 v7, v14;
	[tilespmem:s30+$0xFFFFFFB0] =	vst v16;
	v15 =	vld.idx.msk [tilespmem:v12+s12+$0x0], $0xffff  }
0x2d6: {  	v21 =	vld.idx.msk [tilespmem:v19+s12+$0x0], $0xffff;
	v16 =	vadd.s32 v7, v13;
	[tilespmem:s31+$0x3020] =	vst v20  }
0x2d7: {  	v23 =	vadd.s32 v3, v8;
	[tilespmem:s19+$0x3020] =	vst v22;
	v19 =	vld.idx.msk [tilespmem:v63+s12+$0x0], $0xffff  }
0x2d8: {  	s6 =	simm.s32 $0x8;
	v12 =	vadd.s32 v4, v9;
	v22 =	vadd.s32 v3, v11;
	v20 =	vld.idx.msk [tilespmem:v28+s12+$0x0], $0xffff;
	[tilespmem:s28+$0x3060] =	vst v24  }
.LBB2_17:
0x2d9: {  	s9 =	sadd.s32 $0x1, s6  }
0x2da: {  	v13 =	vmov s6;
	p1 =	slt.u32 s6, $0x1C;
	v24 =	vadd.s32 v4, v8;
	[tilespmem:s25+$0xFFFFFFF0] =	vst v18;
	v14 =	vld.idx.msk [tilespmem:v14+s12+$0x0], $0xffff;
	s20 =	smov.u32 s6;
	s6 =	sadd.s32 $0x4, s6  }
0x2db: {  	v25 =	vadd.s32 v4, v10;
	v13 =	vand.u32 $0x1C, v13;
	v18 =	vmov s9;
	s9 =	sadd.s32 $0x2, s20;
	v16 =	vld.idx.msk [tilespmem:v16+s12+$0x0], $0xffff;
	[tilespmem:s29+$0x3070] =	vst v17;
	s29 =	smov.u32 s19  }
0x2dc: {  	v17 =	vadd.s32 v0, v13;
	v18 =	vand.u32 $0x1D, v18;
	v26 =	vmov s9;
	s9 =	sadd.s32 $0x3, s20;
	v23 =	vld.idx.msk [tilespmem:v23+s12+$0x0], $0xffff;
	[tilespmem:s26+$0x3070] =	vst v15;
	s26 =	smov.u32 s31  }
0x2dd: {  	v15 =	vadd.s32 v0, v18;
	v26 =	vand.u32 $0x1E, v26;
	v27 =	vmov s9;
	[tilespmem:s1+$0x3020] =	vst v21  }
0x2de: {  	v21 =	vadd.s32 v4, v18;
	v28 =	vadd.s32 v0, v26;
	v27 =	vand.u32 $0x1F, v27;
	[tilespmem:s26+$0x3030] =	vst v19;
	v19 =	vld.idx.msk [tilespmem:v22+s12+$0x0], $0xffff  }
0x2df: {  	v22 =	vadd.s32 v0, v27;
	v29 =	vld.idx.msk [tilespmem:v12+s12+$0x0], $0xffff;
	[tilespmem:s29+$0x3030] =	vst v20;
	v12 =	vmov v21  }
0x2e0: {  	v21 =	vadd.s32 v4, v11;
	v20 =	vld.idx.msk [tilespmem:v25+s12+$0x0], $0xffff;
	[tilespmem:s28+$0x3070] =	vst v14;
	s28 =	smov.u32 s1  }
0x2e1: {  	v14 =	vld.idx.msk [tilespmem:v17+s12+$0x0], $0xffff;
	v17 =	vadd.s32 v5, v9;
	[tilespmem:s25+$0x0] =	vst v16;
	s25 =	smov.u32 s30  }
0x2e2: {  	v15 =	vld.idx.msk [tilespmem:v15+s12+$0x0], $0xffff;
	[tilespmem:s30+$0xFFFFFFC0] =	vst v23  }
0x2e3: {  	s0 =	sadd.s32 $0x200, s0;
	v23 =	vadd.s32 v5, v10;
	v16 =	vld.idx.msk [tilespmem:v24+s12+$0x0], $0xffff  }
0x2e4: {  	s1 =	sadd.s32 $0xFFFFFE80, s0;
	v24 =	vadd.s32 v1, v13;
	v25 =	vld.idx.msk [tilespmem:v28+s12+$0x0], $0xffff;
	[tilespmem:s28+$0x3030] =	vst v19  }
0x2e5: {  	s9 =	sadd.s32 $0xFFFFFF00, s0;
	s1 =	sand.u32 $0xC00, s1;
	v19 =	vadd.s32 v5, v8;
	[tilespmem:s26+$0x3040] =	vst v29;
	v21 =	vld.idx.msk [tilespmem:v21+s12+$0x0], $0xffff  }
0x2e6: {  	s9 =	sand.u32 $0x280, s9;
	s1 =	sor.u32 $0x11100, s1;
	s30 =	sadd.s32 $0x200, s30;
	v28 =	vadd.s32 v1, v18;
	v17 =	vld.idx.msk [tilespmem:v17+s12+$0x0], $0xffff;
	[tilespmem:s29+$0x3040] =	vst v20  }
0x2e7: {  	s31 =	sor.u32 s9, s1;
	s9 =	sadd.s32 $0xFFFFFF80, s0;
	[tilespmem:s30+$0xFFFFFF90] =	vst v14;
	v14 =	vadd.s32 v1, v26;
	v20 =	vld.idx.msk [tilespmem:v22+s12+$0x0], $0xffff  }
0x2e8: {  	s9 =	sand.u32 $0x300, s9;
	v22 =	vadd.s32 v5, v11;
	[tilespmem:s31+$0x3000] =	vst v15;
	v15 =	vld.idx.msk [tilespmem:v23+s12+$0x0], $0xffff  }
0x2e9: {  	s19 =	sadd.s32 s9, s1;
	v23 =	vld.idx.msk [tilespmem:v24+s12+$0x0], $0xffff;
	[tilespmem:s25+$0xFFFFFFD0] =	vst v16;
	v16 =	vadd.s32 v6, v9  }
0x2ea: {  	v24 =	vadd.s32 v6, v10;
	[tilespmem:s19+$0x3000] =	vst v25;
	v19 =	vld.idx.msk [tilespmem:v19+s12+$0x0], $0xffff  }
0x2eb: {  	s9 =	sand.u32 $0x380, s0;
	v25 =	vld.idx.msk [tilespmem:v28+s12+$0x0], $0xffff;
	v28 =	vadd.s32 v1, v27;
	[tilespmem:s28+$0x3040] =	vst v21  }
0x2ec: {  	s1 =	sadd.s32 s9, s1;
	v21 =	vadd.s32 v2, v13;
	v14 =	vld.idx.msk [tilespmem:v14+s12+$0x0], $0xffff;
	[tilespmem:s26+$0x3050] =	vst v17  }
0x2ed: {  	v17 =	vadd.s32 v2, v18;
	[tilespmem:s1+$0x3000] =	vst v20;
	v20 =	vld.idx.msk [tilespmem:v22+s12+$0x0], $0xffff  }
0x2ee: {  	v22 =	vadd.s32 v2, v26;
	v16 =	vld.idx.msk [tilespmem:v16+s12+$0x0], $0xffff;
	[tilespmem:s29+$0x3050] =	vst v15  }
0x2ef: {  	v15 =	vadd.s32 v6, v8;
	[tilespmem:s30+$0xFFFFFFA0] =	vst v23;
	v23 =	vld.idx.msk [tilespmem:v24+s12+$0x0], $0xffff;
	v24 =	vadd.s32 v6, v11  }
0x2f0: {  	v28 =	vld.idx.msk [tilespmem:v28+s12+$0x0], $0xffff;
	[tilespmem:s25+$0xFFFFFFE0] =	vst v19  }
0x2f1: {  	v19 =	vld.idx.msk [tilespmem:v21+s12+$0x0], $0xffff;
	[tilespmem:s31+$0x3010] =	vst v25;
	v21 =	vadd.s32 v7, v10;
	v10 =	vmov v26  }
0x2f2: {  	v26 =	vadd.s32 v7, v9;
	v9 =	vmov v18;
	v25 =	vld.idx.msk [tilespmem:v17+s12+$0x0], $0xffff;
	[tilespmem:s19+$0x3010] =	vst v14  }
0x2f3: {  	v29 =	vadd.s32 v2, v27;
	v22 =	vld.idx.msk [tilespmem:v22+s12+$0x0], $0xffff;
	[tilespmem:s28+$0x3050] =	vst v20  }
0x2f4: {  	v20 =	vadd.s32 v3, v9;
	[tilespmem:s26+$0x3060] =	vst v16;
	v24 =	vld.idx.msk [tilespmem:v24+s12+$0x0], $0xffff  }
0x2f5: {  	v30 =	vadd.s32 v3, v10;
	v18 =	vld.idx.msk [tilespmem:v15+s12+$0x0], $0xffff;
	[tilespmem:s29+$0x3060] =	vst v23  }
.Ltmp7:
0x2f6: {  	v14 =	vadd.s32 v7, v11;
	v16 =	vadd.s32 v7, v8;
	v8 =	vmov v13;
	[tilespmem:s1+$0x3010] =	vst v28;
	v17 =	vld.idx.msk [tilespmem:v21+s12+$0x0], $0xffff;
	(pc) =	sbr.rel @p1 .LBB2_17-.Ltmp7, $4  }
0x2f7: {  	v11 =	vmov v27;
	[tilespmem:s30+$0xFFFFFFB0] =	vst v19;
	v15 =	vld.idx.msk [tilespmem:v26+s12+$0x0], $0xffff  }
0x2f8: {  	v23 =	vadd.s32 v3, v8;
	[tilespmem:s31+$0x3020] =	vst v25;
	v21 =	vld.idx.msk [tilespmem:v29+s12+$0x0], $0xffff  }
0x2f9: {  	v19 =	vld.idx.msk [tilespmem:v20+s12+$0x0], $0xffff;
	[tilespmem:s19+$0x3020] =	vst v22  }
0x2fa: {  	v22 =	vadd.s32 v3, v11;
	v20 =	vld.idx.msk [tilespmem:v30+s12+$0x0], $0xffff;
	[tilespmem:s28+$0x3060] =	vst v24  }
0x2fb: {  	_ =	sdelay $0x3  }
0x2fc: {  	v13 =	vadd.s32 v4, v10;
	v46 =	vld.idx.msk [tilespmem:v23+s12+$0x0], $0xffff;
	[tilespmem:s1+$0x3020] =	vst v21  }
0x2fd: {  	v24 =	vadd.s32 v4, v8;
	v21 =	vld.idx.msk [tilespmem:v22+s12+$0x0], $0xffff  }
0x2fe: {  	v47 =	vadd.s32 v4, v11  }
0x2ff: {  	[tilespmem:s31+$0x3030] =	vst v19  }
0x300: {  	[tilespmem:s19+$0x3030] =	vst v20;
	v12 =	vld.idx.msk [tilespmem:v12+s12+$0x0], $0xffff  }
0x301: {  	v49 =	vadd.s32 v5, v9;
	v13 =	vld.idx.msk [tilespmem:v13+s12+$0x0], $0xffff;
	[tilespmem:s30+$0xFFFFFFC0] =	vst v46  }
0x302: {  	v48 =	vadd.s32 v5, v10;
	v22 =	vld.idx.msk [tilespmem:v24+s12+$0x0], $0xffff;
	[tilespmem:s1+$0x3030] =	vst v21  }
0x303: {  	v51 =	vadd.s32 v5, v8;
	v21 =	vld.idx.msk [tilespmem:v47+s12+$0x0], $0xffff  }
0x304: {  	v50 =	vadd.s32 v5, v11  }
0x305: {  	[tilespmem:s31+$0x3040] =	vst v12  }
0x306: {  	[tilespmem:s19+$0x3040] =	vst v13;
	v53 =	vld.idx.msk [tilespmem:v49+s12+$0x0], $0xffff  }
0x307: {  	v55 =	vadd.s32 v6, v9;
	v52 =	vld.idx.msk [tilespmem:v48+s12+$0x0], $0xffff;
	[tilespmem:s30+$0xFFFFFFD0] =	vst v22  }
0x308: {  	v54 =	vadd.s32 v6, v10;
	v22 =	vld.idx.msk [tilespmem:v51+s12+$0x0], $0xffff;
	[tilespmem:s1+$0x3040] =	vst v21  }
0x309: {  	v57 =	vadd.s32 v6, v8;
	v21 =	vld.idx.msk [tilespmem:v50+s12+$0x0], $0xffff  }
0x30a: {  	v56 =	vadd.s32 v6, v11;
	[tilespmem:s25+$0xFFFFFFF0] =	vst v18  }
0x30b: {  	[tilespmem:s31+$0x3050] =	vst v53  }
0x30c: {  	[tilespmem:s19+$0x3050] =	vst v52;
	v13 =	vld.idx.msk [tilespmem:v55+s12+$0x0], $0xffff  }
0x30d: {  	v59 =	vadd.s32 v7, v9;
	v12 =	vld.idx.msk [tilespmem:v54+s12+$0x0], $0xffff;
	[tilespmem:s30+$0xFFFFFFE0] =	vst v22  }
0x30e: {  	v58 =	vadd.s32 v7, v10;
	v61 =	vld.idx.msk [tilespmem:v57+s12+$0x0], $0xffff;
	[tilespmem:s1+$0x3050] =	vst v21  }
0x30f: {  	[tilespmem:s29+$0x3070] =	vst v17;
	v8 =	vadd.s32 v7, v8;
	v60 =	vld.idx.msk [tilespmem:v56+s12+$0x0], $0xffff  }
0x310: {  	v62 =	vadd.s32 v7, v11;
	v14 =	vld.idx.msk [tilespmem:v14+s12+$0x0], $0xffff;
	[tilespmem:s26+$0x3070] =	vst v15  }
0x311: {  	v63 =	vld.idx.msk [tilespmem:v16+s12+$0x0], $0xffff;
	[tilespmem:s31+$0x3060] =	vst v13  }
0x312: {  	[tilespmem:s19+$0x3060] =	vst v12;
	v9 =	vld.idx.msk [tilespmem:v59+s12+$0x0], $0xffff  }
0x313: {  	v10 =	vld.idx.msk [tilespmem:v58+s12+$0x0], $0xffff;
	[tilespmem:s30+$0xFFFFFFF0] =	vst v61  }
0x314: {  	v8 =	vld.idx.msk [tilespmem:v8+s12+$0x0], $0xffff;
	[tilespmem:s1+$0x3060] =	vst v60  }
0x315: {  	[tilespmem:s28+$0x3070] =	vst v14;
	v11 =	vld.idx.msk [tilespmem:v62+s12+$0x0], $0xffff  }
0x316: {  	p1 =	sne.s32 s21, $0x18;
	[tilespmem:s25+$0x0] =	vst v63  }
.Ltmp8:
0x317: {  	s0 =	sshll.u32 s21, $0x14;
	[tilespmem:s31+$0x3070] =	vst v9;
	(pc) =	sbr.rel @p1 .LBB2_20-.Ltmp8, $4  }
0x318: {  	s0 =	sor.u32 s7, s0;
	[tilespmem:s19+$0x3070] =	vst v10  }
0x319: {  	s0 =	sshrl.u32 s0, $0x3;
	[tilespmem:s30+$0x0] =	vst v8  }
0x31a: {  	s0 =	sadd.s32 s2, s0;
	[tilespmem:s1+$0x3070] =	vst v11  }
0x31b: {  	[hbm4b:s0+s13] =	stream.strided.scatter [tilespmem:s15], [sflag:$0x3], $0x4000, s14, s13, $0x38;
	[tilespmem:$0x19100] =	vst v63  }
.Ltmp9:
0x31c: {  	(pc) =	sbr.rel .LBB2_21-.Ltmp9, $4  }
0x31d: {  	_ = 	snop  }
0x31e: {  	_ =	swait.ge [sflag:s16], $0x4000  }
0x31f: {  	[sflag:s16] =	ssyncset.done $0x0  }
0x320: {  	[sflag:s16] =	ssyncadd.s32 $0xFFFFC000  }
.LBB2_20:
.Ltmp10:
0x321: {  	s0 =	sadd.s32 $0x1D00, s24;
	s1 =	simm.s32 $0x7D00;
	(pc) =	sbr.rel @p0 .LBB2_22-.Ltmp10, $4  }
0x322: {  	[tilespmem:s1], [sflag:$0x1] =	stream.indirect.gather [hbm4b:s4+s8], $0x20, s0, s8, $0xb8;
	[tilespmem:$0x19100] =	vst v63  }
0x323: {  	_ =	swait.ge [sflag:s16], $0x4000  }
0x324: {  	[sflag:s16] =	ssyncset.done $0x0  }
0x325: {  	[sflag:s16] =	ssyncadd.s32 $0xFFFFC000  }
.LBB2_21:
0x326: {  	_ =	swait.ge [sflag:s17], $0x4000  }
0x327: {  	[sflag:s17] =	ssyncset.done $0x0  }
0x328: {  	[sflag:s17] =	ssyncadd.s32 $0xFFFFC000  }
.LBB2_22:
0x329: {  	s6 =	simm.s32 $0xBD80  }
0x32a: {  	s0 =	sshll.u32 s22, $0x5;
	v10 =	vld [tilespmem:s6+$0x60]  }
0x32b: {  	s0 =	sand.u32 $0x3FFFFFE0, s0;
	v11 =	vld [tilespmem:s6+$0xFFFFFFA0]  }
0x32c: {  	v9 =	vld [tilespmem:s0+$0x0]  }
0x32d: {  	v12 =	vld [tilespmem:s6+$0xFFFFFFC0]  }
0x32e: {  	v13 =	vld [tilespmem:s6+$0xFFFFFFE0]  }
0x32f: {  	v14 =	vld [tilespmem:s6+$0x0]  }
0x330: {  	v15 =	vld [tilespmem:s6+$0x20]  }
0x331: {  	v16 =	vld [tilespmem:s6+$0x40];
	v10 =	vadd.f32 v10, v9  }
0x332: {  	v8 =	vld [tilespmem:s0+$0x10];
	s0 =	simm.s32 $0xFDA0;
	v11 =	vadd.f32 v11, v9  }
0x333: {  	v17 =	vld [tilespmem:s6+$0xFFFFFF80];
	v12 =	vadd.f32 v12, v9;
	[tilespmem:s0+$0x78] =	vst v10  }
0x334: {  	[tilespmem:s0+$0xFFFFFF88] =	vst v11;
	v10 =	vadd.f32 v13, v9;
	v11 =	vld [tilespmem:s6+$0x70]  }
0x335: {  	[tilespmem:s0+$0xFFFFFFB0] =	vst v12;
	v13 =	vadd.f32 v14, v9;
	v18 =	vld [tilespmem:s6+$0xFFFFFFB0]  }
0x336: {  	v19 =	vld [tilespmem:s6+$0xFFFFFFD0];
	[tilespmem:s0+$0xFFFFFFD8] =	vst v10;
	v10 =	vadd.f32 v15, v9  }
0x337: {  	v14 =	vadd.f32 v16, v9;
	[tilespmem:s0+$0x0] =	vst v13;
	v12 =	vld [tilespmem:s6+$0xFFFFFFF0]  }
0x338: {  	v15 =	vadd.f32 v17, v9;
	v13 =	vld [tilespmem:s6+$0x10];
	[tilespmem:s0+$0x28] =	vst v10  }
0x339: {  	[tilespmem:s0+$0x50] =	vst v14;
	v10 =	vld [tilespmem:s6+$0x30];
	v17 =	vadd.f32 v11, v8  }
0x33a: {  	[tilespmem:s0+$0xFFFFFF60] =	vst v15;
	v11 =	vld [tilespmem:s6+$0x50];
	v16 =	vadd.f32 v18, v8  }
0x33b: {  	s1 =	simm.s32 $0x0;
	s24 =	simm.s32 $0x15140;
	v14 =	vld [tilespmem:s6+$0xFFFFFF90];
	v15 =	vadd.f32 v19, v8;
	s6 =	simm.s32 $0xBE80;
	[tilespmem:s0+$0x88] =	vst v17  }
.LBB2_23:
0x33c: {  	v17 =	vld [tilespmem:s6+$0x60];
	s1 =	sadd.s32 $0x8, s1;
	[tilespmem:s0+$0xFFFFFF98] =	vst v16;
	v12 =	vadd.f32 v12, v8  }
0x33d: {  	v16 =	vld [tilespmem:s6+$0xFFFFFFA0];
	p0 =	slt.u32 s1, $0x78;
	[tilespmem:s0+$0xFFFFFFC0] =	vst v15;
	v13 =	vadd.f32 v13, v8  }
0x33e: {  	v15 =	vld [tilespmem:s6+$0xFFFFFFC0];
	[tilespmem:s0+$0xFFFFFFE8] =	vst v12;
	v10 =	vadd.f32 v10, v8  }
0x33f: {  	v12 =	vld [tilespmem:s6+$0xFFFFFFE0];
	[tilespmem:s0+$0x10] =	vst v13;
	v11 =	vadd.f32 v11, v8  }
0x340: {  	v13 =	vld [tilespmem:s6+$0x0];
	v14 =	vadd.f32 v14, v8;
	[tilespmem:s0+$0x38] =	vst v10  }
0x341: {  	v10 =	vld [tilespmem:s6+$0x20];
	v17 =	vadd.f32 v17, v9;
	[tilespmem:s0+$0x60] =	vst v11  }
0x342: {  	v11 =	vadd.f32 v16, v9;
	v16 =	vld [tilespmem:s6+$0x40];
	[tilespmem:s0+$0xFFFFFF70] =	vst v14;
	s0 =	sadd.s32 $0x140, s0  }
0x343: {  	v14 =	vld [tilespmem:s6+$0xFFFFFF80];
	v15 =	vadd.f32 v15, v9;
	[tilespmem:s0+$0x78] =	vst v17  }
0x344: {  	[tilespmem:s0+$0xFFFFFF88] =	vst v11;
	v11 =	vadd.f32 v12, v9;
	v17 =	vld [tilespmem:s6+$0x70]  }
0x345: {  	v18 =	vld [tilespmem:s6+$0xFFFFFFB0];
	[tilespmem:s0+$0xFFFFFFB0] =	vst v15;
	v13 =	vadd.f32 v13, v9  }
0x346: {  	v15 =	vld [tilespmem:s6+$0xFFFFFFD0];
	[tilespmem:s0+$0xFFFFFFD8] =	vst v11;
	v10 =	vadd.f32 v10, v9  }
.Ltmp11:
0x347: {  	v12 =	vld [tilespmem:s6+$0xFFFFFFF0];
	[tilespmem:s0+$0x0] =	vst v13;
	v11 =	vadd.f32 v16, v9;
	(pc) =	sbr.rel @p0 .LBB2_23-.Ltmp11, $4  }
0x348: {  	v14 =	vadd.f32 v14, v9;
	v13 =	vld [tilespmem:s6+$0x10];
	[tilespmem:s0+$0x28] =	vst v10  }
0x349: {  	v10 =	vld [tilespmem:s6+$0x30];
	[tilespmem:s0+$0x50] =	vst v11;
	v17 =	vadd.f32 v17, v8  }
0x34a: {  	[tilespmem:s0+$0xFFFFFF60] =	vst v14;
	v16 =	vadd.f32 v18, v8;
	v11 =	vld [tilespmem:s6+$0x50]  }
0x34b: {  	s25 =	simm.s32 $0x0;
	s19 =	simm.s32 $0x180;
	v14 =	vld [tilespmem:s6+$0xFFFFFF90];
	v15 =	vadd.f32 v15, v8;
	[tilespmem:s0+$0x88] =	vst v17;
	s6 =	sadd.s32 $0x100, s6  }
0x34c: {  	s1 =	simm.s32 $0x1  }
0x34d: {  	[tilespmem:s0+$0xFFFFFF98] =	vst v16;
	v9 =	vadd.f32 v12, v8;
	s9 =	simm.s32 $0x2;
	v12 =	vmov s1  }
0x34e: {  	[tilespmem:s0+$0xFFFFFFC0] =	vst v15;
	v13 =	vadd.f32 v13, v8;
	v15 =	vmov s9;
	v12 =	vand.u32 $0x1D, v12  }
0x34f: {  	[tilespmem:s0+$0xFFFFFFE8] =	vst v9;
	v9 =	vadd.f32 v10, v8;
	v15 =	vand.u32 $0x1E, v15;
	v10 =	vadd.s32 v0, v12  }
0x350: {  	[tilespmem:s0+$0x10] =	vst v13;
	v11 =	vadd.f32 v11, v8;
	v16 =	vadd.s32 v0, v15  }
0x351: {  	s20 =	simm.s32 $0x3;
	v8 =	vadd.f32 v14, v8;
	[tilespmem:s0+$0x38] =	vst v9;
	v9 =	vmov s25  }
0x352: {  	[tilespmem:s0+$0x60] =	vst v11;
	v13 =	vand.u32 $0x1C, v9;
	v9 =	vmov s20  }
0x353: {  	[tilespmem:s0+$0xFFFFFF70] =	vst v8;
	v8 =	vadd.s32 v0, v13;
	v14 =	vand.u32 $0x1F, v9  }
0x354: {  	v9 =	vadd.s32 v0, v14;
	v10 =	vld.idx.msk [tilespmem:v10+s12+$0x0], $0xffff  }
0x355: {  	s25 =	simm.s32 $0x0;
	v11 =	vld.idx.msk [tilespmem:v16+s12+$0x0], $0xffff;
	v16 =	vadd.s32 v1, v12  }
0x356: {  	s26 =	simm.s32 $0x80;
	v17 =	vadd.s32 v1, v15;
	s0 =	sand.u32 $0xC00, s25  }
0x357: {  	s6 =	simm.s32 $0x100;
	s1 =	sand.u32 $0x280, s26;
	s0 =	sor.u32 $0x15100, s0  }
0x358: {  	s31 =	sand.u32 $0x300, s6;
	s25 =	sor.u32 s1, s0;
	v8 =	vld.idx.msk [tilespmem:v8+s12+$0x0], $0xffff  }
0x359: {  	v18 =	vadd.s32 v1, v13;
	s28 =	sadd.s32 s31, s0;
	v9 =	vld.idx.msk [tilespmem:v9+s12+$0x0], $0xffff;
	[tilespmem:s25+$0x0] =	vst v10  }
0x35a: {  	[tilespmem:s28+$0x0] =	vst v11;
	v11 =	vadd.s32 v1, v14;
	v10 =	vld.idx.msk [tilespmem:v16+s12+$0x0], $0xffff  }
0x35b: {  	v16 =	vld.idx.msk [tilespmem:v17+s12+$0x0], $0xffff;
	v17 =	vadd.s32 v2, v12  }
0x35c: {  	s6 =	sand.u32 $0x380, s19;
	v19 =	vadd.s32 v2, v15  }
0x35d: {  	s26 =	sadd.s32 s6, s0;
	[tilespmem:s24+$0xFFFFFFC0] =	vst v8  }
0x35e: {  	v8 =	vld.idx.msk [tilespmem:v18+s12+$0x0], $0xffff;
	[tilespmem:s26+$0x0] =	vst v9  }
0x35f: {  	v9 =	vadd.s32 v2, v13;
	v11 =	vld.idx.msk [tilespmem:v11+s12+$0x0], $0xffff;
	[tilespmem:s25+$0x10] =	vst v10  }
0x360: {  	[tilespmem:s28+$0x10] =	vst v16;
	v16 =	vadd.s32 v2, v14;
	v10 =	vld.idx.msk [tilespmem:v17+s12+$0x0], $0xffff  }
0x361: {  	v18 =	vadd.s32 v3, v12;
	v17 =	vld.idx.msk [tilespmem:v19+s12+$0x0], $0xffff  }
0x362: {  	v19 =	vadd.s32 v3, v15  }
0x363: {  	[tilespmem:s24+$0xFFFFFFD0] =	vst v8  }
0x364: {  	v9 =	vld.idx.msk [tilespmem:v9+s12+$0x0], $0xffff;
	[tilespmem:s26+$0x10] =	vst v11  }
0x365: {  	v11 =	vadd.s32 v3, v13;
	[tilespmem:s25+$0x20] =	vst v10;
	v10 =	vld.idx.msk [tilespmem:v16+s12+$0x0], $0xffff  }
0x366: {  	s9 =	simm.s32 $0x4;
	[tilespmem:s28+$0x20] =	vst v17;
	v17 =	vadd.s32 v3, v14;
	v16 =	vld.idx.msk [tilespmem:v18+s12+$0x0], $0xffff  }
0x367: {  	s19 =	simm.s32 $0x5;
	v8 =	vmov s9;
	v18 =	vadd.s32 v4, v12;
	v19 =	vld.idx.msk [tilespmem:v19+s12+$0x0], $0xffff  }
0x368: {  	v20 =	vmov s19;
	v21 =	vadd.s32 v4, v15;
	v8 =	vand.u32 $0x1C, v8  }
0x369: {  	s20 =	simm.s32 $0x6;
	v22 =	vadd.s32 v0, v8;
	[tilespmem:s24+$0xFFFFFFE0] =	vst v9;
	v9 =	vand.u32 $0x1D, v20  }
0x36a: {  	v20 =	vmov s20;
	v23 =	vld.idx.msk [tilespmem:v11+s12+$0x0], $0xffff;
	v24 =	vadd.s32 v0, v9;
	[tilespmem:s26+$0x20] =	vst v10  }
0x36b: {  	v25 =	vadd.s32 v4, v13;
	s31 =	simm.s32 $0x7;
	v10 =	vand.u32 $0x1E, v20;
	[tilespmem:s25+$0x30] =	vst v16;
	v16 =	vld.idx.msk [tilespmem:v17+s12+$0x0], $0xffff  }
0x36c: {  	v11 =	vmov s31;
	v17 =	vadd.s32 v0, v10;
	[tilespmem:s28+$0x30] =	vst v19;
	v18 =	vld.idx.msk [tilespmem:v18+s12+$0x0], $0xffff  }
0x36d: {  	v20 =	vadd.s32 v4, v14;
	v11 =	vand.u32 $0x1F, v11;
	v19 =	vld.idx.msk [tilespmem:v21+s12+$0x0], $0xffff  }
0x36e: {  	v26 =	vadd.s32 v0, v11;
	v21 =	vld.idx.msk [tilespmem:v22+s12+$0x0], $0xffff  }
0x36f: {  	v22 =	vadd.s32 v5, v12;
	v24 =	vld.idx.msk [tilespmem:v24+s12+$0x0], $0xffff;
	[tilespmem:s24+$0xFFFFFFF0] =	vst v23  }
0x370: {  	v55 =	vadd.s32 v5, v15;
	v23 =	vld.idx.msk [tilespmem:v25+s12+$0x0], $0xffff  }
0x371: {  	s1 =	simm.s32 $0x200;
	v27 =	vadd.s32 v1, v8;
	v17 =	vld.idx.msk [tilespmem:v17+s12+$0x0], $0xffff;
	[tilespmem:s26+$0x30] =	vst v16  }
0x372: {  	s29 =	simm.s32 $0x15340;
	s6 =	simm.s32 $0x280;
	s0 =	sand.u32 $0xC00, s1;
	v16 =	vadd.s32 v5, v13;
	[tilespmem:s25+$0x40] =	vst v18;
	v18 =	vld.idx.msk [tilespmem:v20+s12+$0x0], $0xffff  }
0x373: {  	s1 =	sand.u32 $0x280, s6;
	s9 =	sor.u32 $0x15100, s0;
	v20 =	vadd.s32 v1, v9;
	[tilespmem:s29+$0xFFFFFFC0] =	vst v21;
	v21 =	vld.idx.msk [tilespmem:v26+s12+$0x0], $0xffff  }
0x374: {  	s30 =	sor.u32 s1, s9;
	s20 =	simm.s32 $0x300;
	[tilespmem:s28+$0x40] =	vst v19;
	v19 =	vadd.s32 v1, v10;
	v22 =	vld.idx.msk [tilespmem:v22+s12+$0x0], $0xffff  }
0x375: {  	v57 =	vadd.s32 v5, v14;
	s0 =	sand.u32 $0x300, s20;
	v56 =	vld.idx.msk [tilespmem:v55+s12+$0x0], $0xffff;
	[tilespmem:s30+$0x0] =	vst v24  }
0x376: {  	s19 =	sadd.s32 s0, s9;
	s0 =	simm.s32 $0x380;
	v59 =	vadd.s32 v1, v11;
	v58 =	vld.idx.msk [tilespmem:v27+s12+$0x0], $0xffff;
	[tilespmem:s24+$0x0] =	vst v23  }
0x377: {  	s31 =	sand.u32 $0x380, s0;
	v23 =	vadd.s32 v6, v12;
	[tilespmem:s19+$0x0] =	vst v17;
	v16 =	vld.idx.msk [tilespmem:v16+s12+$0x0], $0xffff  }
0x378: {  	s1 =	sadd.s32 s31, s9;
	v17 =	vadd.s32 v6, v15;
	v20 =	vld.idx.msk [tilespmem:v20+s12+$0x0], $0xffff;
	[tilespmem:s26+$0x40] =	vst v18  }
0x379: {  	v18 =	vadd.s32 v2, v8;
	v19 =	vld.idx.msk [tilespmem:v19+s12+$0x0], $0xffff;
	[tilespmem:s1+$0x0] =	vst v21  }
0x37a: {  	v62 =	vadd.s32 v6, v13;
	[tilespmem:s25+$0x50] =	vst v22;
	v21 =	vld.idx.msk [tilespmem:v57+s12+$0x0], $0xffff  }
0x37b: {  	v22 =	vadd.s32 v2, v9;
	[tilespmem:s28+$0x50] =	vst v56;
	v27 =	vld.idx.msk [tilespmem:v59+s12+$0x0], $0xffff  }
0x37c: {  	v60 =	vadd.s32 v2, v10;
	[tilespmem:s29+$0xFFFFFFD0] =	vst v58;
	v23 =	vld.idx.msk [tilespmem:v23+s12+$0x0], $0xffff  }
0x37d: {  	v61 =	vadd.s32 v6, v14;
	v17 =	vld.idx.msk [tilespmem:v17+s12+$0x0], $0xffff;
	[tilespmem:s24+$0x10] =	vst v16  }
0x37e: {  	v15 =	vadd.s32 v7, v15;
	v16 =	vld.idx.msk [tilespmem:v18+s12+$0x0], $0xffff;
	[tilespmem:s30+$0x10] =	vst v20  }
0x37f: {  	v12 =	vadd.s32 v7, v12;
	[tilespmem:s19+$0x10] =	vst v19;
	v18 =	vld.idx.msk [tilespmem:v62+s12+$0x0], $0xffff  }
0x380: {  	v19 =	vadd.s32 v2, v11;
	v20 =	vld.idx.msk [tilespmem:v22+s12+$0x0], $0xffff;
	[tilespmem:s26+$0x50] =	vst v21  }
0x381: {  	v63 =	vadd.s32 v3, v9;
	v22 =	vld.idx.msk [tilespmem:v60+s12+$0x0], $0xffff;
	[tilespmem:s1+$0x10] =	vst v27  }
0x382: {  	v28 =	vadd.s32 v3, v10;
	v24 =	vld.idx.msk [tilespmem:v61+s12+$0x0], $0xffff;
	[tilespmem:s28+$0x60] =	vst v17  }
0x383: {  	[tilespmem:s25+$0x60] =	vst v23;
	v17 =	vld.idx.msk [tilespmem:v15+s12+$0x0], $0xffff  }
0x384: {  	v14 =	vadd.s32 v7, v14;
	[tilespmem:s29+$0xFFFFFFE0] =	vst v16;
	v15 =	vld.idx.msk [tilespmem:v12+s12+$0x0], $0xffff  }
0x385: {  	v21 =	vld.idx.msk [tilespmem:v19+s12+$0x0], $0xffff;
	v16 =	vadd.s32 v7, v13;
	[tilespmem:s30+$0x20] =	vst v20  }
0x386: {  	v23 =	vadd.s32 v3, v8;
	[tilespmem:s19+$0x20] =	vst v22;
	v19 =	vld.idx.msk [tilespmem:v63+s12+$0x0], $0xffff  }
0x387: {  	s6 =	simm.s32 $0x8;
	v12 =	vadd.s32 v4, v9;
	v22 =	vadd.s32 v3, v11;
	v20 =	vld.idx.msk [tilespmem:v28+s12+$0x0], $0xffff;
	[tilespmem:s26+$0x60] =	vst v24  }
.LBB2_25:
0x388: {  	s9 =	sadd.s32 $0x1, s6  }
0x389: {  	v13 =	vmov s6;
	p0 =	slt.u32 s6, $0x1C;
	v24 =	vadd.s32 v4, v8;
	[tilespmem:s24+$0x20] =	vst v18;
	v14 =	vld.idx.msk [tilespmem:v14+s12+$0x0], $0xffff;
	s20 =	smov.u32 s6;
	s6 =	sadd.s32 $0x4, s6  }
0x38a: {  	v25 =	vadd.s32 v4, v10;
	v13 =	vand.u32 $0x1C, v13;
	v18 =	vmov s9;
	s9 =	sadd.s32 $0x2, s20;
	v16 =	vld.idx.msk [tilespmem:v16+s12+$0x0], $0xffff;
	[tilespmem:s28+$0x70] =	vst v17;
	s28 =	smov.u32 s19  }
0x38b: {  	v17 =	vadd.s32 v0, v13;
	v18 =	vand.u32 $0x1D, v18;
	v26 =	vmov s9;
	s9 =	sadd.s32 $0x3, s20;
	v23 =	vld.idx.msk [tilespmem:v23+s12+$0x0], $0xffff;
	[tilespmem:s25+$0x70] =	vst v15;
	s25 =	smov.u32 s30  }
0x38c: {  	v15 =	vadd.s32 v0, v18;
	v26 =	vand.u32 $0x1E, v26;
	v27 =	vmov s9;
	[tilespmem:s1+$0x20] =	vst v21  }
0x38d: {  	v21 =	vadd.s32 v4, v18;
	v28 =	vadd.s32 v0, v26;
	v27 =	vand.u32 $0x1F, v27;
	[tilespmem:s25+$0x30] =	vst v19;
	v19 =	vld.idx.msk [tilespmem:v22+s12+$0x0], $0xffff  }
0x38e: {  	v22 =	vadd.s32 v0, v27;
	v29 =	vld.idx.msk [tilespmem:v12+s12+$0x0], $0xffff;
	[tilespmem:s28+$0x30] =	vst v20;
	v12 =	vmov v21  }
0x38f: {  	v21 =	vadd.s32 v4, v11;
	v20 =	vld.idx.msk [tilespmem:v25+s12+$0x0], $0xffff;
	[tilespmem:s26+$0x70] =	vst v14;
	s26 =	smov.u32 s1  }
0x390: {  	v14 =	vld.idx.msk [tilespmem:v17+s12+$0x0], $0xffff;
	v17 =	vadd.s32 v5, v9;
	[tilespmem:s24+$0x30] =	vst v16;
	s24 =	smov.u32 s29  }
0x391: {  	v15 =	vld.idx.msk [tilespmem:v15+s12+$0x0], $0xffff;
	[tilespmem:s29+$0xFFFFFFF0] =	vst v23  }
0x392: {  	s0 =	sadd.s32 $0x200, s0;
	v23 =	vadd.s32 v5, v10;
	v16 =	vld.idx.msk [tilespmem:v24+s12+$0x0], $0xffff  }
0x393: {  	s1 =	sadd.s32 $0xFFFFFE80, s0;
	v24 =	vadd.s32 v1, v13;
	v25 =	vld.idx.msk [tilespmem:v28+s12+$0x0], $0xffff;
	[tilespmem:s26+$0x30] =	vst v19  }
0x394: {  	s9 =	sadd.s32 $0xFFFFFF00, s0;
	s1 =	sand.u32 $0xC00, s1;
	v19 =	vadd.s32 v5, v8;
	[tilespmem:s25+$0x40] =	vst v29;
	v21 =	vld.idx.msk [tilespmem:v21+s12+$0x0], $0xffff  }
0x395: {  	s9 =	sand.u32 $0x280, s9;
	s1 =	sor.u32 $0x15100, s1;
	s29 =	sadd.s32 $0x200, s29;
	v28 =	vadd.s32 v1, v18;
	v17 =	vld.idx.msk [tilespmem:v17+s12+$0x0], $0xffff;
	[tilespmem:s28+$0x40] =	vst v20  }
0x396: {  	s30 =	sor.u32 s9, s1;
	s9 =	sadd.s32 $0xFFFFFF80, s0;
	[tilespmem:s29+$0xFFFFFFC0] =	vst v14;
	v14 =	vadd.s32 v1, v26;
	v20 =	vld.idx.msk [tilespmem:v22+s12+$0x0], $0xffff  }
0x397: {  	s9 =	sand.u32 $0x300, s9;
	v22 =	vadd.s32 v5, v11;
	[tilespmem:s30+$0x0] =	vst v15;
	v15 =	vld.idx.msk [tilespmem:v23+s12+$0x0], $0xffff  }
0x398: {  	s19 =	sadd.s32 s9, s1;
	v23 =	vld.idx.msk [tilespmem:v24+s12+$0x0], $0xffff;
	[tilespmem:s24+$0x0] =	vst v16;
	v16 =	vadd.s32 v6, v9  }
0x399: {  	v24 =	vadd.s32 v6, v10;
	[tilespmem:s19+$0x0] =	vst v25;
	v19 =	vld.idx.msk [tilespmem:v19+s12+$0x0], $0xffff  }
0x39a: {  	s9 =	sand.u32 $0x380, s0;
	v25 =	vld.idx.msk [tilespmem:v28+s12+$0x0], $0xffff;
	v28 =	vadd.s32 v1, v27;
	[tilespmem:s26+$0x40] =	vst v21  }
0x39b: {  	s1 =	sadd.s32 s9, s1;
	v21 =	vadd.s32 v2, v13;
	v14 =	vld.idx.msk [tilespmem:v14+s12+$0x0], $0xffff;
	[tilespmem:s25+$0x50] =	vst v17  }
0x39c: {  	v17 =	vadd.s32 v2, v18;
	[tilespmem:s1+$0x0] =	vst v20;
	v20 =	vld.idx.msk [tilespmem:v22+s12+$0x0], $0xffff  }
0x39d: {  	v22 =	vadd.s32 v2, v26;
	v16 =	vld.idx.msk [tilespmem:v16+s12+$0x0], $0xffff;
	[tilespmem:s28+$0x50] =	vst v15  }
0x39e: {  	v15 =	vadd.s32 v6, v8;
	[tilespmem:s29+$0xFFFFFFD0] =	vst v23;
	v23 =	vld.idx.msk [tilespmem:v24+s12+$0x0], $0xffff;
	v24 =	vadd.s32 v6, v11  }
0x39f: {  	v28 =	vld.idx.msk [tilespmem:v28+s12+$0x0], $0xffff;
	[tilespmem:s24+$0x10] =	vst v19  }
0x3a0: {  	v19 =	vld.idx.msk [tilespmem:v21+s12+$0x0], $0xffff;
	[tilespmem:s30+$0x10] =	vst v25;
	v21 =	vadd.s32 v7, v10;
	v10 =	vmov v26  }
0x3a1: {  	v26 =	vadd.s32 v7, v9;
	v9 =	vmov v18;
	v25 =	vld.idx.msk [tilespmem:v17+s12+$0x0], $0xffff;
	[tilespmem:s19+$0x10] =	vst v14  }
0x3a2: {  	v29 =	vadd.s32 v2, v27;
	v22 =	vld.idx.msk [tilespmem:v22+s12+$0x0], $0xffff;
	[tilespmem:s26+$0x50] =	vst v20  }
0x3a3: {  	v20 =	vadd.s32 v3, v9;
	[tilespmem:s25+$0x60] =	vst v16;
	v24 =	vld.idx.msk [tilespmem:v24+s12+$0x0], $0xffff  }
0x3a4: {  	v30 =	vadd.s32 v3, v10;
	v18 =	vld.idx.msk [tilespmem:v15+s12+$0x0], $0xffff;
	[tilespmem:s28+$0x60] =	vst v23  }
.Ltmp12:
0x3a5: {  	v14 =	vadd.s32 v7, v11;
	v16 =	vadd.s32 v7, v8;
	v8 =	vmov v13;
	[tilespmem:s1+$0x10] =	vst v28;
	v17 =	vld.idx.msk [tilespmem:v21+s12+$0x0], $0xffff;
	(pc) =	sbr.rel @p0 .LBB2_25-.Ltmp12, $4  }
0x3a6: {  	v11 =	vmov v27;
	[tilespmem:s29+$0xFFFFFFE0] =	vst v19;
	v15 =	vld.idx.msk [tilespmem:v26+s12+$0x0], $0xffff  }
0x3a7: {  	v23 =	vadd.s32 v3, v8;
	[tilespmem:s30+$0x20] =	vst v25;
	v21 =	vld.idx.msk [tilespmem:v29+s12+$0x0], $0xffff  }
0x3a8: {  	v19 =	vld.idx.msk [tilespmem:v20+s12+$0x0], $0xffff;
	[tilespmem:s19+$0x20] =	vst v22  }
0x3a9: {  	v22 =	vadd.s32 v3, v11;
	v20 =	vld.idx.msk [tilespmem:v30+s12+$0x0], $0xffff;
	[tilespmem:s26+$0x60] =	vst v24  }
0x3aa: {  	_ =	sdelay $0x3  }
0x3ab: {  	v13 =	vadd.s32 v4, v10;
	v57 =	vld.idx.msk [tilespmem:v23+s12+$0x0], $0xffff;
	[tilespmem:s1+$0x20] =	vst v21  }
0x3ac: {  	v24 =	vadd.s32 v4, v8;
	v21 =	vld.idx.msk [tilespmem:v22+s12+$0x0], $0xffff  }
0x3ad: {  	v58 =	vadd.s32 v4, v11  }
0x3ae: {  	[tilespmem:s30+$0x30] =	vst v19  }
0x3af: {  	[tilespmem:s19+$0x30] =	vst v20;
	v12 =	vld.idx.msk [tilespmem:v12+s12+$0x0], $0xffff  }
0x3b0: {  	v59 =	vadd.s32 v5, v9;
	v13 =	vld.idx.msk [tilespmem:v13+s12+$0x0], $0xffff;
	[tilespmem:s29+$0xFFFFFFF0] =	vst v57  }
0x3b1: {  	v19 =	vadd.s32 v5, v10;
	v22 =	vld.idx.msk [tilespmem:v24+s12+$0x0], $0xffff;
	[tilespmem:s1+$0x30] =	vst v21  }
0x3b2: {  	v61 =	vadd.s32 v5, v8;
	v21 =	vld.idx.msk [tilespmem:v58+s12+$0x0], $0xffff  }
0x3b3: {  	v60 =	vadd.s32 v5, v11  }
0x3b4: {  	[tilespmem:s30+$0x40] =	vst v12  }
0x3b5: {  	[tilespmem:s19+$0x40] =	vst v13;
	v13 =	vld.idx.msk [tilespmem:v59+s12+$0x0], $0xffff  }
0x3b6: {  	v62 =	vadd.s32 v6, v9;
	v12 =	vld.idx.msk [tilespmem:v19+s12+$0x0], $0xffff;
	[tilespmem:s29+$0x0] =	vst v22  }
0x3b7: {  	v19 =	vadd.s32 v6, v10;
	v22 =	vld.idx.msk [tilespmem:v61+s12+$0x0], $0xffff;
	[tilespmem:s1+$0x40] =	vst v21  }
0x3b8: {  	[tilespmem:s24+$0x20] =	vst v18;
	v18 =	vadd.s32 v6, v8;
	v21 =	vld.idx.msk [tilespmem:v60+s12+$0x0], $0xffff  }
0x3b9: {  	v63 =	vadd.s32 v6, v11;
	[tilespmem:s28+$0x70] =	vst v17  }
0x3ba: {  	[tilespmem:s30+$0x50] =	vst v13  }
0x3bb: {  	[tilespmem:s19+$0x50] =	vst v12;
	v13 =	vld.idx.msk [tilespmem:v62+s12+$0x0], $0xffff  }
0x3bc: {  	v9 =	vadd.s32 v7, v9;
	v12 =	vld.idx.msk [tilespmem:v19+s12+$0x0], $0xffff;
	[tilespmem:s29+$0x10] =	vst v22  }
0x3bd: {  	v10 =	vadd.s32 v7, v10;
	v17 =	vld.idx.msk [tilespmem:v18+s12+$0x0], $0xffff;
	[tilespmem:s1+$0x50] =	vst v21  }
0x3be: {  	v8 =	vadd.s32 v7, v8;
	v19 =	vld.idx.msk [tilespmem:v63+s12+$0x0], $0xffff  }
0x3bf: {  	v11 =	vadd.s32 v7, v11;
	v14 =	vld.idx.msk [tilespmem:v14+s12+$0x0], $0xffff;
	[tilespmem:s25+$0x70] =	vst v15  }
0x3c0: {  	v15 =	vld.idx.msk [tilespmem:v16+s12+$0x0], $0xffff;
	[tilespmem:s30+$0x60] =	vst v13  }
0x3c1: {  	[tilespmem:s19+$0x60] =	vst v12;
	v9 =	vld.idx.msk [tilespmem:v9+s12+$0x0], $0xffff  }
0x3c2: {  	v10 =	vld.idx.msk [tilespmem:v10+s12+$0x0], $0xffff;
	[tilespmem:s29+$0x20] =	vst v17  }
0x3c3: {  	v8 =	vld.idx.msk [tilespmem:v8+s12+$0x0], $0xffff;
	[tilespmem:s1+$0x60] =	vst v19  }
0x3c4: {  	[tilespmem:s26+$0x70] =	vst v14;
	v11 =	vld.idx.msk [tilespmem:v11+s12+$0x0], $0xffff  }
0x3c5: {  	[tilespmem:s24+$0x30] =	vst v15  }
0x3c6: {  	[tilespmem:s30+$0x70] =	vst v9  }
0x3c7: {  	[tilespmem:s19+$0x70] =	vst v10  }
0x3c8: {  	[tilespmem:s29+$0x30] =	vst v8  }
0x3c9: {  	[tilespmem:s1+$0x70] =	vst v11  }
0x3ca: {  	v9 =	vld [tilespmem:s23+$0xA0]  }
0x3cb: {  	s6 =	simm.s32 $0xCDF0;
	v8 =	vld [tilespmem:s23+$0xB0]  }
0x3cc: {  	v10 =	vld [tilespmem:s6+$0xFFFFFFF0]  }
0x3cd: {  	v11 =	vld [tilespmem:s6+$0xFFFFFF30]  }
0x3ce: {  	v12 =	vld [tilespmem:s6+$0xFFFFFF50]  }
0x3cf: {  	v13 =	vld [tilespmem:s6+$0xFFFFFF70]  }
0x3d0: {  	v14 =	vld [tilespmem:s6+$0xFFFFFF90]  }
0x3d1: {  	v15 =	vld [tilespmem:s6+$0xFFFFFFB0];
	v10 =	vadd.f32 v10, v9  }
0x3d2: {  	s0 =	simm.s32 $0xFDA0;
	v16 =	vld [tilespmem:s6+$0xFFFFFFD0];
	v11 =	vadd.f32 v11, v9  }
0x3d3: {  	v17 =	vld [tilespmem:s6+$0xFFFFFF10];
	v12 =	vadd.f32 v12, v9;
	[tilespmem:s0+$0x78] =	vst v10  }
0x3d4: {  	[tilespmem:s0+$0xFFFFFF88] =	vst v11;
	v10 =	vadd.f32 v13, v9;
	v11 =	vld [tilespmem:s6+$0x0]  }
0x3d5: {  	[tilespmem:s0+$0xFFFFFFB0] =	vst v12;
	v13 =	vadd.f32 v14, v9;
	v18 =	vld [tilespmem:s6+$0xFFFFFF40]  }
0x3d6: {  	v19 =	vld [tilespmem:s6+$0xFFFFFF60];
	[tilespmem:s0+$0xFFFFFFD8] =	vst v10;
	v10 =	vadd.f32 v15, v9  }
0x3d7: {  	v14 =	vadd.f32 v16, v9;
	[tilespmem:s0+$0x0] =	vst v13;
	v12 =	vld [tilespmem:s6+$0xFFFFFF80]  }
0x3d8: {  	v15 =	vadd.f32 v17, v9;
	v13 =	vld [tilespmem:s6+$0xFFFFFFA0];
	[tilespmem:s0+$0x28] =	vst v10  }
0x3d9: {  	[tilespmem:s0+$0x50] =	vst v14;
	v10 =	vld [tilespmem:s6+$0xFFFFFFC0];
	v17 =	vadd.f32 v11, v8  }
0x3da: {  	[tilespmem:s0+$0xFFFFFF60] =	vst v15;
	v11 =	vld [tilespmem:s6+$0xFFFFFFE0];
	v16 =	vadd.f32 v18, v8  }
0x3db: {  	s24 =	simm.s32 $0x16170;
	s1 =	simm.s32 $0x0;
	v14 =	vld [tilespmem:s6+$0xFFFFFF20];
	v15 =	vadd.f32 v19, v8;
	s6 =	simm.s32 $0xCEF0;
	[tilespmem:s0+$0x88] =	vst v17  }
.LBB2_27:
0x3dc: {  	v17 =	vld [tilespmem:s6+$0xFFFFFFF0];
	s1 =	sadd.s32 $0x8, s1;
	[tilespmem:s0+$0xFFFFFF98] =	vst v16;
	v12 =	vadd.f32 v12, v8  }
0x3dd: {  	v16 =	vld [tilespmem:s6+$0xFFFFFF30];
	p0 =	slt.u32 s1, $0x78;
	[tilespmem:s0+$0xFFFFFFC0] =	vst v15;
	v13 =	vadd.f32 v13, v8  }
0x3de: {  	v15 =	vld [tilespmem:s6+$0xFFFFFF50];
	[tilespmem:s0+$0xFFFFFFE8] =	vst v12;
	v10 =	vadd.f32 v10, v8  }
0x3df: {  	v12 =	vld [tilespmem:s6+$0xFFFFFF70];
	[tilespmem:s0+$0x10] =	vst v13;
	v11 =	vadd.f32 v11, v8  }
0x3e0: {  	v13 =	vld [tilespmem:s6+$0xFFFFFF90];
	v14 =	vadd.f32 v14, v8;
	[tilespmem:s0+$0x38] =	vst v10  }
0x3e1: {  	v10 =	vld [tilespmem:s6+$0xFFFFFFB0];
	v17 =	vadd.f32 v17, v9;
	[tilespmem:s0+$0x60] =	vst v11  }
0x3e2: {  	v11 =	vadd.f32 v16, v9;
	v16 =	vld [tilespmem:s6+$0xFFFFFFD0];
	[tilespmem:s0+$0xFFFFFF70] =	vst v14;
	s0 =	sadd.s32 $0x140, s0  }
0x3e3: {  	v14 =	vld [tilespmem:s6+$0xFFFFFF10];
	v15 =	vadd.f32 v15, v9;
	[tilespmem:s0+$0x78] =	vst v17  }
0x3e4: {  	[tilespmem:s0+$0xFFFFFF88] =	vst v11;
	v11 =	vadd.f32 v12, v9;
	v17 =	vld [tilespmem:s6+$0x0]  }
0x3e5: {  	v18 =	vld [tilespmem:s6+$0xFFFFFF40];
	[tilespmem:s0+$0xFFFFFFB0] =	vst v15;
	v13 =	vadd.f32 v13, v9  }
0x3e6: {  	v15 =	vld [tilespmem:s6+$0xFFFFFF60];
	[tilespmem:s0+$0xFFFFFFD8] =	vst v11;
	v10 =	vadd.f32 v10, v9  }
.Ltmp13:
0x3e7: {  	v12 =	vld [tilespmem:s6+$0xFFFFFF80];
	[tilespmem:s0+$0x0] =	vst v13;
	v11 =	vadd.f32 v16, v9;
	(pc) =	sbr.rel @p0 .LBB2_27-.Ltmp13, $4  }
0x3e8: {  	v14 =	vadd.f32 v14, v9;
	v13 =	vld [tilespmem:s6+$0xFFFFFFA0];
	[tilespmem:s0+$0x28] =	vst v10  }
0x3e9: {  	v10 =	vld [tilespmem:s6+$0xFFFFFFC0];
	[tilespmem:s0+$0x50] =	vst v11;
	v17 =	vadd.f32 v17, v8  }
0x3ea: {  	[tilespmem:s0+$0xFFFFFF60] =	vst v14;
	v16 =	vadd.f32 v18, v8;
	v11 =	vld [tilespmem:s6+$0xFFFFFFE0]  }
0x3eb: {  	s25 =	simm.s32 $0x0;
	s19 =	simm.s32 $0x180;
	v14 =	vld [tilespmem:s6+$0xFFFFFF20];
	v15 =	vadd.f32 v15, v8;
	[tilespmem:s0+$0x88] =	vst v17;
	s6 =	sadd.s32 $0x100, s6  }
0x3ec: {  	s1 =	simm.s32 $0x1  }
0x3ed: {  	[tilespmem:s0+$0xFFFFFF98] =	vst v16;
	v9 =	vadd.f32 v12, v8;
	s9 =	simm.s32 $0x2;
	v12 =	vmov s1  }
0x3ee: {  	[tilespmem:s0+$0xFFFFFFC0] =	vst v15;
	v13 =	vadd.f32 v13, v8;
	v15 =	vmov s9;
	v12 =	vand.u32 $0x1D, v12  }
0x3ef: {  	[tilespmem:s0+$0xFFFFFFE8] =	vst v9;
	v9 =	vadd.f32 v10, v8;
	v15 =	vand.u32 $0x1E, v15;
	v10 =	vadd.s32 v0, v12  }
0x3f0: {  	[tilespmem:s0+$0x10] =	vst v13;
	v11 =	vadd.f32 v11, v8;
	v16 =	vadd.s32 v0, v15  }
0x3f1: {  	s20 =	simm.s32 $0x3;
	v8 =	vadd.f32 v14, v8;
	[tilespmem:s0+$0x38] =	vst v9;
	v9 =	vmov s25  }
0x3f2: {  	[tilespmem:s0+$0x60] =	vst v11;
	v13 =	vand.u32 $0x1C, v9;
	v9 =	vmov s20  }
0x3f3: {  	[tilespmem:s0+$0xFFFFFF70] =	vst v8;
	v8 =	vadd.s32 v0, v13;
	v14 =	vand.u32 $0x1F, v9  }
0x3f4: {  	v9 =	vadd.s32 v0, v14;
	v10 =	vld.idx.msk [tilespmem:v10+s12+$0x0], $0xffff  }
0x3f5: {  	s25 =	simm.s32 $0x0;
	v11 =	vld.idx.msk [tilespmem:v16+s12+$0x0], $0xffff;
	v16 =	vadd.s32 v1, v12  }
0x3f6: {  	s26 =	simm.s32 $0x80;
	v17 =	vadd.s32 v1, v15;
	s0 =	sand.u32 $0xC00, s25  }
0x3f7: {  	s6 =	simm.s32 $0x100;
	s1 =	sand.u32 $0x280, s26;
	s0 =	sor.u32 $0x15100, s0  }
0x3f8: {  	s31 =	sand.u32 $0x300, s6;
	s25 =	sor.u32 s1, s0;
	v8 =	vld.idx.msk [tilespmem:v8+s12+$0x0], $0xffff  }
0x3f9: {  	v18 =	vadd.s32 v1, v13;
	s28 =	sadd.s32 s31, s0;
	v9 =	vld.idx.msk [tilespmem:v9+s12+$0x0], $0xffff;
	[tilespmem:s25+$0x1000] =	vst v10  }
0x3fa: {  	[tilespmem:s28+$0x1000] =	vst v11;
	v11 =	vadd.s32 v1, v14;
	v10 =	vld.idx.msk [tilespmem:v16+s12+$0x0], $0xffff  }
0x3fb: {  	v16 =	vld.idx.msk [tilespmem:v17+s12+$0x0], $0xffff;
	v17 =	vadd.s32 v2, v12  }
0x3fc: {  	s6 =	sand.u32 $0x380, s19;
	v19 =	vadd.s32 v2, v15  }
0x3fd: {  	s26 =	sadd.s32 s6, s0;
	[tilespmem:s24+$0xFFFFFF90] =	vst v8  }
0x3fe: {  	v8 =	vld.idx.msk [tilespmem:v18+s12+$0x0], $0xffff;
	[tilespmem:s26+$0x1000] =	vst v9  }
0x3ff: {  	v9 =	vadd.s32 v2, v13;
	v11 =	vld.idx.msk [tilespmem:v11+s12+$0x0], $0xffff;
	[tilespmem:s25+$0x1010] =	vst v10  }
0x400: {  	[tilespmem:s28+$0x1010] =	vst v16;
	v16 =	vadd.s32 v2, v14;
	v10 =	vld.idx.msk [tilespmem:v17+s12+$0x0], $0xffff  }
0x401: {  	v18 =	vadd.s32 v3, v12;
	v17 =	vld.idx.msk [tilespmem:v19+s12+$0x0], $0xffff  }
0x402: {  	v19 =	vadd.s32 v3, v15  }
0x403: {  	[tilespmem:s24+$0xFFFFFFA0] =	vst v8  }
0x404: {  	v9 =	vld.idx.msk [tilespmem:v9+s12+$0x0], $0xffff;
	[tilespmem:s26+$0x1010] =	vst v11  }
0x405: {  	v11 =	vadd.s32 v3, v13;
	[tilespmem:s25+$0x1020] =	vst v10;
	v10 =	vld.idx.msk [tilespmem:v16+s12+$0x0], $0xffff  }
0x406: {  	s9 =	simm.s32 $0x4;
	[tilespmem:s28+$0x1020] =	vst v17;
	v17 =	vadd.s32 v3, v14;
	v16 =	vld.idx.msk [tilespmem:v18+s12+$0x0], $0xffff  }
0x407: {  	s19 =	simm.s32 $0x5;
	v8 =	vmov s9;
	v18 =	vadd.s32 v4, v12;
	v19 =	vld.idx.msk [tilespmem:v19+s12+$0x0], $0xffff  }
0x408: {  	v20 =	vmov s19;
	v21 =	vadd.s32 v4, v15;
	v8 =	vand.u32 $0x1C, v8  }
0x409: {  	s20 =	simm.s32 $0x6;
	v22 =	vadd.s32 v0, v8;
	[tilespmem:s24+$0xFFFFFFB0] =	vst v9;
	v9 =	vand.u32 $0x1D, v20  }
0x40a: {  	v20 =	vmov s20;
	v23 =	vld.idx.msk [tilespmem:v11+s12+$0x0], $0xffff;
	v24 =	vadd.s32 v0, v9;
	[tilespmem:s26+$0x1020] =	vst v10  }
0x40b: {  	v25 =	vadd.s32 v4, v13;
	s31 =	simm.s32 $0x7;
	v10 =	vand.u32 $0x1E, v20;
	[tilespmem:s25+$0x1030] =	vst v16;
	v16 =	vld.idx.msk [tilespmem:v17+s12+$0x0], $0xffff  }
0x40c: {  	v11 =	vmov s31;
	v17 =	vadd.s32 v0, v10;
	[tilespmem:s28+$0x1030] =	vst v19;
	v18 =	vld.idx.msk [tilespmem:v18+s12+$0x0], $0xffff  }
0x40d: {  	v20 =	vadd.s32 v4, v14;
	v11 =	vand.u32 $0x1F, v11;
	v19 =	vld.idx.msk [tilespmem:v21+s12+$0x0], $0xffff  }
0x40e: {  	v26 =	vadd.s32 v0, v11;
	v21 =	vld.idx.msk [tilespmem:v22+s12+$0x0], $0xffff  }
0x40f: {  	v22 =	vadd.s32 v5, v12;
	v24 =	vld.idx.msk [tilespmem:v24+s12+$0x0], $0xffff;
	[tilespmem:s24+$0xFFFFFFC0] =	vst v23  }
0x410: {  	v55 =	vadd.s32 v5, v15;
	v23 =	vld.idx.msk [tilespmem:v25+s12+$0x0], $0xffff  }
0x411: {  	s1 =	simm.s32 $0x200;
	v27 =	vadd.s32 v1, v8;
	v17 =	vld.idx.msk [tilespmem:v17+s12+$0x0], $0xffff;
	[tilespmem:s26+$0x1030] =	vst v16  }
0x412: {  	s29 =	simm.s32 $0x16370;
	s6 =	simm.s32 $0x280;
	s0 =	sand.u32 $0xC00, s1;
	v16 =	vadd.s32 v5, v13;
	[tilespmem:s25+$0x1040] =	vst v18;
	v18 =	vld.idx.msk [tilespmem:v20+s12+$0x0], $0xffff  }
0x413: {  	s1 =	sand.u32 $0x280, s6;
	s9 =	sor.u32 $0x15100, s0;
	v20 =	vadd.s32 v1, v9;
	[tilespmem:s29+$0xFFFFFF90] =	vst v21;
	v21 =	vld.idx.msk [tilespmem:v26+s12+$0x0], $0xffff  }
0x414: {  	s30 =	sor.u32 s1, s9;
	s20 =	simm.s32 $0x300;
	[tilespmem:s28+$0x1040] =	vst v19;
	v19 =	vadd.s32 v1, v10;
	v22 =	vld.idx.msk [tilespmem:v22+s12+$0x0], $0xffff  }
0x415: {  	v57 =	vadd.s32 v5, v14;
	s0 =	sand.u32 $0x300, s20;
	v56 =	vld.idx.msk [tilespmem:v55+s12+$0x0], $0xffff;
	[tilespmem:s30+$0x1000] =	vst v24  }
0x416: {  	s19 =	sadd.s32 s0, s9;
	s0 =	simm.s32 $0x380;
	v59 =	vadd.s32 v1, v11;
	v58 =	vld.idx.msk [tilespmem:v27+s12+$0x0], $0xffff;
	[tilespmem:s24+$0xFFFFFFD0] =	vst v23  }
0x417: {  	s31 =	sand.u32 $0x380, s0;
	v23 =	vadd.s32 v6, v12;
	[tilespmem:s19+$0x1000] =	vst v17;
	v16 =	vld.idx.msk [tilespmem:v16+s12+$0x0], $0xffff  }
0x418: {  	s1 =	sadd.s32 s31, s9;
	v17 =	vadd.s32 v6, v15;
	v20 =	vld.idx.msk [tilespmem:v20+s12+$0x0], $0xffff;
	[tilespmem:s26+$0x1040] =	vst v18  }
0x419: {  	v18 =	vadd.s32 v2, v8;
	v19 =	vld.idx.msk [tilespmem:v19+s12+$0x0], $0xffff;
	[tilespmem:s1+$0x1000] =	vst v21  }
0x41a: {  	v62 =	vadd.s32 v6, v13;
	[tilespmem:s25+$0x1050] =	vst v22;
	v21 =	vld.idx.msk [tilespmem:v57+s12+$0x0], $0xffff  }
0x41b: {  	v22 =	vadd.s32 v2, v9;
	[tilespmem:s28+$0x1050] =	vst v56;
	v27 =	vld.idx.msk [tilespmem:v59+s12+$0x0], $0xffff  }
0x41c: {  	v60 =	vadd.s32 v2, v10;
	[tilespmem:s29+$0xFFFFFFA0] =	vst v58;
	v23 =	vld.idx.msk [tilespmem:v23+s12+$0x0], $0xffff  }
0x41d: {  	v61 =	vadd.s32 v6, v14;
	v17 =	vld.idx.msk [tilespmem:v17+s12+$0x0], $0xffff;
	[tilespmem:s24+$0xFFFFFFE0] =	vst v16  }
0x41e: {  	v15 =	vadd.s32 v7, v15;
	v16 =	vld.idx.msk [tilespmem:v18+s12+$0x0], $0xffff;
	[tilespmem:s30+$0x1010] =	vst v20  }
0x41f: {  	v12 =	vadd.s32 v7, v12;
	[tilespmem:s19+$0x1010] =	vst v19;
	v18 =	vld.idx.msk [tilespmem:v62+s12+$0x0], $0xffff  }
0x420: {  	v19 =	vadd.s32 v2, v11;
	v20 =	vld.idx.msk [tilespmem:v22+s12+$0x0], $0xffff;
	[tilespmem:s26+$0x1050] =	vst v21  }
0x421: {  	v63 =	vadd.s32 v3, v9;
	v22 =	vld.idx.msk [tilespmem:v60+s12+$0x0], $0xffff;
	[tilespmem:s1+$0x1010] =	vst v27  }
0x422: {  	v28 =	vadd.s32 v3, v10;
	v24 =	vld.idx.msk [tilespmem:v61+s12+$0x0], $0xffff;
	[tilespmem:s28+$0x1060] =	vst v17  }
0x423: {  	[tilespmem:s25+$0x1060] =	vst v23;
	v17 =	vld.idx.msk [tilespmem:v15+s12+$0x0], $0xffff  }
0x424: {  	v14 =	vadd.s32 v7, v14;
	[tilespmem:s29+$0xFFFFFFB0] =	vst v16;
	v15 =	vld.idx.msk [tilespmem:v12+s12+$0x0], $0xffff  }
0x425: {  	v21 =	vld.idx.msk [tilespmem:v19+s12+$0x0], $0xffff;
	v16 =	vadd.s32 v7, v13;
	[tilespmem:s30+$0x1020] =	vst v20  }
0x426: {  	v23 =	vadd.s32 v3, v8;
	[tilespmem:s19+$0x1020] =	vst v22;
	v19 =	vld.idx.msk [tilespmem:v63+s12+$0x0], $0xffff  }
0x427: {  	s6 =	simm.s32 $0x8;
	v12 =	vadd.s32 v4, v9;
	v22 =	vadd.s32 v3, v11;
	v20 =	vld.idx.msk [tilespmem:v28+s12+$0x0], $0xffff;
	[tilespmem:s26+$0x1060] =	vst v24  }
.LBB2_29:
0x428: {  	s9 =	sadd.s32 $0x1, s6  }
0x429: {  	v13 =	vmov s6;
	p0 =	slt.u32 s6, $0x1C;
	v24 =	vadd.s32 v4, v8;
	[tilespmem:s24+$0xFFFFFFF0] =	vst v18;
	v14 =	vld.idx.msk [tilespmem:v14+s12+$0x0], $0xffff;
	s20 =	smov.u32 s6;
	s6 =	sadd.s32 $0x4, s6  }
0x42a: {  	v25 =	vadd.s32 v4, v10;
	v13 =	vand.u32 $0x1C, v13;
	v18 =	vmov s9;
	s9 =	sadd.s32 $0x2, s20;
	v16 =	vld.idx.msk [tilespmem:v16+s12+$0x0], $0xffff;
	[tilespmem:s28+$0x1070] =	vst v17;
	s28 =	smov.u32 s19  }
0x42b: {  	v17 =	vadd.s32 v0, v13;
	v18 =	vand.u32 $0x1D, v18;
	v26 =	vmov s9;
	s9 =	sadd.s32 $0x3, s20;
	v23 =	vld.idx.msk [tilespmem:v23+s12+$0x0], $0xffff;
	[tilespmem:s25+$0x1070] =	vst v15;
	s25 =	smov.u32 s30  }
0x42c: {  	v15 =	vadd.s32 v0, v18;
	v26 =	vand.u32 $0x1E, v26;
	v27 =	vmov s9;
	[tilespmem:s1+$0x1020] =	vst v21  }
0x42d: {  	v21 =	vadd.s32 v4, v18;
	v28 =	vadd.s32 v0, v26;
	v27 =	vand.u32 $0x1F, v27;
	[tilespmem:s25+$0x1030] =	vst v19;
	v19 =	vld.idx.msk [tilespmem:v22+s12+$0x0], $0xffff  }
0x42e: {  	v22 =	vadd.s32 v0, v27;
	v29 =	vld.idx.msk [tilespmem:v12+s12+$0x0], $0xffff;
	[tilespmem:s28+$0x1030] =	vst v20;
	v12 =	vmov v21  }
0x42f: {  	v21 =	vadd.s32 v4, v11;
	v20 =	vld.idx.msk [tilespmem:v25+s12+$0x0], $0xffff;
	[tilespmem:s26+$0x1070] =	vst v14;
	s26 =	smov.u32 s1  }
0x430: {  	v14 =	vld.idx.msk [tilespmem:v17+s12+$0x0], $0xffff;
	v17 =	vadd.s32 v5, v9;
	[tilespmem:s24+$0x0] =	vst v16;
	s24 =	smov.u32 s29  }
0x431: {  	v15 =	vld.idx.msk [tilespmem:v15+s12+$0x0], $0xffff;
	[tilespmem:s29+$0xFFFFFFC0] =	vst v23  }
0x432: {  	s0 =	sadd.s32 $0x200, s0;
	v23 =	vadd.s32 v5, v10;
	v16 =	vld.idx.msk [tilespmem:v24+s12+$0x0], $0xffff  }
0x433: {  	s1 =	sadd.s32 $0xFFFFFE80, s0;
	v24 =	vadd.s32 v1, v13;
	v25 =	vld.idx.msk [tilespmem:v28+s12+$0x0], $0xffff;
	[tilespmem:s26+$0x1030] =	vst v19  }
0x434: {  	s9 =	sadd.s32 $0xFFFFFF00, s0;
	s1 =	sand.u32 $0xC00, s1;
	v19 =	vadd.s32 v5, v8;
	[tilespmem:s25+$0x1040] =	vst v29;
	v21 =	vld.idx.msk [tilespmem:v21+s12+$0x0], $0xffff  }
0x435: {  	s9 =	sand.u32 $0x280, s9;
	s1 =	sor.u32 $0x15100, s1;
	s29 =	sadd.s32 $0x200, s29;
	v28 =	vadd.s32 v1, v18;
	v17 =	vld.idx.msk [tilespmem:v17+s12+$0x0], $0xffff;
	[tilespmem:s28+$0x1040] =	vst v20  }
0x436: {  	s30 =	sor.u32 s9, s1;
	s9 =	sadd.s32 $0xFFFFFF80, s0;
	[tilespmem:s29+$0xFFFFFF90] =	vst v14;
	v14 =	vadd.s32 v1, v26;
	v20 =	vld.idx.msk [tilespmem:v22+s12+$0x0], $0xffff  }
0x437: {  	s9 =	sand.u32 $0x300, s9;
	v22 =	vadd.s32 v5, v11;
	[tilespmem:s30+$0x1000] =	vst v15;
	v15 =	vld.idx.msk [tilespmem:v23+s12+$0x0], $0xffff  }
0x438: {  	s19 =	sadd.s32 s9, s1;
	v23 =	vld.idx.msk [tilespmem:v24+s12+$0x0], $0xffff;
	[tilespmem:s24+$0xFFFFFFD0] =	vst v16;
	v16 =	vadd.s32 v6, v9  }
0x439: {  	v24 =	vadd.s32 v6, v10;
	[tilespmem:s19+$0x1000] =	vst v25;
	v19 =	vld.idx.msk [tilespmem:v19+s12+$0x0], $0xffff  }
0x43a: {  	s9 =	sand.u32 $0x380, s0;
	v25 =	vld.idx.msk [tilespmem:v28+s12+$0x0], $0xffff;
	v28 =	vadd.s32 v1, v27;
	[tilespmem:s26+$0x1040] =	vst v21  }
0x43b: {  	s1 =	sadd.s32 s9, s1;
	v21 =	vadd.s32 v2, v13;
	v14 =	vld.idx.msk [tilespmem:v14+s12+$0x0], $0xffff;
	[tilespmem:s25+$0x1050] =	vst v17  }
0x43c: {  	v17 =	vadd.s32 v2, v18;
	[tilespmem:s1+$0x1000] =	vst v20;
	v20 =	vld.idx.msk [tilespmem:v22+s12+$0x0], $0xffff  }
0x43d: {  	v22 =	vadd.s32 v2, v26;
	v16 =	vld.idx.msk [tilespmem:v16+s12+$0x0], $0xffff;
	[tilespmem:s28+$0x1050] =	vst v15  }
0x43e: {  	v15 =	vadd.s32 v6, v8;
	[tilespmem:s29+$0xFFFFFFA0] =	vst v23;
	v23 =	vld.idx.msk [tilespmem:v24+s12+$0x0], $0xffff;
	v24 =	vadd.s32 v6, v11  }
0x43f: {  	v28 =	vld.idx.msk [tilespmem:v28+s12+$0x0], $0xffff;
	[tilespmem:s24+$0xFFFFFFE0] =	vst v19  }
0x440: {  	v19 =	vld.idx.msk [tilespmem:v21+s12+$0x0], $0xffff;
	[tilespmem:s30+$0x1010] =	vst v25;
	v21 =	vadd.s32 v7, v10;
	v10 =	vmov v26  }
0x441: {  	v26 =	vadd.s32 v7, v9;
	v9 =	vmov v18;
	v25 =	vld.idx.msk [tilespmem:v17+s12+$0x0], $0xffff;
	[tilespmem:s19+$0x1010] =	vst v14  }
0x442: {  	v29 =	vadd.s32 v2, v27;
	v22 =	vld.idx.msk [tilespmem:v22+s12+$0x0], $0xffff;
	[tilespmem:s26+$0x1050] =	vst v20  }
0x443: {  	v20 =	vadd.s32 v3, v9;
	[tilespmem:s25+$0x1060] =	vst v16;
	v24 =	vld.idx.msk [tilespmem:v24+s12+$0x0], $0xffff  }
0x444: {  	v30 =	vadd.s32 v3, v10;
	v18 =	vld.idx.msk [tilespmem:v15+s12+$0x0], $0xffff;
	[tilespmem:s28+$0x1060] =	vst v23  }
.Ltmp14:
0x445: {  	v14 =	vadd.s32 v7, v11;
	v16 =	vadd.s32 v7, v8;
	v8 =	vmov v13;
	[tilespmem:s1+$0x1010] =	vst v28;
	v17 =	vld.idx.msk [tilespmem:v21+s12+$0x0], $0xffff;
	(pc) =	sbr.rel @p0 .LBB2_29-.Ltmp14, $4  }
0x446: {  	v11 =	vmov v27;
	[tilespmem:s29+$0xFFFFFFB0] =	vst v19;
	v15 =	vld.idx.msk [tilespmem:v26+s12+$0x0], $0xffff  }
0x447: {  	v23 =	vadd.s32 v3, v8;
	[tilespmem:s30+$0x1020] =	vst v25;
	v21 =	vld.idx.msk [tilespmem:v29+s12+$0x0], $0xffff  }
0x448: {  	v19 =	vld.idx.msk [tilespmem:v20+s12+$0x0], $0xffff;
	[tilespmem:s19+$0x1020] =	vst v22  }
0x449: {  	v22 =	vadd.s32 v3, v11;
	v20 =	vld.idx.msk [tilespmem:v30+s12+$0x0], $0xffff;
	[tilespmem:s26+$0x1060] =	vst v24  }
0x44a: {  	_ =	sdelay $0x3  }
0x44b: {  	v13 =	vadd.s32 v4, v10;
	v57 =	vld.idx.msk [tilespmem:v23+s12+$0x0], $0xffff;
	[tilespmem:s1+$0x1020] =	vst v21  }
0x44c: {  	v24 =	vadd.s32 v4, v8;
	v21 =	vld.idx.msk [tilespmem:v22+s12+$0x0], $0xffff  }
0x44d: {  	v58 =	vadd.s32 v4, v11  }
0x44e: {  	[tilespmem:s30+$0x1030] =	vst v19  }
0x44f: {  	[tilespmem:s19+$0x1030] =	vst v20;
	v12 =	vld.idx.msk [tilespmem:v12+s12+$0x0], $0xffff  }
0x450: {  	v59 =	vadd.s32 v5, v9;
	v13 =	vld.idx.msk [tilespmem:v13+s12+$0x0], $0xffff;
	[tilespmem:s29+$0xFFFFFFC0] =	vst v57  }
0x451: {  	v19 =	vadd.s32 v5, v10;
	v22 =	vld.idx.msk [tilespmem:v24+s12+$0x0], $0xffff;
	[tilespmem:s1+$0x1030] =	vst v21  }
0x452: {  	v61 =	vadd.s32 v5, v8;
	v21 =	vld.idx.msk [tilespmem:v58+s12+$0x0], $0xffff  }
0x453: {  	v60 =	vadd.s32 v5, v11  }
0x454: {  	[tilespmem:s30+$0x1040] =	vst v12  }
0x455: {  	[tilespmem:s19+$0x1040] =	vst v13;
	v13 =	vld.idx.msk [tilespmem:v59+s12+$0x0], $0xffff  }
0x456: {  	v62 =	vadd.s32 v6, v9;
	v12 =	vld.idx.msk [tilespmem:v19+s12+$0x0], $0xffff;
	[tilespmem:s29+$0xFFFFFFD0] =	vst v22  }
0x457: {  	v19 =	vadd.s32 v6, v10;
	v22 =	vld.idx.msk [tilespmem:v61+s12+$0x0], $0xffff;
	[tilespmem:s1+$0x1040] =	vst v21  }
0x458: {  	[tilespmem:s24+$0xFFFFFFF0] =	vst v18;
	v18 =	vadd.s32 v6, v8;
	v21 =	vld.idx.msk [tilespmem:v60+s12+$0x0], $0xffff  }
0x459: {  	v63 =	vadd.s32 v6, v11;
	[tilespmem:s28+$0x1070] =	vst v17  }
0x45a: {  	[tilespmem:s30+$0x1050] =	vst v13  }
0x45b: {  	[tilespmem:s19+$0x1050] =	vst v12;
	v13 =	vld.idx.msk [tilespmem:v62+s12+$0x0], $0xffff  }
0x45c: {  	v9 =	vadd.s32 v7, v9;
	v12 =	vld.idx.msk [tilespmem:v19+s12+$0x0], $0xffff;
	[tilespmem:s29+$0xFFFFFFE0] =	vst v22  }
0x45d: {  	v10 =	vadd.s32 v7, v10;
	v17 =	vld.idx.msk [tilespmem:v18+s12+$0x0], $0xffff;
	[tilespmem:s1+$0x1050] =	vst v21  }
0x45e: {  	v8 =	vadd.s32 v7, v8;
	v19 =	vld.idx.msk [tilespmem:v63+s12+$0x0], $0xffff  }
0x45f: {  	v11 =	vadd.s32 v7, v11;
	v14 =	vld.idx.msk [tilespmem:v14+s12+$0x0], $0xffff;
	[tilespmem:s25+$0x1070] =	vst v15  }
0x460: {  	v15 =	vld.idx.msk [tilespmem:v16+s12+$0x0], $0xffff;
	[tilespmem:s30+$0x1060] =	vst v13  }
0x461: {  	[tilespmem:s19+$0x1060] =	vst v12;
	v9 =	vld.idx.msk [tilespmem:v9+s12+$0x0], $0xffff  }
0x462: {  	v10 =	vld.idx.msk [tilespmem:v10+s12+$0x0], $0xffff;
	[tilespmem:s29+$0xFFFFFFF0] =	vst v17  }
0x463: {  	v8 =	vld.idx.msk [tilespmem:v8+s12+$0x0], $0xffff;
	[tilespmem:s1+$0x1060] =	vst v19  }
0x464: {  	[tilespmem:s26+$0x1070] =	vst v14;
	v11 =	vld.idx.msk [tilespmem:v11+s12+$0x0], $0xffff  }
0x465: {  	[tilespmem:s24+$0x0] =	vst v15  }
0x466: {  	[tilespmem:s30+$0x1070] =	vst v9  }
0x467: {  	[tilespmem:s19+$0x1070] =	vst v10  }
0x468: {  	[tilespmem:s29+$0x0] =	vst v8  }
0x469: {  	[tilespmem:s1+$0x1070] =	vst v11  }
0x46a: {  	v9 =	vld [tilespmem:s23+$0xC0]  }
0x46b: {  	s6 =	simm.s32 $0xDDF0;
	v8 =	vld [tilespmem:s23+$0xD0]  }
0x46c: {  	v10 =	vld [tilespmem:s6+$0xFFFFFFF0]  }
0x46d: {  	v11 =	vld [tilespmem:s6+$0xFFFFFF30]  }
0x46e: {  	v12 =	vld [tilespmem:s6+$0xFFFFFF50]  }
0x46f: {  	v13 =	vld [tilespmem:s6+$0xFFFFFF70]  }
0x470: {  	v14 =	vld [tilespmem:s6+$0xFFFFFF90]  }
0x471: {  	v15 =	vld [tilespmem:s6+$0xFFFFFFB0];
	v10 =	vadd.f32 v10, v9  }
0x472: {  	s0 =	simm.s32 $0xFDA0;
	v16 =	vld [tilespmem:s6+$0xFFFFFFD0];
	v11 =	vadd.f32 v11, v9  }
0x473: {  	v17 =	vld [tilespmem:s6+$0xFFFFFF10];
	v12 =	vadd.f32 v12, v9;
	[tilespmem:s0+$0x78] =	vst v10  }
0x474: {  	[tilespmem:s0+$0xFFFFFF88] =	vst v11;
	v10 =	vadd.f32 v13, v9;
	v11 =	vld [tilespmem:s6+$0x0]  }
0x475: {  	[tilespmem:s0+$0xFFFFFFB0] =	vst v12;
	v13 =	vadd.f32 v14, v9;
	v18 =	vld [tilespmem:s6+$0xFFFFFF40]  }
0x476: {  	v19 =	vld [tilespmem:s6+$0xFFFFFF60];
	[tilespmem:s0+$0xFFFFFFD8] =	vst v10;
	v10 =	vadd.f32 v15, v9  }
0x477: {  	v14 =	vadd.f32 v16, v9;
	[tilespmem:s0+$0x0] =	vst v13;
	v12 =	vld [tilespmem:s6+$0xFFFFFF80]  }
0x478: {  	v15 =	vadd.f32 v17, v9;
	v13 =	vld [tilespmem:s6+$0xFFFFFFA0];
	[tilespmem:s0+$0x28] =	vst v10  }
0x479: {  	[tilespmem:s0+$0x50] =	vst v14;
	v10 =	vld [tilespmem:s6+$0xFFFFFFC0];
	v17 =	vadd.f32 v11, v8  }
0x47a: {  	[tilespmem:s0+$0xFFFFFF60] =	vst v15;
	v11 =	vld [tilespmem:s6+$0xFFFFFFE0];
	v16 =	vadd.f32 v18, v8  }
0x47b: {  	s24 =	simm.s32 $0x17170;
	s1 =	simm.s32 $0x0;
	v14 =	vld [tilespmem:s6+$0xFFFFFF20];
	v15 =	vadd.f32 v19, v8;
	s6 =	simm.s32 $0xDEF0;
	[tilespmem:s0+$0x88] =	vst v17  }
.LBB2_31:
0x47c: {  	v17 =	vld [tilespmem:s6+$0xFFFFFFF0];
	s1 =	sadd.s32 $0x8, s1;
	[tilespmem:s0+$0xFFFFFF98] =	vst v16;
	v12 =	vadd.f32 v12, v8  }
0x47d: {  	v16 =	vld [tilespmem:s6+$0xFFFFFF30];
	p0 =	slt.u32 s1, $0x78;
	[tilespmem:s0+$0xFFFFFFC0] =	vst v15;
	v13 =	vadd.f32 v13, v8  }
0x47e: {  	v15 =	vld [tilespmem:s6+$0xFFFFFF50];
	[tilespmem:s0+$0xFFFFFFE8] =	vst v12;
	v10 =	vadd.f32 v10, v8  }
0x47f: {  	v12 =	vld [tilespmem:s6+$0xFFFFFF70];
	[tilespmem:s0+$0x10] =	vst v13;
	v11 =	vadd.f32 v11, v8  }
0x480: {  	v13 =	vld [tilespmem:s6+$0xFFFFFF90];
	v14 =	vadd.f32 v14, v8;
	[tilespmem:s0+$0x38] =	vst v10  }
0x481: {  	v10 =	vld [tilespmem:s6+$0xFFFFFFB0];
	v17 =	vadd.f32 v17, v9;
	[tilespmem:s0+$0x60] =	vst v11  }
0x482: {  	v11 =	vadd.f32 v16, v9;
	v16 =	vld [tilespmem:s6+$0xFFFFFFD0];
	[tilespmem:s0+$0xFFFFFF70] =	vst v14;
	s0 =	sadd.s32 $0x140, s0  }
0x483: {  	v14 =	vld [tilespmem:s6+$0xFFFFFF10];
	v15 =	vadd.f32 v15, v9;
	[tilespmem:s0+$0x78] =	vst v17  }
0x484: {  	[tilespmem:s0+$0xFFFFFF88] =	vst v11;
	v11 =	vadd.f32 v12, v9;
	v17 =	vld [tilespmem:s6+$0x0]  }
0x485: {  	v18 =	vld [tilespmem:s6+$0xFFFFFF40];
	[tilespmem:s0+$0xFFFFFFB0] =	vst v15;
	v13 =	vadd.f32 v13, v9  }
0x486: {  	v15 =	vld [tilespmem:s6+$0xFFFFFF60];
	[tilespmem:s0+$0xFFFFFFD8] =	vst v11;
	v10 =	vadd.f32 v10, v9  }
.Ltmp15:
0x487: {  	v12 =	vld [tilespmem:s6+$0xFFFFFF80];
	[tilespmem:s0+$0x0] =	vst v13;
	v11 =	vadd.f32 v16, v9;
	(pc) =	sbr.rel @p0 .LBB2_31-.Ltmp15, $4  }
0x488: {  	v14 =	vadd.f32 v14, v9;
	v13 =	vld [tilespmem:s6+$0xFFFFFFA0];
	[tilespmem:s0+$0x28] =	vst v10  }
0x489: {  	v10 =	vld [tilespmem:s6+$0xFFFFFFC0];
	[tilespmem:s0+$0x50] =	vst v11;
	v17 =	vadd.f32 v17, v8  }
0x48a: {  	[tilespmem:s0+$0xFFFFFF60] =	vst v14;
	v16 =	vadd.f32 v18, v8;
	v11 =	vld [tilespmem:s6+$0xFFFFFFE0]  }
0x48b: {  	s25 =	simm.s32 $0x0;
	s19 =	simm.s32 $0x180;
	v14 =	vld [tilespmem:s6+$0xFFFFFF20];
	v15 =	vadd.f32 v15, v8;
	[tilespmem:s0+$0x88] =	vst v17;
	s6 =	sadd.s32 $0x100, s6  }
0x48c: {  	s1 =	simm.s32 $0x1  }
0x48d: {  	[tilespmem:s0+$0xFFFFFF98] =	vst v16;
	v9 =	vadd.f32 v12, v8;
	s9 =	simm.s32 $0x2;
	v12 =	vmov s1  }
0x48e: {  	[tilespmem:s0+$0xFFFFFFC0] =	vst v15;
	v13 =	vadd.f32 v13, v8;
	v15 =	vmov s9;
	v12 =	vand.u32 $0x1D, v12  }
0x48f: {  	[tilespmem:s0+$0xFFFFFFE8] =	vst v9;
	v9 =	vadd.f32 v10, v8;
	v15 =	vand.u32 $0x1E, v15;
	v10 =	vadd.s32 v0, v12  }
0x490: {  	[tilespmem:s0+$0x10] =	vst v13;
	v11 =	vadd.f32 v11, v8;
	v16 =	vadd.s32 v0, v15  }
0x491: {  	s20 =	simm.s32 $0x3;
	v8 =	vadd.f32 v14, v8;
	[tilespmem:s0+$0x38] =	vst v9;
	v9 =	vmov s25  }
0x492: {  	[tilespmem:s0+$0x60] =	vst v11;
	v13 =	vand.u32 $0x1C, v9;
	v9 =	vmov s20  }
0x493: {  	[tilespmem:s0+$0xFFFFFF70] =	vst v8;
	v8 =	vadd.s32 v0, v13;
	v14 =	vand.u32 $0x1F, v9  }
0x494: {  	v9 =	vadd.s32 v0, v14;
	v10 =	vld.idx.msk [tilespmem:v10+s12+$0x0], $0xffff  }
0x495: {  	s25 =	simm.s32 $0x0;
	v11 =	vld.idx.msk [tilespmem:v16+s12+$0x0], $0xffff;
	v16 =	vadd.s32 v1, v12  }
0x496: {  	s26 =	simm.s32 $0x80;
	v17 =	vadd.s32 v1, v15;
	s0 =	sand.u32 $0xC00, s25  }
0x497: {  	s6 =	simm.s32 $0x100;
	s1 =	sand.u32 $0x280, s26;
	s0 =	sor.u32 $0x15100, s0  }
0x498: {  	s31 =	sand.u32 $0x300, s6;
	s25 =	sor.u32 s1, s0;
	v8 =	vld.idx.msk [tilespmem:v8+s12+$0x0], $0xffff  }
0x499: {  	v18 =	vadd.s32 v1, v13;
	s28 =	sadd.s32 s31, s0;
	v9 =	vld.idx.msk [tilespmem:v9+s12+$0x0], $0xffff;
	[tilespmem:s25+$0x2000] =	vst v10  }
0x49a: {  	[tilespmem:s28+$0x2000] =	vst v11;
	v11 =	vadd.s32 v1, v14;
	v10 =	vld.idx.msk [tilespmem:v16+s12+$0x0], $0xffff  }
0x49b: {  	v16 =	vld.idx.msk [tilespmem:v17+s12+$0x0], $0xffff;
	v17 =	vadd.s32 v2, v12  }
0x49c: {  	s6 =	sand.u32 $0x380, s19;
	v19 =	vadd.s32 v2, v15  }
0x49d: {  	s26 =	sadd.s32 s6, s0;
	[tilespmem:s24+$0xFFFFFF90] =	vst v8  }
0x49e: {  	v8 =	vld.idx.msk [tilespmem:v18+s12+$0x0], $0xffff;
	[tilespmem:s26+$0x2000] =	vst v9  }
0x49f: {  	v9 =	vadd.s32 v2, v13;
	v11 =	vld.idx.msk [tilespmem:v11+s12+$0x0], $0xffff;
	[tilespmem:s25+$0x2010] =	vst v10  }
0x4a0: {  	[tilespmem:s28+$0x2010] =	vst v16;
	v16 =	vadd.s32 v2, v14;
	v10 =	vld.idx.msk [tilespmem:v17+s12+$0x0], $0xffff  }
0x4a1: {  	v18 =	vadd.s32 v3, v12;
	v17 =	vld.idx.msk [tilespmem:v19+s12+$0x0], $0xffff  }
0x4a2: {  	v19 =	vadd.s32 v3, v15  }
0x4a3: {  	[tilespmem:s24+$0xFFFFFFA0] =	vst v8  }
0x4a4: {  	v9 =	vld.idx.msk [tilespmem:v9+s12+$0x0], $0xffff;
	[tilespmem:s26+$0x2010] =	vst v11  }
0x4a5: {  	v11 =	vadd.s32 v3, v13;
	[tilespmem:s25+$0x2020] =	vst v10;
	v10 =	vld.idx.msk [tilespmem:v16+s12+$0x0], $0xffff  }
0x4a6: {  	s9 =	simm.s32 $0x4;
	[tilespmem:s28+$0x2020] =	vst v17;
	v17 =	vadd.s32 v3, v14;
	v16 =	vld.idx.msk [tilespmem:v18+s12+$0x0], $0xffff  }
0x4a7: {  	s19 =	simm.s32 $0x5;
	v8 =	vmov s9;
	v18 =	vadd.s32 v4, v12;
	v19 =	vld.idx.msk [tilespmem:v19+s12+$0x0], $0xffff  }
0x4a8: {  	v20 =	vmov s19;
	v21 =	vadd.s32 v4, v15;
	v8 =	vand.u32 $0x1C, v8  }
0x4a9: {  	s20 =	simm.s32 $0x6;
	v22 =	vadd.s32 v0, v8;
	[tilespmem:s24+$0xFFFFFFB0] =	vst v9;
	v9 =	vand.u32 $0x1D, v20  }
0x4aa: {  	v20 =	vmov s20;
	v23 =	vld.idx.msk [tilespmem:v11+s12+$0x0], $0xffff;
	v24 =	vadd.s32 v0, v9;
	[tilespmem:s26+$0x2020] =	vst v10  }
0x4ab: {  	v25 =	vadd.s32 v4, v13;
	s31 =	simm.s32 $0x7;
	v10 =	vand.u32 $0x1E, v20;
	[tilespmem:s25+$0x2030] =	vst v16;
	v16 =	vld.idx.msk [tilespmem:v17+s12+$0x0], $0xffff  }
0x4ac: {  	v11 =	vmov s31;
	v17 =	vadd.s32 v0, v10;
	[tilespmem:s28+$0x2030] =	vst v19;
	v18 =	vld.idx.msk [tilespmem:v18+s12+$0x0], $0xffff  }
0x4ad: {  	v20 =	vadd.s32 v4, v14;
	v11 =	vand.u32 $0x1F, v11;
	v19 =	vld.idx.msk [tilespmem:v21+s12+$0x0], $0xffff  }
0x4ae: {  	v26 =	vadd.s32 v0, v11;
	v21 =	vld.idx.msk [tilespmem:v22+s12+$0x0], $0xffff  }
0x4af: {  	v22 =	vadd.s32 v5, v12;
	v24 =	vld.idx.msk [tilespmem:v24+s12+$0x0], $0xffff;
	[tilespmem:s24+$0xFFFFFFC0] =	vst v23  }
0x4b0: {  	v55 =	vadd.s32 v5, v15;
	v23 =	vld.idx.msk [tilespmem:v25+s12+$0x0], $0xffff  }
0x4b1: {  	s1 =	simm.s32 $0x200;
	v27 =	vadd.s32 v1, v8;
	v17 =	vld.idx.msk [tilespmem:v17+s12+$0x0], $0xffff;
	[tilespmem:s26+$0x2030] =	vst v16  }
0x4b2: {  	s29 =	simm.s32 $0x17370;
	s6 =	simm.s32 $0x280;
	s0 =	sand.u32 $0xC00, s1;
	v16 =	vadd.s32 v5, v13;
	[tilespmem:s25+$0x2040] =	vst v18;
	v18 =	vld.idx.msk [tilespmem:v20+s12+$0x0], $0xffff  }
0x4b3: {  	s1 =	sand.u32 $0x280, s6;
	s9 =	sor.u32 $0x15100, s0;
	v20 =	vadd.s32 v1, v9;
	[tilespmem:s29+$0xFFFFFF90] =	vst v21;
	v21 =	vld.idx.msk [tilespmem:v26+s12+$0x0], $0xffff  }
0x4b4: {  	s30 =	sor.u32 s1, s9;
	s20 =	simm.s32 $0x300;
	[tilespmem:s28+$0x2040] =	vst v19;
	v19 =	vadd.s32 v1, v10;
	v22 =	vld.idx.msk [tilespmem:v22+s12+$0x0], $0xffff  }
0x4b5: {  	v57 =	vadd.s32 v5, v14;
	s0 =	sand.u32 $0x300, s20;
	v56 =	vld.idx.msk [tilespmem:v55+s12+$0x0], $0xffff;
	[tilespmem:s30+$0x2000] =	vst v24  }
0x4b6: {  	s19 =	sadd.s32 s0, s9;
	s0 =	simm.s32 $0x380;
	v59 =	vadd.s32 v1, v11;
	v58 =	vld.idx.msk [tilespmem:v27+s12+$0x0], $0xffff;
	[tilespmem:s24+$0xFFFFFFD0] =	vst v23  }
0x4b7: {  	s31 =	sand.u32 $0x380, s0;
	v23 =	vadd.s32 v6, v12;
	[tilespmem:s19+$0x2000] =	vst v17;
	v16 =	vld.idx.msk [tilespmem:v16+s12+$0x0], $0xffff  }
0x4b8: {  	s1 =	sadd.s32 s31, s9;
	v17 =	vadd.s32 v6, v15;
	v20 =	vld.idx.msk [tilespmem:v20+s12+$0x0], $0xffff;
	[tilespmem:s26+$0x2040] =	vst v18  }
0x4b9: {  	v18 =	vadd.s32 v2, v8;
	v19 =	vld.idx.msk [tilespmem:v19+s12+$0x0], $0xffff;
	[tilespmem:s1+$0x2000] =	vst v21  }
0x4ba: {  	v62 =	vadd.s32 v6, v13;
	[tilespmem:s25+$0x2050] =	vst v22;
	v21 =	vld.idx.msk [tilespmem:v57+s12+$0x0], $0xffff  }
0x4bb: {  	v22 =	vadd.s32 v2, v9;
	[tilespmem:s28+$0x2050] =	vst v56;
	v27 =	vld.idx.msk [tilespmem:v59+s12+$0x0], $0xffff  }
0x4bc: {  	v60 =	vadd.s32 v2, v10;
	[tilespmem:s29+$0xFFFFFFA0] =	vst v58;
	v23 =	vld.idx.msk [tilespmem:v23+s12+$0x0], $0xffff  }
0x4bd: {  	v61 =	vadd.s32 v6, v14;
	v17 =	vld.idx.msk [tilespmem:v17+s12+$0x0], $0xffff;
	[tilespmem:s24+$0xFFFFFFE0] =	vst v16  }
0x4be: {  	v15 =	vadd.s32 v7, v15;
	v16 =	vld.idx.msk [tilespmem:v18+s12+$0x0], $0xffff;
	[tilespmem:s30+$0x2010] =	vst v20  }
0x4bf: {  	v12 =	vadd.s32 v7, v12;
	[tilespmem:s19+$0x2010] =	vst v19;
	v18 =	vld.idx.msk [tilespmem:v62+s12+$0x0], $0xffff  }
0x4c0: {  	v19 =	vadd.s32 v2, v11;
	v20 =	vld.idx.msk [tilespmem:v22+s12+$0x0], $0xffff;
	[tilespmem:s26+$0x2050] =	vst v21  }
0x4c1: {  	v63 =	vadd.s32 v3, v9;
	v22 =	vld.idx.msk [tilespmem:v60+s12+$0x0], $0xffff;
	[tilespmem:s1+$0x2010] =	vst v27  }
0x4c2: {  	v28 =	vadd.s32 v3, v10;
	v24 =	vld.idx.msk [tilespmem:v61+s12+$0x0], $0xffff;
	[tilespmem:s28+$0x2060] =	vst v17  }
0x4c3: {  	[tilespmem:s25+$0x2060] =	vst v23;
	v17 =	vld.idx.msk [tilespmem:v15+s12+$0x0], $0xffff  }
0x4c4: {  	v14 =	vadd.s32 v7, v14;
	[tilespmem:s29+$0xFFFFFFB0] =	vst v16;
	v15 =	vld.idx.msk [tilespmem:v12+s12+$0x0], $0xffff  }
0x4c5: {  	v21 =	vld.idx.msk [tilespmem:v19+s12+$0x0], $0xffff;
	v16 =	vadd.s32 v7, v13;
	[tilespmem:s30+$0x2020] =	vst v20  }
0x4c6: {  	v23 =	vadd.s32 v3, v8;
	[tilespmem:s19+$0x2020] =	vst v22;
	v19 =	vld.idx.msk [tilespmem:v63+s12+$0x0], $0xffff  }
0x4c7: {  	s6 =	simm.s32 $0x8;
	v12 =	vadd.s32 v4, v9;
	v22 =	vadd.s32 v3, v11;
	v20 =	vld.idx.msk [tilespmem:v28+s12+$0x0], $0xffff;
	[tilespmem:s26+$0x2060] =	vst v24  }
.LBB2_33:
0x4c8: {  	s9 =	sadd.s32 $0x1, s6  }
0x4c9: {  	v13 =	vmov s6;
	p0 =	slt.u32 s6, $0x1C;
	v24 =	vadd.s32 v4, v8;
	[tilespmem:s24+$0xFFFFFFF0] =	vst v18;
	v14 =	vld.idx.msk [tilespmem:v14+s12+$0x0], $0xffff;
	s20 =	smov.u32 s6;
	s6 =	sadd.s32 $0x4, s6  }
0x4ca: {  	v25 =	vadd.s32 v4, v10;
	v13 =	vand.u32 $0x1C, v13;
	v18 =	vmov s9;
	s9 =	sadd.s32 $0x2, s20;
	v16 =	vld.idx.msk [tilespmem:v16+s12+$0x0], $0xffff;
	[tilespmem:s28+$0x2070] =	vst v17;
	s28 =	smov.u32 s19  }
0x4cb: {  	v17 =	vadd.s32 v0, v13;
	v18 =	vand.u32 $0x1D, v18;
	v26 =	vmov s9;
	s9 =	sadd.s32 $0x3, s20;
	v23 =	vld.idx.msk [tilespmem:v23+s12+$0x0], $0xffff;
	[tilespmem:s25+$0x2070] =	vst v15;
	s25 =	smov.u32 s30  }
0x4cc: {  	v15 =	vadd.s32 v0, v18;
	v26 =	vand.u32 $0x1E, v26;
	v27 =	vmov s9;
	[tilespmem:s1+$0x2020] =	vst v21  }
0x4cd: {  	v21 =	vadd.s32 v4, v18;
	v28 =	vadd.s32 v0, v26;
	v27 =	vand.u32 $0x1F, v27;
	[tilespmem:s25+$0x2030] =	vst v19;
	v19 =	vld.idx.msk [tilespmem:v22+s12+$0x0], $0xffff  }
0x4ce: {  	v22 =	vadd.s32 v0, v27;
	v29 =	vld.idx.msk [tilespmem:v12+s12+$0x0], $0xffff;
	[tilespmem:s28+$0x2030] =	vst v20;
	v12 =	vmov v21  }
0x4cf: {  	v21 =	vadd.s32 v4, v11;
	v20 =	vld.idx.msk [tilespmem:v25+s12+$0x0], $0xffff;
	[tilespmem:s26+$0x2070] =	vst v14;
	s26 =	smov.u32 s1  }
0x4d0: {  	v14 =	vld.idx.msk [tilespmem:v17+s12+$0x0], $0xffff;
	v17 =	vadd.s32 v5, v9;
	[tilespmem:s24+$0x0] =	vst v16;
	s24 =	smov.u32 s29  }
0x4d1: {  	v15 =	vld.idx.msk [tilespmem:v15+s12+$0x0], $0xffff;
	[tilespmem:s29+$0xFFFFFFC0] =	vst v23  }
0x4d2: {  	s0 =	sadd.s32 $0x200, s0;
	v23 =	vadd.s32 v5, v10;
	v16 =	vld.idx.msk [tilespmem:v24+s12+$0x0], $0xffff  }
0x4d3: {  	s1 =	sadd.s32 $0xFFFFFE80, s0;
	v24 =	vadd.s32 v1, v13;
	v25 =	vld.idx.msk [tilespmem:v28+s12+$0x0], $0xffff;
	[tilespmem:s26+$0x2030] =	vst v19  }
0x4d4: {  	s9 =	sadd.s32 $0xFFFFFF00, s0;
	s1 =	sand.u32 $0xC00, s1;
	v19 =	vadd.s32 v5, v8;
	[tilespmem:s25+$0x2040] =	vst v29;
	v21 =	vld.idx.msk [tilespmem:v21+s12+$0x0], $0xffff  }
0x4d5: {  	s9 =	sand.u32 $0x280, s9;
	s1 =	sor.u32 $0x15100, s1;
	s29 =	sadd.s32 $0x200, s29;
	v28 =	vadd.s32 v1, v18;
	v17 =	vld.idx.msk [tilespmem:v17+s12+$0x0], $0xffff;
	[tilespmem:s28+$0x2040] =	vst v20  }
0x4d6: {  	s30 =	sor.u32 s9, s1;
	s9 =	sadd.s32 $0xFFFFFF80, s0;
	[tilespmem:s29+$0xFFFFFF90] =	vst v14;
	v14 =	vadd.s32 v1, v26;
	v20 =	vld.idx.msk [tilespmem:v22+s12+$0x0], $0xffff  }
0x4d7: {  	s9 =	sand.u32 $0x300, s9;
	v22 =	vadd.s32 v5, v11;
	[tilespmem:s30+$0x2000] =	vst v15;
	v15 =	vld.idx.msk [tilespmem:v23+s12+$0x0], $0xffff  }
0x4d8: {  	s19 =	sadd.s32 s9, s1;
	v23 =	vld.idx.msk [tilespmem:v24+s12+$0x0], $0xffff;
	[tilespmem:s24+$0xFFFFFFD0] =	vst v16;
	v16 =	vadd.s32 v6, v9  }
0x4d9: {  	v24 =	vadd.s32 v6, v10;
	[tilespmem:s19+$0x2000] =	vst v25;
	v19 =	vld.idx.msk [tilespmem:v19+s12+$0x0], $0xffff  }
0x4da: {  	s9 =	sand.u32 $0x380, s0;
	v25 =	vld.idx.msk [tilespmem:v28+s12+$0x0], $0xffff;
	v28 =	vadd.s32 v1, v27;
	[tilespmem:s26+$0x2040] =	vst v21  }
0x4db: {  	s1 =	sadd.s32 s9, s1;
	v21 =	vadd.s32 v2, v13;
	v14 =	vld.idx.msk [tilespmem:v14+s12+$0x0], $0xffff;
	[tilespmem:s25+$0x2050] =	vst v17  }
0x4dc: {  	v17 =	vadd.s32 v2, v18;
	[tilespmem:s1+$0x2000] =	vst v20;
	v20 =	vld.idx.msk [tilespmem:v22+s12+$0x0], $0xffff  }
0x4dd: {  	v22 =	vadd.s32 v2, v26;
	v16 =	vld.idx.msk [tilespmem:v16+s12+$0x0], $0xffff;
	[tilespmem:s28+$0x2050] =	vst v15  }
0x4de: {  	v15 =	vadd.s32 v6, v8;
	[tilespmem:s29+$0xFFFFFFA0] =	vst v23;
	v23 =	vld.idx.msk [tilespmem:v24+s12+$0x0], $0xffff;
	v24 =	vadd.s32 v6, v11  }
0x4df: {  	v28 =	vld.idx.msk [tilespmem:v28+s12+$0x0], $0xffff;
	[tilespmem:s24+$0xFFFFFFE0] =	vst v19  }
0x4e0: {  	v19 =	vld.idx.msk [tilespmem:v21+s12+$0x0], $0xffff;
	[tilespmem:s30+$0x2010] =	vst v25;
	v21 =	vadd.s32 v7, v10;
	v10 =	vmov v26  }
0x4e1: {  	v26 =	vadd.s32 v7, v9;
	v9 =	vmov v18;
	v25 =	vld.idx.msk [tilespmem:v17+s12+$0x0], $0xffff;
	[tilespmem:s19+$0x2010] =	vst v14  }
0x4e2: {  	v29 =	vadd.s32 v2, v27;
	v22 =	vld.idx.msk [tilespmem:v22+s12+$0x0], $0xffff;
	[tilespmem:s26+$0x2050] =	vst v20  }
0x4e3: {  	v20 =	vadd.s32 v3, v9;
	[tilespmem:s25+$0x2060] =	vst v16;
	v24 =	vld.idx.msk [tilespmem:v24+s12+$0x0], $0xffff  }
0x4e4: {  	v30 =	vadd.s32 v3, v10;
	v18 =	vld.idx.msk [tilespmem:v15+s12+$0x0], $0xffff;
	[tilespmem:s28+$0x2060] =	vst v23  }
.Ltmp16:
0x4e5: {  	v14 =	vadd.s32 v7, v11;
	v16 =	vadd.s32 v7, v8;
	v8 =	vmov v13;
	[tilespmem:s1+$0x2010] =	vst v28;
	v17 =	vld.idx.msk [tilespmem:v21+s12+$0x0], $0xffff;
	(pc) =	sbr.rel @p0 .LBB2_33-.Ltmp16, $4  }
0x4e6: {  	v11 =	vmov v27;
	[tilespmem:s29+$0xFFFFFFB0] =	vst v19;
	v15 =	vld.idx.msk [tilespmem:v26+s12+$0x0], $0xffff  }
0x4e7: {  	v23 =	vadd.s32 v3, v8;
	[tilespmem:s30+$0x2020] =	vst v25;
	v21 =	vld.idx.msk [tilespmem:v29+s12+$0x0], $0xffff  }
0x4e8: {  	v19 =	vld.idx.msk [tilespmem:v20+s12+$0x0], $0xffff;
	[tilespmem:s19+$0x2020] =	vst v22  }
0x4e9: {  	v22 =	vadd.s32 v3, v11;
	v20 =	vld.idx.msk [tilespmem:v30+s12+$0x0], $0xffff;
	[tilespmem:s26+$0x2060] =	vst v24  }
0x4ea: {  	_ =	sdelay $0x3  }
0x4eb: {  	v13 =	vadd.s32 v4, v10;
	v57 =	vld.idx.msk [tilespmem:v23+s12+$0x0], $0xffff;
	[tilespmem:s1+$0x2020] =	vst v21  }
0x4ec: {  	v24 =	vadd.s32 v4, v8;
	v21 =	vld.idx.msk [tilespmem:v22+s12+$0x0], $0xffff  }
0x4ed: {  	v58 =	vadd.s32 v4, v11  }
0x4ee: {  	[tilespmem:s30+$0x2030] =	vst v19  }
0x4ef: {  	[tilespmem:s19+$0x2030] =	vst v20;
	v12 =	vld.idx.msk [tilespmem:v12+s12+$0x0], $0xffff  }
0x4f0: {  	v59 =	vadd.s32 v5, v9;
	v13 =	vld.idx.msk [tilespmem:v13+s12+$0x0], $0xffff;
	[tilespmem:s29+$0xFFFFFFC0] =	vst v57  }
0x4f1: {  	v19 =	vadd.s32 v5, v10;
	v22 =	vld.idx.msk [tilespmem:v24+s12+$0x0], $0xffff;
	[tilespmem:s1+$0x2030] =	vst v21  }
0x4f2: {  	v61 =	vadd.s32 v5, v8;
	v21 =	vld.idx.msk [tilespmem:v58+s12+$0x0], $0xffff  }
0x4f3: {  	v60 =	vadd.s32 v5, v11  }
0x4f4: {  	[tilespmem:s30+$0x2040] =	vst v12  }
0x4f5: {  	[tilespmem:s19+$0x2040] =	vst v13;
	v13 =	vld.idx.msk [tilespmem:v59+s12+$0x0], $0xffff  }
0x4f6: {  	v62 =	vadd.s32 v6, v9;
	v12 =	vld.idx.msk [tilespmem:v19+s12+$0x0], $0xffff;
	[tilespmem:s29+$0xFFFFFFD0] =	vst v22  }
0x4f7: {  	v19 =	vadd.s32 v6, v10;
	v22 =	vld.idx.msk [tilespmem:v61+s12+$0x0], $0xffff;
	[tilespmem:s1+$0x2040] =	vst v21  }
0x4f8: {  	[tilespmem:s24+$0xFFFFFFF0] =	vst v18;
	v18 =	vadd.s32 v6, v8;
	v21 =	vld.idx.msk [tilespmem:v60+s12+$0x0], $0xffff  }
0x4f9: {  	v63 =	vadd.s32 v6, v11;
	[tilespmem:s28+$0x2070] =	vst v17  }
0x4fa: {  	[tilespmem:s30+$0x2050] =	vst v13  }
0x4fb: {  	[tilespmem:s19+$0x2050] =	vst v12;
	v13 =	vld.idx.msk [tilespmem:v62+s12+$0x0], $0xffff  }
0x4fc: {  	v9 =	vadd.s32 v7, v9;
	v12 =	vld.idx.msk [tilespmem:v19+s12+$0x0], $0xffff;
	[tilespmem:s29+$0xFFFFFFE0] =	vst v22  }
0x4fd: {  	v10 =	vadd.s32 v7, v10;
	v17 =	vld.idx.msk [tilespmem:v18+s12+$0x0], $0xffff;
	[tilespmem:s1+$0x2050] =	vst v21  }
0x4fe: {  	v8 =	vadd.s32 v7, v8;
	v19 =	vld.idx.msk [tilespmem:v63+s12+$0x0], $0xffff  }
0x4ff: {  	v11 =	vadd.s32 v7, v11;
	v14 =	vld.idx.msk [tilespmem:v14+s12+$0x0], $0xffff;
	[tilespmem:s25+$0x2070] =	vst v15  }
0x500: {  	v15 =	vld.idx.msk [tilespmem:v16+s12+$0x0], $0xffff;
	[tilespmem:s30+$0x2060] =	vst v13  }
0x501: {  	[tilespmem:s19+$0x2060] =	vst v12;
	v9 =	vld.idx.msk [tilespmem:v9+s12+$0x0], $0xffff  }
0x502: {  	v10 =	vld.idx.msk [tilespmem:v10+s12+$0x0], $0xffff;
	[tilespmem:s29+$0xFFFFFFF0] =	vst v17  }
0x503: {  	v8 =	vld.idx.msk [tilespmem:v8+s12+$0x0], $0xffff;
	[tilespmem:s1+$0x2060] =	vst v19  }
0x504: {  	[tilespmem:s26+$0x2070] =	vst v14;
	v11 =	vld.idx.msk [tilespmem:v11+s12+$0x0], $0xffff  }
0x505: {  	[tilespmem:s24+$0x0] =	vst v15  }
0x506: {  	[tilespmem:s30+$0x2070] =	vst v9  }
0x507: {  	[tilespmem:s19+$0x2070] =	vst v10  }
0x508: {  	[tilespmem:s29+$0x0] =	vst v8  }
0x509: {  	[tilespmem:s1+$0x2070] =	vst v11  }
0x50a: {  	v9 =	vld [tilespmem:s23+$0xE0]  }
0x50b: {  	s6 =	simm.s32 $0xEDF0;
	v8 =	vld [tilespmem:s23+$0xF0]  }
0x50c: {  	v10 =	vld [tilespmem:s6+$0xFFFFFFF0]  }
0x50d: {  	v11 =	vld [tilespmem:s6+$0xFFFFFF30]  }
0x50e: {  	v12 =	vld [tilespmem:s6+$0xFFFFFF50]  }
0x50f: {  	v13 =	vld [tilespmem:s6+$0xFFFFFF70]  }
0x510: {  	v14 =	vld [tilespmem:s6+$0xFFFFFF90]  }
0x511: {  	v15 =	vld [tilespmem:s6+$0xFFFFFFB0];
	v10 =	vadd.f32 v10, v9  }
0x512: {  	s0 =	simm.s32 $0xFDA0;
	v16 =	vld [tilespmem:s6+$0xFFFFFFD0];
	v11 =	vadd.f32 v11, v9  }
0x513: {  	v17 =	vld [tilespmem:s6+$0xFFFFFF10];
	v12 =	vadd.f32 v12, v9;
	[tilespmem:s0+$0x78] =	vst v10  }
0x514: {  	[tilespmem:s0+$0xFFFFFF88] =	vst v11;
	v10 =	vadd.f32 v13, v9;
	v11 =	vld [tilespmem:s6+$0x0]  }
0x515: {  	[tilespmem:s0+$0xFFFFFFB0] =	vst v12;
	v13 =	vadd.f32 v14, v9;
	v18 =	vld [tilespmem:s6+$0xFFFFFF40]  }
0x516: {  	v19 =	vld [tilespmem:s6+$0xFFFFFF60];
	[tilespmem:s0+$0xFFFFFFD8] =	vst v10;
	v10 =	vadd.f32 v15, v9  }
0x517: {  	v14 =	vadd.f32 v16, v9;
	[tilespmem:s0+$0x0] =	vst v13;
	v12 =	vld [tilespmem:s6+$0xFFFFFF80]  }
0x518: {  	v15 =	vadd.f32 v17, v9;
	v13 =	vld [tilespmem:s6+$0xFFFFFFA0];
	[tilespmem:s0+$0x28] =	vst v10  }
0x519: {  	[tilespmem:s0+$0x50] =	vst v14;
	v10 =	vld [tilespmem:s6+$0xFFFFFFC0];
	v17 =	vadd.f32 v11, v8  }
0x51a: {  	[tilespmem:s0+$0xFFFFFF60] =	vst v15;
	v11 =	vld [tilespmem:s6+$0xFFFFFFE0];
	v16 =	vadd.f32 v18, v8  }
0x51b: {  	s1 =	simm.s32 $0x0;
	s23 =	simm.s32 $0x18170;
	v14 =	vld [tilespmem:s6+$0xFFFFFF20];
	v15 =	vadd.f32 v19, v8;
	s6 =	simm.s32 $0xEEF0;
	[tilespmem:s0+$0x88] =	vst v17  }
.LBB2_35:
0x51c: {  	v17 =	vld [tilespmem:s6+$0xFFFFFFF0];
	s1 =	sadd.s32 $0x8, s1;
	[tilespmem:s0+$0xFFFFFF98] =	vst v16;
	v12 =	vadd.f32 v12, v8  }
0x51d: {  	v16 =	vld [tilespmem:s6+$0xFFFFFF30];
	p0 =	slt.u32 s1, $0x78;
	[tilespmem:s0+$0xFFFFFFC0] =	vst v15;
	v13 =	vadd.f32 v13, v8  }
0x51e: {  	v15 =	vld [tilespmem:s6+$0xFFFFFF50];
	[tilespmem:s0+$0xFFFFFFE8] =	vst v12;
	v10 =	vadd.f32 v10, v8  }
0x51f: {  	v12 =	vld [tilespmem:s6+$0xFFFFFF70];
	[tilespmem:s0+$0x10] =	vst v13;
	v11 =	vadd.f32 v11, v8  }
0x520: {  	v13 =	vld [tilespmem:s6+$0xFFFFFF90];
	v14 =	vadd.f32 v14, v8;
	[tilespmem:s0+$0x38] =	vst v10  }
0x521: {  	v10 =	vld [tilespmem:s6+$0xFFFFFFB0];
	v17 =	vadd.f32 v17, v9;
	[tilespmem:s0+$0x60] =	vst v11  }
0x522: {  	v11 =	vadd.f32 v16, v9;
	v16 =	vld [tilespmem:s6+$0xFFFFFFD0];
	[tilespmem:s0+$0xFFFFFF70] =	vst v14;
	s0 =	sadd.s32 $0x140, s0  }
0x523: {  	v14 =	vld [tilespmem:s6+$0xFFFFFF10];
	v15 =	vadd.f32 v15, v9;
	[tilespmem:s0+$0x78] =	vst v17  }
0x524: {  	[tilespmem:s0+$0xFFFFFF88] =	vst v11;
	v11 =	vadd.f32 v12, v9;
	v17 =	vld [tilespmem:s6+$0x0]  }
0x525: {  	v18 =	vld [tilespmem:s6+$0xFFFFFF40];
	[tilespmem:s0+$0xFFFFFFB0] =	vst v15;
	v13 =	vadd.f32 v13, v9  }
0x526: {  	v15 =	vld [tilespmem:s6+$0xFFFFFF60];
	[tilespmem:s0+$0xFFFFFFD8] =	vst v11;
	v10 =	vadd.f32 v10, v9  }
.Ltmp17:
0x527: {  	v12 =	vld [tilespmem:s6+$0xFFFFFF80];
	[tilespmem:s0+$0x0] =	vst v13;
	v11 =	vadd.f32 v16, v9;
	(pc) =	sbr.rel @p0 .LBB2_35-.Ltmp17, $4  }
0x528: {  	v14 =	vadd.f32 v14, v9;
	v13 =	vld [tilespmem:s6+$0xFFFFFFA0];
	[tilespmem:s0+$0x28] =	vst v10  }
0x529: {  	v10 =	vld [tilespmem:s6+$0xFFFFFFC0];
	[tilespmem:s0+$0x50] =	vst v11;
	v17 =	vadd.f32 v17, v8  }
0x52a: {  	[tilespmem:s0+$0xFFFFFF60] =	vst v14;
	v16 =	vadd.f32 v18, v8;
	v11 =	vld [tilespmem:s6+$0xFFFFFFE0]  }
0x52b: {  	s24 =	simm.s32 $0x0;
	s19 =	simm.s32 $0x180;
	v14 =	vld [tilespmem:s6+$0xFFFFFF20];
	v15 =	vadd.f32 v15, v8;
	[tilespmem:s0+$0x88] =	vst v17;
	s6 =	sadd.s32 $0x100, s6  }
0x52c: {  	s1 =	simm.s32 $0x1  }
0x52d: {  	[tilespmem:s0+$0xFFFFFF98] =	vst v16;
	v9 =	vadd.f32 v12, v8;
	s30 =	simm.s32 $0x2;
	v12 =	vmov s1  }
0x52e: {  	[tilespmem:s0+$0xFFFFFFC0] =	vst v15;
	v13 =	vadd.f32 v13, v8;
	v15 =	vmov s30;
	v12 =	vand.u32 $0x1D, v12  }
0x52f: {  	[tilespmem:s0+$0xFFFFFFE8] =	vst v9;
	v9 =	vadd.f32 v10, v8;
	v15 =	vand.u32 $0x1E, v15;
	v10 =	vadd.s32 v0, v12  }
0x530: {  	[tilespmem:s0+$0x10] =	vst v13;
	v11 =	vadd.f32 v11, v8;
	v16 =	vadd.s32 v0, v15  }
0x531: {  	s31 =	simm.s32 $0x3;
	v8 =	vadd.f32 v14, v8;
	[tilespmem:s0+$0x38] =	vst v9;
	v9 =	vmov s24  }
0x532: {  	[tilespmem:s0+$0x60] =	vst v11;
	v13 =	vand.u32 $0x1C, v9;
	v9 =	vmov s31  }
0x533: {  	[tilespmem:s0+$0xFFFFFF70] =	vst v8;
	v8 =	vadd.s32 v0, v13;
	v14 =	vand.u32 $0x1F, v9  }
0x534: {  	v9 =	vadd.s32 v0, v14;
	v10 =	vld.idx.msk [tilespmem:v10+s12+$0x0], $0xffff  }
0x535: {  	s6 =	simm.s32 $0x0;
	v11 =	vld.idx.msk [tilespmem:v16+s12+$0x0], $0xffff;
	v16 =	vadd.s32 v1, v12  }
0x536: {  	s9 =	simm.s32 $0x80;
	v17 =	vadd.s32 v1, v15;
	s0 =	sand.u32 $0xC00, s6  }
0x537: {  	s1 =	sand.u32 $0x280, s9;
	s6 =	simm.s32 $0x100;
	s0 =	sor.u32 $0x15100, s0  }
0x538: {  	s20 =	sand.u32 $0x300, s6;
	s24 =	sor.u32 s1, s0;
	v8 =	vld.idx.msk [tilespmem:v8+s12+$0x0], $0xffff  }
0x539: {  	v18 =	vadd.s32 v1, v13;
	s26 =	sadd.s32 s20, s0;
	v9 =	vld.idx.msk [tilespmem:v9+s12+$0x0], $0xffff;
	[tilespmem:s24+$0x3000] =	vst v10  }
0x53a: {  	[tilespmem:s26+$0x3000] =	vst v11;
	v11 =	vadd.s32 v1, v14;
	v10 =	vld.idx.msk [tilespmem:v16+s12+$0x0], $0xffff  }
0x53b: {  	v16 =	vld.idx.msk [tilespmem:v17+s12+$0x0], $0xffff;
	v17 =	vadd.s32 v2, v12  }
0x53c: {  	s25 =	sand.u32 $0x380, s19;
	v19 =	vadd.s32 v2, v15  }
0x53d: {  	s25 =	sadd.s32 s25, s0;
	[tilespmem:s23+$0xFFFFFF90] =	vst v8  }
0x53e: {  	v8 =	vld.idx.msk [tilespmem:v18+s12+$0x0], $0xffff;
	[tilespmem:s25+$0x3000] =	vst v9  }
0x53f: {  	v9 =	vadd.s32 v2, v13;
	v11 =	vld.idx.msk [tilespmem:v11+s12+$0x0], $0xffff;
	[tilespmem:s24+$0x3010] =	vst v10  }
0x540: {  	[tilespmem:s26+$0x3010] =	vst v16;
	v16 =	vadd.s32 v2, v14;
	v10 =	vld.idx.msk [tilespmem:v17+s12+$0x0], $0xffff  }
0x541: {  	v18 =	vadd.s32 v3, v12;
	v17 =	vld.idx.msk [tilespmem:v19+s12+$0x0], $0xffff  }
0x542: {  	v19 =	vadd.s32 v3, v15  }
0x543: {  	[tilespmem:s23+$0xFFFFFFA0] =	vst v8  }
0x544: {  	v9 =	vld.idx.msk [tilespmem:v9+s12+$0x0], $0xffff;
	[tilespmem:s25+$0x3010] =	vst v11  }
0x545: {  	v11 =	vadd.s32 v3, v13;
	[tilespmem:s24+$0x3020] =	vst v10;
	v10 =	vld.idx.msk [tilespmem:v16+s12+$0x0], $0xffff  }
0x546: {  	s30 =	simm.s32 $0x4;
	[tilespmem:s26+$0x3020] =	vst v17;
	v17 =	vadd.s32 v3, v14;
	v16 =	vld.idx.msk [tilespmem:v18+s12+$0x0], $0xffff  }
0x547: {  	s31 =	simm.s32 $0x5;
	v8 =	vmov s30;
	v18 =	vadd.s32 v4, v12;
	v19 =	vld.idx.msk [tilespmem:v19+s12+$0x0], $0xffff  }
0x548: {  	v21 =	vadd.s32 v4, v15;
	v20 =	vmov s31;
	v8 =	vand.u32 $0x1C, v8  }
0x549: {  	s1 =	simm.s32 $0x6;
	v22 =	vadd.s32 v0, v8;
	[tilespmem:s23+$0xFFFFFFB0] =	vst v9;
	v9 =	vand.u32 $0x1D, v20  }
0x54a: {  	v20 =	vmov s1;
	v23 =	vld.idx.msk [tilespmem:v11+s12+$0x0], $0xffff;
	v24 =	vadd.s32 v0, v9;
	[tilespmem:s25+$0x3020] =	vst v10  }
0x54b: {  	v25 =	vadd.s32 v4, v13;
	s6 =	simm.s32 $0x7;
	v10 =	vand.u32 $0x1E, v20;
	[tilespmem:s24+$0x3030] =	vst v16;
	v16 =	vld.idx.msk [tilespmem:v17+s12+$0x0], $0xffff  }
0x54c: {  	v11 =	vmov s6;
	v17 =	vadd.s32 v0, v10;
	[tilespmem:s26+$0x3030] =	vst v19;
	v18 =	vld.idx.msk [tilespmem:v18+s12+$0x0], $0xffff  }
0x54d: {  	v20 =	vadd.s32 v4, v14;
	v11 =	vand.u32 $0x1F, v11;
	v19 =	vld.idx.msk [tilespmem:v21+s12+$0x0], $0xffff  }
0x54e: {  	v26 =	vadd.s32 v0, v11;
	v21 =	vld.idx.msk [tilespmem:v22+s12+$0x0], $0xffff  }
0x54f: {  	v22 =	vadd.s32 v5, v12;
	v24 =	vld.idx.msk [tilespmem:v24+s12+$0x0], $0xffff;
	[tilespmem:s23+$0xFFFFFFC0] =	vst v23  }
0x550: {  	v55 =	vadd.s32 v5, v15;
	v23 =	vld.idx.msk [tilespmem:v25+s12+$0x0], $0xffff  }
0x551: {  	s9 =	simm.s32 $0x200;
	v27 =	vadd.s32 v1, v8;
	v17 =	vld.idx.msk [tilespmem:v17+s12+$0x0], $0xffff;
	[tilespmem:s25+$0x3030] =	vst v16  }
0x552: {  	s19 =	simm.s32 $0x280;
	s28 =	simm.s32 $0x18370;
	s0 =	sand.u32 $0xC00, s9;
	v16 =	vadd.s32 v5, v13;
	[tilespmem:s24+$0x3040] =	vst v18;
	v18 =	vld.idx.msk [tilespmem:v20+s12+$0x0], $0xffff  }
0x553: {  	s20 =	sor.u32 $0x15100, s0;
	s1 =	sand.u32 $0x280, s19;
	v20 =	vadd.s32 v1, v9;
	[tilespmem:s28+$0xFFFFFF90] =	vst v21;
	v21 =	vld.idx.msk [tilespmem:v26+s12+$0x0], $0xffff  }
0x554: {  	s30 =	simm.s32 $0x300;
	s29 =	sor.u32 s1, s20;
	[tilespmem:s26+$0x3040] =	vst v19;
	v19 =	vadd.s32 v1, v10;
	v22 =	vld.idx.msk [tilespmem:v22+s12+$0x0], $0xffff  }
0x555: {  	v57 =	vadd.s32 v5, v14;
	s0 =	sand.u32 $0x300, s30;
	v56 =	vld.idx.msk [tilespmem:v55+s12+$0x0], $0xffff;
	[tilespmem:s29+$0x3000] =	vst v24  }
0x556: {  	s19 =	sadd.s32 s0, s20;
	s0 =	simm.s32 $0x380;
	v59 =	vadd.s32 v1, v11;
	v58 =	vld.idx.msk [tilespmem:v27+s12+$0x0], $0xffff;
	[tilespmem:s23+$0xFFFFFFD0] =	vst v23  }
0x557: {  	s31 =	sand.u32 $0x380, s0;
	v23 =	vadd.s32 v6, v12;
	[tilespmem:s19+$0x3000] =	vst v17;
	v16 =	vld.idx.msk [tilespmem:v16+s12+$0x0], $0xffff  }
0x558: {  	s1 =	sadd.s32 s31, s20;
	v17 =	vadd.s32 v6, v15;
	v20 =	vld.idx.msk [tilespmem:v20+s12+$0x0], $0xffff;
	[tilespmem:s25+$0x3040] =	vst v18  }
0x559: {  	v18 =	vadd.s32 v2, v8;
	v19 =	vld.idx.msk [tilespmem:v19+s12+$0x0], $0xffff;
	[tilespmem:s1+$0x3000] =	vst v21  }
0x55a: {  	v62 =	vadd.s32 v6, v13;
	[tilespmem:s24+$0x3050] =	vst v22;
	v21 =	vld.idx.msk [tilespmem:v57+s12+$0x0], $0xffff  }
0x55b: {  	v22 =	vadd.s32 v2, v9;
	[tilespmem:s26+$0x3050] =	vst v56;
	v27 =	vld.idx.msk [tilespmem:v59+s12+$0x0], $0xffff  }
0x55c: {  	v60 =	vadd.s32 v2, v10;
	[tilespmem:s28+$0xFFFFFFA0] =	vst v58;
	v23 =	vld.idx.msk [tilespmem:v23+s12+$0x0], $0xffff  }
0x55d: {  	v61 =	vadd.s32 v6, v14;
	v17 =	vld.idx.msk [tilespmem:v17+s12+$0x0], $0xffff;
	[tilespmem:s23+$0xFFFFFFE0] =	vst v16  }
0x55e: {  	v15 =	vadd.s32 v7, v15;
	v16 =	vld.idx.msk [tilespmem:v18+s12+$0x0], $0xffff;
	[tilespmem:s29+$0x3010] =	vst v20  }
0x55f: {  	v12 =	vadd.s32 v7, v12;
	[tilespmem:s19+$0x3010] =	vst v19;
	v18 =	vld.idx.msk [tilespmem:v62+s12+$0x0], $0xffff  }
0x560: {  	v19 =	vadd.s32 v2, v11;
	v20 =	vld.idx.msk [tilespmem:v22+s12+$0x0], $0xffff;
	[tilespmem:s25+$0x3050] =	vst v21  }
0x561: {  	v63 =	vadd.s32 v3, v9;
	v22 =	vld.idx.msk [tilespmem:v60+s12+$0x0], $0xffff;
	[tilespmem:s1+$0x3010] =	vst v27  }
0x562: {  	v28 =	vadd.s32 v3, v10;
	v24 =	vld.idx.msk [tilespmem:v61+s12+$0x0], $0xffff;
	[tilespmem:s26+$0x3060] =	vst v17  }
0x563: {  	[tilespmem:s24+$0x3060] =	vst v23;
	v17 =	vld.idx.msk [tilespmem:v15+s12+$0x0], $0xffff  }
0x564: {  	v14 =	vadd.s32 v7, v14;
	[tilespmem:s28+$0xFFFFFFB0] =	vst v16;
	v15 =	vld.idx.msk [tilespmem:v12+s12+$0x0], $0xffff  }
0x565: {  	v21 =	vld.idx.msk [tilespmem:v19+s12+$0x0], $0xffff;
	v16 =	vadd.s32 v7, v13;
	[tilespmem:s29+$0x3020] =	vst v20  }
0x566: {  	v23 =	vadd.s32 v3, v8;
	[tilespmem:s19+$0x3020] =	vst v22;
	v19 =	vld.idx.msk [tilespmem:v63+s12+$0x0], $0xffff  }
0x567: {  	s6 =	simm.s32 $0x8;
	v12 =	vadd.s32 v4, v9;
	v22 =	vadd.s32 v3, v11;
	v20 =	vld.idx.msk [tilespmem:v28+s12+$0x0], $0xffff;
	[tilespmem:s25+$0x3060] =	vst v24  }
.LBB2_37:
0x568: {  	s9 =	sadd.s32 $0x1, s6  }
0x569: {  	v13 =	vmov s6;
	p0 =	slt.u32 s6, $0x1C;
	v24 =	vadd.s32 v4, v8;
	[tilespmem:s23+$0xFFFFFFF0] =	vst v18;
	v14 =	vld.idx.msk [tilespmem:v14+s12+$0x0], $0xffff;
	s20 =	smov.u32 s6;
	s6 =	sadd.s32 $0x4, s6  }
0x56a: {  	v25 =	vadd.s32 v4, v10;
	v13 =	vand.u32 $0x1C, v13;
	v18 =	vmov s9;
	s9 =	sadd.s32 $0x2, s20;
	v16 =	vld.idx.msk [tilespmem:v16+s12+$0x0], $0xffff;
	[tilespmem:s26+$0x3070] =	vst v17;
	s26 =	smov.u32 s19  }
0x56b: {  	v17 =	vadd.s32 v0, v13;
	v18 =	vand.u32 $0x1D, v18;
	v26 =	vmov s9;
	s9 =	sadd.s32 $0x3, s20;
	v23 =	vld.idx.msk [tilespmem:v23+s12+$0x0], $0xffff;
	[tilespmem:s24+$0x3070] =	vst v15;
	s24 =	smov.u32 s29  }
0x56c: {  	v15 =	vadd.s32 v0, v18;
	v26 =	vand.u32 $0x1E, v26;
	v27 =	vmov s9;
	[tilespmem:s1+$0x3020] =	vst v21  }
0x56d: {  	v21 =	vadd.s32 v4, v18;
	v28 =	vadd.s32 v0, v26;
	v27 =	vand.u32 $0x1F, v27;
	[tilespmem:s24+$0x3030] =	vst v19;
	v19 =	vld.idx.msk [tilespmem:v22+s12+$0x0], $0xffff  }
0x56e: {  	v22 =	vadd.s32 v0, v27;
	v29 =	vld.idx.msk [tilespmem:v12+s12+$0x0], $0xffff;
	[tilespmem:s26+$0x3030] =	vst v20;
	v12 =	vmov v21  }
0x56f: {  	v21 =	vadd.s32 v4, v11;
	v20 =	vld.idx.msk [tilespmem:v25+s12+$0x0], $0xffff;
	[tilespmem:s25+$0x3070] =	vst v14;
	s25 =	smov.u32 s1  }
0x570: {  	v14 =	vld.idx.msk [tilespmem:v17+s12+$0x0], $0xffff;
	v17 =	vadd.s32 v5, v9;
	[tilespmem:s23+$0x0] =	vst v16;
	s23 =	smov.u32 s28  }
0x571: {  	v15 =	vld.idx.msk [tilespmem:v15+s12+$0x0], $0xffff;
	[tilespmem:s28+$0xFFFFFFC0] =	vst v23  }
0x572: {  	s0 =	sadd.s32 $0x200, s0;
	v23 =	vadd.s32 v5, v10;
	v16 =	vld.idx.msk [tilespmem:v24+s12+$0x0], $0xffff  }
0x573: {  	s1 =	sadd.s32 $0xFFFFFE80, s0;
	v24 =	vadd.s32 v1, v13;
	v25 =	vld.idx.msk [tilespmem:v28+s12+$0x0], $0xffff;
	[tilespmem:s25+$0x3030] =	vst v19  }
0x574: {  	s9 =	sadd.s32 $0xFFFFFF00, s0;
	s1 =	sand.u32 $0xC00, s1;
	v19 =	vadd.s32 v5, v8;
	[tilespmem:s24+$0x3040] =	vst v29;
	v21 =	vld.idx.msk [tilespmem:v21+s12+$0x0], $0xffff  }
0x575: {  	s9 =	sand.u32 $0x280, s9;
	s1 =	sor.u32 $0x15100, s1;
	s28 =	sadd.s32 $0x200, s28;
	v28 =	vadd.s32 v1, v18;
	v17 =	vld.idx.msk [tilespmem:v17+s12+$0x0], $0xffff;
	[tilespmem:s26+$0x3040] =	vst v20  }
0x576: {  	s29 =	sor.u32 s9, s1;
	s9 =	sadd.s32 $0xFFFFFF80, s0;
	[tilespmem:s28+$0xFFFFFF90] =	vst v14;
	v14 =	vadd.s32 v1, v26;
	v20 =	vld.idx.msk [tilespmem:v22+s12+$0x0], $0xffff  }
0x577: {  	s9 =	sand.u32 $0x300, s9;
	v22 =	vadd.s32 v5, v11;
	[tilespmem:s29+$0x3000] =	vst v15;
	v15 =	vld.idx.msk [tilespmem:v23+s12+$0x0], $0xffff  }
0x578: {  	s19 =	sadd.s32 s9, s1;
	v23 =	vld.idx.msk [tilespmem:v24+s12+$0x0], $0xffff;
	[tilespmem:s23+$0xFFFFFFD0] =	vst v16;
	v16 =	vadd.s32 v6, v9  }
0x579: {  	v24 =	vadd.s32 v6, v10;
	[tilespmem:s19+$0x3000] =	vst v25;
	v19 =	vld.idx.msk [tilespmem:v19+s12+$0x0], $0xffff  }
0x57a: {  	s9 =	sand.u32 $0x380, s0;
	v25 =	vld.idx.msk [tilespmem:v28+s12+$0x0], $0xffff;
	v28 =	vadd.s32 v1, v27;
	[tilespmem:s25+$0x3040] =	vst v21  }
0x57b: {  	s1 =	sadd.s32 s9, s1;
	v21 =	vadd.s32 v2, v13;
	v14 =	vld.idx.msk [tilespmem:v14+s12+$0x0], $0xffff;
	[tilespmem:s24+$0x3050] =	vst v17  }
0x57c: {  	v17 =	vadd.s32 v2, v18;
	[tilespmem:s1+$0x3000] =	vst v20;
	v20 =	vld.idx.msk [tilespmem:v22+s12+$0x0], $0xffff  }
0x57d: {  	v22 =	vadd.s32 v2, v26;
	v16 =	vld.idx.msk [tilespmem:v16+s12+$0x0], $0xffff;
	[tilespmem:s26+$0x3050] =	vst v15  }
0x57e: {  	v15 =	vadd.s32 v6, v8;
	[tilespmem:s28+$0xFFFFFFA0] =	vst v23;
	v23 =	vld.idx.msk [tilespmem:v24+s12+$0x0], $0xffff;
	v24 =	vadd.s32 v6, v11  }
0x57f: {  	v28 =	vld.idx.msk [tilespmem:v28+s12+$0x0], $0xffff;
	[tilespmem:s23+$0xFFFFFFE0] =	vst v19  }
0x580: {  	v19 =	vld.idx.msk [tilespmem:v21+s12+$0x0], $0xffff;
	[tilespmem:s29+$0x3010] =	vst v25;
	v21 =	vadd.s32 v7, v10;
	v10 =	vmov v26  }
0x581: {  	v26 =	vadd.s32 v7, v9;
	v9 =	vmov v18;
	v25 =	vld.idx.msk [tilespmem:v17+s12+$0x0], $0xffff;
	[tilespmem:s19+$0x3010] =	vst v14  }
0x582: {  	v29 =	vadd.s32 v2, v27;
	v22 =	vld.idx.msk [tilespmem:v22+s12+$0x0], $0xffff;
	[tilespmem:s25+$0x3050] =	vst v20  }
0x583: {  	v20 =	vadd.s32 v3, v9;
	[tilespmem:s24+$0x3060] =	vst v16;
	v24 =	vld.idx.msk [tilespmem:v24+s12+$0x0], $0xffff  }
0x584: {  	v30 =	vadd.s32 v3, v10;
	v18 =	vld.idx.msk [tilespmem:v15+s12+$0x0], $0xffff;
	[tilespmem:s26+$0x3060] =	vst v23  }
.Ltmp18:
0x585: {  	v14 =	vadd.s32 v7, v11;
	v16 =	vadd.s32 v7, v8;
	v8 =	vmov v13;
	[tilespmem:s1+$0x3010] =	vst v28;
	v17 =	vld.idx.msk [tilespmem:v21+s12+$0x0], $0xffff;
	(pc) =	sbr.rel @p0 .LBB2_37-.Ltmp18, $4  }
0x586: {  	v11 =	vmov v27;
	[tilespmem:s28+$0xFFFFFFB0] =	vst v19;
	v15 =	vld.idx.msk [tilespmem:v26+s12+$0x0], $0xffff  }
0x587: {  	v23 =	vadd.s32 v3, v8;
	[tilespmem:s29+$0x3020] =	vst v25;
	v21 =	vld.idx.msk [tilespmem:v29+s12+$0x0], $0xffff  }
0x588: {  	v19 =	vld.idx.msk [tilespmem:v20+s12+$0x0], $0xffff;
	[tilespmem:s19+$0x3020] =	vst v22  }
0x589: {  	v22 =	vadd.s32 v3, v11;
	v20 =	vld.idx.msk [tilespmem:v30+s12+$0x0], $0xffff;
	[tilespmem:s25+$0x3060] =	vst v24  }
0x58a: {  	_ =	sdelay $0x3  }
0x58b: {  	v13 =	vadd.s32 v4, v10;
	v46 =	vld.idx.msk [tilespmem:v23+s12+$0x0], $0xffff;
	[tilespmem:s1+$0x3020] =	vst v21  }
0x58c: {  	v24 =	vadd.s32 v4, v8;
	v21 =	vld.idx.msk [tilespmem:v22+s12+$0x0], $0xffff  }
0x58d: {  	v47 =	vadd.s32 v4, v11  }
0x58e: {  	[tilespmem:s29+$0x3030] =	vst v19  }
0x58f: {  	[tilespmem:s19+$0x3030] =	vst v20;
	v12 =	vld.idx.msk [tilespmem:v12+s12+$0x0], $0xffff  }
0x590: {  	v49 =	vadd.s32 v5, v9;
	v13 =	vld.idx.msk [tilespmem:v13+s12+$0x0], $0xffff;
	[tilespmem:s28+$0xFFFFFFC0] =	vst v46  }
0x591: {  	v48 =	vadd.s32 v5, v10;
	v22 =	vld.idx.msk [tilespmem:v24+s12+$0x0], $0xffff;
	[tilespmem:s1+$0x3030] =	vst v21  }
0x592: {  	v51 =	vadd.s32 v5, v8;
	v21 =	vld.idx.msk [tilespmem:v47+s12+$0x0], $0xffff  }
0x593: {  	v50 =	vadd.s32 v5, v11  }
0x594: {  	[tilespmem:s29+$0x3040] =	vst v12  }
0x595: {  	[tilespmem:s19+$0x3040] =	vst v13;
	v53 =	vld.idx.msk [tilespmem:v49+s12+$0x0], $0xffff  }
0x596: {  	v55 =	vadd.s32 v6, v9;
	v52 =	vld.idx.msk [tilespmem:v48+s12+$0x0], $0xffff;
	[tilespmem:s28+$0xFFFFFFD0] =	vst v22  }
0x597: {  	v54 =	vadd.s32 v6, v10;
	v22 =	vld.idx.msk [tilespmem:v51+s12+$0x0], $0xffff;
	[tilespmem:s1+$0x3040] =	vst v21  }
0x598: {  	v57 =	vadd.s32 v6, v8;
	v21 =	vld.idx.msk [tilespmem:v50+s12+$0x0], $0xffff  }
0x599: {  	v56 =	vadd.s32 v6, v11;
	[tilespmem:s23+$0xFFFFFFF0] =	vst v18  }
0x59a: {  	[tilespmem:s29+$0x3050] =	vst v53  }
0x59b: {  	[tilespmem:s19+$0x3050] =	vst v52;
	v13 =	vld.idx.msk [tilespmem:v55+s12+$0x0], $0xffff  }
0x59c: {  	v59 =	vadd.s32 v7, v9;
	v12 =	vld.idx.msk [tilespmem:v54+s12+$0x0], $0xffff;
	[tilespmem:s28+$0xFFFFFFE0] =	vst v22  }
0x59d: {  	v58 =	vadd.s32 v7, v10;
	v61 =	vld.idx.msk [tilespmem:v57+s12+$0x0], $0xffff;
	[tilespmem:s1+$0x3050] =	vst v21  }
0x59e: {  	[tilespmem:s26+$0x3070] =	vst v17;
	v8 =	vadd.s32 v7, v8;
	v60 =	vld.idx.msk [tilespmem:v56+s12+$0x0], $0xffff  }
0x59f: {  	v62 =	vadd.s32 v7, v11;
	v14 =	vld.idx.msk [tilespmem:v14+s12+$0x0], $0xffff;
	[tilespmem:s24+$0x3070] =	vst v15  }
0x5a0: {  	v63 =	vld.idx.msk [tilespmem:v16+s12+$0x0], $0xffff;
	[tilespmem:s29+$0x3060] =	vst v13  }
0x5a1: {  	[tilespmem:s19+$0x3060] =	vst v12;
	v9 =	vld.idx.msk [tilespmem:v59+s12+$0x0], $0xffff  }
0x5a2: {  	v10 =	vld.idx.msk [tilespmem:v58+s12+$0x0], $0xffff;
	[tilespmem:s28+$0xFFFFFFF0] =	vst v61  }
0x5a3: {  	v8 =	vld.idx.msk [tilespmem:v8+s12+$0x0], $0xffff;
	[tilespmem:s1+$0x3060] =	vst v60  }
0x5a4: {  	s21 =	sadd.s32 $0x1, s21;
	[tilespmem:s25+$0x3070] =	vst v14;
	v11 =	vld.idx.msk [tilespmem:v62+s12+$0x0], $0xffff  }
0x5a5: {  	p0 =	sne.s32 s21, $0x19;
	[tilespmem:s23+$0x0] =	vst v63  }
.Ltmp19:
0x5a6: {  	s0 =	sshll.u32 s22, $0x11;
	[tilespmem:s29+$0x3070] =	vst v9;
	(pc) =	sbr.rel @p0 .LBB2_2-.Ltmp19, $4  }
0x5a7: {  	s0 =	sor.u32 s7, s0;
	[tilespmem:s19+$0x3070] =	vst v10  }
0x5a8: {  	s0 =	sshrl.u32 s0, $0x3;
	[tilespmem:s28+$0x0] =	vst v8  }
0x5a9: {  	s0 =	sadd.s32 s2, s0;
	[tilespmem:s1+$0x3070] =	vst v11  }
0x5aa: {  	[hbm4b:s0+s13] =	stream.strided.scatter [tilespmem:s18], [sflag:$0x4], $0x4000, s14, s13, $0x38;
	[tilespmem:$0x19100] =	vst v63  }
0x5ab: {  	s0 =	simm.s32 $0x3  }
0x5ac: {  	_ =	swait.ge [sflag:s0], $0x4000  }
0x5ad: {  	[sflag:s0] =	ssyncset.done $0x0  }
0x5ae: {  	[sflag:s0] =	ssyncadd.s32 $0xFFFFC000  }
0x5af: {  	_ =	swait.ge [sflag:s17], $0x4000  }
0x5b0: {  	s1 =	rddreg [dreg:$0x1f]  }
0x5b1: {  	s31 =	rddreg [dreg:$0x17];
	s1 =	sadd.s32 $0x1, s1  }
0x5b2: {  	p0 =	sne.s32 s1, s31  }
.Ltmp20:
0x5b3: {  	_ = 	snop;
	(pc) =	sbr.rel @p0 .LBB2_1-.Ltmp20, $3  }
0x5b4: {  	_ =	sdelay $0x1  }
0x5b5: {  	[sflag:s17] =	ssyncset.done $0x0  }
0x5b6: {  	[sflag:s17] =	ssyncadd.s32 $0xFFFFC000  }
0x5b7: {  	_ =	sfence.sel $0x180000  }
0x5b8: {  	[bflag:$0x0] =	sbarrier.arrive $0xFFFF  }
0x5b9: {  	_ =	strace $0x90000047  }
0x5ba: {  	s0 =	stileid.u32;
	[bflag:$0x2] =	sbarrier.arrive $0xFFFF  }
0x5bb: {  	p0 =	sne.s32 s0, $0x0;
	s0 =	rddreg [dreg:$0x3]  }
0x5bc: {  	s0 =	sadd.s32 @!p0 $0x100000, s0  }
0x5bd: {  	[sflag:s0] =	ssyncadd.tile.s32 @!p0 $0x1;
	_ =	shalt  }
.Lfunc_end2:
_tile_overlayer_lowered:
.L_overlay_start_2:
0x5be: {  	(tag) =	ssettag $0x2  }
0x5bf: {  	s0 =	rddreg [dreg:$0x0];
	s2 =	stileid.u32  }
0x5c0: {  	s1 =	rddreg [dreg:$0x1];
	p0 =	sne.s32 s2, $0x0  }
0x5c1: {  	s3 =	rddreg [dreg:$0x2];
	[bflag:$0x3] =	sbarrier.arrive $0xFFFF;
	s2 =	simm.s32 @!p0 $0x1C05  }
0x5c2: {  	[timem:s3], [sflag:s2] =	dma.local @!p0 [hbm:s0], s1  }
0x5c3: {  	s0 =	simm.s32 @!p0 $0x5  }
0x5c4: {  	_ =	swait.ge @!p0 [sflag:s0], s1  }
0x5c5: {  	s1 =	ssub.s32 @!p0 $0x0, s1;
	[sflag:s0] =	ssyncset.done @!p0 $0x0  }
0x5c6: {  	[sflag:s0] =	ssyncadd.s32 @!p0 s1  }
0x5c7: {  	[bflag:$0x3] =	sbarrier.arrive $0xFFFF  }
0x5c8: {  	_ =	shalt  }

</sc_bundles>
